<compile_context>
chip_gen: v7x
topology: tpu7x:2x2x1
jax: 0.10.2.dev20260603
libtpu: 0.0.44.dev20260713+nightly
codegen_flags: <defaults>
</compile_context>

<pallas_src>
import functools

import jax
import jax.numpy as jnp
from jax import lax
from jax.experimental import pallas as pl
from jax.experimental.pallas import tpu as pltpu
from jax.experimental.pallas import tpu_sc as plsc

_NC = 2
_NS = 16
_NW = _NC * _NS
_CHUNK = 128
_KR = 8


def _gather_feature(tbl, idx2, row_off, n_rows, out, col0, d, idx_v, rows_v,
                    sem, wid, kr=_KR):
    total_steps = n_rows // kr
    n_loop = -(-total_steps // _NW)

    @pl.loop(0, n_loop)
    def _(i):
        t = wid + i * _NW

        @pl.when(t < total_steps)
        def _():
            r0 = pl.multiple_of(t * kr, kr)
            pltpu.sync_copy(idx2.at[pl.ds(row_off + r0, kr)], idx_v.at[pl.ds(0, kr)])
            cps = [
                pltpu.async_copy(
                    tbl.at[idx_v.at[j]], rows_v.at[pl.ds(j * _CHUNK, _CHUNK)], sem
                )
                for j in range(kr)
            ]
            for c in cps:
                c.wait()
            pltpu.sync_copy(
                rows_v.at[pl.ds(0, kr * _CHUNK)],
                out.at[pl.ds(r0 * _CHUNK, kr * _CHUNK), pl.ds(col0, d)],
            )


_BR = 4


def _gather_feature_bl(tbl, idx_bl, out, col0, d, idxl_v, rows_v, sem, wid):
    b_count, l_len = idx_bl.shape
    chunks = [(0, _CHUNK)] if l_len <= _CHUNK else [(0, _CHUNK), (_CHUNK, l_len - _CHUNK)]
    total_steps = b_count // _BR
    n_loop = total_steps // _NW

    @pl.loop(0, n_loop)
    def _(i):
        t = wid + i * _NW
        b0 = t * _BR
        pltpu.sync_copy(idx_bl.at[pl.ds(b0, _BR)], idxl_v)
        cps = []
        for j in range(_BR):
            for (c0, cl) in chunks:
                cps.append(
                    pltpu.async_copy(
                        tbl.at[idxl_v.at[j, pl.ds(c0, cl)]],
                        rows_v.at[pl.ds(j * l_len + c0, cl)],
                        sem,
                    )
                )
        for c in cps:
            c.wait()
        pltpu.sync_copy(
            rows_v.at[pl.ds(0, _BR * l_len)],
            out.at[pl.ds(b0 * l_len, _BR * l_len), pl.ds(col0, d)],
        )


def _sc_gather_all(tables, idx_lists, out_shapes, features, L,
                   out_dtypes=None, kr_a=_KR):
    mesh = plsc.VectorSubcoreMesh(core_axis_name="c", subcore_axis_name="s")
    nt, ni, no = len(tables), len(idx_lists), len(out_shapes)
    if out_dtypes is None:
        out_dtypes = [jnp.float32] * no
    kinds = []
    kind_rows = {}
    for (tp, ip, style, roff, nrows, op, col0, d) in features:
        k = (d, jnp.dtype(out_dtypes[op]))
        need = _BR * L if style == "B" else kr_a * _CHUNK
        if k not in kinds:
            kinds.append(k)
        kind_rows[k] = max(kind_rows.get(k, 0), need)

    def body(*refs):
        tbls = refs[:nt]
        idxs = refs[nt : nt + ni]
        outs = refs[nt + ni : nt + ni + no]
        idx_v, idxl_v = refs[nt + ni + no : nt + ni + no + 2]
        rows_bufs = refs[nt + ni + no + 2 : nt + ni + no + 2 + len(kinds)]
        sem = refs[-1]
        wid = lax.axis_index("s") * _NC + lax.axis_index("c")
        for (tp, ip, style, roff, nrows, op, col0, d) in features:
            rows_v = rows_bufs[kinds.index((d, jnp.dtype(out_dtypes[op])))]
            if style == "B":
                _gather_feature_bl(
                    tbls[tp], idxs[ip], outs[op], col0, d, idxl_v, rows_v,
                    sem, wid
                )
            else:
                _gather_feature(
                    tbls[tp], idxs[ip], roff, nrows, outs[op], col0, d, idx_v,
                    rows_v, sem, wid, kr=kr_a
                )

    k = pl.kernel(
        body,
        out_type=[jax.ShapeDtypeStruct(s, dt)
                  for s, dt in zip(out_shapes, out_dtypes)],
        mesh=mesh,
        compiler_params=pltpu.CompilerParams(use_tc_tiling_on_sc=False),
        scratch_types=[
            pltpu.VMEM((_KR, _CHUNK), jnp.int32),
            pltpu.VMEM((_BR, L), jnp.int32),
        ] + [
            pltpu.VMEM((kind_rows[(d, dt)], d), dt) for (d, dt) in kinds
        ] + [
            pltpu.SemaphoreType.DMA,
        ],
    )
    return k(*tables, *idx_lists)


def _user_tower_body(
    emb_user, e200, e201, e202, d3, U1id, U1a, U1b, U1c, U1d, Ub1, U2,
    Wc2mg, cvec, out, *, B, A
):
    dot = functools.partial(jnp.dot, preferred_element_type=jnp.float32)
    u202 = jnp.sum(e202[...].reshape(B, A, -1), axis=1)
    h = (
        dot(emb_user[...], U1id[...])
        + dot(e200[...], U1a[...])
        + dot(e201[...], U1b[...])
        + dot(u202, U1c[...])
        + d3[...] * U1d[...]
        + Ub1[...]
    )
    user_h = dot(jnp.maximum(h, 0.0), U2[...])
    out[...] = dot(user_h, Wc2mg[...]) + cvec[...]


def _main_body(
    bufA, bufB1, bufB2, m1, d1, d2, u3, ee,
    WABi, WABc, C210, I1d1, I1d2, Fmm, Ibe, G1, Cb1, G2, out,
    *, bblk, l, h_dim
):
    dot = functools.partial(jnp.dot, preferred_element_type=jnp.float32)
    m = bblk * l
    dnn = WABi.shape[-1]
    xA = bufA[...].reshape(m, 128)
    xB1 = bufB1[...].reshape(m, 128)
    xB2 = bufB2[...].reshape(m, 128)[:, :64]
    m1f = m1[...].reshape(m, m1.shape[-1])
    d1b = jnp.broadcast_to(d1[...][:, :, None], (bblk, l, dnn)).reshape(m, dnn)
    d2b = jnp.broadcast_to(d2[...][:, :, None], (bblk, l, dnn)).reshape(m, dnn)
    xAB = jnp.concatenate([xA, xB1], axis=1)
    h = (
        dot(xAB, WABi[...])
        + dot(m1f, Fmm[...])
        + d1b * I1d1[...]
        + d2b * I1d2[...]
        + Ibe[...]
    )
    hc = (
        dot(xAB, WABc[...])
        + dot(xB2, C210[...])
        + Cb1[...]
    )
    o = (
        dot(jnp.maximum(h, 0.0), G1[...])
        + dot(jnp.maximum(hc, 0.0), G2[...])
        + dot(ee[...], u3[...])
    )
    out[...] = o.reshape(bblk, l, h_dim)


def kernel(user_id, uf_200, uf_201, uf_202, uf_d3, input_ids, if_100, if_101,
           if_102, if_d1, if_d2, if_m1, cf_300, cf_301, cf_210, cf_401,
           T_item, T101, T100, T102, T_user, T200, T201, T202, T300, T301,
           Wm, bm, I1, Ib1, I2, Ib2, U1, Ub1, U2, Ub2, C1, Cb1, C2, Cb2,
           Wc, bc, Wmg, bmg):
    B, L = input_ids.shape
    A = uf_202.shape[1]
    BL = B * L
    D_ID = T_item.shape[1]
    D_F = T101.shape[1]
    H = Wmg.shape[0]
    V_SM1 = T200.shape[0]
    CAT = D_ID + 3 * D_F

    user_id2 = user_id.reshape(-1, _CHUNK)
    u200_2 = uf_200.reshape(-1, _CHUNK)
    u201_2 = uf_201.reshape(-1, _CHUNK)
    u202_2 = uf_202.reshape(-1, _CHUNK)

    bufA, emb_200, emb_201, emb_202 = _sc_gather_all(
        tables=[T100, T102, T300, T301, T200, T201, T202],
        idx_lists=[if_100, if_102, cf_300, cf_301, u200_2, u201_2, u202_2],
        out_shapes=[(BL, 4 * D_F), (B, D_F), (B, D_F), (B * A, D_F)],
        features=[
            (0, 0, "B", 0, 0, 0, 0, D_F),
            (1, 1, "B", 0, 0, 0, D_F, D_F),
            (2, 2, "B", 0, 0, 0, 2 * D_F, D_F),
            (3, 3, "B", 0, 0, 0, 3 * D_F, D_F),
            (4, 4, "A", 0, u200_2.shape[0], 1, 0, D_F),
            (5, 5, "A", 0, u201_2.shape[0], 2, 0, D_F),
            (6, 6, "A", 0, u202_2.shape[0], 3, 0, D_F),
        ],
        L=L,
    )
    bufB1, bufB2, emb_user = _sc_gather_all(
        tables=[T_item, T101, T_user],
        idx_lists=[input_ids, if_101, cf_210, cf_401, user_id2],
        out_shapes=[(BL, 2 * D_ID), (BL, 2 * D_ID), (B, D_ID)],
        features=[
            (0, 0, "B", 0, 0, 0, 0, D_ID),
            (1, 1, "B", 0, 0, 0, D_ID, D_F),
            (1, 3, "B", 0, 0, 0, D_ID + D_F, D_F),
            (0, 2, "B", 0, 0, 1, 0, D_ID),
            (2, 4, "A", 0, user_id2.shape[0], 2, 0, D_ID),
        ],
        L=L,
    )
    bufA = bufA.reshape(-1)
    bufB1 = bufB1.reshape(-1)
    bufB2 = bufB2.reshape(-1)

    f32 = jnp.float32
    Z64 = jnp.zeros((D_ID, I1.shape[1]), f32)
    Z96 = jnp.zeros((D_ID + D_F, I1.shape[1]), f32)
    Z32 = jnp.zeros((D_F, I1.shape[1]), f32)
    WABi = jnp.concatenate([I1[D_ID:D_ID + D_F], I1[D_ID + 2 * D_F:CAT], Z64,
                            I1[:D_ID], I1[D_ID + D_F:D_ID + 2 * D_F], Z32])
    WABc = jnp.concatenate([Z64, C1[:2 * D_F], Z96, C1[CAT - D_F:CAT]])
    C210 = C1[2 * D_F:2 * D_F + D_ID]
    I1d1 = I1[CAT:CAT + 1]
    I1d2 = I1[CAT + 1:CAT + 2]
    I1mm = I1[CAT + 2:]
    Fmm = Wm @ I1mm
    Ibe = (Ib1 + bm @ I1mm).reshape(1, -1)
    U1id, U1a, U1b, U1c = U1[:D_ID], U1[D_ID:D_ID + D_F], \
        U1[D_ID + D_F:D_ID + 2 * D_F], U1[D_ID + 2 * D_F:D_ID + 3 * D_F]
    U1d = U1[D_ID + 3 * D_F:]
    Wc1, Wc2, Wc3 = Wc[:H], Wc[H:2 * H], Wc[2 * H:]
    G1 = I2 @ (Wc1 @ Wmg)
    G2 = C2 @ (Wc3 @ Wmg)
    Wc2mg = Wc2 @ Wmg
    cvec = ((Ib2 @ Wc1 + Cb2 @ Wc3 + bc) @ Wmg + bmg
            + Ub2 @ Wc2mg).reshape(1, -1)
    Ub1_2 = Ub1.reshape(1, -1)
    Cb1_2 = Cb1.reshape(1, -1)
    d3_2 = uf_d3.reshape(-1, 1)

    u3 = pl.pallas_call(
        functools.partial(_user_tower_body, B=B, A=A),
        out_shape=jax.ShapeDtypeStruct((B, H), f32),
    )(emb_user, emb_200, emb_201, emb_202, d3_2, U1id, U1a, U1b, U1c, U1d,
      Ub1_2, U2, Wc2mg, cvec)

    BBLK = 16
    M = BBLK * L
    NB = B // BBLK
    MM = if_m1.shape[2]
    ee = (jnp.arange(M)[:, None] // L == jnp.arange(BBLK)[None, :]).astype(f32)

    def flatblk():
        return pl.BlockSpec((M * 128,), lambda m: (m,))

    def full(a):
        return pl.BlockSpec(a.shape, lambda m: tuple(0 for _ in a.shape))

    weights = [WABi, WABc, C210, I1d1, I1d2, Fmm, Ibe, G1, Cb1_2, G2]
    out = pl.pallas_call(
        functools.partial(_main_body, bblk=BBLK, l=L, h_dim=H),
        grid=(NB,),
        in_specs=[
            flatblk(), flatblk(), flatblk(),
            pl.BlockSpec((BBLK, L, MM), lambda m: (m, 0, 0)),
            pl.BlockSpec((BBLK, L), lambda m: (m, 0)),
            pl.BlockSpec((BBLK, L), lambda m: (m, 0)),
            pl.BlockSpec((BBLK, H), lambda m: (m, 0)),
            full(ee),
        ] + [full(w) for w in weights],
        out_specs=pl.BlockSpec((BBLK, L, H), lambda m: (m, 0, 0)),
        out_shape=jax.ShapeDtypeStruct((B, L, H), f32),
    )(bufA, bufB1, bufB2, if_m1, if_d1, if_d2, u3, ee, *weights)

    return out

# --- scband reference (transcript-rebuilt; emitter-appended) ---
"""Pipeline reference for scband-baseline-model-60266981097758 (READ-ONLY COPY).

The authoritative reference and input builder live on the scoring server;
editing this copy changes nothing except your own understanding.
"""

import jax, jax.numpy as jnp
import numpy as np

B, L, A = 1024, 200, 10
V_ITEM, V_USER, V_101, V_SM = 1_000_000, 100_000, 100_000, 10_000
D_ID, D_F, MM, H, DNN = 64, 32, 128, 128, 256
ITEM_DIM = D_ID + 3 * D_F + 2 + D_F  # 194 (item_id + 100/101/102 + 2 dense + mm)
USER_DIM = D_ID + 3 * D_F + 1        # 161 (user_id + 200/201 + 202(sum) + 1 dense)
CTX_DIM = 2 * D_F + D_ID + D_F       # 160 (300/301 + item_id(210) + 101(401))


def setup_inputs(seed: int = 0) -> dict:
    key = jax.random.key(seed)
    c = [0]
    def nk():
        c[0] += 1
        return jax.random.fold_in(key, c[0])
    def ri(shape, hi):
        return jax.random.randint(nk(), shape, 0, hi, dtype=jnp.int32)
    def rn(shape, scale=1.0):
        return jax.random.normal(nk(), shape, dtype=jnp.float32) * scale
    inp = {}
    # forward inputs
    inp['user_id'] = ri((B,), V_USER)
    inp['uf_200'] = ri((B,), V_SM)
    inp['uf_201'] = ri((B,), V_SM)
    inp['uf_202'] = ri((B, A), V_SM)
    inp['uf_d3'] = rn((B,))
    inp['input_ids'] = ri((B, L), V_ITEM)
    inp['if_100'] = ri((B, L), V_SM)
    inp['if_101'] = ri((B, L), V_101)
    inp['if_102'] = ri((B, L), V_SM)
    inp['if_d1'] = rn((B, L))
    inp['if_d2'] = rn((B, L))
    inp['if_m1'] = rn((B, L, MM))
    inp['cf_300'] = ri((B, L), V_SM)
    inp['cf_301'] = ri((B, L), V_SM)
    inp['cf_210'] = ri((B, L), V_ITEM)
    inp['cf_401'] = ri((B, L), V_101)
    # embedding tables (padding row 0 included via +1 rows)
    inp['T_item'] = rn((V_ITEM + 1, D_ID), 0.02)
    inp['T101'] = rn((V_101 + 1, D_F), 0.02)
    inp['T100'] = rn((V_SM + 1, D_F), 0.02)
    inp['T102'] = rn((V_SM + 1, D_F), 0.02)
    inp['T_user'] = rn((V_USER + 1, D_ID), 0.02)
    inp['T200'] = rn((V_SM + 1, D_F), 0.02)
    inp['T201'] = rn((V_SM + 1, D_F), 0.02)
    inp['T202'] = rn((V_SM + 1, D_F), 0.02)
    inp['T300'] = rn((V_SM + 1, D_F), 0.02)
    inp['T301'] = rn((V_SM + 1, D_F), 0.02)
    # mm linear
    inp['Wm'] = rn((MM, D_F), 0.02); inp['bm'] = jnp.zeros((D_F,), jnp.float32)
    # item dnn
    inp['I1'] = rn((ITEM_DIM, DNN), 0.02); inp['Ib1'] = jnp.zeros((DNN,), jnp.float32)
    inp['I2'] = rn((DNN, H), 0.02); inp['Ib2'] = jnp.zeros((H,), jnp.float32)
    # user dnn
    inp['U1'] = rn((USER_DIM, DNN), 0.02); inp['Ub1'] = jnp.zeros((DNN,), jnp.float32)
    inp['U2'] = rn((DNN, H), 0.02); inp['Ub2'] = jnp.zeros((H,), jnp.float32)
    # context dnn
    inp['C1'] = rn((CTX_DIM, DNN), 0.02); inp['Cb1'] = jnp.zeros((DNN,), jnp.float32)
    inp['C2'] = rn((DNN, H), 0.02); inp['Cb2'] = jnp.zeros((H,), jnp.float32)
    # context merge dnn and final merge dnn
    inp['Wc'] = rn((3 * H, H), 0.02); inp['bc'] = jnp.zeros((H,), jnp.float32)
    inp['Wmg'] = rn((H, H), 0.02); inp['bmg'] = jnp.zeros((H,), jnp.float32)
    return inp


def _forward(uf_d3, if_d1, if_d2, if_m1, T_item, T101, T100, T102, T_user, T200, T201, T202, T300, T301,
             Wm, bm, I1, Ib1, I2, Ib2, U1, Ub1, U2, Ub2, C1, Cb1, C2, Cb2, Wc, bc, Wmg, bmg,
             user_id, uf_200, uf_201, uf_202, input_ids, if_100, if_101, if_102, cf_300, cf_301, cf_210, cf_401):
    # ItemTower
    mm = if_m1 @ Wm + bm  # dropout is identity in eval
    item_in = jnp.concatenate([
        jnp.take(T_item, input_ids, axis=0),
        jnp.take(T100, if_100, axis=0),
        jnp.take(T101, if_101, axis=0),
        jnp.take(T102, if_102, axis=0),
        if_d1[..., None], if_d2[..., None], mm], axis=-1)
    item_h = jax.nn.relu(item_in @ I1 + Ib1) @ I2 + Ib2  # [B, L, H]
    # UserTower
    user_in = jnp.concatenate([
        jnp.take(T_user, user_id, axis=0),
        jnp.take(T200, uf_200, axis=0),
        jnp.take(T201, uf_201, axis=0),
        jnp.take(T202, uf_202, axis=0).sum(-2),
        uf_d3[..., None]], axis=-1)
    user_h = jax.nn.relu(user_in @ U1 + Ub1) @ U2 + Ub2  # [B, H]
    # ContextTower (shares item tower's item_id and 101 tables)
    ctx_in = jnp.concatenate([
        jnp.take(T300, cf_300, axis=0),
        jnp.take(T301, cf_301, axis=0),
        jnp.take(T_item, cf_210, axis=0),
        jnp.take(T101, cf_401, axis=0)], axis=-1)
    ctx_h = jax.nn.relu(ctx_in @ C1 + Cb1) @ C2 + Cb2  # [B, L, H]
    user_b = jnp.broadcast_to(user_h[:, None, :], item_h.shape)
    seq = jnp.concatenate([item_h, user_b, ctx_h], axis=-1)
    seq = seq @ Wc + bc
    return seq @ Wmg + bmg  # [B, L, H]


def reference(user_id, uf_200, uf_201, uf_202, uf_d3, input_ids, if_100, if_101, if_102, if_d1, if_d2, if_m1,
              cf_300, cf_301, cf_210, cf_401,
              T_item, T101, T100, T102, T_user, T200, T201, T202, T300, T301,
              Wm, bm, I1, Ib1, I2, Ib2, U1, Ub1, U2, Ub2, C1, Cb1, C2, Cb2, Wc, bc, Wmg, bmg):
    return _forward(uf_d3, if_d1, if_d2, if_m1, T_item, T101, T100, T102, T_user, T200, T201, T202, T300, T301,
                    Wm, bm, I1, Ib1, I2, Ib2, U1, Ub1, U2, Ub2, C1, Cb1, C2, Cb2, Wc, bc, Wmg, bmg,
                    user_id, uf_200, uf_201, uf_202, input_ids, if_100, if_101, if_102, cf_300, cf_301, cf_210, cf_401)

if __name__ == "__main__":
    import jax
    _d = setup_inputs()
    print(jax.jit(kernel)(*tuple(_d.values())))

</pallas_src>

<mosaic_0001>
#map = affine_map<(d0, d1) -> (0, 0)>
module attributes {stable_mosaic.version = 14 : i64} {
  func.func @body(%arg0: i32, %arg1: i32, %arg2: memref<1000001x64xf32, #tpu.memory_space<hbm>>, %arg3: memref<100001x32xf32, #tpu.memory_space<hbm>>, %arg4: memref<100001x64xf32, #tpu.memory_space<hbm>>, %arg5: memref<1024x200xi32, #tpu.memory_space<hbm>>, %arg6: memref<1024x200xi32, #tpu.memory_space<hbm>>, %arg7: memref<1024x200xi32, #tpu.memory_space<hbm>>, %arg8: memref<1024x200xi32, #tpu.memory_space<hbm>>, %arg9: memref<8x128xi32, #tpu.memory_space<hbm>>, %arg10: memref<204800x128xf32, #tpu.memory_space<hbm>>, %arg11: memref<204800x128xf32, #tpu.memory_space<hbm>>, %arg12: memref<1024x64xf32, #tpu.memory_space<hbm>>, %arg13: memref<8x128xi32, #tpu.memory_space<vmem>>, %arg14: memref<4x200xi32, #tpu.memory_space<vmem>>, %arg15: memref<1024x64xf32, #tpu.memory_space<vmem>>, %arg16: memref<800x32xf32, #tpu.memory_space<vmem>>, %arg17: memref<!tpu.dma_semaphore, #tpu.memory_space<semaphore_mem>>) attributes {dimension_semantics = [#tpu.dimension_semantics<core_parallel>, #tpu.dimension_semantics<subcore_parallel>], iteration_bounds = array<i64: 2, 16>, scalar_prefetch = 0 : i64, scratch_operands = 5 : i64, tpu.core_type = #tpu.core_type<sc_vector_subcore>, window_params = [{transform_indices = #map}, {transform_indices = #map}, {transform_indices = #map}, {transform_indices = #map}, {transform_indices = #map}, {transform_indices = #map}, {transform_indices = #map}, {transform_indices = #map}, {transform_indices = #map}, {transform_indices = #map}, {transform_indices = #map}]} {
    %mul3A = arith.constant 2 : i32
    %mul3A_0 = arith.muli %arg1, %mul3A : i32
    %add3A = arith.addi %mul3A_0, %arg0 : i32
    %scan3A = arith.constant 0 : i32
    %scan3A_1 = arith.constant 8 : i32
    %scan3A_2 = arith.addi %scan3A, %scan3A_1 : i32
    %scan3A_3 = arith.constant 1 : i32
    scf.for %scan3A_31 = %scan3A to %scan3A_2 step %scan3A_3  : i32 {
      %mul3A_32 = arith.constant 1 : i32
      %mul3A_33 = arith.muli %scan3A_31, %mul3A_32 : i32
      %add3A_34 = arith.constant 0 : i32
      %add3A_35 = arith.addi %add3A_34, %mul3A_33 : i32
      %mul3A_36 = arith.constant 32 : i32
      %mul3A_37 = arith.muli %add3A_35, %mul3A_36 : i32
      %add3A_38 = arith.addi %add3A, %mul3A_37 : i32
      %mul3A_39 = arith.constant 4 : i32
      %mul3A_40 = arith.muli %add3A_38, %mul3A_39 : i32
      "tpu.region"() ({
        %run_scoped3A = tpu.sem_alloc : memref<!tpu.dma_semaphore, #tpu.memory_space<semaphore_mem>>
        %dma_start3A_201 = arith.constant 0 : i32
        %dma_start3A_202 = tpu.memref_slice %arg5[%mul3A_40, %dma_start3A_201] : memref<1024x200xi32, #tpu.memory_space<hbm>> -> memref<4x200xi32, #tpu.memory_space<hbm>>
        %dma_start3A_203 = arith.constant 0 : i32
        %dma_start3A_204 = tpu.memref_slice %arg5[%mul3A_40, %dma_start3A_203] : memref<1024x200xi32, #tpu.memory_space<hbm>> -> memref<4x200xi32, #tpu.memory_space<hbm>>
        tpu.enqueue_dma source(%dma_start3A_204 : memref<4x200xi32, #tpu.memory_space<hbm>>) target(%arg14 : memref<4x200xi32, #tpu.memory_space<vmem>>) target_semaphore(%run_scoped3A : memref<!tpu.dma_semaphore, #tpu.memory_space<semaphore_mem>>)
        %dma_wait3A_205 = arith.constant 0 : i32
        %dma_wait3A_206 = tpu.memref_slice %arg5[%mul3A_40, %dma_wait3A_205] : memref<1024x200xi32, #tpu.memory_space<hbm>> -> memref<4x200xi32, #tpu.memory_space<hbm>>
        %dma_wait3A_207 = arith.constant 0 : i32
        %dma_wait3A_208 = tpu.memref_slice %arg5[%mul3A_40, %dma_wait3A_207] : memref<1024x200xi32, #tpu.memory_space<hbm>> -> memref<4x200xi32, #tpu.memory_space<hbm>>
        tpu.wait_dma2 semaphore(%run_scoped3A : memref<!tpu.dma_semaphore, #tpu.memory_space<semaphore_mem>>) src(%dma_wait3A_208 : memref<4x200xi32, #tpu.memory_space<hbm>>) dst(%arg14 : memref<4x200xi32, #tpu.memory_space<vmem>>)
        tpu.yield
      }) : () -> ()
      %dma_start3A = arith.constant 0 : i32
      %dma_start3A_41 = arith.constant 0 : i32
      %dma_start3A_42 = arith.constant 0 : i32
      %dma_start3A_43 = tpu.memref_slice %arg15[%dma_start3A_41, %dma_start3A_42] : memref<1024x64xf32, #tpu.memory_space<vmem>> -> memref<128x64xf32, #tpu.memory_space<vmem>>
      %dma_start3A_44 = arith.constant 0 : i32
      %dma_start3A_45 = tpu.memref_slice %arg14[%dma_start3A, %dma_start3A_44] : memref<4x200xi32, #tpu.memory_space<vmem>> -> memref<1x128xi32, #tpu.memory_space<vmem>>
      %dma_start3A_46 = tpu.memref_squeeze %dma_start3A_45 : memref<1x128xi32, #tpu.memory_space<vmem>> -> memref<128xi32, #tpu.memory_space<vmem>>
      %dma_start3A_47 = arith.constant 0 : i32
      %dma_start3A_48 = arith.constant 0 : i32
      %dma_start3A_49 = tpu.memref_slice %arg2[%dma_start3A_47, %dma_start3A_48] : memref<1000001x64xf32, #tpu.memory_space<hbm>> -> memref<1000001x64xf32, #tpu.memory_space<hbm>>
      tpu.enqueue_indirect_dma source(%dma_start3A_49 : memref<1000001x64xf32, #tpu.memory_space<hbm>>) target(%dma_start3A_43 : memref<128x64xf32, #tpu.memory_space<vmem>>) offsets(%dma_start3A_46 : memref<128xi32, #tpu.memory_space<vmem>>) semaphore(%arg17 : memref<!tpu.dma_semaphore, #tpu.memory_space<semaphore_mem>>)
      %dma_start3A_50 = arith.constant 0 : i32
      %dma_start3A_51 = arith.constant 128 : i32
      %dma_start3A_52 = arith.constant 0 : i32
      %dma_start3A_53 = tpu.memref_slice %arg15[%dma_start3A_51, %dma_start3A_52] : memref<1024x64xf32, #tpu.memory_space<vmem>> -> memref<72x64xf32, #tpu.memory_space<vmem>>
      %dma_start3A_54 = arith.constant 128 : i32
      %dma_start3A_55 = tpu.memref_slice %arg14[%dma_start3A_50, %dma_start3A_54] : memref<4x200xi32, #tpu.memory_space<vmem>> -> memref<1x72xi32, #tpu.memory_space<vmem>>
      %dma_start3A_56 = tpu.memref_squeeze %dma_start3A_55 : memref<1x72xi32, #tpu.memory_space<vmem>> -> memref<72xi32, #tpu.memory_space<vmem>>
      %dma_start3A_57 = arith.constant 0 : i32
      %dma_start3A_58 = arith.constant 0 : i32
      %dma_start3A_59 = tpu.memref_slice %arg2[%dma_start3A_57, %dma_start3A_58] : memref<1000001x64xf32, #tpu.memory_space<hbm>> -> memref<1000001x64xf32, #tpu.memory_space<hbm>>
      tpu.enqueue_indirect_dma source(%dma_start3A_59 : memref<1000001x64xf32, #tpu.memory_space<hbm>>) target(%dma_start3A_53 : memref<72x64xf32, #tpu.memory_space<vmem>>) offsets(%dma_start3A_56 : memref<72xi32, #tpu.memory_space<vmem>>) semaphore(%arg17 : memref<!tpu.dma_semaphore, #tpu.memory_space<semaphore_mem>>)
      %dma_start3A_60 = arith.constant 1 : i32
      %dma_start3A_61 = arith.constant 200 : i32
      %dma_start3A_62 = arith.constant 0 : i32
      %dma_start3A_63 = tpu.memref_slice %arg15[%dma_start3A_61, %dma_start3A_62] : memref<1024x64xf32, #tpu.memory_space<vmem>> -> memref<128x64xf32, #tpu.memory_space<vmem>>
      %dma_start3A_64 = arith.constant 0 : i32
      %dma_start3A_65 = tpu.memref_slice %arg14[%dma_start3A_60, %dma_start3A_64] : memref<4x200xi32, #tpu.memory_space<vmem>> -> memref<1x128xi32, #tpu.memory_space<vmem>>
      %dma_start3A_66 = tpu.memref_squeeze %dma_start3A_65 : memref<1x128xi32, #tpu.memory_space<vmem>> -> memref<128xi32, #tpu.memory_space<vmem>>
      %dma_start3A_67 = arith.constant 0 : i32
      %dma_start3A_68 = arith.constant 0 : i32
      %dma_start3A_69 = tpu.memref_slice %arg2[%dma_start3A_67, %dma_start3A_68] : memref<1000001x64xf32, #tpu.memory_space<hbm>> -> memref<1000001x64xf32, #tpu.memory_space<hbm>>
      tpu.enqueue_indirect_dma source(%dma_start3A_69 : memref<1000001x64xf32, #tpu.memory_space<hbm>>) target(%dma_start3A_63 : memref<128x64xf32, #tpu.memory_space<vmem>>) offsets(%dma_start3A_66 : memref<128xi32, #tpu.memory_space<vmem>>) semaphore(%arg17 : memref<!tpu.dma_semaphore, #tpu.memory_space<semaphore_mem>>)
      %dma_start3A_70 = arith.constant 1 : i32
      %dma_start3A_71 = arith.constant 328 : i32
      %dma_start3A_72 = arith.constant 0 : i32
      %dma_start3A_73 = tpu.memref_slice %arg15[%dma_start3A_71, %dma_start3A_72] : memref<1024x64xf32, #tpu.memory_space<vmem>> -> memref<72x64xf32, #tpu.memory_space<vmem>>
      %dma_start3A_74 = arith.constant 128 : i32
      %dma_start3A_75 = tpu.memref_slice %arg14[%dma_start3A_70, %dma_start3A_74] : memref<4x200xi32, #tpu.memory_space<vmem>> -> memref<1x72xi32, #tpu.memory_space<vmem>>
      %dma_start3A_76 = tpu.memref_squeeze %dma_start3A_75 : memref<1x72xi32, #tpu.memory_space<vmem>> -> memref<72xi32, #tpu.memory_space<vmem>>
      %dma_start3A_77 = arith.constant 0 : i32
      %dma_start3A_78 = arith.constant 0 : i32
      %dma_start3A_79 = tpu.memref_slice %arg2[%dma_start3A_77, %dma_start3A_78] : memref<1000001x64xf32, #tpu.memory_space<hbm>> -> memref<1000001x64xf32, #tpu.memory_space<hbm>>
      tpu.enqueue_indirect_dma source(%dma_start3A_79 : memref<1000001x64xf32, #tpu.memory_space<hbm>>) target(%dma_start3A_73 : memref<72x64xf32, #tpu.memory_space<vmem>>) offsets(%dma_start3A_76 : memref<72xi32, #tpu.memory_space<vmem>>) semaphore(%arg17 : memref<!tpu.dma_semaphore, #tpu.memory_space<semaphore_mem>>)
      %dma_start3A_80 = arith.constant 2 : i32
      %dma_start3A_81 = arith.constant 400 : i32
      %dma_start3A_82 = arith.constant 0 : i32
      %dma_start3A_83 = tpu.memref_slice %arg15[%dma_start3A_81, %dma_start3A_82] : memref<1024x64xf32, #tpu.memory_space<vmem>> -> memref<128x64xf32, #tpu.memory_space<vmem>>
      %dma_start3A_84 = arith.constant 0 : i32
      %dma_start3A_85 = tpu.memref_slice %arg14[%dma_start3A_80, %dma_start3A_84] : memref<4x200xi32, #tpu.memory_space<vmem>> -> memref<1x128xi32, #tpu.memory_space<vmem>>
      %dma_start3A_86 = tpu.memref_squeeze %dma_start3A_85 : memref<1x128xi32, #tpu.memory_space<vmem>> -> memref<128xi32, #tpu.memory_space<vmem>>
      %dma_start3A_87 = arith.constant 0 : i32
      %dma_start3A_88 = arith.constant 0 : i32
      %dma_start3A_89 = tpu.memref_slice %arg2[%dma_start3A_87, %dma_start3A_88] : memref<1000001x64xf32, #tpu.memory_space<hbm>> -> memref<1000001x64xf32, #tpu.memory_space<hbm>>
      tpu.enqueue_indirect_dma source(%dma_start3A_89 : memref<1000001x64xf32, #tpu.memory_space<hbm>>) target(%dma_start3A_83 : memref<128x64xf32, #tpu.memory_space<vmem>>) offsets(%dma_start3A_86 : memref<128xi32, #tpu.memory_space<vmem>>) semaphore(%arg17 : memref<!tpu.dma_semaphore, #tpu.memory_space<semaphore_mem>>)
      %dma_start3A_90 = arith.constant 2 : i32
      %dma_start3A_91 = arith.constant 528 : i32
      %dma_start3A_92 = arith.constant 0 : i32
      %dma_start3A_93 = tpu.memref_slice %arg15[%dma_start3A_91, %dma_start3A_92] : memref<1024x64xf32, #tpu.memory_space<vmem>> -> memref<72x64xf32, #tpu.memory_space<vmem>>
      %dma_start3A_94 = arith.constant 128 : i32
      %dma_start3A_95 = tpu.memref_slice %arg14[%dma_start3A_90, %dma_start3A_94] : memref<4x200xi32, #tpu.memory_space<vmem>> -> memref<1x72xi32, #tpu.memory_space<vmem>>
      %dma_start3A_96 = tpu.memref_squeeze %dma_start3A_95 : memref<1x72xi32, #tpu.memory_space<vmem>> -> memref<72xi32, #tpu.memory_space<vmem>>
      %dma_start3A_97 = arith.constant 0 : i32
      %dma_start3A_98 = arith.constant 0 : i32
      %dma_start3A_99 = tpu.memref_slice %arg2[%dma_start3A_97, %dma_start3A_98] : memref<1000001x64xf32, #tpu.memory_space<hbm>> -> memref<1000001x64xf32, #tpu.memory_space<hbm>>
      tpu.enqueue_indirect_dma source(%dma_start3A_99 : memref<1000001x64xf32, #tpu.memory_space<hbm>>) target(%dma_start3A_93 : memref<72x64xf32, #tpu.memory_space<vmem>>) offsets(%dma_start3A_96 : memref<72xi32, #tpu.memory_space<vmem>>) semaphore(%arg17 : memref<!tpu.dma_semaphore, #tpu.memory_space<semaphore_mem>>)
      %dma_start3A_100 = arith.constant 3 : i32
      %dma_start3A_101 = arith.constant 600 : i32
      %dma_start3A_102 = arith.constant 0 : i32
      %dma_start3A_103 = tpu.memref_slice %arg15[%dma_start3A_101, %dma_start3A_102] : memref<1024x64xf32, #tpu.memory_space<vmem>> -> memref<128x64xf32, #tpu.memory_space<vmem>>
      %dma_start3A_104 = arith.constant 0 : i32
      %dma_start3A_105 = tpu.memref_slice %arg14[%dma_start3A_100, %dma_start3A_104] : memref<4x200xi32, #tpu.memory_space<vmem>> -> memref<1x128xi32, #tpu.memory_space<vmem>>
      %dma_start3A_106 = tpu.memref_squeeze %dma_start3A_105 : memref<1x128xi32, #tpu.memory_space<vmem>> -> memref<128xi32, #tpu.memory_space<vmem>>
      %dma_start3A_107 = arith.constant 0 : i32
      %dma_start3A_108 = arith.constant 0 : i32
      %dma_start3A_109 = tpu.memref_slice %arg2[%dma_start3A_107, %dma_start3A_108] : memref<1000001x64xf32, #tpu.memory_space<hbm>> -> memref<1000001x64xf32, #tpu.memory_space<hbm>>
      tpu.enqueue_indirect_dma source(%dma_start3A_109 : memref<1000001x64xf32, #tpu.memory_space<hbm>>) target(%dma_start3A_103 : memref<128x64xf32, #tpu.memory_space<vmem>>) offsets(%dma_start3A_106 : memref<128xi32, #tpu.memory_space<vmem>>) semaphore(%arg17 : memref<!tpu.dma_semaphore, #tpu.memory_space<semaphore_mem>>)
      %dma_start3A_110 = arith.constant 3 : i32
      %dma_start3A_111 = arith.constant 728 : i32
      %dma_start3A_112 = arith.constant 0 : i32
      %dma_start3A_113 = tpu.memref_slice %arg15[%dma_start3A_111, %dma_start3A_112] : memref<1024x64xf32, #tpu.memory_space<vmem>> -> memref<72x64xf32, #tpu.memory_space<vmem>>
      %dma_start3A_114 = arith.constant 128 : i32
      %dma_start3A_115 = tpu.memref_slice %arg14[%dma_start3A_110, %dma_start3A_114] : memref<4x200xi32, #tpu.memory_space<vmem>> -> memref<1x72xi32, #tpu.memory_space<vmem>>
      %dma_start3A_116 = tpu.memref_squeeze %dma_start3A_115 : memref<1x72xi32, #tpu.memory_space<vmem>> -> memref<72xi32, #tpu.memory_space<vmem>>
      %dma_start3A_117 = arith.constant 0 : i32
      %dma_start3A_118 = arith.constant 0 : i32
      %dma_start3A_119 = tpu.memref_slice %arg2[%dma_start3A_117, %dma_start3A_118] : memref<1000001x64xf32, #tpu.memory_space<hbm>> -> memref<1000001x64xf32, #tpu.memory_space<hbm>>
      tpu.enqueue_indirect_dma source(%dma_start3A_119 : memref<1000001x64xf32, #tpu.memory_space<hbm>>) target(%dma_start3A_113 : memref<72x64xf32, #tpu.memory_space<vmem>>) offsets(%dma_start3A_116 : memref<72xi32, #tpu.memory_space<vmem>>) semaphore(%arg17 : memref<!tpu.dma_semaphore, #tpu.memory_space<semaphore_mem>>)
      %dma_wait3A = arith.constant 0 : i32
      %dma_wait3A_120 = arith.constant 0 : i32
      %dma_wait3A_121 = arith.constant 0 : i32
      %dma_wait3A_122 = tpu.memref_slice %arg15[%dma_wait3A_120, %dma_wait3A_121] : memref<1024x64xf32, #tpu.memory_space<vmem>> -> memref<128x64xf32, #tpu.memory_space<vmem>>
      %dma_wait3A_123 = arith.constant 0 : i32
      %dma_wait3A_124 = tpu.memref_slice %arg14[%dma_wait3A, %dma_wait3A_123] : memref<4x200xi32, #tpu.memory_space<vmem>> -> memref<1x128xi32, #tpu.memory_space<vmem>>
      %dma_wait3A_125 = tpu.memref_squeeze %dma_wait3A_124 : memref<1x128xi32, #tpu.memory_space<vmem>> -> memref<128xi32, #tpu.memory_space<vmem>>
      %dma_wait3A_126 = arith.constant 0 : i32
      %dma_wait3A_127 = arith.constant 0 : i32
      %dma_wait3A_128 = tpu.memref_slice %arg2[%dma_wait3A_126, %dma_wait3A_127] : memref<1000001x64xf32, #tpu.memory_space<hbm>> -> memref<1000001x64xf32, #tpu.memory_space<hbm>>
      tpu.wait_indirect_dma semaphore(%arg17 : memref<!tpu.dma_semaphore, #tpu.memory_space<semaphore_mem>>) src(%dma_wait3A_128 : memref<1000001x64xf32, #tpu.memory_space<hbm>>) dst(%dma_wait3A_122 : memref<128x64xf32, #tpu.memory_space<vmem>>)
      %dma_wait3A_129 = arith.constant 0 : i32
      %dma_wait3A_130 = arith.constant 128 : i32
      %dma_wait3A_131 = arith.constant 0 : i32
      %dma_wait3A_132 = tpu.memref_slice %arg15[%dma_wait3A_130, %dma_wait3A_131] : memref<1024x64xf32, #tpu.memory_space<vmem>> -> memref<72x64xf32, #tpu.memory_space<vmem>>
      %dma_wait3A_133 = arith.constant 128 : i32
      %dma_wait3A_134 = tpu.memref_slice %arg14[%dma_wait3A_129, %dma_wait3A_133] : memref<4x200xi32, #tpu.memory_space<vmem>> -> memref<1x72xi32, #tpu.memory_space<vmem>>
      %dma_wait3A_135 = tpu.memref_squeeze %dma_wait3A_134 : memref<1x72xi32, #tpu.memory_space<vmem>> -> memref<72xi32, #tpu.memory_space<vmem>>
      %dma_wait3A_136 = arith.constant 0 : i32
      %dma_wait3A_137 = arith.constant 0 : i32
      %dma_wait3A_138 = tpu.memref_slice %arg2[%dma_wait3A_136, %dma_wait3A_137] : memref<1000001x64xf32, #tpu.memory_space<hbm>> -> memref<1000001x64xf32, #tpu.memory_space<hbm>>
      tpu.wait_indirect_dma semaphore(%arg17 : memref<!tpu.dma_semaphore, #tpu.memory_space<semaphore_mem>>) src(%dma_wait3A_138 : memref<1000001x64xf32, #tpu.memory_space<hbm>>) dst(%dma_wait3A_132 : memref<72x64xf32, #tpu.memory_space<vmem>>)
      %dma_wait3A_139 = arith.constant 1 : i32
      %dma_wait3A_140 = arith.constant 200 : i32
      %dma_wait3A_141 = arith.constant 0 : i32
      %dma_wait3A_142 = tpu.memref_slice %arg15[%dma_wait3A_140, %dma_wait3A_141] : memref<1024x64xf32, #tpu.memory_space<vmem>> -> memref<128x64xf32, #tpu.memory_space<vmem>>
      %dma_wait3A_143 = arith.constant 0 : i32
      %dma_wait3A_144 = tpu.memref_slice %arg14[%dma_wait3A_139, %dma_wait3A_143] : memref<4x200xi32, #tpu.memory_space<vmem>> -> memref<1x128xi32, #tpu.memory_space<vmem>>
      %dma_wait3A_145 = tpu.memref_squeeze %dma_wait3A_144 : memref<1x128xi32, #tpu.memory_space<vmem>> -> memref<128xi32, #tpu.memory_space<vmem>>
      %dma_wait3A_146 = arith.constant 0 : i32
      %dma_wait3A_147 = arith.constant 0 : i32
      %dma_wait3A_148 = tpu.memref_slice %arg2[%dma_wait3A_146, %dma_wait3A_147] : memref<1000001x64xf32, #tpu.memory_space<hbm>> -> memref<1000001x64xf32, #tpu.memory_space<hbm>>
      tpu.wait_indirect_dma semaphore(%arg17 : memref<!tpu.dma_semaphore, #tpu.memory_space<semaphore_mem>>) src(%dma_wait3A_148 : memref<1000001x64xf32, #tpu.memory_space<hbm>>) dst(%dma_wait3A_142 : memref<128x64xf32, #tpu.memory_space<vmem>>)
      %dma_wait3A_149 = arith.constant 1 : i32
      %dma_wait3A_150 = arith.constant 328 : i32
      %dma_wait3A_151 = arith.constant 0 : i32
      %dma_wait3A_152 = tpu.memref_slice %arg15[%dma_wait3A_150, %dma_wait3A_151] : memref<1024x64xf32, #tpu.memory_space<vmem>> -> memref<72x64xf32, #tpu.memory_space<vmem>>
      %dma_wait3A_153 = arith.constant 128 : i32
      %dma_wait3A_154 = tpu.memref_slice %arg14[%dma_wait3A_149, %dma_wait3A_153] : memref<4x200xi32, #tpu.memory_space<vmem>> -> memref<1x72xi32, #tpu.memory_space<vmem>>
      %dma_wait3A_155 = tpu.memref_squeeze %dma_wait3A_154 : memref<1x72xi32, #tpu.memory_space<vmem>> -> memref<72xi32, #tpu.memory_space<vmem>>
      %dma_wait3A_156 = arith.constant 0 : i32
      %dma_wait3A_157 = arith.constant 0 : i32
      %dma_wait3A_158 = tpu.memref_slice %arg2[%dma_wait3A_156, %dma_wait3A_157] : memref<1000001x64xf32, #tpu.memory_space<hbm>> -> memref<1000001x64xf32, #tpu.memory_space<hbm>>
      tpu.wait_indirect_dma semaphore(%arg17 : memref<!tpu.dma_semaphore, #tpu.memory_space<semaphore_mem>>) src(%dma_wait3A_158 : memref<1000001x64xf32, #tpu.memory_space<hbm>>) dst(%dma_wait3A_152 : memref<72x64xf32, #tpu.memory_space<vmem>>)
      %dma_wait3A_159 = arith.constant 2 : i32
      %dma_wait3A_160 = arith.constant 400 : i32
      %dma_wait3A_161 = arith.constant 0 : i32
      %dma_wait3A_162 = tpu.memref_slice %arg15[%dma_wait3A_160, %dma_wait3A_161] : memref<1024x64xf32, #tpu.memory_space<vmem>> -> memref<128x64xf32, #tpu.memory_space<vmem>>
      %dma_wait3A_163 = arith.constant 0 : i32
      %dma_wait3A_164 = tpu.memref_slice %arg14[%dma_wait3A_159, %dma_wait3A_163] : memref<4x200xi32, #tpu.memory_space<vmem>> -> memref<1x128xi32, #tpu.memory_space<vmem>>
      %dma_wait3A_165 = tpu.memref_squeeze %dma_wait3A_164 : memref<1x128xi32, #tpu.memory_space<vmem>> -> memref<128xi32, #tpu.memory_space<vmem>>
      %dma_wait3A_166 = arith.constant 0 : i32
      %dma_wait3A_167 = arith.constant 0 : i32
      %dma_wait3A_168 = tpu.memref_slice %arg2[%dma_wait3A_166, %dma_wait3A_167] : memref<1000001x64xf32, #tpu.memory_space<hbm>> -> memref<1000001x64xf32, #tpu.memory_space<hbm>>
      tpu.wait_indirect_dma semaphore(%arg17 : memref<!tpu.dma_semaphore, #tpu.memory_space<semaphore_mem>>) src(%dma_wait3A_168 : memref<1000001x64xf32, #tpu.memory_space<hbm>>) dst(%dma_wait3A_162 : memref<128x64xf32, #tpu.memory_space<vmem>>)
      %dma_wait3A_169 = arith.constant 2 : i32
      %dma_wait3A_170 = arith.constant 528 : i32
      %dma_wait3A_171 = arith.constant 0 : i32
      %dma_wait3A_172 = tpu.memref_slice %arg15[%dma_wait3A_170, %dma_wait3A_171] : memref<1024x64xf32, #tpu.memory_space<vmem>> -> memref<72x64xf32, #tpu.memory_space<vmem>>
      %dma_wait3A_173 = arith.constant 128 : i32
      %dma_wait3A_174 = tpu.memref_slice %arg14[%dma_wait3A_169, %dma_wait3A_173] : memref<4x200xi32, #tpu.memory_space<vmem>> -> memref<1x72xi32, #tpu.memory_space<vmem>>
      %dma_wait3A_175 = tpu.memref_squeeze %dma_wait3A_174 : memref<1x72xi32, #tpu.memory_space<vmem>> -> memref<72xi32, #tpu.memory_space<vmem>>
      %dma_wait3A_176 = arith.constant 0 : i32
      %dma_wait3A_177 = arith.constant 0 : i32
      %dma_wait3A_178 = tpu.memref_slice %arg2[%dma_wait3A_176, %dma_wait3A_177] : memref<1000001x64xf32, #tpu.memory_space<hbm>> -> memref<1000001x64xf32, #tpu.memory_space<hbm>>
      tpu.wait_indirect_dma semaphore(%arg17 : memref<!tpu.dma_semaphore, #tpu.memory_space<semaphore_mem>>) src(%dma_wait3A_178 : memref<1000001x64xf32, #tpu.memory_space<hbm>>) dst(%dma_wait3A_172 : memref<72x64xf32, #tpu.memory_space<vmem>>)
      %dma_wait3A_179 = arith.constant 3 : i32
      %dma_wait3A_180 = arith.constant 600 : i32
      %dma_wait3A_181 = arith.constant 0 : i32
      %dma_wait3A_182 = tpu.memref_slice %arg15[%dma_wait3A_180, %dma_wait3A_181] : memref<1024x64xf32, #tpu.memory_space<vmem>> -> memref<128x64xf32, #tpu.memory_space<vmem>>
      %dma_wait3A_183 = arith.constant 0 : i32
      %dma_wait3A_184 = tpu.memref_slice %arg14[%dma_wait3A_179, %dma_wait3A_183] : memref<4x200xi32, #tpu.memory_space<vmem>> -> memref<1x128xi32, #tpu.memory_space<vmem>>
      %dma_wait3A_185 = tpu.memref_squeeze %dma_wait3A_184 : memref<1x128xi32, #tpu.memory_space<vmem>> -> memref<128xi32, #tpu.memory_space<vmem>>
      %dma_wait3A_186 = arith.constant 0 : i32
      %dma_wait3A_187 = arith.constant 0 : i32
      %dma_wait3A_188 = tpu.memref_slice %arg2[%dma_wait3A_186, %dma_wait3A_187] : memref<1000001x64xf32, #tpu.memory_space<hbm>> -> memref<1000001x64xf32, #tpu.memory_space<hbm>>
      tpu.wait_indirect_dma semaphore(%arg17 : memref<!tpu.dma_semaphore, #tpu.memory_space<semaphore_mem>>) src(%dma_wait3A_188 : memref<1000001x64xf32, #tpu.memory_space<hbm>>) dst(%dma_wait3A_182 : memref<128x64xf32, #tpu.memory_space<vmem>>)
      %dma_wait3A_189 = arith.constant 3 : i32
      %dma_wait3A_190 = arith.constant 728 : i32
      %dma_wait3A_191 = arith.constant 0 : i32
      %dma_wait3A_192 = tpu.memref_slice %arg15[%dma_wait3A_190, %dma_wait3A_191] : memref<1024x64xf32, #tpu.memory_space<vmem>> -> memref<72x64xf32, #tpu.memory_space<vmem>>
      %dma_wait3A_193 = arith.constant 128 : i32
      %dma_wait3A_194 = tpu.memref_slice %arg14[%dma_wait3A_189, %dma_wait3A_193] : memref<4x200xi32, #tpu.memory_space<vmem>> -> memref<1x72xi32, #tpu.memory_space<vmem>>
      %dma_wait3A_195 = tpu.memref_squeeze %dma_wait3A_194 : memref<1x72xi32, #tpu.memory_space<vmem>> -> memref<72xi32, #tpu.memory_space<vmem>>
      %dma_wait3A_196 = arith.constant 0 : i32
      %dma_wait3A_197 = arith.constant 0 : i32
      %dma_wait3A_198 = tpu.memref_slice %arg2[%dma_wait3A_196, %dma_wait3A_197] : memref<1000001x64xf32, #tpu.memory_space<hbm>> -> memref<1000001x64xf32, #tpu.memory_space<hbm>>
      tpu.wait_indirect_dma semaphore(%arg17 : memref<!tpu.dma_semaphore, #tpu.memory_space<semaphore_mem>>) src(%dma_wait3A_198 : memref<1000001x64xf32, #tpu.memory_space<hbm>>) dst(%dma_wait3A_192 : memref<72x64xf32, #tpu.memory_space<vmem>>)
      %mul3A_199 = arith.constant 200 : i32
      %mul3A_200 = arith.muli %mul3A_40, %mul3A_199 : i32
      "tpu.region"() ({
        %run_scoped3A = tpu.sem_alloc : memref<!tpu.dma_semaphore, #tpu.memory_space<semaphore_mem>>
        %dma_start3A_201 = arith.constant 0 : i32
        %dma_start3A_202 = arith.constant 0 : i32
        %dma_start3A_203 = tpu.memref_slice %arg15[%dma_start3A_201, %dma_start3A_202] : memref<1024x64xf32, #tpu.memory_space<vmem>> -> memref<800x64xf32, #tpu.memory_space<vmem>>
        %dma_start3A_204 = arith.constant 0 : i32
        %dma_start3A_205 = tpu.memref_slice %arg10[%mul3A_200, %dma_start3A_204] : memref<204800x128xf32, #tpu.memory_space<hbm>> -> memref<800x64xf32, #tpu.memory_space<hbm>>
        %dma_start3A_206 = arith.constant 0 : i32
        %dma_start3A_207 = tpu.memref_slice %arg10[%mul3A_200, %dma_start3A_206] : memref<204800x128xf32, #tpu.memory_space<hbm>> -> memref<800x64xf32, #tpu.memory_space<hbm>>
        %dma_start3A_208 = arith.constant 0 : i32
        %dma_start3A_209 = arith.constant 0 : i32
        %dma_start3A_210 = tpu.memref_slice %arg15[%dma_start3A_208, %dma_start3A_209] : memref<1024x64xf32, #tpu.memory_space<vmem>> -> memref<800x64xf32, #tpu.memory_space<vmem>>
        tpu.enqueue_dma source(%dma_start3A_210 : memref<800x64xf32, #tpu.memory_space<vmem>>) target(%dma_start3A_207 : memref<800x64xf32, #tpu.memory_space<hbm>>) target_semaphore(%run_scoped3A : memref<!tpu.dma_semaphore, #tpu.memory_space<semaphore_mem>>)
        %dma_wait3A_211 = arith.constant 0 : i32
        %dma_wait3A_212 = arith.constant 0 : i32
        %dma_wait3A_213 = tpu.memref_slice %arg15[%dma_wait3A_211, %dma_wait3A_212] : memref<1024x64xf32, #tpu.memory_space<vmem>> -> memref<800x64xf32, #tpu.memory_space<vmem>>
        %dma_wait3A_214 = arith.constant 0 : i32
        %dma_wait3A_215 = tpu.memref_slice %arg10[%mul3A_200, %dma_wait3A_214] : memref<204800x128xf32, #tpu.memory_space<hbm>> -> memref<800x64xf32, #tpu.memory_space<hbm>>
        %dma_wait3A_216 = arith.constant 0 : i32
        %dma_wait3A_217 = tpu.memref_slice %arg10[%mul3A_200, %dma_wait3A_216] : memref<204800x128xf32, #tpu.memory_space<hbm>> -> memref<800x64xf32, #tpu.memory_space<hbm>>
        %dma_wait3A_218 = arith.constant 0 : i32
        %dma_wait3A_219 = arith.constant 0 : i32
        %dma_wait3A_220 = tpu.memref_slice %arg15[%dma_wait3A_218, %dma_wait3A_219] : memref<1024x64xf32, #tpu.memory_space<vmem>> -> memref<800x64xf32, #tpu.memory_space<vmem>>
        tpu.wait_dma2 semaphore(%run_scoped3A : memref<!tpu.dma_semaphore, #tpu.memory_space<semaphore_mem>>) src(%dma_wait3A_220 : memref<800x64xf32, #tpu.memory_space<vmem>>) dst(%dma_wait3A_217 : memref<800x64xf32, #tpu.memory_space<hbm>>)
        tpu.yield
      }) : () -> ()
    }
    %scan3A_4 = arith.constant 8 : i32
    %scan3A_5 = arith.constant 0 : i32
    %scan3A_6 = arith.constant 8 : i32
    %scan3A_7 = arith.addi %scan3A_5, %scan3A_6 : i32
    %scan3A_8 = arith.constant 1 : i32
    scf.for %scan3A_31 = %scan3A_5 to %scan3A_7 step %scan3A_8  : i32 {
      %mul3A_32 = arith.constant 1 : i32
      %mul3A_33 = arith.muli %scan3A_31, %mul3A_32 : i32
      %add3A_34 = arith.constant 0 : i32
      %add3A_35 = arith.addi %add3A_34, %mul3A_33 : i32
      %mul3A_36 = arith.constant 32 : i32
      %mul3A_37 = arith.muli %add3A_35, %mul3A_36 : i32
      %add3A_38 = arith.addi %add3A, %mul3A_37 : i32
      %mul3A_39 = arith.constant 4 : i32
      %mul3A_40 = arith.muli %add3A_38, %mul3A_39 : i32
      "tpu.region"() ({
        %run_scoped3A = tpu.sem_alloc : memref<!tpu.dma_semaphore, #tpu.memory_space<semaphore_mem>>
        %dma_start3A_201 = arith.constant 0 : i32
        %dma_start3A_202 = tpu.memref_slice %arg6[%mul3A_40, %dma_start3A_201] : memref<1024x200xi32, #tpu.memory_space<hbm>> -> memref<4x200xi32, #tpu.memory_space<hbm>>
        %dma_start3A_203 = arith.constant 0 : i32
        %dma_start3A_204 = tpu.memref_slice %arg6[%mul3A_40, %dma_start3A_203] : memref<1024x200xi32, #tpu.memory_space<hbm>> -> memref<4x200xi32, #tpu.memory_space<hbm>>
        tpu.enqueue_dma source(%dma_start3A_204 : memref<4x200xi32, #tpu.memory_space<hbm>>) target(%arg14 : memref<4x200xi32, #tpu.memory_space<vmem>>) target_semaphore(%run_scoped3A : memref<!tpu.dma_semaphore, #tpu.memory_space<semaphore_mem>>)
        %dma_wait3A_205 = arith.constant 0 : i32
        %dma_wait3A_206 = tpu.memref_slice %arg6[%mul3A_40, %dma_wait3A_205] : memref<1024x200xi32, #tpu.memory_space<hbm>> -> memref<4x200xi32, #tpu.memory_space<hbm>>
        %dma_wait3A_207 = arith.constant 0 : i32
        %dma_wait3A_208 = tpu.memref_slice %arg6[%mul3A_40, %dma_wait3A_207] : memref<1024x200xi32, #tpu.memory_space<hbm>> -> memref<4x200xi32, #tpu.memory_space<hbm>>
        tpu.wait_dma2 semaphore(%run_scoped3A : memref<!tpu.dma_semaphore, #tpu.memory_space<semaphore_mem>>) src(%dma_wait3A_208 : memref<4x200xi32, #tpu.memory_space<hbm>>) dst(%arg14 : memref<4x200xi32, #tpu.memory_space<vmem>>)
        tpu.yield
      }) : () -> ()
      %dma_start3A = arith.constant 0 : i32
      %dma_start3A_41 = arith.constant 0 : i32
      %dma_start3A_42 = arith.constant 0 : i32
      %dma_start3A_43 = tpu.memref_slice %arg16[%dma_start3A_41, %dma_start3A_42] : memref<800x32xf32, #tpu.memory_space<vmem>> -> memref<128x32xf32, #tpu.memory_space<vmem>>
      %dma_start3A_44 = arith.constant 0 : i32
      %dma_start3A_45 = tpu.memref_slice %arg14[%dma_start3A, %dma_start3A_44] : memref<4x200xi32, #tpu.memory_space<vmem>> -> memref<1x128xi32, #tpu.memory_space<vmem>>
      %dma_start3A_46 = tpu.memref_squeeze %dma_start3A_45 : memref<1x128xi32, #tpu.memory_space<vmem>> -> memref<128xi32, #tpu.memory_space<vmem>>
      %dma_start3A_47 = arith.constant 0 : i32
      %dma_start3A_48 = arith.constant 0 : i32
      %dma_start3A_49 = tpu.memref_slice %arg3[%dma_start3A_47, %dma_start3A_48] : memref<100001x32xf32, #tpu.memory_space<hbm>> -> memref<100001x32xf32, #tpu.memory_space<hbm>>
      tpu.enqueue_indirect_dma source(%dma_start3A_49 : memref<100001x32xf32, #tpu.memory_space<hbm>>) target(%dma_start3A_43 : memref<128x32xf32, #tpu.memory_space<vmem>>) offsets(%dma_start3A_46 : memref<128xi32, #tpu.memory_space<vmem>>) semaphore(%arg17 : memref<!tpu.dma_semaphore, #tpu.memory_space<semaphore_mem>>)
      %dma_start3A_50 = arith.constant 0 : i32
      %dma_start3A_51 = arith.constant 128 : i32
      %dma_start3A_52 = arith.constant 0 : i32
      %dma_start3A_53 = tpu.memref_slice %arg16[%dma_start3A_51, %dma_start3A_52] : memref<800x32xf32, #tpu.memory_space<vmem>> -> memref<72x32xf32, #tpu.memory_space<vmem>>
      %dma_start3A_54 = arith.constant 128 : i32
      %dma_start3A_55 = tpu.memref_slice %arg14[%dma_start3A_50, %dma_start3A_54] : memref<4x200xi32, #tpu.memory_space<vmem>> -> memref<1x72xi32, #tpu.memory_space<vmem>>
      %dma_start3A_56 = tpu.memref_squeeze %dma_start3A_55 : memref<1x72xi32, #tpu.memory_space<vmem>> -> memref<72xi32, #tpu.memory_space<vmem>>
      %dma_start3A_57 = arith.constant 0 : i32
      %dma_start3A_58 = arith.constant 0 : i32
      %dma_start3A_59 = tpu.memref_slice %arg3[%dma_start3A_57, %dma_start3A_58] : memref<100001x32xf32, #tpu.memory_space<hbm>> -> memref<100001x32xf32, #tpu.memory_space<hbm>>
      tpu.enqueue_indirect_dma source(%dma_start3A_59 : memref<100001x32xf32, #tpu.memory_space<hbm>>) target(%dma_start3A_53 : memref<72x32xf32, #tpu.memory_space<vmem>>) offsets(%dma_start3A_56 : memref<72xi32, #tpu.memory_space<vmem>>) semaphore(%arg17 : memref<!tpu.dma_semaphore, #tpu.memory_space<semaphore_mem>>)
      %dma_start3A_60 = arith.constant 1 : i32
      %dma_start3A_61 = arith.constant 200 : i32
      %dma_start3A_62 = arith.constant 0 : i32
      %dma_start3A_63 = tpu.memref_slice %arg16[%dma_start3A_61, %dma_start3A_62] : memref<800x32xf32, #tpu.memory_space<vmem>> -> memref<128x32xf32, #tpu.memory_space<vmem>>
      %dma_start3A_64 = arith.constant 0 : i32
      %dma_start3A_65 = tpu.memref_slice %arg14[%dma_start3A_60, %dma_start3A_64] : memref<4x200xi32, #tpu.memory_space<vmem>> -> memref<1x128xi32, #tpu.memory_space<vmem>>
      %dma_start3A_66 = tpu.memref_squeeze %dma_start3A_65 : memref<1x128xi32, #tpu.memory_space<vmem>> -> memref<128xi32, #tpu.memory_space<vmem>>
      %dma_start3A_67 = arith.constant 0 : i32
      %dma_start3A_68 = arith.constant 0 : i32
      %dma_start3A_69 = tpu.memref_slice %arg3[%dma_start3A_67, %dma_start3A_68] : memref<100001x32xf32, #tpu.memory_space<hbm>> -> memref<100001x32xf32, #tpu.memory_space<hbm>>
      tpu.enqueue_indirect_dma source(%dma_start3A_69 : memref<100001x32xf32, #tpu.memory_space<hbm>>) target(%dma_start3A_63 : memref<128x32xf32, #tpu.memory_space<vmem>>) offsets(%dma_start3A_66 : memref<128xi32, #tpu.memory_space<vmem>>) semaphore(%arg17 : memref<!tpu.dma_semaphore, #tpu.memory_space<semaphore_mem>>)
      %dma_start3A_70 = arith.constant 1 : i32
      %dma_start3A_71 = arith.constant 328 : i32
      %dma_start3A_72 = arith.constant 0 : i32
      %dma_start3A_73 = tpu.memref_slice %arg16[%dma_start3A_71, %dma_start3A_72] : memref<800x32xf32, #tpu.memory_space<vmem>> -> memref<72x32xf32, #tpu.memory_space<vmem>>
      %dma_start3A_74 = arith.constant 128 : i32
      %dma_start3A_75 = tpu.memref_slice %arg14[%dma_start3A_70, %dma_start3A_74] : memref<4x200xi32, #tpu.memory_space<vmem>> -> memref<1x72xi32, #tpu.memory_space<vmem>>
      %dma_start3A_76 = tpu.memref_squeeze %dma_start3A_75 : memref<1x72xi32, #tpu.memory_space<vmem>> -> memref<72xi32, #tpu.memory_space<vmem>>
      %dma_start3A_77 = arith.constant 0 : i32
      %dma_start3A_78 = arith.constant 0 : i32
      %dma_start3A_79 = tpu.memref_slice %arg3[%dma_start3A_77, %dma_start3A_78] : memref<100001x32xf32, #tpu.memory_space<hbm>> -> memref<100001x32xf32, #tpu.memory_space<hbm>>
      tpu.enqueue_indirect_dma source(%dma_start3A_79 : memref<100001x32xf32, #tpu.memory_space<hbm>>) target(%dma_start3A_73 : memref<72x32xf32, #tpu.memory_space<vmem>>) offsets(%dma_start3A_76 : memref<72xi32, #tpu.memory_space<vmem>>) semaphore(%arg17 : memref<!tpu.dma_semaphore, #tpu.memory_space<semaphore_mem>>)
      %dma_start3A_80 = arith.constant 2 : i32
      %dma_start3A_81 = arith.constant 400 : i32
      %dma_start3A_82 = arith.constant 0 : i32
      %dma_start3A_83 = tpu.memref_slice %arg16[%dma_start3A_81, %dma_start3A_82] : memref<800x32xf32, #tpu.memory_space<vmem>> -> memref<128x32xf32, #tpu.memory_space<vmem>>
      %dma_start3A_84 = arith.constant 0 : i32
      %dma_start3A_85 = tpu.memref_slice %arg14[%dma_start3A_80, %dma_start3A_84] : memref<4x200xi32, #tpu.memory_space<vmem>> -> memref<1x128xi32, #tpu.memory_space<vmem>>
      %dma_start3A_86 = tpu.memref_squeeze %dma_start3A_85 : memref<1x128xi32, #tpu.memory_space<vmem>> -> memref<128xi32, #tpu.memory_space<vmem>>
      %dma_start3A_87 = arith.constant 0 : i32
      %dma_start3A_88 = arith.constant 0 : i32
      %dma_start3A_89 = tpu.memref_slice %arg3[%dma_start3A_87, %dma_start3A_88] : memref<100001x32xf32, #tpu.memory_space<hbm>> -> memref<100001x32xf32, #tpu.memory_space<hbm>>
      tpu.enqueue_indirect_dma source(%dma_start3A_89 : memref<100001x32xf32, #tpu.memory_space<hbm>>) target(%dma_start3A_83 : memref<128x32xf32, #tpu.memory_space<vmem>>) offsets(%dma_start3A_86 : memref<128xi32, #tpu.memory_space<vmem>>) semaphore(%arg17 : memref<!tpu.dma_semaphore, #tpu.memory_space<semaphore_mem>>)
      %dma_start3A_90 = arith.constant 2 : i32
      %dma_start3A_91 = arith.constant 528 : i32
      %dma_start3A_92 = arith.constant 0 : i32
      %dma_start3A_93 = tpu.memref_slice %arg16[%dma_start3A_91, %dma_start3A_92] : memref<800x32xf32, #tpu.memory_space<vmem>> -> memref<72x32xf32, #tpu.memory_space<vmem>>
      %dma_start3A_94 = arith.constant 128 : i32
      %dma_start3A_95 = tpu.memref_slice %arg14[%dma_start3A_90, %dma_start3A_94] : memref<4x200xi32, #tpu.memory_space<vmem>> -> memref<1x72xi32, #tpu.memory_space<vmem>>
      %dma_start3A_96 = tpu.memref_squeeze %dma_start3A_95 : memref<1x72xi32, #tpu.memory_space<vmem>> -> memref<72xi32, #tpu.memory_space<vmem>>
      %dma_start3A_97 = arith.constant 0 : i32
      %dma_start3A_98 = arith.constant 0 : i32
      %dma_start3A_99 = tpu.memref_slice %arg3[%dma_start3A_97, %dma_start3A_98] : memref<100001x32xf32, #tpu.memory_space<hbm>> -> memref<100001x32xf32, #tpu.memory_space<hbm>>
      tpu.enqueue_indirect_dma source(%dma_start3A_99 : memref<100001x32xf32, #tpu.memory_space<hbm>>) target(%dma_start3A_93 : memref<72x32xf32, #tpu.memory_space<vmem>>) offsets(%dma_start3A_96 : memref<72xi32, #tpu.memory_space<vmem>>) semaphore(%arg17 : memref<!tpu.dma_semaphore, #tpu.memory_space<semaphore_mem>>)
      %dma_start3A_100 = arith.constant 3 : i32
      %dma_start3A_101 = arith.constant 600 : i32
      %dma_start3A_102 = arith.constant 0 : i32
      %dma_start3A_103 = tpu.memref_slice %arg16[%dma_start3A_101, %dma_start3A_102] : memref<800x32xf32, #tpu.memory_space<vmem>> -> memref<128x32xf32, #tpu.memory_space<vmem>>
      %dma_start3A_104 = arith.constant 0 : i32
      %dma_start3A_105 = tpu.memref_slice %arg14[%dma_start3A_100, %dma_start3A_104] : memref<4x200xi32, #tpu.memory_space<vmem>> -> memref<1x128xi32, #tpu.memory_space<vmem>>
      %dma_start3A_106 = tpu.memref_squeeze %dma_start3A_105 : memref<1x128xi32, #tpu.memory_space<vmem>> -> memref<128xi32, #tpu.memory_space<vmem>>
      %dma_start3A_107 = arith.constant 0 : i32
      %dma_start3A_108 = arith.constant 0 : i32
      %dma_start3A_109 = tpu.memref_slice %arg3[%dma_start3A_107, %dma_start3A_108] : memref<100001x32xf32, #tpu.memory_space<hbm>> -> memref<100001x32xf32, #tpu.memory_space<hbm>>
      tpu.enqueue_indirect_dma source(%dma_start3A_109 : memref<100001x32xf32, #tpu.memory_space<hbm>>) target(%dma_start3A_103 : memref<128x32xf32, #tpu.memory_space<vmem>>) offsets(%dma_start3A_106 : memref<128xi32, #tpu.memory_space<vmem>>) semaphore(%arg17 : memref<!tpu.dma_semaphore, #tpu.memory_space<semaphore_mem>>)
      %dma_start3A_110 = arith.constant 3 : i32
      %dma_start3A_111 = arith.constant 728 : i32
      %dma_start3A_112 = arith.constant 0 : i32
      %dma_start3A_113 = tpu.memref_slice %arg16[%dma_start3A_111, %dma_start3A_112] : memref<800x32xf32, #tpu.memory_space<vmem>> -> memref<72x32xf32, #tpu.memory_space<vmem>>
      %dma_start3A_114 = arith.constant 128 : i32
      %dma_start3A_115 = tpu.memref_slice %arg14[%dma_start3A_110, %dma_start3A_114] : memref<4x200xi32, #tpu.memory_space<vmem>> -> memref<1x72xi32, #tpu.memory_space<vmem>>
      %dma_start3A_116 = tpu.memref_squeeze %dma_start3A_115 : memref<1x72xi32, #tpu.memory_space<vmem>> -> memref<72xi32, #tpu.memory_space<vmem>>
      %dma_start3A_117 = arith.constant 0 : i32
      %dma_start3A_118 = arith.constant 0 : i32
      %dma_start3A_119 = tpu.memref_slice %arg3[%dma_start3A_117, %dma_start3A_118] : memref<100001x32xf32, #tpu.memory_space<hbm>> -> memref<100001x32xf32, #tpu.memory_space<hbm>>
      tpu.enqueue_indirect_dma source(%dma_start3A_119 : memref<100001x32xf32, #tpu.memory_space<hbm>>) target(%dma_start3A_113 : memref<72x32xf32, #tpu.memory_space<vmem>>) offsets(%dma_start3A_116 : memref<72xi32, #tpu.memory_space<vmem>>) semaphore(%arg17 : memref<!tpu.dma_semaphore, #tpu.memory_space<semaphore_mem>>)
      %dma_wait3A = arith.constant 0 : i32
      %dma_wait3A_120 = arith.constant 0 : i32
      %dma_wait3A_121 = arith.constant 0 : i32
      %dma_wait3A_122 = tpu.memref_slice %arg16[%dma_wait3A_120, %dma_wait3A_121] : memref<800x32xf32, #tpu.memory_space<vmem>> -> memref<128x32xf32, #tpu.memory_space<vmem>>
      %dma_wait3A_123 = arith.constant 0 : i32
      %dma_wait3A_124 = tpu.memref_slice %arg14[%dma_wait3A, %dma_wait3A_123] : memref<4x200xi32, #tpu.memory_space<vmem>> -> memref<1x128xi32, #tpu.memory_space<vmem>>
      %dma_wait3A_125 = tpu.memref_squeeze %dma_wait3A_124 : memref<1x128xi32, #tpu.memory_space<vmem>> -> memref<128xi32, #tpu.memory_space<vmem>>
      %dma_wait3A_126 = arith.constant 0 : i32
      %dma_wait3A_127 = arith.constant 0 : i32
      %dma_wait3A_128 = tpu.memref_slice %arg3[%dma_wait3A_126, %dma_wait3A_127] : memref<100001x32xf32, #tpu.memory_space<hbm>> -> memref<100001x32xf32, #tpu.memory_space<hbm>>
      tpu.wait_indirect_dma semaphore(%arg17 : memref<!tpu.dma_semaphore, #tpu.memory_space<semaphore_mem>>) src(%dma_wait3A_128 : memref<100001x32xf32, #tpu.memory_space<hbm>>) dst(%dma_wait3A_122 : memref<128x32xf32, #tpu.memory_space<vmem>>)
      %dma_wait3A_129 = arith.constant 0 : i32
      %dma_wait3A_130 = arith.constant 128 : i32
      %dma_wait3A_131 = arith.constant 0 : i32
      %dma_wait3A_132 = tpu.memref_slice %arg16[%dma_wait3A_130, %dma_wait3A_131] : memref<800x32xf32, #tpu.memory_space<vmem>> -> memref<72x32xf32, #tpu.memory_space<vmem>>
      %dma_wait3A_133 = arith.constant 128 : i32
      %dma_wait3A_134 = tpu.memref_slice %arg14[%dma_wait3A_129, %dma_wait3A_133] : memref<4x200xi32, #tpu.memory_space<vmem>> -> memref<1x72xi32, #tpu.memory_space<vmem>>
      %dma_wait3A_135 = tpu.memref_squeeze %dma_wait3A_134 : memref<1x72xi32, #tpu.memory_space<vmem>> -> memref<72xi32, #tpu.memory_space<vmem>>
      %dma_wait3A_136 = arith.constant 0 : i32
      %dma_wait3A_137 = arith.constant 0 : i32
      %dma_wait3A_138 = tpu.memref_slice %arg3[%dma_wait3A_136, %dma_wait3A_137] : memref<100001x32xf32, #tpu.memory_space<hbm>> -> memref<100001x32xf32, #tpu.memory_space<hbm>>
      tpu.wait_indirect_dma semaphore(%arg17 : memref<!tpu.dma_semaphore, #tpu.memory_space<semaphore_mem>>) src(%dma_wait3A_138 : memref<100001x32xf32, #tpu.memory_space<hbm>>) dst(%dma_wait3A_132 : memref<72x32xf32, #tpu.memory_space<vmem>>)
      %dma_wait3A_139 = arith.constant 1 : i32
      %dma_wait3A_140 = arith.constant 200 : i32
      %dma_wait3A_141 = arith.constant 0 : i32
      %dma_wait3A_142 = tpu.memref_slice %arg16[%dma_wait3A_140, %dma_wait3A_141] : memref<800x32xf32, #tpu.memory_space<vmem>> -> memref<128x32xf32, #tpu.memory_space<vmem>>
      %dma_wait3A_143 = arith.constant 0 : i32
      %dma_wait3A_144 = tpu.memref_slice %arg14[%dma_wait3A_139, %dma_wait3A_143] : memref<4x200xi32, #tpu.memory_space<vmem>> -> memref<1x128xi32, #tpu.memory_space<vmem>>
      %dma_wait3A_145 = tpu.memref_squeeze %dma_wait3A_144 : memref<1x128xi32, #tpu.memory_space<vmem>> -> memref<128xi32, #tpu.memory_space<vmem>>
      %dma_wait3A_146 = arith.constant 0 : i32
      %dma_wait3A_147 = arith.constant 0 : i32
      %dma_wait3A_148 = tpu.memref_slice %arg3[%dma_wait3A_146, %dma_wait3A_147] : memref<100001x32xf32, #tpu.memory_space<hbm>> -> memref<100001x32xf32, #tpu.memory_space<hbm>>
      tpu.wait_indirect_dma semaphore(%arg17 : memref<!tpu.dma_semaphore, #tpu.memory_space<semaphore_mem>>) src(%dma_wait3A_148 : memref<100001x32xf32, #tpu.memory_space<hbm>>) dst(%dma_wait3A_142 : memref<128x32xf32, #tpu.memory_space<vmem>>)
      %dma_wait3A_149 = arith.constant 1 : i32
      %dma_wait3A_150 = arith.constant 328 : i32
      %dma_wait3A_151 = arith.constant 0 : i32
      %dma_wait3A_152 = tpu.memref_slice %arg16[%dma_wait3A_150, %dma_wait3A_151] : memref<800x32xf32, #tpu.memory_space<vmem>> -> memref<72x32xf32, #tpu.memory_space<vmem>>
      %dma_wait3A_153 = arith.constant 128 : i32
      %dma_wait3A_154 = tpu.memref_slice %arg14[%dma_wait3A_149, %dma_wait3A_153] : memref<4x200xi32, #tpu.memory_space<vmem>> -> memref<1x72xi32, #tpu.memory_space<vmem>>
      %dma_wait3A_155 = tpu.memref_squeeze %dma_wait3A_154 : memref<1x72xi32, #tpu.memory_space<vmem>> -> memref<72xi32, #tpu.memory_space<vmem>>
      %dma_wait3A_156 = arith.constant 0 : i32
      %dma_wait3A_157 = arith.constant 0 : i32
      %dma_wait3A_158 = tpu.memref_slice %arg3[%dma_wait3A_156, %dma_wait3A_157] : memref<100001x32xf32, #tpu.memory_space<hbm>> -> memref<100001x32xf32, #tpu.memory_space<hbm>>
      tpu.wait_indirect_dma semaphore(%arg17 : memref<!tpu.dma_semaphore, #tpu.memory_space<semaphore_mem>>) src(%dma_wait3A_158 : memref<100001x32xf32, #tpu.memory_space<hbm>>) dst(%dma_wait3A_152 : memref<72x32xf32, #tpu.memory_space<vmem>>)
      %dma_wait3A_159 = arith.constant 2 : i32
      %dma_wait3A_160 = arith.constant 400 : i32
      %dma_wait3A_161 = arith.constant 0 : i32
      %dma_wait3A_162 = tpu.memref_slice %arg16[%dma_wait3A_160, %dma_wait3A_161] : memref<800x32xf32, #tpu.memory_space<vmem>> -> memref<128x32xf32, #tpu.memory_space<vmem>>
      %dma_wait3A_163 = arith.constant 0 : i32
      %dma_wait3A_164 = tpu.memref_slice %arg14[%dma_wait3A_159, %dma_wait3A_163] : memref<4x200xi32, #tpu.memory_space<vmem>> -> memref<1x128xi32, #tpu.memory_space<vmem>>
      %dma_wait3A_165 = tpu.memref_squeeze %dma_wait3A_164 : memref<1x128xi32, #tpu.memory_space<vmem>> -> memref<128xi32, #tpu.memory_space<vmem>>
      %dma_wait3A_166 = arith.constant 0 : i32
      %dma_wait3A_167 = arith.constant 0 : i32
      %dma_wait3A_168 = tpu.memref_slice %arg3[%dma_wait3A_166, %dma_wait3A_167] : memref<100001x32xf32, #tpu.memory_space<hbm>> -> memref<100001x32xf32, #tpu.memory_space<hbm>>
      tpu.wait_indirect_dma semaphore(%arg17 : memref<!tpu.dma_semaphore, #tpu.memory_space<semaphore_mem>>) src(%dma_wait3A_168 : memref<100001x32xf32, #tpu.memory_space<hbm>>) dst(%dma_wait3A_162 : memref<128x32xf32, #tpu.memory_space<vmem>>)
      %dma_wait3A_169 = arith.constant 2 : i32
      %dma_wait3A_170 = arith.constant 528 : i32
      %dma_wait3A_171 = arith.constant 0 : i32
      %dma_wait3A_172 = tpu.memref_slice %arg16[%dma_wait3A_170, %dma_wait3A_171] : memref<800x32xf32, #tpu.memory_space<vmem>> -> memref<72x32xf32, #tpu.memory_space<vmem>>
      %dma_wait3A_173 = arith.constant 128 : i32
      %dma_wait3A_174 = tpu.memref_slice %arg14[%dma_wait3A_169, %dma_wait3A_173] : memref<4x200xi32, #tpu.memory_space<vmem>> -> memref<1x72xi32, #tpu.memory_space<vmem>>
      %dma_wait3A_175 = tpu.memref_squeeze %dma_wait3A_174 : memref<1x72xi32, #tpu.memory_space<vmem>> -> memref<72xi32, #tpu.memory_space<vmem>>
      %dma_wait3A_176 = arith.constant 0 : i32
      %dma_wait3A_177 = arith.constant 0 : i32
      %dma_wait3A_178 = tpu.memref_slice %arg3[%dma_wait3A_176, %dma_wait3A_177] : memref<100001x32xf32, #tpu.memory_space<hbm>> -> memref<100001x32xf32, #tpu.memory_space<hbm>>
      tpu.wait_indirect_dma semaphore(%arg17 : memref<!tpu.dma_semaphore, #tpu.memory_space<semaphore_mem>>) src(%dma_wait3A_178 : memref<100001x32xf32, #tpu.memory_space<hbm>>) dst(%dma_wait3A_172 : memref<72x32xf32, #tpu.memory_space<vmem>>)
      %dma_wait3A_179 = arith.constant 3 : i32
      %dma_wait3A_180 = arith.constant 600 : i32
      %dma_wait3A_181 = arith.constant 0 : i32
      %dma_wait3A_182 = tpu.memref_slice %arg16[%dma_wait3A_180, %dma_wait3A_181] : memref<800x32xf32, #tpu.memory_space<vmem>> -> memref<128x32xf32, #tpu.memory_space<vmem>>
      %dma_wait3A_183 = arith.constant 0 : i32
      %dma_wait3A_184 = tpu.memref_slice %arg14[%dma_wait3A_179, %dma_wait3A_183] : memref<4x200xi32, #tpu.memory_space<vmem>> -> memref<1x128xi32, #tpu.memory_space<vmem>>
      %dma_wait3A_185 = tpu.memref_squeeze %dma_wait3A_184 : memref<1x128xi32, #tpu.memory_space<vmem>> -> memref<128xi32, #tpu.memory_space<vmem>>
      %dma_wait3A_186 = arith.constant 0 : i32
      %dma_wait3A_187 = arith.constant 0 : i32
      %dma_wait3A_188 = tpu.memref_slice %arg3[%dma_wait3A_186, %dma_wait3A_187] : memref<100001x32xf32, #tpu.memory_space<hbm>> -> memref<100001x32xf32, #tpu.memory_space<hbm>>
      tpu.wait_indirect_dma semaphore(%arg17 : memref<!tpu.dma_semaphore, #tpu.memory_space<semaphore_mem>>) src(%dma_wait3A_188 : memref<100001x32xf32, #tpu.memory_space<hbm>>) dst(%dma_wait3A_182 : memref<128x32xf32, #tpu.memory_space<vmem>>)
      %dma_wait3A_189 = arith.constant 3 : i32
      %dma_wait3A_190 = arith.constant 728 : i32
      %dma_wait3A_191 = arith.constant 0 : i32
      %dma_wait3A_192 = tpu.memref_slice %arg16[%dma_wait3A_190, %dma_wait3A_191] : memref<800x32xf32, #tpu.memory_space<vmem>> -> memref<72x32xf32, #tpu.memory_space<vmem>>
      %dma_wait3A_193 = arith.constant 128 : i32
      %dma_wait3A_194 = tpu.memref_slice %arg14[%dma_wait3A_189, %dma_wait3A_193] : memref<4x200xi32, #tpu.memory_space<vmem>> -> memref<1x72xi32, #tpu.memory_space<vmem>>
      %dma_wait3A_195 = tpu.memref_squeeze %dma_wait3A_194 : memref<1x72xi32, #tpu.memory_space<vmem>> -> memref<72xi32, #tpu.memory_space<vmem>>
      %dma_wait3A_196 = arith.constant 0 : i32
      %dma_wait3A_197 = arith.constant 0 : i32
      %dma_wait3A_198 = tpu.memref_slice %arg3[%dma_wait3A_196, %dma_wait3A_197] : memref<100001x32xf32, #tpu.memory_space<hbm>> -> memref<100001x32xf32, #tpu.memory_space<hbm>>
      tpu.wait_indirect_dma semaphore(%arg17 : memref<!tpu.dma_semaphore, #tpu.memory_space<semaphore_mem>>) src(%dma_wait3A_198 : memref<100001x32xf32, #tpu.memory_space<hbm>>) dst(%dma_wait3A_192 : memref<72x32xf32, #tpu.memory_space<vmem>>)
      %mul3A_199 = arith.constant 200 : i32
      %mul3A_200 = arith.muli %mul3A_40, %mul3A_199 : i32
      "tpu.region"() ({
        %run_scoped3A = tpu.sem_alloc : memref<!tpu.dma_semaphore, #tpu.memory_space<semaphore_mem>>
        %dma_start3A_201 = arith.constant 0 : i32
        %dma_start3A_202 = arith.constant 0 : i32
        %dma_start3A_203 = tpu.memref_slice %arg16[%dma_start3A_201, %dma_start3A_202] : memref<800x32xf32, #tpu.memory_space<vmem>> -> memref<800x32xf32, #tpu.memory_space<vmem>>
        %dma_start3A_204 = arith.constant 64 : i32
        %dma_start3A_205 = tpu.memref_slice %arg10[%mul3A_200, %dma_start3A_204] : memref<204800x128xf32, #tpu.memory_space<hbm>> -> memref<800x32xf32, #tpu.memory_space<hbm>>
        %dma_start3A_206 = arith.constant 64 : i32
        %dma_start3A_207 = tpu.memref_slice %arg10[%mul3A_200, %dma_start3A_206] : memref<204800x128xf32, #tpu.memory_space<hbm>> -> memref<800x32xf32, #tpu.memory_space<hbm>>
        %dma_start3A_208 = arith.constant 0 : i32
        %dma_start3A_209 = arith.constant 0 : i32
        %dma_start3A_210 = tpu.memref_slice %arg16[%dma_start3A_208, %dma_start3A_209] : memref<800x32xf32, #tpu.memory_space<vmem>> -> memref<800x32xf32, #tpu.memory_space<vmem>>
        tpu.enqueue_dma source(%dma_start3A_210 : memref<800x32xf32, #tpu.memory_space<vmem>>) target(%dma_start3A_207 : memref<800x32xf32, #tpu.memory_space<hbm>>) target_semaphore(%run_scoped3A : memref<!tpu.dma_semaphore, #tpu.memory_space<semaphore_mem>>)
        %dma_wait3A_211 = arith.constant 0 : i32
        %dma_wait3A_212 = arith.constant 0 : i32
        %dma_wait3A_213 = tpu.memref_slice %arg16[%dma_wait3A_211, %dma_wait3A_212] : memref<800x32xf32, #tpu.memory_space<vmem>> -> memref<800x32xf32, #tpu.memory_space<vmem>>
        %dma_wait3A_214 = arith.constant 64 : i32
        %dma_wait3A_215 = tpu.memref_slice %arg10[%mul3A_200, %dma_wait3A_214] : memref<204800x128xf32, #tpu.memory_space<hbm>> -> memref<800x32xf32, #tpu.memory_space<hbm>>
        %dma_wait3A_216 = arith.constant 64 : i32
        %dma_wait3A_217 = tpu.memref_slice %arg10[%mul3A_200, %dma_wait3A_216] : memref<204800x128xf32, #tpu.memory_space<hbm>> -> memref<800x32xf32, #tpu.memory_space<hbm>>
        %dma_wait3A_218 = arith.constant 0 : i32
        %dma_wait3A_219 = arith.constant 0 : i32
        %dma_wait3A_220 = tpu.memref_slice %arg16[%dma_wait3A_218, %dma_wait3A_219] : memref<800x32xf32, #tpu.memory_space<vmem>> -> memref<800x32xf32, #tpu.memory_space<vmem>>
        tpu.wait_dma2 semaphore(%run_scoped3A : memref<!tpu.dma_semaphore, #tpu.memory_space<semaphore_mem>>) src(%dma_wait3A_220 : memref<800x32xf32, #tpu.memory_space<vmem>>) dst(%dma_wait3A_217 : memref<800x32xf32, #tpu.memory_space<hbm>>)
        tpu.yield
      }) : () -> ()
    }
    %scan3A_9 = arith.constant 8 : i32
    %scan3A_10 = arith.constant 0 : i32
    %scan3A_11 = arith.constant 8 : i32
    %scan3A_12 = arith.addi %scan3A_10, %scan3A_11 : i32
    %scan3A_13 = arith.constant 1 : i32
    scf.for %scan3A_31 = %scan3A_10 to %scan3A_12 step %scan3A_13  : i32 {
      %mul3A_32 = arith.constant 1 : i32
      %mul3A_33 = arith.muli %scan3A_31, %mul3A_32 : i32
      %add3A_34 = arith.constant 0 : i32
      %add3A_35 = arith.addi %add3A_34, %mul3A_33 : i32
      %mul3A_36 = arith.constant 32 : i32
      %mul3A_37 = arith.muli %add3A_35, %mul3A_36 : i32
      %add3A_38 = arith.addi %add3A, %mul3A_37 : i32
      %mul3A_39 = arith.constant 4 : i32
      %mul3A_40 = arith.muli %add3A_38, %mul3A_39 : i32
      "tpu.region"() ({
        %run_scoped3A = tpu.sem_alloc : memref<!tpu.dma_semaphore, #tpu.memory_space<semaphore_mem>>
        %dma_start3A_201 = arith.constant 0 : i32
        %dma_start3A_202 = tpu.memref_slice %arg8[%mul3A_40, %dma_start3A_201] : memref<1024x200xi32, #tpu.memory_space<hbm>> -> memref<4x200xi32, #tpu.memory_space<hbm>>
        %dma_start3A_203 = arith.constant 0 : i32
        %dma_start3A_204 = tpu.memref_slice %arg8[%mul3A_40, %dma_start3A_203] : memref<1024x200xi32, #tpu.memory_space<hbm>> -> memref<4x200xi32, #tpu.memory_space<hbm>>
        tpu.enqueue_dma source(%dma_start3A_204 : memref<4x200xi32, #tpu.memory_space<hbm>>) target(%arg14 : memref<4x200xi32, #tpu.memory_space<vmem>>) target_semaphore(%run_scoped3A : memref<!tpu.dma_semaphore, #tpu.memory_space<semaphore_mem>>)
        %dma_wait3A_205 = arith.constant 0 : i32
        %dma_wait3A_206 = tpu.memref_slice %arg8[%mul3A_40, %dma_wait3A_205] : memref<1024x200xi32, #tpu.memory_space<hbm>> -> memref<4x200xi32, #tpu.memory_space<hbm>>
        %dma_wait3A_207 = arith.constant 0 : i32
        %dma_wait3A_208 = tpu.memref_slice %arg8[%mul3A_40, %dma_wait3A_207] : memref<1024x200xi32, #tpu.memory_space<hbm>> -> memref<4x200xi32, #tpu.memory_space<hbm>>
        tpu.wait_dma2 semaphore(%run_scoped3A : memref<!tpu.dma_semaphore, #tpu.memory_space<semaphore_mem>>) src(%dma_wait3A_208 : memref<4x200xi32, #tpu.memory_space<hbm>>) dst(%arg14 : memref<4x200xi32, #tpu.memory_space<vmem>>)
        tpu.yield
      }) : () -> ()
      %dma_start3A = arith.constant 0 : i32
      %dma_start3A_41 = arith.constant 0 : i32
      %dma_start3A_42 = arith.constant 0 : i32
      %dma_start3A_43 = tpu.memref_slice %arg16[%dma_start3A_41, %dma_start3A_42] : memref<800x32xf32, #tpu.memory_space<vmem>> -> memref<128x32xf32, #tpu.memory_space<vmem>>
      %dma_start3A_44 = arith.constant 0 : i32
      %dma_start3A_45 = tpu.memref_slice %arg14[%dma_start3A, %dma_start3A_44] : memref<4x200xi32, #tpu.memory_space<vmem>> -> memref<1x128xi32, #tpu.memory_space<vmem>>
      %dma_start3A_46 = tpu.memref_squeeze %dma_start3A_45 : memref<1x128xi32, #tpu.memory_space<vmem>> -> memref<128xi32, #tpu.memory_space<vmem>>
      %dma_start3A_47 = arith.constant 0 : i32
      %dma_start3A_48 = arith.constant 0 : i32
      %dma_start3A_49 = tpu.memref_slice %arg3[%dma_start3A_47, %dma_start3A_48] : memref<100001x32xf32, #tpu.memory_space<hbm>> -> memref<100001x32xf32, #tpu.memory_space<hbm>>
      tpu.enqueue_indirect_dma source(%dma_start3A_49 : memref<100001x32xf32, #tpu.memory_space<hbm>>) target(%dma_start3A_43 : memref<128x32xf32, #tpu.memory_space<vmem>>) offsets(%dma_start3A_46 : memref<128xi32, #tpu.memory_space<vmem>>) semaphore(%arg17 : memref<!tpu.dma_semaphore, #tpu.memory_space<semaphore_mem>>)
      %dma_start3A_50 = arith.constant 0 : i32
      %dma_start3A_51 = arith.constant 128 : i32
      %dma_start3A_52 = arith.constant 0 : i32
      %dma_start3A_53 = tpu.memref_slice %arg16[%dma_start3A_51, %dma_start3A_52] : memref<800x32xf32, #tpu.memory_space<vmem>> -> memref<72x32xf32, #tpu.memory_space<vmem>>
      %dma_start3A_54 = arith.constant 128 : i32
      %dma_start3A_55 = tpu.memref_slice %arg14[%dma_start3A_50, %dma_start3A_54] : memref<4x200xi32, #tpu.memory_space<vmem>> -> memref<1x72xi32, #tpu.memory_space<vmem>>
      %dma_start3A_56 = tpu.memref_squeeze %dma_start3A_55 : memref<1x72xi32, #tpu.memory_space<vmem>> -> memref<72xi32, #tpu.memory_space<vmem>>
      %dma_start3A_57 = arith.constant 0 : i32
      %dma_start3A_58 = arith.constant 0 : i32
      %dma_start3A_59 = tpu.memref_slice %arg3[%dma_start3A_57, %dma_start3A_58] : memref<100001x32xf32, #tpu.memory_space<hbm>> -> memref<100001x32xf32, #tpu.memory_space<hbm>>
      tpu.enqueue_indirect_dma source(%dma_start3A_59 : memref<100001x32xf32, #tpu.memory_space<hbm>>) target(%dma_start3A_53 : memref<72x32xf32, #tpu.memory_space<vmem>>) offsets(%dma_start3A_56 : memref<72xi32, #tpu.memory_space<vmem>>) semaphore(%arg17 : memref<!tpu.dma_semaphore, #tpu.memory_space<semaphore_mem>>)
      %dma_start3A_60 = arith.constant 1 : i32
      %dma_start3A_61 = arith.constant 200 : i32
      %dma_start3A_62 = arith.constant 0 : i32
      %dma_start3A_63 = tpu.memref_slice %arg16[%dma_start3A_61, %dma_start3A_62] : memref<800x32xf32, #tpu.memory_space<vmem>> -> memref<128x32xf32, #tpu.memory_space<vmem>>
      %dma_start3A_64 = arith.constant 0 : i32
      %dma_start3A_65 = tpu.memref_slice %arg14[%dma_start3A_60, %dma_start3A_64] : memref<4x200xi32, #tpu.memory_space<vmem>> -> memref<1x128xi32, #tpu.memory_space<vmem>>
      %dma_start3A_66 = tpu.memref_squeeze %dma_start3A_65 : memref<1x128xi32, #tpu.memory_space<vmem>> -> memref<128xi32, #tpu.memory_space<vmem>>
      %dma_start3A_67 = arith.constant 0 : i32
      %dma_start3A_68 = arith.constant 0 : i32
      %dma_start3A_69 = tpu.memref_slice %arg3[%dma_start3A_67, %dma_start3A_68] : memref<100001x32xf32, #tpu.memory_space<hbm>> -> memref<100001x32xf32, #tpu.memory_space<hbm>>
      tpu.enqueue_indirect_dma source(%dma_start3A_69 : memref<100001x32xf32, #tpu.memory_space<hbm>>) target(%dma_start3A_63 : memref<128x32xf32, #tpu.memory_space<vmem>>) offsets(%dma_start3A_66 : memref<128xi32, #tpu.memory_space<vmem>>) semaphore(%arg17 : memref<!tpu.dma_semaphore, #tpu.memory_space<semaphore_mem>>)
      %dma_start3A_70 = arith.constant 1 : i32
      %dma_start3A_71 = arith.constant 328 : i32
      %dma_start3A_72 = arith.constant 0 : i32
      %dma_start3A_73 = tpu.memref_slice %arg16[%dma_start3A_71, %dma_start3A_72] : memref<800x32xf32, #tpu.memory_space<vmem>> -> memref<72x32xf32, #tpu.memory_space<vmem>>
      %dma_start3A_74 = arith.constant 128 : i32
      %dma_start3A_75 = tpu.memref_slice %arg14[%dma_start3A_70, %dma_start3A_74] : memref<4x200xi32, #tpu.memory_space<vmem>> -> memref<1x72xi32, #tpu.memory_space<vmem>>
      %dma_start3A_76 = tpu.memref_squeeze %dma_start3A_75 : memref<1x72xi32, #tpu.memory_space<vmem>> -> memref<72xi32, #tpu.memory_space<vmem>>
      %dma_start3A_77 = arith.constant 0 : i32
      %dma_start3A_78 = arith.constant 0 : i32
      %dma_start3A_79 = tpu.memref_slice %arg3[%dma_start3A_77, %dma_start3A_78] : memref<100001x32xf32, #tpu.memory_space<hbm>> -> memref<100001x32xf32, #tpu.memory_space<hbm>>
      tpu.enqueue_indirect_dma source(%dma_start3A_79 : memref<100001x32xf32, #tpu.memory_space<hbm>>) target(%dma_start3A_73 : memref<72x32xf32, #tpu.memory_space<vmem>>) offsets(%dma_start3A_76 : memref<72xi32, #tpu.memory_space<vmem>>) semaphore(%arg17 : memref<!tpu.dma_semaphore, #tpu.memory_space<semaphore_mem>>)
      %dma_start3A_80 = arith.constant 2 : i32
      %dma_start3A_81 = arith.constant 400 : i32
      %dma_start3A_82 = arith.constant 0 : i32
      %dma_start3A_83 = tpu.memref_slice %arg16[%dma_start3A_81, %dma_start3A_82] : memref<800x32xf32, #tpu.memory_space<vmem>> -> memref<128x32xf32, #tpu.memory_space<vmem>>
      %dma_start3A_84 = arith.constant 0 : i32
      %dma_start3A_85 = tpu.memref_slice %arg14[%dma_start3A_80, %dma_start3A_84] : memref<4x200xi32, #tpu.memory_space<vmem>> -> memref<1x128xi32, #tpu.memory_space<vmem>>
      %dma_start3A_86 = tpu.memref_squeeze %dma_start3A_85 : memref<1x128xi32, #tpu.memory_space<vmem>> -> memref<128xi32, #tpu.memory_space<vmem>>
      %dma_start3A_87 = arith.constant 0 : i32
      %dma_start3A_88 = arith.constant 0 : i32
      %dma_start3A_89 = tpu.memref_slice %arg3[%dma_start3A_87, %dma_start3A_88] : memref<100001x32xf32, #tpu.memory_space<hbm>> -> memref<100001x32xf32, #tpu.memory_space<hbm>>
      tpu.enqueue_indirect_dma source(%dma_start3A_89 : memref<100001x32xf32, #tpu.memory_space<hbm>>) target(%dma_start3A_83 : memref<128x32xf32, #tpu.memory_space<vmem>>) offsets(%dma_start3A_86 : memref<128xi32, #tpu.memory_space<vmem>>) semaphore(%arg17 : memref<!tpu.dma_semaphore, #tpu.memory_space<semaphore_mem>>)
      %dma_start3A_90 = arith.constant 2 : i32
      %dma_start3A_91 = arith.constant 528 : i32
      %dma_start3A_92 = arith.constant 0 : i32
      %dma_start3A_93 = tpu.memref_slice %arg16[%dma_start3A_91, %dma_start3A_92] : memref<800x32xf32, #tpu.memory_space<vmem>> -> memref<72x32xf32, #tpu.memory_space<vmem>>
      %dma_start3A_94 = arith.constant 128 : i32
      %dma_start3A_95 = tpu.memref_slice %arg14[%dma_start3A_90, %dma_start3A_94] : memref<4x200xi32, #tpu.memory_space<vmem>> -> memref<1x72xi32, #tpu.memory_space<vmem>>
      %dma_start3A_96 = tpu.memref_squeeze %dma_start3A_95 : memref<1x72xi32, #tpu.memory_space<vmem>> -> memref<72xi32, #tpu.memory_space<vmem>>
      %dma_start3A_97 = arith.constant 0 : i32
      %dma_start3A_98 = arith.constant 0 : i32
      %dma_start3A_99 = tpu.memref_slice %arg3[%dma_start3A_97, %dma_start3A_98] : memref<100001x32xf32, #tpu.memory_space<hbm>> -> memref<100001x32xf32, #tpu.memory_space<hbm>>
      tpu.enqueue_indirect_dma source(%dma_start3A_99 : memref<100001x32xf32, #tpu.memory_space<hbm>>) target(%dma_start3A_93 : memref<72x32xf32, #tpu.memory_space<vmem>>) offsets(%dma_start3A_96 : memref<72xi32, #tpu.memory_space<vmem>>) semaphore(%arg17 : memref<!tpu.dma_semaphore, #tpu.memory_space<semaphore_mem>>)
      %dma_start3A_100 = arith.constant 3 : i32
      %dma_start3A_101 = arith.constant 600 : i32
      %dma_start3A_102 = arith.constant 0 : i32
      %dma_start3A_103 = tpu.memref_slice %arg16[%dma_start3A_101, %dma_start3A_102] : memref<800x32xf32, #tpu.memory_space<vmem>> -> memref<128x32xf32, #tpu.memory_space<vmem>>
      %dma_start3A_104 = arith.constant 0 : i32
      %dma_start3A_105 = tpu.memref_slice %arg14[%dma_start3A_100, %dma_start3A_104] : memref<4x200xi32, #tpu.memory_space<vmem>> -> memref<1x128xi32, #tpu.memory_space<vmem>>
      %dma_start3A_106 = tpu.memref_squeeze %dma_start3A_105 : memref<1x128xi32, #tpu.memory_space<vmem>> -> memref<128xi32, #tpu.memory_space<vmem>>
      %dma_start3A_107 = arith.constant 0 : i32
      %dma_start3A_108 = arith.constant 0 : i32
      %dma_start3A_109 = tpu.memref_slice %arg3[%dma_start3A_107, %dma_start3A_108] : memref<100001x32xf32, #tpu.memory_space<hbm>> -> memref<100001x32xf32, #tpu.memory_space<hbm>>
      tpu.enqueue_indirect_dma source(%dma_start3A_109 : memref<100001x32xf32, #tpu.memory_space<hbm>>) target(%dma_start3A_103 : memref<128x32xf32, #tpu.memory_space<vmem>>) offsets(%dma_start3A_106 : memref<128xi32, #tpu.memory_space<vmem>>) semaphore(%arg17 : memref<!tpu.dma_semaphore, #tpu.memory_space<semaphore_mem>>)
      %dma_start3A_110 = arith.constant 3 : i32
      %dma_start3A_111 = arith.constant 728 : i32
      %dma_start3A_112 = arith.constant 0 : i32
      %dma_start3A_113 = tpu.memref_slice %arg16[%dma_start3A_111, %dma_start3A_112] : memref<800x32xf32, #tpu.memory_space<vmem>> -> memref<72x32xf32, #tpu.memory_space<vmem>>
      %dma_start3A_114 = arith.constant 128 : i32
      %dma_start3A_115 = tpu.memref_slice %arg14[%dma_start3A_110, %dma_start3A_114] : memref<4x200xi32, #tpu.memory_space<vmem>> -> memref<1x72xi32, #tpu.memory_space<vmem>>
      %dma_start3A_116 = tpu.memref_squeeze %dma_start3A_115 : memref<1x72xi32, #tpu.memory_space<vmem>> -> memref<72xi32, #tpu.memory_space<vmem>>
      %dma_start3A_117 = arith.constant 0 : i32
      %dma_start3A_118 = arith.constant 0 : i32
      %dma_start3A_119 = tpu.memref_slice %arg3[%dma_start3A_117, %dma_start3A_118] : memref<100001x32xf32, #tpu.memory_space<hbm>> -> memref<100001x32xf32, #tpu.memory_space<hbm>>
      tpu.enqueue_indirect_dma source(%dma_start3A_119 : memref<100001x32xf32, #tpu.memory_space<hbm>>) target(%dma_start3A_113 : memref<72x32xf32, #tpu.memory_space<vmem>>) offsets(%dma_start3A_116 : memref<72xi32, #tpu.memory_space<vmem>>) semaphore(%arg17 : memref<!tpu.dma_semaphore, #tpu.memory_space<semaphore_mem>>)
      %dma_wait3A = arith.constant 0 : i32
      %dma_wait3A_120 = arith.constant 0 : i32
      %dma_wait3A_121 = arith.constant 0 : i32
      %dma_wait3A_122 = tpu.memref_slice %arg16[%dma_wait3A_120, %dma_wait3A_121] : memref<800x32xf32, #tpu.memory_space<vmem>> -> memref<128x32xf32, #tpu.memory_space<vmem>>
      %dma_wait3A_123 = arith.constant 0 : i32
      %dma_wait3A_124 = tpu.memref_slice %arg14[%dma_wait3A, %dma_wait3A_123] : memref<4x200xi32, #tpu.memory_space<vmem>> -> memref<1x128xi32, #tpu.memory_space<vmem>>
      %dma_wait3A_125 = tpu.memref_squeeze %dma_wait3A_124 : memref<1x128xi32, #tpu.memory_space<vmem>> -> memref<128xi32, #tpu.memory_space<vmem>>
      %dma_wait3A_126 = arith.constant 0 : i32
      %dma_wait3A_127 = arith.constant 0 : i32
      %dma_wait3A_128 = tpu.memref_slice %arg3[%dma_wait3A_126, %dma_wait3A_127] : memref<100001x32xf32, #tpu.memory_space<hbm>> -> memref<100001x32xf32, #tpu.memory_space<hbm>>
      tpu.wait_indirect_dma semaphore(%arg17 : memref<!tpu.dma_semaphore, #tpu.memory_space<semaphore_mem>>) src(%dma_wait3A_128 : memref<100001x32xf32, #tpu.memory_space<hbm>>) dst(%dma_wait3A_122 : memref<128x32xf32, #tpu.memory_space<vmem>>)
      %dma_wait3A_129 = arith.constant 0 : i32
      %dma_wait3A_130 = arith.constant 128 : i32
      %dma_wait3A_131 = arith.constant 0 : i32
      %dma_wait3A_132 = tpu.memref_slice %arg16[%dma_wait3A_130, %dma_wait3A_131] : memref<800x32xf32, #tpu.memory_space<vmem>> -> memref<72x32xf32, #tpu.memory_space<vmem>>
      %dma_wait3A_133 = arith.constant 128 : i32
      %dma_wait3A_134 = tpu.memref_slice %arg14[%dma_wait3A_129, %dma_wait3A_133] : memref<4x200xi32, #tpu.memory_space<vmem>> -> memref<1x72xi32, #tpu.memory_space<vmem>>
      %dma_wait3A_135 = tpu.memref_squeeze %dma_wait3A_134 : memref<1x72xi32, #tpu.memory_space<vmem>> -> memref<72xi32, #tpu.memory_space<vmem>>
      %dma_wait3A_136 = arith.constant 0 : i32
      %dma_wait3A_137 = arith.constant 0 : i32
      %dma_wait3A_138 = tpu.memref_slice %arg3[%dma_wait3A_136, %dma_wait3A_137] : memref<100001x32xf32, #tpu.memory_space<hbm>> -> memref<100001x32xf32, #tpu.memory_space<hbm>>
      tpu.wait_indirect_dma semaphore(%arg17 : memref<!tpu.dma_semaphore, #tpu.memory_space<semaphore_mem>>) src(%dma_wait3A_138 : memref<100001x32xf32, #tpu.memory_space<hbm>>) dst(%dma_wait3A_132 : memref<72x32xf32, #tpu.memory_space<vmem>>)
      %dma_wait3A_139 = arith.constant 1 : i32
      %dma_wait3A_140 = arith.constant 200 : i32
      %dma_wait3A_141 = arith.constant 0 : i32
      %dma_wait3A_142 = tpu.memref_slice %arg16[%dma_wait3A_140, %dma_wait3A_141] : memref<800x32xf32, #tpu.memory_space<vmem>> -> memref<128x32xf32, #tpu.memory_space<vmem>>
      %dma_wait3A_143 = arith.constant 0 : i32
      %dma_wait3A_144 = tpu.memref_slice %arg14[%dma_wait3A_139, %dma_wait3A_143] : memref<4x200xi32, #tpu.memory_space<vmem>> -> memref<1x128xi32, #tpu.memory_space<vmem>>
      %dma_wait3A_145 = tpu.memref_squeeze %dma_wait3A_144 : memref<1x128xi32, #tpu.memory_space<vmem>> -> memref<128xi32, #tpu.memory_space<vmem>>
      %dma_wait3A_146 = arith.constant 0 : i32
      %dma_wait3A_147 = arith.constant 0 : i32
      %dma_wait3A_148 = tpu.memref_slice %arg3[%dma_wait3A_146, %dma_wait3A_147] : memref<100001x32xf32, #tpu.memory_space<hbm>> -> memref<100001x32xf32, #tpu.memory_space<hbm>>
      tpu.wait_indirect_dma semaphore(%arg17 : memref<!tpu.dma_semaphore, #tpu.memory_space<semaphore_mem>>) src(%dma_wait3A_148 : memref<100001x32xf32, #tpu.memory_space<hbm>>) dst(%dma_wait3A_142 : memref<128x32xf32, #tpu.memory_space<vmem>>)
      %dma_wait3A_149 = arith.constant 1 : i32
      %dma_wait3A_150 = arith.constant 328 : i32
      %dma_wait3A_151 = arith.constant 0 : i32
      %dma_wait3A_152 = tpu.memref_slice %arg16[%dma_wait3A_150, %dma_wait3A_151] : memref<800x32xf32, #tpu.memory_space<vmem>> -> memref<72x32xf32, #tpu.memory_space<vmem>>
      %dma_wait3A_153 = arith.constant 128 : i32
      %dma_wait3A_154 = tpu.memref_slice %arg14[%dma_wait3A_149, %dma_wait3A_153] : memref<4x200xi32, #tpu.memory_space<vmem>> -> memref<1x72xi32, #tpu.memory_space<vmem>>
      %dma_wait3A_155 = tpu.memref_squeeze %dma_wait3A_154 : memref<1x72xi32, #tpu.memory_space<vmem>> -> memref<72xi32, #tpu.memory_space<vmem>>
      %dma_wait3A_156 = arith.constant 0 : i32
      %dma_wait3A_157 = arith.constant 0 : i32
      %dma_wait3A_158 = tpu.memref_slice %arg3[%dma_wait3A_156, %dma_wait3A_157] : memref<100001x32xf32, #tpu.memory_space<hbm>> -> memref<100001x32xf32, #tpu.memory_space<hbm>>
      tpu.wait_indirect_dma semaphore(%arg17 : memref<!tpu.dma_semaphore, #tpu.memory_space<semaphore_mem>>) src(%dma_wait3A_158 : memref<100001x32xf32, #tpu.memory_space<hbm>>) dst(%dma_wait3A_152 : memref<72x32xf32, #tpu.memory_space<vmem>>)
      %dma_wait3A_159 = arith.constant 2 : i32
      %dma_wait3A_160 = arith.constant 400 : i32
      %dma_wait3A_161 = arith.constant 0 : i32
      %dma_wait3A_162 = tpu.memref_slice %arg16[%dma_wait3A_160, %dma_wait3A_161] : memref<800x32xf32, #tpu.memory_space<vmem>> -> memref<128x32xf32, #tpu.memory_space<vmem>>
      %dma_wait3A_163 = arith.constant 0 : i32
      %dma_wait3A_164 = tpu.memref_slice %arg14[%dma_wait3A_159, %dma_wait3A_163] : memref<4x200xi32, #tpu.memory_space<vmem>> -> memref<1x128xi32, #tpu.memory_space<vmem>>
      %dma_wait3A_165 = tpu.memref_squeeze %dma_wait3A_164 : memref<1x128xi32, #tpu.memory_space<vmem>> -> memref<128xi32, #tpu.memory_space<vmem>>
      %dma_wait3A_166 = arith.constant 0 : i32
      %dma_wait3A_167 = arith.constant 0 : i32
      %dma_wait3A_168 = tpu.memref_slice %arg3[%dma_wait3A_166, %dma_wait3A_167] : memref<100001x32xf32, #tpu.memory_space<hbm>> -> memref<100001x32xf32, #tpu.memory_space<hbm>>
      tpu.wait_indirect_dma semaphore(%arg17 : memref<!tpu.dma_semaphore, #tpu.memory_space<semaphore_mem>>) src(%dma_wait3A_168 : memref<100001x32xf32, #tpu.memory_space<hbm>>) dst(%dma_wait3A_162 : memref<128x32xf32, #tpu.memory_space<vmem>>)
      %dma_wait3A_169 = arith.constant 2 : i32
      %dma_wait3A_170 = arith.constant 528 : i32
      %dma_wait3A_171 = arith.constant 0 : i32
      %dma_wait3A_172 = tpu.memref_slice %arg16[%dma_wait3A_170, %dma_wait3A_171] : memref<800x32xf32, #tpu.memory_space<vmem>> -> memref<72x32xf32, #tpu.memory_space<vmem>>
      %dma_wait3A_173 = arith.constant 128 : i32
      %dma_wait3A_174 = tpu.memref_slice %arg14[%dma_wait3A_169, %dma_wait3A_173] : memref<4x200xi32, #tpu.memory_space<vmem>> -> memref<1x72xi32, #tpu.memory_space<vmem>>
      %dma_wait3A_175 = tpu.memref_squeeze %dma_wait3A_174 : memref<1x72xi32, #tpu.memory_space<vmem>> -> memref<72xi32, #tpu.memory_space<vmem>>
      %dma_wait3A_176 = arith.constant 0 : i32
      %dma_wait3A_177 = arith.constant 0 : i32
      %dma_wait3A_178 = tpu.memref_slice %arg3[%dma_wait3A_176, %dma_wait3A_177] : memref<100001x32xf32, #tpu.memory_space<hbm>> -> memref<100001x32xf32, #tpu.memory_space<hbm>>
      tpu.wait_indirect_dma semaphore(%arg17 : memref<!tpu.dma_semaphore, #tpu.memory_space<semaphore_mem>>) src(%dma_wait3A_178 : memref<100001x32xf32, #tpu.memory_space<hbm>>) dst(%dma_wait3A_172 : memref<72x32xf32, #tpu.memory_space<vmem>>)
      %dma_wait3A_179 = arith.constant 3 : i32
      %dma_wait3A_180 = arith.constant 600 : i32
      %dma_wait3A_181 = arith.constant 0 : i32
      %dma_wait3A_182 = tpu.memref_slice %arg16[%dma_wait3A_180, %dma_wait3A_181] : memref<800x32xf32, #tpu.memory_space<vmem>> -> memref<128x32xf32, #tpu.memory_space<vmem>>
      %dma_wait3A_183 = arith.constant 0 : i32
      %dma_wait3A_184 = tpu.memref_slice %arg14[%dma_wait3A_179, %dma_wait3A_183] : memref<4x200xi32, #tpu.memory_space<vmem>> -> memref<1x128xi32, #tpu.memory_space<vmem>>
      %dma_wait3A_185 = tpu.memref_squeeze %dma_wait3A_184 : memref<1x128xi32, #tpu.memory_space<vmem>> -> memref<128xi32, #tpu.memory_space<vmem>>
      %dma_wait3A_186 = arith.constant 0 : i32
      %dma_wait3A_187 = arith.constant 0 : i32
      %dma_wait3A_188 = tpu.memref_slice %arg3[%dma_wait3A_186, %dma_wait3A_187] : memref<100001x32xf32, #tpu.memory_space<hbm>> -> memref<100001x32xf32, #tpu.memory_space<hbm>>
      tpu.wait_indirect_dma semaphore(%arg17 : memref<!tpu.dma_semaphore, #tpu.memory_space<semaphore_mem>>) src(%dma_wait3A_188 : memref<100001x32xf32, #tpu.memory_space<hbm>>) dst(%dma_wait3A_182 : memref<128x32xf32, #tpu.memory_space<vmem>>)
      %dma_wait3A_189 = arith.constant 3 : i32
      %dma_wait3A_190 = arith.constant 728 : i32
      %dma_wait3A_191 = arith.constant 0 : i32
      %dma_wait3A_192 = tpu.memref_slice %arg16[%dma_wait3A_190, %dma_wait3A_191] : memref<800x32xf32, #tpu.memory_space<vmem>> -> memref<72x32xf32, #tpu.memory_space<vmem>>
      %dma_wait3A_193 = arith.constant 128 : i32
      %dma_wait3A_194 = tpu.memref_slice %arg14[%dma_wait3A_189, %dma_wait3A_193] : memref<4x200xi32, #tpu.memory_space<vmem>> -> memref<1x72xi32, #tpu.memory_space<vmem>>
      %dma_wait3A_195 = tpu.memref_squeeze %dma_wait3A_194 : memref<1x72xi32, #tpu.memory_space<vmem>> -> memref<72xi32, #tpu.memory_space<vmem>>
      %dma_wait3A_196 = arith.constant 0 : i32
      %dma_wait3A_197 = arith.constant 0 : i32
      %dma_wait3A_198 = tpu.memref_slice %arg3[%dma_wait3A_196, %dma_wait3A_197] : memref<100001x32xf32, #tpu.memory_space<hbm>> -> memref<100001x32xf32, #tpu.memory_space<hbm>>
      tpu.wait_indirect_dma semaphore(%arg17 : memref<!tpu.dma_semaphore, #tpu.memory_space<semaphore_mem>>) src(%dma_wait3A_198 : memref<100001x32xf32, #tpu.memory_space<hbm>>) dst(%dma_wait3A_192 : memref<72x32xf32, #tpu.memory_space<vmem>>)
      %mul3A_199 = arith.constant 200 : i32
      %mul3A_200 = arith.muli %mul3A_40, %mul3A_199 : i32
      "tpu.region"() ({
        %run_scoped3A = tpu.sem_alloc : memref<!tpu.dma_semaphore, #tpu.memory_space<semaphore_mem>>
        %dma_start3A_201 = arith.constant 0 : i32
        %dma_start3A_202 = arith.constant 0 : i32
        %dma_start3A_203 = tpu.memref_slice %arg16[%dma_start3A_201, %dma_start3A_202] : memref<800x32xf32, #tpu.memory_space<vmem>> -> memref<800x32xf32, #tpu.memory_space<vmem>>
        %dma_start3A_204 = arith.constant 96 : i32
        %dma_start3A_205 = tpu.memref_slice %arg10[%mul3A_200, %dma_start3A_204] : memref<204800x128xf32, #tpu.memory_space<hbm>> -> memref<800x32xf32, #tpu.memory_space<hbm>>
        %dma_start3A_206 = arith.constant 96 : i32
        %dma_start3A_207 = tpu.memref_slice %arg10[%mul3A_200, %dma_start3A_206] : memref<204800x128xf32, #tpu.memory_space<hbm>> -> memref<800x32xf32, #tpu.memory_space<hbm>>
        %dma_start3A_208 = arith.constant 0 : i32
        %dma_start3A_209 = arith.constant 0 : i32
        %dma_start3A_210 = tpu.memref_slice %arg16[%dma_start3A_208, %dma_start3A_209] : memref<800x32xf32, #tpu.memory_space<vmem>> -> memref<800x32xf32, #tpu.memory_space<vmem>>
        tpu.enqueue_dma source(%dma_start3A_210 : memref<800x32xf32, #tpu.memory_space<vmem>>) target(%dma_start3A_207 : memref<800x32xf32, #tpu.memory_space<hbm>>) target_semaphore(%run_scoped3A : memref<!tpu.dma_semaphore, #tpu.memory_space<semaphore_mem>>)
        %dma_wait3A_211 = arith.constant 0 : i32
        %dma_wait3A_212 = arith.constant 0 : i32
        %dma_wait3A_213 = tpu.memref_slice %arg16[%dma_wait3A_211, %dma_wait3A_212] : memref<800x32xf32, #tpu.memory_space<vmem>> -> memref<800x32xf32, #tpu.memory_space<vmem>>
        %dma_wait3A_214 = arith.constant 96 : i32
        %dma_wait3A_215 = tpu.memref_slice %arg10[%mul3A_200, %dma_wait3A_214] : memref<204800x128xf32, #tpu.memory_space<hbm>> -> memref<800x32xf32, #tpu.memory_space<hbm>>
        %dma_wait3A_216 = arith.constant 96 : i32
        %dma_wait3A_217 = tpu.memref_slice %arg10[%mul3A_200, %dma_wait3A_216] : memref<204800x128xf32, #tpu.memory_space<hbm>> -> memref<800x32xf32, #tpu.memory_space<hbm>>
        %dma_wait3A_218 = arith.constant 0 : i32
        %dma_wait3A_219 = arith.constant 0 : i32
        %dma_wait3A_220 = tpu.memref_slice %arg16[%dma_wait3A_218, %dma_wait3A_219] : memref<800x32xf32, #tpu.memory_space<vmem>> -> memref<800x32xf32, #tpu.memory_space<vmem>>
        tpu.wait_dma2 semaphore(%run_scoped3A : memref<!tpu.dma_semaphore, #tpu.memory_space<semaphore_mem>>) src(%dma_wait3A_220 : memref<800x32xf32, #tpu.memory_space<vmem>>) dst(%dma_wait3A_217 : memref<800x32xf32, #tpu.memory_space<hbm>>)
        tpu.yield
      }) : () -> ()
    }
    %scan3A_14 = arith.constant 8 : i32
    %scan3A_15 = arith.constant 0 : i32
    %scan3A_16 = arith.constant 8 : i32
    %scan3A_17 = arith.addi %scan3A_15, %scan3A_16 : i32
    %scan3A_18 = arith.constant 1 : i32
    scf.for %scan3A_31 = %scan3A_15 to %scan3A_17 step %scan3A_18  : i32 {
      %mul3A_32 = arith.constant 1 : i32
      %mul3A_33 = arith.muli %scan3A_31, %mul3A_32 : i32
      %add3A_34 = arith.constant 0 : i32
      %add3A_35 = arith.addi %add3A_34, %mul3A_33 : i32
      %mul3A_36 = arith.constant 32 : i32
      %mul3A_37 = arith.muli %add3A_35, %mul3A_36 : i32
      %add3A_38 = arith.addi %add3A, %mul3A_37 : i32
      %mul3A_39 = arith.constant 4 : i32
      %mul3A_40 = arith.muli %add3A_38, %mul3A_39 : i32
      "tpu.region"() ({
        %run_scoped3A = tpu.sem_alloc : memref<!tpu.dma_semaphore, #tpu.memory_space<semaphore_mem>>
        %dma_start3A_201 = arith.constant 0 : i32
        %dma_start3A_202 = tpu.memref_slice %arg7[%mul3A_40, %dma_start3A_201] : memref<1024x200xi32, #tpu.memory_space<hbm>> -> memref<4x200xi32, #tpu.memory_space<hbm>>
        %dma_start3A_203 = arith.constant 0 : i32
        %dma_start3A_204 = tpu.memref_slice %arg7[%mul3A_40, %dma_start3A_203] : memref<1024x200xi32, #tpu.memory_space<hbm>> -> memref<4x200xi32, #tpu.memory_space<hbm>>
        tpu.enqueue_dma source(%dma_start3A_204 : memref<4x200xi32, #tpu.memory_space<hbm>>) target(%arg14 : memref<4x200xi32, #tpu.memory_space<vmem>>) target_semaphore(%run_scoped3A : memref<!tpu.dma_semaphore, #tpu.memory_space<semaphore_mem>>)
        %dma_wait3A_205 = arith.constant 0 : i32
        %dma_wait3A_206 = tpu.memref_slice %arg7[%mul3A_40, %dma_wait3A_205] : memref<1024x200xi32, #tpu.memory_space<hbm>> -> memref<4x200xi32, #tpu.memory_space<hbm>>
        %dma_wait3A_207 = arith.constant 0 : i32
        %dma_wait3A_208 = tpu.memref_slice %arg7[%mul3A_40, %dma_wait3A_207] : memref<1024x200xi32, #tpu.memory_space<hbm>> -> memref<4x200xi32, #tpu.memory_space<hbm>>
        tpu.wait_dma2 semaphore(%run_scoped3A : memref<!tpu.dma_semaphore, #tpu.memory_space<semaphore_mem>>) src(%dma_wait3A_208 : memref<4x200xi32, #tpu.memory_space<hbm>>) dst(%arg14 : memref<4x200xi32, #tpu.memory_space<vmem>>)
        tpu.yield
      }) : () -> ()
      %dma_start3A = arith.constant 0 : i32
      %dma_start3A_41 = arith.constant 0 : i32
      %dma_start3A_42 = arith.constant 0 : i32
      %dma_start3A_43 = tpu.memref_slice %arg15[%dma_start3A_41, %dma_start3A_42] : memref<1024x64xf32, #tpu.memory_space<vmem>> -> memref<128x64xf32, #tpu.memory_space<vmem>>
      %dma_start3A_44 = arith.constant 0 : i32
      %dma_start3A_45 = tpu.memref_slice %arg14[%dma_start3A, %dma_start3A_44] : memref<4x200xi32, #tpu.memory_space<vmem>> -> memref<1x128xi32, #tpu.memory_space<vmem>>
      %dma_start3A_46 = tpu.memref_squeeze %dma_start3A_45 : memref<1x128xi32, #tpu.memory_space<vmem>> -> memref<128xi32, #tpu.memory_space<vmem>>
      %dma_start3A_47 = arith.constant 0 : i32
      %dma_start3A_48 = arith.constant 0 : i32
      %dma_start3A_49 = tpu.memref_slice %arg2[%dma_start3A_47, %dma_start3A_48] : memref<1000001x64xf32, #tpu.memory_space<hbm>> -> memref<1000001x64xf32, #tpu.memory_space<hbm>>
      tpu.enqueue_indirect_dma source(%dma_start3A_49 : memref<1000001x64xf32, #tpu.memory_space<hbm>>) target(%dma_start3A_43 : memref<128x64xf32, #tpu.memory_space<vmem>>) offsets(%dma_start3A_46 : memref<128xi32, #tpu.memory_space<vmem>>) semaphore(%arg17 : memref<!tpu.dma_semaphore, #tpu.memory_space<semaphore_mem>>)
      %dma_start3A_50 = arith.constant 0 : i32
      %dma_start3A_51 = arith.constant 128 : i32
      %dma_start3A_52 = arith.constant 0 : i32
      %dma_start3A_53 = tpu.memref_slice %arg15[%dma_start3A_51, %dma_start3A_52] : memref<1024x64xf32, #tpu.memory_space<vmem>> -> memref<72x64xf32, #tpu.memory_space<vmem>>
      %dma_start3A_54 = arith.constant 128 : i32
      %dma_start3A_55 = tpu.memref_slice %arg14[%dma_start3A_50, %dma_start3A_54] : memref<4x200xi32, #tpu.memory_space<vmem>> -> memref<1x72xi32, #tpu.memory_space<vmem>>
      %dma_start3A_56 = tpu.memref_squeeze %dma_start3A_55 : memref<1x72xi32, #tpu.memory_space<vmem>> -> memref<72xi32, #tpu.memory_space<vmem>>
      %dma_start3A_57 = arith.constant 0 : i32
      %dma_start3A_58 = arith.constant 0 : i32
      %dma_start3A_59 = tpu.memref_slice %arg2[%dma_start3A_57, %dma_start3A_58] : memref<1000001x64xf32, #tpu.memory_space<hbm>> -> memref<1000001x64xf32, #tpu.memory_space<hbm>>
      tpu.enqueue_indirect_dma source(%dma_start3A_59 : memref<1000001x64xf32, #tpu.memory_space<hbm>>) target(%dma_start3A_53 : memref<72x64xf32, #tpu.memory_space<vmem>>) offsets(%dma_start3A_56 : memref<72xi32, #tpu.memory_space<vmem>>) semaphore(%arg17 : memref<!tpu.dma_semaphore, #tpu.memory_space<semaphore_mem>>)
      %dma_start3A_60 = arith.constant 1 : i32
      %dma_start3A_61 = arith.constant 200 : i32
      %dma_start3A_62 = arith.constant 0 : i32
      %dma_start3A_63 = tpu.memref_slice %arg15[%dma_start3A_61, %dma_start3A_62] : memref<1024x64xf32, #tpu.memory_space<vmem>> -> memref<128x64xf32, #tpu.memory_space<vmem>>
      %dma_start3A_64 = arith.constant 0 : i32
      %dma_start3A_65 = tpu.memref_slice %arg14[%dma_start3A_60, %dma_start3A_64] : memref<4x200xi32, #tpu.memory_space<vmem>> -> memref<1x128xi32, #tpu.memory_space<vmem>>
      %dma_start3A_66 = tpu.memref_squeeze %dma_start3A_65 : memref<1x128xi32, #tpu.memory_space<vmem>> -> memref<128xi32, #tpu.memory_space<vmem>>
      %dma_start3A_67 = arith.constant 0 : i32
      %dma_start3A_68 = arith.constant 0 : i32
      %dma_start3A_69 = tpu.memref_slice %arg2[%dma_start3A_67, %dma_start3A_68] : memref<1000001x64xf32, #tpu.memory_space<hbm>> -> memref<1000001x64xf32, #tpu.memory_space<hbm>>
      tpu.enqueue_indirect_dma source(%dma_start3A_69 : memref<1000001x64xf32, #tpu.memory_space<hbm>>) target(%dma_start3A_63 : memref<128x64xf32, #tpu.memory_space<vmem>>) offsets(%dma_start3A_66 : memref<128xi32, #tpu.memory_space<vmem>>) semaphore(%arg17 : memref<!tpu.dma_semaphore, #tpu.memory_space<semaphore_mem>>)
      %dma_start3A_70 = arith.constant 1 : i32
      %dma_start3A_71 = arith.constant 328 : i32
      %dma_start3A_72 = arith.constant 0 : i32
      %dma_start3A_73 = tpu.memref_slice %arg15[%dma_start3A_71, %dma_start3A_72] : memref<1024x64xf32, #tpu.memory_space<vmem>> -> memref<72x64xf32, #tpu.memory_space<vmem>>
      %dma_start3A_74 = arith.constant 128 : i32
      %dma_start3A_75 = tpu.memref_slice %arg14[%dma_start3A_70, %dma_start3A_74] : memref<4x200xi32, #tpu.memory_space<vmem>> -> memref<1x72xi32, #tpu.memory_space<vmem>>
      %dma_start3A_76 = tpu.memref_squeeze %dma_start3A_75 : memref<1x72xi32, #tpu.memory_space<vmem>> -> memref<72xi32, #tpu.memory_space<vmem>>
      %dma_start3A_77 = arith.constant 0 : i32
      %dma_start3A_78 = arith.constant 0 : i32
      %dma_start3A_79 = tpu.memref_slice %arg2[%dma_start3A_77, %dma_start3A_78] : memref<1000001x64xf32, #tpu.memory_space<hbm>> -> memref<1000001x64xf32, #tpu.memory_space<hbm>>
      tpu.enqueue_indirect_dma source(%dma_start3A_79 : memref<1000001x64xf32, #tpu.memory_space<hbm>>) target(%dma_start3A_73 : memref<72x64xf32, #tpu.memory_space<vmem>>) offsets(%dma_start3A_76 : memref<72xi32, #tpu.memory_space<vmem>>) semaphore(%arg17 : memref<!tpu.dma_semaphore, #tpu.memory_space<semaphore_mem>>)
      %dma_start3A_80 = arith.constant 2 : i32
      %dma_start3A_81 = arith.constant 400 : i32
      %dma_start3A_82 = arith.constant 0 : i32
      %dma_start3A_83 = tpu.memref_slice %arg15[%dma_start3A_81, %dma_start3A_82] : memref<1024x64xf32, #tpu.memory_space<vmem>> -> memref<128x64xf32, #tpu.memory_space<vmem>>
      %dma_start3A_84 = arith.constant 0 : i32
      %dma_start3A_85 = tpu.memref_slice %arg14[%dma_start3A_80, %dma_start3A_84] : memref<4x200xi32, #tpu.memory_space<vmem>> -> memref<1x128xi32, #tpu.memory_space<vmem>>
      %dma_start3A_86 = tpu.memref_squeeze %dma_start3A_85 : memref<1x128xi32, #tpu.memory_space<vmem>> -> memref<128xi32, #tpu.memory_space<vmem>>
      %dma_start3A_87 = arith.constant 0 : i32
      %dma_start3A_88 = arith.constant 0 : i32
      %dma_start3A_89 = tpu.memref_slice %arg2[%dma_start3A_87, %dma_start3A_88] : memref<1000001x64xf32, #tpu.memory_space<hbm>> -> memref<1000001x64xf32, #tpu.memory_space<hbm>>
      tpu.enqueue_indirect_dma source(%dma_start3A_89 : memref<1000001x64xf32, #tpu.memory_space<hbm>>) target(%dma_start3A_83 : memref<128x64xf32, #tpu.memory_space<vmem>>) offsets(%dma_start3A_86 : memref<128xi32, #tpu.memory_space<vmem>>) semaphore(%arg17 : memref<!tpu.dma_semaphore, #tpu.memory_space<semaphore_mem>>)
      %dma_start3A_90 = arith.constant 2 : i32
      %dma_start3A_91 = arith.constant 528 : i32
      %dma_start3A_92 = arith.constant 0 : i32
      %dma_start3A_93 = tpu.memref_slice %arg15[%dma_start3A_91, %dma_start3A_92] : memref<1024x64xf32, #tpu.memory_space<vmem>> -> memref<72x64xf32, #tpu.memory_space<vmem>>
      %dma_start3A_94 = arith.constant 128 : i32
      %dma_start3A_95 = tpu.memref_slice %arg14[%dma_start3A_90, %dma_start3A_94] : memref<4x200xi32, #tpu.memory_space<vmem>> -> memref<1x72xi32, #tpu.memory_space<vmem>>
      %dma_start3A_96 = tpu.memref_squeeze %dma_start3A_95 : memref<1x72xi32, #tpu.memory_space<vmem>> -> memref<72xi32, #tpu.memory_space<vmem>>
      %dma_start3A_97 = arith.constant 0 : i32
      %dma_start3A_98 = arith.constant 0 : i32
      %dma_start3A_99 = tpu.memref_slice %arg2[%dma_start3A_97, %dma_start3A_98] : memref<1000001x64xf32, #tpu.memory_space<hbm>> -> memref<1000001x64xf32, #tpu.memory_space<hbm>>
      tpu.enqueue_indirect_dma source(%dma_start3A_99 : memref<1000001x64xf32, #tpu.memory_space<hbm>>) target(%dma_start3A_93 : memref<72x64xf32, #tpu.memory_space<vmem>>) offsets(%dma_start3A_96 : memref<72xi32, #tpu.memory_space<vmem>>) semaphore(%arg17 : memref<!tpu.dma_semaphore, #tpu.memory_space<semaphore_mem>>)
      %dma_start3A_100 = arith.constant 3 : i32
      %dma_start3A_101 = arith.constant 600 : i32
      %dma_start3A_102 = arith.constant 0 : i32
      %dma_start3A_103 = tpu.memref_slice %arg15[%dma_start3A_101, %dma_start3A_102] : memref<1024x64xf32, #tpu.memory_space<vmem>> -> memref<128x64xf32, #tpu.memory_space<vmem>>
      %dma_start3A_104 = arith.constant 0 : i32
      %dma_start3A_105 = tpu.memref_slice %arg14[%dma_start3A_100, %dma_start3A_104] : memref<4x200xi32, #tpu.memory_space<vmem>> -> memref<1x128xi32, #tpu.memory_space<vmem>>
      %dma_start3A_106 = tpu.memref_squeeze %dma_start3A_105 : memref<1x128xi32, #tpu.memory_space<vmem>> -> memref<128xi32, #tpu.memory_space<vmem>>
      %dma_start3A_107 = arith.constant 0 : i32
      %dma_start3A_108 = arith.constant 0 : i32
      %dma_start3A_109 = tpu.memref_slice %arg2[%dma_start3A_107, %dma_start3A_108] : memref<1000001x64xf32, #tpu.memory_space<hbm>> -> memref<1000001x64xf32, #tpu.memory_space<hbm>>
      tpu.enqueue_indirect_dma source(%dma_start3A_109 : memref<1000001x64xf32, #tpu.memory_space<hbm>>) target(%dma_start3A_103 : memref<128x64xf32, #tpu.memory_space<vmem>>) offsets(%dma_start3A_106 : memref<128xi32, #tpu.memory_space<vmem>>) semaphore(%arg17 : memref<!tpu.dma_semaphore, #tpu.memory_space<semaphore_mem>>)
      %dma_start3A_110 = arith.constant 3 : i32
      %dma_start3A_111 = arith.constant 728 : i32
      %dma_start3A_112 = arith.constant 0 : i32
      %dma_start3A_113 = tpu.memref_slice %arg15[%dma_start3A_111, %dma_start3A_112] : memref<1024x64xf32, #tpu.memory_space<vmem>> -> memref<72x64xf32, #tpu.memory_space<vmem>>
      %dma_start3A_114 = arith.constant 128 : i32
      %dma_start3A_115 = tpu.memref_slice %arg14[%dma_start3A_110, %dma_start3A_114] : memref<4x200xi32, #tpu.memory_space<vmem>> -> memref<1x72xi32, #tpu.memory_space<vmem>>
      %dma_start3A_116 = tpu.memref_squeeze %dma_start3A_115 : memref<1x72xi32, #tpu.memory_space<vmem>> -> memref<72xi32, #tpu.memory_space<vmem>>
      %dma_start3A_117 = arith.constant 0 : i32
      %dma_start3A_118 = arith.constant 0 : i32
      %dma_start3A_119 = tpu.memref_slice %arg2[%dma_start3A_117, %dma_start3A_118] : memref<1000001x64xf32, #tpu.memory_space<hbm>> -> memref<1000001x64xf32, #tpu.memory_space<hbm>>
      tpu.enqueue_indirect_dma source(%dma_start3A_119 : memref<1000001x64xf32, #tpu.memory_space<hbm>>) target(%dma_start3A_113 : memref<72x64xf32, #tpu.memory_space<vmem>>) offsets(%dma_start3A_116 : memref<72xi32, #tpu.memory_space<vmem>>) semaphore(%arg17 : memref<!tpu.dma_semaphore, #tpu.memory_space<semaphore_mem>>)
      %dma_wait3A = arith.constant 0 : i32
      %dma_wait3A_120 = arith.constant 0 : i32
      %dma_wait3A_121 = arith.constant 0 : i32
      %dma_wait3A_122 = tpu.memref_slice %arg15[%dma_wait3A_120, %dma_wait3A_121] : memref<1024x64xf32, #tpu.memory_space<vmem>> -> memref<128x64xf32, #tpu.memory_space<vmem>>
      %dma_wait3A_123 = arith.constant 0 : i32
      %dma_wait3A_124 = tpu.memref_slice %arg14[%dma_wait3A, %dma_wait3A_123] : memref<4x200xi32, #tpu.memory_space<vmem>> -> memref<1x128xi32, #tpu.memory_space<vmem>>
      %dma_wait3A_125 = tpu.memref_squeeze %dma_wait3A_124 : memref<1x128xi32, #tpu.memory_space<vmem>> -> memref<128xi32, #tpu.memory_space<vmem>>
      %dma_wait3A_126 = arith.constant 0 : i32
      %dma_wait3A_127 = arith.constant 0 : i32
      %dma_wait3A_128 = tpu.memref_slice %arg2[%dma_wait3A_126, %dma_wait3A_127] : memref<1000001x64xf32, #tpu.memory_space<hbm>> -> memref<1000001x64xf32, #tpu.memory_space<hbm>>
      tpu.wait_indirect_dma semaphore(%arg17 : memref<!tpu.dma_semaphore, #tpu.memory_space<semaphore_mem>>) src(%dma_wait3A_128 : memref<1000001x64xf32, #tpu.memory_space<hbm>>) dst(%dma_wait3A_122 : memref<128x64xf32, #tpu.memory_space<vmem>>)
      %dma_wait3A_129 = arith.constant 0 : i32
      %dma_wait3A_130 = arith.constant 128 : i32
      %dma_wait3A_131 = arith.constant 0 : i32
      %dma_wait3A_132 = tpu.memref_slice %arg15[%dma_wait3A_130, %dma_wait3A_131] : memref<1024x64xf32, #tpu.memory_space<vmem>> -> memref<72x64xf32, #tpu.memory_space<vmem>>
      %dma_wait3A_133 = arith.constant 128 : i32
      %dma_wait3A_134 = tpu.memref_slice %arg14[%dma_wait3A_129, %dma_wait3A_133] : memref<4x200xi32, #tpu.memory_space<vmem>> -> memref<1x72xi32, #tpu.memory_space<vmem>>
      %dma_wait3A_135 = tpu.memref_squeeze %dma_wait3A_134 : memref<1x72xi32, #tpu.memory_space<vmem>> -> memref<72xi32, #tpu.memory_space<vmem>>
      %dma_wait3A_136 = arith.constant 0 : i32
      %dma_wait3A_137 = arith.constant 0 : i32
      %dma_wait3A_138 = tpu.memref_slice %arg2[%dma_wait3A_136, %dma_wait3A_137] : memref<1000001x64xf32, #tpu.memory_space<hbm>> -> memref<1000001x64xf32, #tpu.memory_space<hbm>>
      tpu.wait_indirect_dma semaphore(%arg17 : memref<!tpu.dma_semaphore, #tpu.memory_space<semaphore_mem>>) src(%dma_wait3A_138 : memref<1000001x64xf32, #tpu.memory_space<hbm>>) dst(%dma_wait3A_132 : memref<72x64xf32, #tpu.memory_space<vmem>>)
      %dma_wait3A_139 = arith.constant 1 : i32
      %dma_wait3A_140 = arith.constant 200 : i32
      %dma_wait3A_141 = arith.constant 0 : i32
      %dma_wait3A_142 = tpu.memref_slice %arg15[%dma_wait3A_140, %dma_wait3A_141] : memref<1024x64xf32, #tpu.memory_space<vmem>> -> memref<128x64xf32, #tpu.memory_space<vmem>>
      %dma_wait3A_143 = arith.constant 0 : i32
      %dma_wait3A_144 = tpu.memref_slice %arg14[%dma_wait3A_139, %dma_wait3A_143] : memref<4x200xi32, #tpu.memory_space<vmem>> -> memref<1x128xi32, #tpu.memory_space<vmem>>
      %dma_wait3A_145 = tpu.memref_squeeze %dma_wait3A_144 : memref<1x128xi32, #tpu.memory_space<vmem>> -> memref<128xi32, #tpu.memory_space<vmem>>
      %dma_wait3A_146 = arith.constant 0 : i32
      %dma_wait3A_147 = arith.constant 0 : i32
      %dma_wait3A_148 = tpu.memref_slice %arg2[%dma_wait3A_146, %dma_wait3A_147] : memref<1000001x64xf32, #tpu.memory_space<hbm>> -> memref<1000001x64xf32, #tpu.memory_space<hbm>>
      tpu.wait_indirect_dma semaphore(%arg17 : memref<!tpu.dma_semaphore, #tpu.memory_space<semaphore_mem>>) src(%dma_wait3A_148 : memref<1000001x64xf32, #tpu.memory_space<hbm>>) dst(%dma_wait3A_142 : memref<128x64xf32, #tpu.memory_space<vmem>>)
      %dma_wait3A_149 = arith.constant 1 : i32
      %dma_wait3A_150 = arith.constant 328 : i32
      %dma_wait3A_151 = arith.constant 0 : i32
      %dma_wait3A_152 = tpu.memref_slice %arg15[%dma_wait3A_150, %dma_wait3A_151] : memref<1024x64xf32, #tpu.memory_space<vmem>> -> memref<72x64xf32, #tpu.memory_space<vmem>>
      %dma_wait3A_153 = arith.constant 128 : i32
      %dma_wait3A_154 = tpu.memref_slice %arg14[%dma_wait3A_149, %dma_wait3A_153] : memref<4x200xi32, #tpu.memory_space<vmem>> -> memref<1x72xi32, #tpu.memory_space<vmem>>
      %dma_wait3A_155 = tpu.memref_squeeze %dma_wait3A_154 : memref<1x72xi32, #tpu.memory_space<vmem>> -> memref<72xi32, #tpu.memory_space<vmem>>
      %dma_wait3A_156 = arith.constant 0 : i32
      %dma_wait3A_157 = arith.constant 0 : i32
      %dma_wait3A_158 = tpu.memref_slice %arg2[%dma_wait3A_156, %dma_wait3A_157] : memref<1000001x64xf32, #tpu.memory_space<hbm>> -> memref<1000001x64xf32, #tpu.memory_space<hbm>>
      tpu.wait_indirect_dma semaphore(%arg17 : memref<!tpu.dma_semaphore, #tpu.memory_space<semaphore_mem>>) src(%dma_wait3A_158 : memref<1000001x64xf32, #tpu.memory_space<hbm>>) dst(%dma_wait3A_152 : memref<72x64xf32, #tpu.memory_space<vmem>>)
      %dma_wait3A_159 = arith.constant 2 : i32
      %dma_wait3A_160 = arith.constant 400 : i32
      %dma_wait3A_161 = arith.constant 0 : i32
      %dma_wait3A_162 = tpu.memref_slice %arg15[%dma_wait3A_160, %dma_wait3A_161] : memref<1024x64xf32, #tpu.memory_space<vmem>> -> memref<128x64xf32, #tpu.memory_space<vmem>>
      %dma_wait3A_163 = arith.constant 0 : i32
      %dma_wait3A_164 = tpu.memref_slice %arg14[%dma_wait3A_159, %dma_wait3A_163] : memref<4x200xi32, #tpu.memory_space<vmem>> -> memref<1x128xi32, #tpu.memory_space<vmem>>
      %dma_wait3A_165 = tpu.memref_squeeze %dma_wait3A_164 : memref<1x128xi32, #tpu.memory_space<vmem>> -> memref<128xi32, #tpu.memory_space<vmem>>
      %dma_wait3A_166 = arith.constant 0 : i32
      %dma_wait3A_167 = arith.constant 0 : i32
      %dma_wait3A_168 = tpu.memref_slice %arg2[%dma_wait3A_166, %dma_wait3A_167] : memref<1000001x64xf32, #tpu.memory_space<hbm>> -> memref<1000001x64xf32, #tpu.memory_space<hbm>>
      tpu.wait_indirect_dma semaphore(%arg17 : memref<!tpu.dma_semaphore, #tpu.memory_space<semaphore_mem>>) src(%dma_wait3A_168 : memref<1000001x64xf32, #tpu.memory_space<hbm>>) dst(%dma_wait3A_162 : memref<128x64xf32, #tpu.memory_space<vmem>>)
      %dma_wait3A_169 = arith.constant 2 : i32
      %dma_wait3A_170 = arith.constant 528 : i32
      %dma_wait3A_171 = arith.constant 0 : i32
      %dma_wait3A_172 = tpu.memref_slice %arg15[%dma_wait3A_170, %dma_wait3A_171] : memref<1024x64xf32, #tpu.memory_space<vmem>> -> memref<72x64xf32, #tpu.memory_space<vmem>>
      %dma_wait3A_173 = arith.constant 128 : i32
      %dma_wait3A_174 = tpu.memref_slice %arg14[%dma_wait3A_169, %dma_wait3A_173] : memref<4x200xi32, #tpu.memory_space<vmem>> -> memref<1x72xi32, #tpu.memory_space<vmem>>
      %dma_wait3A_175 = tpu.memref_squeeze %dma_wait3A_174 : memref<1x72xi32, #tpu.memory_space<vmem>> -> memref<72xi32, #tpu.memory_space<vmem>>
      %dma_wait3A_176 = arith.constant 0 : i32
      %dma_wait3A_177 = arith.constant 0 : i32
      %dma_wait3A_178 = tpu.memref_slice %arg2[%dma_wait3A_176, %dma_wait3A_177] : memref<1000001x64xf32, #tpu.memory_space<hbm>> -> memref<1000001x64xf32, #tpu.memory_space<hbm>>
      tpu.wait_indirect_dma semaphore(%arg17 : memref<!tpu.dma_semaphore, #tpu.memory_space<semaphore_mem>>) src(%dma_wait3A_178 : memref<1000001x64xf32, #tpu.memory_space<hbm>>) dst(%dma_wait3A_172 : memref<72x64xf32, #tpu.memory_space<vmem>>)
      %dma_wait3A_179 = arith.constant 3 : i32
      %dma_wait3A_180 = arith.constant 600 : i32
      %dma_wait3A_181 = arith.constant 0 : i32
      %dma_wait3A_182 = tpu.memref_slice %arg15[%dma_wait3A_180, %dma_wait3A_181] : memref<1024x64xf32, #tpu.memory_space<vmem>> -> memref<128x64xf32, #tpu.memory_space<vmem>>
      %dma_wait3A_183 = arith.constant 0 : i32
      %dma_wait3A_184 = tpu.memref_slice %arg14[%dma_wait3A_179, %dma_wait3A_183] : memref<4x200xi32, #tpu.memory_space<vmem>> -> memref<1x128xi32, #tpu.memory_space<vmem>>
      %dma_wait3A_185 = tpu.memref_squeeze %dma_wait3A_184 : memref<1x128xi32, #tpu.memory_space<vmem>> -> memref<128xi32, #tpu.memory_space<vmem>>
      %dma_wait3A_186 = arith.constant 0 : i32
      %dma_wait3A_187 = arith.constant 0 : i32
      %dma_wait3A_188 = tpu.memref_slice %arg2[%dma_wait3A_186, %dma_wait3A_187] : memref<1000001x64xf32, #tpu.memory_space<hbm>> -> memref<1000001x64xf32, #tpu.memory_space<hbm>>
      tpu.wait_indirect_dma semaphore(%arg17 : memref<!tpu.dma_semaphore, #tpu.memory_space<semaphore_mem>>) src(%dma_wait3A_188 : memref<1000001x64xf32, #tpu.memory_space<hbm>>) dst(%dma_wait3A_182 : memref<128x64xf32, #tpu.memory_space<vmem>>)
      %dma_wait3A_189 = arith.constant 3 : i32
      %dma_wait3A_190 = arith.constant 728 : i32
      %dma_wait3A_191 = arith.constant 0 : i32
      %dma_wait3A_192 = tpu.memref_slice %arg15[%dma_wait3A_190, %dma_wait3A_191] : memref<1024x64xf32, #tpu.memory_space<vmem>> -> memref<72x64xf32, #tpu.memory_space<vmem>>
      %dma_wait3A_193 = arith.constant 128 : i32
      %dma_wait3A_194 = tpu.memref_slice %arg14[%dma_wait3A_189, %dma_wait3A_193] : memref<4x200xi32, #tpu.memory_space<vmem>> -> memref<1x72xi32, #tpu.memory_space<vmem>>
      %dma_wait3A_195 = tpu.memref_squeeze %dma_wait3A_194 : memref<1x72xi32, #tpu.memory_space<vmem>> -> memref<72xi32, #tpu.memory_space<vmem>>
      %dma_wait3A_196 = arith.constant 0 : i32
      %dma_wait3A_197 = arith.constant 0 : i32
      %dma_wait3A_198 = tpu.memref_slice %arg2[%dma_wait3A_196, %dma_wait3A_197] : memref<1000001x64xf32, #tpu.memory_space<hbm>> -> memref<1000001x64xf32, #tpu.memory_space<hbm>>
      tpu.wait_indirect_dma semaphore(%arg17 : memref<!tpu.dma_semaphore, #tpu.memory_space<semaphore_mem>>) src(%dma_wait3A_198 : memref<1000001x64xf32, #tpu.memory_space<hbm>>) dst(%dma_wait3A_192 : memref<72x64xf32, #tpu.memory_space<vmem>>)
      %mul3A_199 = arith.constant 200 : i32
      %mul3A_200 = arith.muli %mul3A_40, %mul3A_199 : i32
      "tpu.region"() ({
        %run_scoped3A = tpu.sem_alloc : memref<!tpu.dma_semaphore, #tpu.memory_space<semaphore_mem>>
        %dma_start3A_201 = arith.constant 0 : i32
        %dma_start3A_202 = arith.constant 0 : i32
        %dma_start3A_203 = tpu.memref_slice %arg15[%dma_start3A_201, %dma_start3A_202] : memref<1024x64xf32, #tpu.memory_space<vmem>> -> memref<800x64xf32, #tpu.memory_space<vmem>>
        %dma_start3A_204 = arith.constant 0 : i32
        %dma_start3A_205 = tpu.memref_slice %arg11[%mul3A_200, %dma_start3A_204] : memref<204800x128xf32, #tpu.memory_space<hbm>> -> memref<800x64xf32, #tpu.memory_space<hbm>>
        %dma_start3A_206 = arith.constant 0 : i32
        %dma_start3A_207 = tpu.memref_slice %arg11[%mul3A_200, %dma_start3A_206] : memref<204800x128xf32, #tpu.memory_space<hbm>> -> memref<800x64xf32, #tpu.memory_space<hbm>>
        %dma_start3A_208 = arith.constant 0 : i32
        %dma_start3A_209 = arith.constant 0 : i32
        %dma_start3A_210 = tpu.memref_slice %arg15[%dma_start3A_208, %dma_start3A_209] : memref<1024x64xf32, #tpu.memory_space<vmem>> -> memref<800x64xf32, #tpu.memory_space<vmem>>
        tpu.enqueue_dma source(%dma_start3A_210 : memref<800x64xf32, #tpu.memory_space<vmem>>) target(%dma_start3A_207 : memref<800x64xf32, #tpu.memory_space<hbm>>) target_semaphore(%run_scoped3A : memref<!tpu.dma_semaphore, #tpu.memory_space<semaphore_mem>>)
        %dma_wait3A_211 = arith.constant 0 : i32
        %dma_wait3A_212 = arith.constant 0 : i32
        %dma_wait3A_213 = tpu.memref_slice %arg15[%dma_wait3A_211, %dma_wait3A_212] : memref<1024x64xf32, #tpu.memory_space<vmem>> -> memref<800x64xf32, #tpu.memory_space<vmem>>
        %dma_wait3A_214 = arith.constant 0 : i32
        %dma_wait3A_215 = tpu.memref_slice %arg11[%mul3A_200, %dma_wait3A_214] : memref<204800x128xf32, #tpu.memory_space<hbm>> -> memref<800x64xf32, #tpu.memory_space<hbm>>
        %dma_wait3A_216 = arith.constant 0 : i32
        %dma_wait3A_217 = tpu.memref_slice %arg11[%mul3A_200, %dma_wait3A_216] : memref<204800x128xf32, #tpu.memory_space<hbm>> -> memref<800x64xf32, #tpu.memory_space<hbm>>
        %dma_wait3A_218 = arith.constant 0 : i32
        %dma_wait3A_219 = arith.constant 0 : i32
        %dma_wait3A_220 = tpu.memref_slice %arg15[%dma_wait3A_218, %dma_wait3A_219] : memref<1024x64xf32, #tpu.memory_space<vmem>> -> memref<800x64xf32, #tpu.memory_space<vmem>>
        tpu.wait_dma2 semaphore(%run_scoped3A : memref<!tpu.dma_semaphore, #tpu.memory_space<semaphore_mem>>) src(%dma_wait3A_220 : memref<800x64xf32, #tpu.memory_space<vmem>>) dst(%dma_wait3A_217 : memref<800x64xf32, #tpu.memory_space<hbm>>)
        tpu.yield
      }) : () -> ()
    }
    %scan3A_19 = arith.constant 8 : i32
    %scan3A_20 = arith.constant 0 : i32
    %mul3A_21 = arith.constant 1 : i32
    %mul3A_22 = arith.muli %scan3A_20, %mul3A_21 : i32
    %add3A_23 = arith.constant 0 : i32
    %add3A_24 = arith.addi %add3A_23, %mul3A_22 : i32
    %mul3A_25 = arith.constant 32 : i32
    %mul3A_26 = arith.muli %add3A_24, %mul3A_25 : i32
    %add3A_27 = arith.addi %add3A, %mul3A_26 : i32
    %lt3A = arith.constant 1 : i32
    %lt3A_28 = arith.cmpi slt, %add3A_27, %lt3A : i32
    %convert_element_type3A = arith.extui %lt3A_28 : i1 to i32
    %cond3A = arith.constant 0 : i32
    %cond3A_29 = arith.cmpi ne, %convert_element_type3A, %cond3A : i32
    scf.if %cond3A_29 {
      %mul3A_31 = arith.constant 8 : i32
      %mul3A_32 = arith.muli %add3A_27, %mul3A_31 : i32
      %multiple_of3A = tpu.assume_multiple %mul3A_32, 8 : i32
      %add3A_33 = arith.constant 0 : i32
      %add3A_34 = arith.addi %add3A_33, %multiple_of3A : i32
      "tpu.region"() ({
        %run_scoped3A = tpu.sem_alloc : memref<!tpu.dma_semaphore, #tpu.memory_space<semaphore_mem>>
        %dma_start3A_195 = arith.constant 0 : i32
        %dma_start3A_196 = arith.constant 0 : i32
        %dma_start3A_197 = tpu.memref_slice %arg13[%dma_start3A_195, %dma_start3A_196] : memref<8x128xi32, #tpu.memory_space<vmem>> -> memref<8x128xi32, #tpu.memory_space<vmem>>
        %dma_start3A_198 = arith.constant 0 : i32
        %dma_start3A_199 = tpu.memref_slice %arg9[%add3A_34, %dma_start3A_198] : memref<8x128xi32, #tpu.memory_space<hbm>> -> memref<8x128xi32, #tpu.memory_space<hbm>>
        %dma_start3A_200 = arith.constant 0 : i32
        %dma_start3A_201 = arith.constant 0 : i32
        %dma_start3A_202 = tpu.memref_slice %arg13[%dma_start3A_200, %dma_start3A_201] : memref<8x128xi32, #tpu.memory_space<vmem>> -> memref<8x128xi32, #tpu.memory_space<vmem>>
        %dma_start3A_203 = arith.constant 0 : i32
        %dma_start3A_204 = tpu.memref_slice %arg9[%add3A_34, %dma_start3A_203] : memref<8x128xi32, #tpu.memory_space<hbm>> -> memref<8x128xi32, #tpu.memory_space<hbm>>
        tpu.enqueue_dma source(%dma_start3A_204 : memref<8x128xi32, #tpu.memory_space<hbm>>) target(%dma_start3A_202 : memref<8x128xi32, #tpu.memory_space<vmem>>) target_semaphore(%run_scoped3A : memref<!tpu.dma_semaphore, #tpu.memory_space<semaphore_mem>>)
        %dma_wait3A_205 = arith.constant 0 : i32
        %dma_wait3A_206 = arith.constant 0 : i32
        %dma_wait3A_207 = tpu.memref_slice %arg13[%dma_wait3A_205, %dma_wait3A_206] : memref<8x128xi32, #tpu.memory_space<vmem>> -> memref<8x128xi32, #tpu.memory_space<vmem>>
        %dma_wait3A_208 = arith.constant 0 : i32
        %dma_wait3A_209 = tpu.memref_slice %arg9[%add3A_34, %dma_wait3A_208] : memref<8x128xi32, #tpu.memory_space<hbm>> -> memref<8x128xi32, #tpu.memory_space<hbm>>
        %dma_wait3A_210 = arith.constant 0 : i32
        %dma_wait3A_211 = arith.constant 0 : i32
        %dma_wait3A_212 = tpu.memref_slice %arg13[%dma_wait3A_210, %dma_wait3A_211] : memref<8x128xi32, #tpu.memory_space<vmem>> -> memref<8x128xi32, #tpu.memory_space<vmem>>
        %dma_wait3A_213 = arith.constant 0 : i32
        %dma_wait3A_214 = tpu.memref_slice %arg9[%add3A_34, %dma_wait3A_213] : memref<8x128xi32, #tpu.memory_space<hbm>> -> memref<8x128xi32, #tpu.memory_space<hbm>>
        tpu.wait_dma2 semaphore(%run_scoped3A : memref<!tpu.dma_semaphore, #tpu.memory_space<semaphore_mem>>) src(%dma_wait3A_214 : memref<8x128xi32, #tpu.memory_space<hbm>>) dst(%dma_wait3A_212 : memref<8x128xi32, #tpu.memory_space<vmem>>)
        tpu.yield
      }) : () -> ()
      %dma_start3A = arith.constant 0 : i32
      %dma_start3A_35 = arith.constant 0 : i32
      %dma_start3A_36 = arith.constant 0 : i32
      %dma_start3A_37 = tpu.memref_slice %arg15[%dma_start3A_35, %dma_start3A_36] : memref<1024x64xf32, #tpu.memory_space<vmem>> -> memref<128x64xf32, #tpu.memory_space<vmem>>
      %dma_start3A_38 = arith.constant 0 : i32
      %dma_start3A_39 = tpu.memref_slice %arg13[%dma_start3A, %dma_start3A_38] : memref<8x128xi32, #tpu.memory_space<vmem>> -> memref<1x128xi32, #tpu.memory_space<vmem>>
      %dma_start3A_40 = tpu.memref_squeeze %dma_start3A_39 : memref<1x128xi32, #tpu.memory_space<vmem>> -> memref<128xi32, #tpu.memory_space<vmem>>
      %dma_start3A_41 = arith.constant 0 : i32
      %dma_start3A_42 = arith.constant 0 : i32
      %dma_start3A_43 = tpu.memref_slice %arg4[%dma_start3A_41, %dma_start3A_42] : memref<100001x64xf32, #tpu.memory_space<hbm>> -> memref<100001x64xf32, #tpu.memory_space<hbm>>
      tpu.enqueue_indirect_dma source(%dma_start3A_43 : memref<100001x64xf32, #tpu.memory_space<hbm>>) target(%dma_start3A_37 : memref<128x64xf32, #tpu.memory_space<vmem>>) offsets(%dma_start3A_40 : memref<128xi32, #tpu.memory_space<vmem>>) semaphore(%arg17 : memref<!tpu.dma_semaphore, #tpu.memory_space<semaphore_mem>>)
      %dma_start3A_44 = arith.constant 1 : i32
      %dma_start3A_45 = arith.constant 128 : i32
      %dma_start3A_46 = arith.constant 0 : i32
      %dma_start3A_47 = tpu.memref_slice %arg15[%dma_start3A_45, %dma_start3A_46] : memref<1024x64xf32, #tpu.memory_space<vmem>> -> memref<128x64xf32, #tpu.memory_space<vmem>>
      %dma_start3A_48 = arith.constant 0 : i32
      %dma_start3A_49 = tpu.memref_slice %arg13[%dma_start3A_44, %dma_start3A_48] : memref<8x128xi32, #tpu.memory_space<vmem>> -> memref<1x128xi32, #tpu.memory_space<vmem>>
      %dma_start3A_50 = tpu.memref_squeeze %dma_start3A_49 : memref<1x128xi32, #tpu.memory_space<vmem>> -> memref<128xi32, #tpu.memory_space<vmem>>
      %dma_start3A_51 = arith.constant 0 : i32
      %dma_start3A_52 = arith.constant 0 : i32
      %dma_start3A_53 = tpu.memref_slice %arg4[%dma_start3A_51, %dma_start3A_52] : memref<100001x64xf32, #tpu.memory_space<hbm>> -> memref<100001x64xf32, #tpu.memory_space<hbm>>
      tpu.enqueue_indirect_dma source(%dma_start3A_53 : memref<100001x64xf32, #tpu.memory_space<hbm>>) target(%dma_start3A_47 : memref<128x64xf32, #tpu.memory_space<vmem>>) offsets(%dma_start3A_50 : memref<128xi32, #tpu.memory_space<vmem>>) semaphore(%arg17 : memref<!tpu.dma_semaphore, #tpu.memory_space<semaphore_mem>>)
      %dma_start3A_54 = arith.constant 2 : i32
      %dma_start3A_55 = arith.constant 256 : i32
      %dma_start3A_56 = arith.constant 0 : i32
      %dma_start3A_57 = tpu.memref_slice %arg15[%dma_start3A_55, %dma_start3A_56] : memref<1024x64xf32, #tpu.memory_space<vmem>> -> memref<128x64xf32, #tpu.memory_space<vmem>>
      %dma_start3A_58 = arith.constant 0 : i32
      %dma_start3A_59 = tpu.memref_slice %arg13[%dma_start3A_54, %dma_start3A_58] : memref<8x128xi32, #tpu.memory_space<vmem>> -> memref<1x128xi32, #tpu.memory_space<vmem>>
      %dma_start3A_60 = tpu.memref_squeeze %dma_start3A_59 : memref<1x128xi32, #tpu.memory_space<vmem>> -> memref<128xi32, #tpu.memory_space<vmem>>
      %dma_start3A_61 = arith.constant 0 : i32
      %dma_start3A_62 = arith.constant 0 : i32
      %dma_start3A_63 = tpu.memref_slice %arg4[%dma_start3A_61, %dma_start3A_62] : memref<100001x64xf32, #tpu.memory_space<hbm>> -> memref<100001x64xf32, #tpu.memory_space<hbm>>
      tpu.enqueue_indirect_dma source(%dma_start3A_63 : memref<100001x64xf32, #tpu.memory_space<hbm>>) target(%dma_start3A_57 : memref<128x64xf32, #tpu.memory_space<vmem>>) offsets(%dma_start3A_60 : memref<128xi32, #tpu.memory_space<vmem>>) semaphore(%arg17 : memref<!tpu.dma_semaphore, #tpu.memory_space<semaphore_mem>>)
      %dma_start3A_64 = arith.constant 3 : i32
      %dma_start3A_65 = arith.constant 384 : i32
      %dma_start3A_66 = arith.constant 0 : i32
      %dma_start3A_67 = tpu.memref_slice %arg15[%dma_start3A_65, %dma_start3A_66] : memref<1024x64xf32, #tpu.memory_space<vmem>> -> memref<128x64xf32, #tpu.memory_space<vmem>>
      %dma_start3A_68 = arith.constant 0 : i32
      %dma_start3A_69 = tpu.memref_slice %arg13[%dma_start3A_64, %dma_start3A_68] : memref<8x128xi32, #tpu.memory_space<vmem>> -> memref<1x128xi32, #tpu.memory_space<vmem>>
      %dma_start3A_70 = tpu.memref_squeeze %dma_start3A_69 : memref<1x128xi32, #tpu.memory_space<vmem>> -> memref<128xi32, #tpu.memory_space<vmem>>
      %dma_start3A_71 = arith.constant 0 : i32
      %dma_start3A_72 = arith.constant 0 : i32
      %dma_start3A_73 = tpu.memref_slice %arg4[%dma_start3A_71, %dma_start3A_72] : memref<100001x64xf32, #tpu.memory_space<hbm>> -> memref<100001x64xf32, #tpu.memory_space<hbm>>
      tpu.enqueue_indirect_dma source(%dma_start3A_73 : memref<100001x64xf32, #tpu.memory_space<hbm>>) target(%dma_start3A_67 : memref<128x64xf32, #tpu.memory_space<vmem>>) offsets(%dma_start3A_70 : memref<128xi32, #tpu.memory_space<vmem>>) semaphore(%arg17 : memref<!tpu.dma_semaphore, #tpu.memory_space<semaphore_mem>>)
      %dma_start3A_74 = arith.constant 4 : i32
      %dma_start3A_75 = arith.constant 512 : i32
      %dma_start3A_76 = arith.constant 0 : i32
      %dma_start3A_77 = tpu.memref_slice %arg15[%dma_start3A_75, %dma_start3A_76] : memref<1024x64xf32, #tpu.memory_space<vmem>> -> memref<128x64xf32, #tpu.memory_space<vmem>>
      %dma_start3A_78 = arith.constant 0 : i32
      %dma_start3A_79 = tpu.memref_slice %arg13[%dma_start3A_74, %dma_start3A_78] : memref<8x128xi32, #tpu.memory_space<vmem>> -> memref<1x128xi32, #tpu.memory_space<vmem>>
      %dma_start3A_80 = tpu.memref_squeeze %dma_start3A_79 : memref<1x128xi32, #tpu.memory_space<vmem>> -> memref<128xi32, #tpu.memory_space<vmem>>
      %dma_start3A_81 = arith.constant 0 : i32
      %dma_start3A_82 = arith.constant 0 : i32
      %dma_start3A_83 = tpu.memref_slice %arg4[%dma_start3A_81, %dma_start3A_82] : memref<100001x64xf32, #tpu.memory_space<hbm>> -> memref<100001x64xf32, #tpu.memory_space<hbm>>
      tpu.enqueue_indirect_dma source(%dma_start3A_83 : memref<100001x64xf32, #tpu.memory_space<hbm>>) target(%dma_start3A_77 : memref<128x64xf32, #tpu.memory_space<vmem>>) offsets(%dma_start3A_80 : memref<128xi32, #tpu.memory_space<vmem>>) semaphore(%arg17 : memref<!tpu.dma_semaphore, #tpu.memory_space<semaphore_mem>>)
      %dma_start3A_84 = arith.constant 5 : i32
      %dma_start3A_85 = arith.constant 640 : i32
      %dma_start3A_86 = arith.constant 0 : i32
      %dma_start3A_87 = tpu.memref_slice %arg15[%dma_start3A_85, %dma_start3A_86] : memref<1024x64xf32, #tpu.memory_space<vmem>> -> memref<128x64xf32, #tpu.memory_space<vmem>>
      %dma_start3A_88 = arith.constant 0 : i32
      %dma_start3A_89 = tpu.memref_slice %arg13[%dma_start3A_84, %dma_start3A_88] : memref<8x128xi32, #tpu.memory_space<vmem>> -> memref<1x128xi32, #tpu.memory_space<vmem>>
      %dma_start3A_90 = tpu.memref_squeeze %dma_start3A_89 : memref<1x128xi32, #tpu.memory_space<vmem>> -> memref<128xi32, #tpu.memory_space<vmem>>
      %dma_start3A_91 = arith.constant 0 : i32
      %dma_start3A_92 = arith.constant 0 : i32
      %dma_start3A_93 = tpu.memref_slice %arg4[%dma_start3A_91, %dma_start3A_92] : memref<100001x64xf32, #tpu.memory_space<hbm>> -> memref<100001x64xf32, #tpu.memory_space<hbm>>
      tpu.enqueue_indirect_dma source(%dma_start3A_93 : memref<100001x64xf32, #tpu.memory_space<hbm>>) target(%dma_start3A_87 : memref<128x64xf32, #tpu.memory_space<vmem>>) offsets(%dma_start3A_90 : memref<128xi32, #tpu.memory_space<vmem>>) semaphore(%arg17 : memref<!tpu.dma_semaphore, #tpu.memory_space<semaphore_mem>>)
      %dma_start3A_94 = arith.constant 6 : i32
      %dma_start3A_95 = arith.constant 768 : i32
      %dma_start3A_96 = arith.constant 0 : i32
      %dma_start3A_97 = tpu.memref_slice %arg15[%dma_start3A_95, %dma_start3A_96] : memref<1024x64xf32, #tpu.memory_space<vmem>> -> memref<128x64xf32, #tpu.memory_space<vmem>>
      %dma_start3A_98 = arith.constant 0 : i32
      %dma_start3A_99 = tpu.memref_slice %arg13[%dma_start3A_94, %dma_start3A_98] : memref<8x128xi32, #tpu.memory_space<vmem>> -> memref<1x128xi32, #tpu.memory_space<vmem>>
      %dma_start3A_100 = tpu.memref_squeeze %dma_start3A_99 : memref<1x128xi32, #tpu.memory_space<vmem>> -> memref<128xi32, #tpu.memory_space<vmem>>
      %dma_start3A_101 = arith.constant 0 : i32
      %dma_start3A_102 = arith.constant 0 : i32
      %dma_start3A_103 = tpu.memref_slice %arg4[%dma_start3A_101, %dma_start3A_102] : memref<100001x64xf32, #tpu.memory_space<hbm>> -> memref<100001x64xf32, #tpu.memory_space<hbm>>
      tpu.enqueue_indirect_dma source(%dma_start3A_103 : memref<100001x64xf32, #tpu.memory_space<hbm>>) target(%dma_start3A_97 : memref<128x64xf32, #tpu.memory_space<vmem>>) offsets(%dma_start3A_100 : memref<128xi32, #tpu.memory_space<vmem>>) semaphore(%arg17 : memref<!tpu.dma_semaphore, #tpu.memory_space<semaphore_mem>>)
      %dma_start3A_104 = arith.constant 7 : i32
      %dma_start3A_105 = arith.constant 896 : i32
      %dma_start3A_106 = arith.constant 0 : i32
      %dma_start3A_107 = tpu.memref_slice %arg15[%dma_start3A_105, %dma_start3A_106] : memref<1024x64xf32, #tpu.memory_space<vmem>> -> memref<128x64xf32, #tpu.memory_space<vmem>>
      %dma_start3A_108 = arith.constant 0 : i32
      %dma_start3A_109 = tpu.memref_slice %arg13[%dma_start3A_104, %dma_start3A_108] : memref<8x128xi32, #tpu.memory_space<vmem>> -> memref<1x128xi32, #tpu.memory_space<vmem>>
      %dma_start3A_110 = tpu.memref_squeeze %dma_start3A_109 : memref<1x128xi32, #tpu.memory_space<vmem>> -> memref<128xi32, #tpu.memory_space<vmem>>
      %dma_start3A_111 = arith.constant 0 : i32
      %dma_start3A_112 = arith.constant 0 : i32
      %dma_start3A_113 = tpu.memref_slice %arg4[%dma_start3A_111, %dma_start3A_112] : memref<100001x64xf32, #tpu.memory_space<hbm>> -> memref<100001x64xf32, #tpu.memory_space<hbm>>
      tpu.enqueue_indirect_dma source(%dma_start3A_113 : memref<100001x64xf32, #tpu.memory_space<hbm>>) target(%dma_start3A_107 : memref<128x64xf32, #tpu.memory_space<vmem>>) offsets(%dma_start3A_110 : memref<128xi32, #tpu.memory_space<vmem>>) semaphore(%arg17 : memref<!tpu.dma_semaphore, #tpu.memory_space<semaphore_mem>>)
      %dma_wait3A = arith.constant 0 : i32
      %dma_wait3A_114 = arith.constant 0 : i32
      %dma_wait3A_115 = arith.constant 0 : i32
      %dma_wait3A_116 = tpu.memref_slice %arg15[%dma_wait3A_114, %dma_wait3A_115] : memref<1024x64xf32, #tpu.memory_space<vmem>> -> memref<128x64xf32, #tpu.memory_space<vmem>>
      %dma_wait3A_117 = arith.constant 0 : i32
      %dma_wait3A_118 = tpu.memref_slice %arg13[%dma_wait3A, %dma_wait3A_117] : memref<8x128xi32, #tpu.memory_space<vmem>> -> memref<1x128xi32, #tpu.memory_space<vmem>>
      %dma_wait3A_119 = tpu.memref_squeeze %dma_wait3A_118 : memref<1x128xi32, #tpu.memory_space<vmem>> -> memref<128xi32, #tpu.memory_space<vmem>>
      %dma_wait3A_120 = arith.constant 0 : i32
      %dma_wait3A_121 = arith.constant 0 : i32
      %dma_wait3A_122 = tpu.memref_slice %arg4[%dma_wait3A_120, %dma_wait3A_121] : memref<100001x64xf32, #tpu.memory_space<hbm>> -> memref<100001x64xf32, #tpu.memory_space<hbm>>
      tpu.wait_indirect_dma semaphore(%arg17 : memref<!tpu.dma_semaphore, #tpu.memory_space<semaphore_mem>>) src(%dma_wait3A_122 : memref<100001x64xf32, #tpu.memory_space<hbm>>) dst(%dma_wait3A_116 : memref<128x64xf32, #tpu.memory_space<vmem>>)
      %dma_wait3A_123 = arith.constant 1 : i32
      %dma_wait3A_124 = arith.constant 128 : i32
      %dma_wait3A_125 = arith.constant 0 : i32
      %dma_wait3A_126 = tpu.memref_slice %arg15[%dma_wait3A_124, %dma_wait3A_125] : memref<1024x64xf32, #tpu.memory_space<vmem>> -> memref<128x64xf32, #tpu.memory_space<vmem>>
      %dma_wait3A_127 = arith.constant 0 : i32
      %dma_wait3A_128 = tpu.memref_slice %arg13[%dma_wait3A_123, %dma_wait3A_127] : memref<8x128xi32, #tpu.memory_space<vmem>> -> memref<1x128xi32, #tpu.memory_space<vmem>>
      %dma_wait3A_129 = tpu.memref_squeeze %dma_wait3A_128 : memref<1x128xi32, #tpu.memory_space<vmem>> -> memref<128xi32, #tpu.memory_space<vmem>>
      %dma_wait3A_130 = arith.constant 0 : i32
      %dma_wait3A_131 = arith.constant 0 : i32
      %dma_wait3A_132 = tpu.memref_slice %arg4[%dma_wait3A_130, %dma_wait3A_131] : memref<100001x64xf32, #tpu.memory_space<hbm>> -> memref<100001x64xf32, #tpu.memory_space<hbm>>
      tpu.wait_indirect_dma semaphore(%arg17 : memref<!tpu.dma_semaphore, #tpu.memory_space<semaphore_mem>>) src(%dma_wait3A_132 : memref<100001x64xf32, #tpu.memory_space<hbm>>) dst(%dma_wait3A_126 : memref<128x64xf32, #tpu.memory_space<vmem>>)
      %dma_wait3A_133 = arith.constant 2 : i32
      %dma_wait3A_134 = arith.constant 256 : i32
      %dma_wait3A_135 = arith.constant 0 : i32
      %dma_wait3A_136 = tpu.memref_slice %arg15[%dma_wait3A_134, %dma_wait3A_135] : memref<1024x64xf32, #tpu.memory_space<vmem>> -> memref<128x64xf32, #tpu.memory_space<vmem>>
      %dma_wait3A_137 = arith.constant 0 : i32
      %dma_wait3A_138 = tpu.memref_slice %arg13[%dma_wait3A_133, %dma_wait3A_137] : memref<8x128xi32, #tpu.memory_space<vmem>> -> memref<1x128xi32, #tpu.memory_space<vmem>>
      %dma_wait3A_139 = tpu.memref_squeeze %dma_wait3A_138 : memref<1x128xi32, #tpu.memory_space<vmem>> -> memref<128xi32, #tpu.memory_space<vmem>>
      %dma_wait3A_140 = arith.constant 0 : i32
      %dma_wait3A_141 = arith.constant 0 : i32
      %dma_wait3A_142 = tpu.memref_slice %arg4[%dma_wait3A_140, %dma_wait3A_141] : memref<100001x64xf32, #tpu.memory_space<hbm>> -> memref<100001x64xf32, #tpu.memory_space<hbm>>
      tpu.wait_indirect_dma semaphore(%arg17 : memref<!tpu.dma_semaphore, #tpu.memory_space<semaphore_mem>>) src(%dma_wait3A_142 : memref<100001x64xf32, #tpu.memory_space<hbm>>) dst(%dma_wait3A_136 : memref<128x64xf32, #tpu.memory_space<vmem>>)
      %dma_wait3A_143 = arith.constant 3 : i32
      %dma_wait3A_144 = arith.constant 384 : i32
      %dma_wait3A_145 = arith.constant 0 : i32
      %dma_wait3A_146 = tpu.memref_slice %arg15[%dma_wait3A_144, %dma_wait3A_145] : memref<1024x64xf32, #tpu.memory_space<vmem>> -> memref<128x64xf32, #tpu.memory_space<vmem>>
      %dma_wait3A_147 = arith.constant 0 : i32
      %dma_wait3A_148 = tpu.memref_slice %arg13[%dma_wait3A_143, %dma_wait3A_147] : memref<8x128xi32, #tpu.memory_space<vmem>> -> memref<1x128xi32, #tpu.memory_space<vmem>>
      %dma_wait3A_149 = tpu.memref_squeeze %dma_wait3A_148 : memref<1x128xi32, #tpu.memory_space<vmem>> -> memref<128xi32, #tpu.memory_space<vmem>>
      %dma_wait3A_150 = arith.constant 0 : i32
      %dma_wait3A_151 = arith.constant 0 : i32
      %dma_wait3A_152 = tpu.memref_slice %arg4[%dma_wait3A_150, %dma_wait3A_151] : memref<100001x64xf32, #tpu.memory_space<hbm>> -> memref<100001x64xf32, #tpu.memory_space<hbm>>
      tpu.wait_indirect_dma semaphore(%arg17 : memref<!tpu.dma_semaphore, #tpu.memory_space<semaphore_mem>>) src(%dma_wait3A_152 : memref<100001x64xf32, #tpu.memory_space<hbm>>) dst(%dma_wait3A_146 : memref<128x64xf32, #tpu.memory_space<vmem>>)
      %dma_wait3A_153 = arith.constant 4 : i32
      %dma_wait3A_154 = arith.constant 512 : i32
      %dma_wait3A_155 = arith.constant 0 : i32
      %dma_wait3A_156 = tpu.memref_slice %arg15[%dma_wait3A_154, %dma_wait3A_155] : memref<1024x64xf32, #tpu.memory_space<vmem>> -> memref<128x64xf32, #tpu.memory_space<vmem>>
      %dma_wait3A_157 = arith.constant 0 : i32
      %dma_wait3A_158 = tpu.memref_slice %arg13[%dma_wait3A_153, %dma_wait3A_157] : memref<8x128xi32, #tpu.memory_space<vmem>> -> memref<1x128xi32, #tpu.memory_space<vmem>>
      %dma_wait3A_159 = tpu.memref_squeeze %dma_wait3A_158 : memref<1x128xi32, #tpu.memory_space<vmem>> -> memref<128xi32, #tpu.memory_space<vmem>>
      %dma_wait3A_160 = arith.constant 0 : i32
      %dma_wait3A_161 = arith.constant 0 : i32
      %dma_wait3A_162 = tpu.memref_slice %arg4[%dma_wait3A_160, %dma_wait3A_161] : memref<100001x64xf32, #tpu.memory_space<hbm>> -> memref<100001x64xf32, #tpu.memory_space<hbm>>
      tpu.wait_indirect_dma semaphore(%arg17 : memref<!tpu.dma_semaphore, #tpu.memory_space<semaphore_mem>>) src(%dma_wait3A_162 : memref<100001x64xf32, #tpu.memory_space<hbm>>) dst(%dma_wait3A_156 : memref<128x64xf32, #tpu.memory_space<vmem>>)
      %dma_wait3A_163 = arith.constant 5 : i32
      %dma_wait3A_164 = arith.constant 640 : i32
      %dma_wait3A_165 = arith.constant 0 : i32
      %dma_wait3A_166 = tpu.memref_slice %arg15[%dma_wait3A_164, %dma_wait3A_165] : memref<1024x64xf32, #tpu.memory_space<vmem>> -> memref<128x64xf32, #tpu.memory_space<vmem>>
      %dma_wait3A_167 = arith.constant 0 : i32
      %dma_wait3A_168 = tpu.memref_slice %arg13[%dma_wait3A_163, %dma_wait3A_167] : memref<8x128xi32, #tpu.memory_space<vmem>> -> memref<1x128xi32, #tpu.memory_space<vmem>>
      %dma_wait3A_169 = tpu.memref_squeeze %dma_wait3A_168 : memref<1x128xi32, #tpu.memory_space<vmem>> -> memref<128xi32, #tpu.memory_space<vmem>>
      %dma_wait3A_170 = arith.constant 0 : i32
      %dma_wait3A_171 = arith.constant 0 : i32
      %dma_wait3A_172 = tpu.memref_slice %arg4[%dma_wait3A_170, %dma_wait3A_171] : memref<100001x64xf32, #tpu.memory_space<hbm>> -> memref<100001x64xf32, #tpu.memory_space<hbm>>
      tpu.wait_indirect_dma semaphore(%arg17 : memref<!tpu.dma_semaphore, #tpu.memory_space<semaphore_mem>>) src(%dma_wait3A_172 : memref<100001x64xf32, #tpu.memory_space<hbm>>) dst(%dma_wait3A_166 : memref<128x64xf32, #tpu.memory_space<vmem>>)
      %dma_wait3A_173 = arith.constant 6 : i32
      %dma_wait3A_174 = arith.constant 768 : i32
      %dma_wait3A_175 = arith.constant 0 : i32
      %dma_wait3A_176 = tpu.memref_slice %arg15[%dma_wait3A_174, %dma_wait3A_175] : memref<1024x64xf32, #tpu.memory_space<vmem>> -> memref<128x64xf32, #tpu.memory_space<vmem>>
      %dma_wait3A_177 = arith.constant 0 : i32
      %dma_wait3A_178 = tpu.memref_slice %arg13[%dma_wait3A_173, %dma_wait3A_177] : memref<8x128xi32, #tpu.memory_space<vmem>> -> memref<1x128xi32, #tpu.memory_space<vmem>>
      %dma_wait3A_179 = tpu.memref_squeeze %dma_wait3A_178 : memref<1x128xi32, #tpu.memory_space<vmem>> -> memref<128xi32, #tpu.memory_space<vmem>>
      %dma_wait3A_180 = arith.constant 0 : i32
      %dma_wait3A_181 = arith.constant 0 : i32
      %dma_wait3A_182 = tpu.memref_slice %arg4[%dma_wait3A_180, %dma_wait3A_181] : memref<100001x64xf32, #tpu.memory_space<hbm>> -> memref<100001x64xf32, #tpu.memory_space<hbm>>
      tpu.wait_indirect_dma semaphore(%arg17 : memref<!tpu.dma_semaphore, #tpu.memory_space<semaphore_mem>>) src(%dma_wait3A_182 : memref<100001x64xf32, #tpu.memory_space<hbm>>) dst(%dma_wait3A_176 : memref<128x64xf32, #tpu.memory_space<vmem>>)
      %dma_wait3A_183 = arith.constant 7 : i32
      %dma_wait3A_184 = arith.constant 896 : i32
      %dma_wait3A_185 = arith.constant 0 : i32
      %dma_wait3A_186 = tpu.memref_slice %arg15[%dma_wait3A_184, %dma_wait3A_185] : memref<1024x64xf32, #tpu.memory_space<vmem>> -> memref<128x64xf32, #tpu.memory_space<vmem>>
      %dma_wait3A_187 = arith.constant 0 : i32
      %dma_wait3A_188 = tpu.memref_slice %arg13[%dma_wait3A_183, %dma_wait3A_187] : memref<8x128xi32, #tpu.memory_space<vmem>> -> memref<1x128xi32, #tpu.memory_space<vmem>>
      %dma_wait3A_189 = tpu.memref_squeeze %dma_wait3A_188 : memref<1x128xi32, #tpu.memory_space<vmem>> -> memref<128xi32, #tpu.memory_space<vmem>>
      %dma_wait3A_190 = arith.constant 0 : i32
      %dma_wait3A_191 = arith.constant 0 : i32
      %dma_wait3A_192 = tpu.memref_slice %arg4[%dma_wait3A_190, %dma_wait3A_191] : memref<100001x64xf32, #tpu.memory_space<hbm>> -> memref<100001x64xf32, #tpu.memory_space<hbm>>
      tpu.wait_indirect_dma semaphore(%arg17 : memref<!tpu.dma_semaphore, #tpu.memory_space<semaphore_mem>>) src(%dma_wait3A_192 : memref<100001x64xf32, #tpu.memory_space<hbm>>) dst(%dma_wait3A_186 : memref<128x64xf32, #tpu.memory_space<vmem>>)
      %mul3A_193 = arith.constant 128 : i32
      %mul3A_194 = arith.muli %multiple_of3A, %mul3A_193 : i32
      "tpu.region"() ({
        %run_scoped3A = tpu.sem_alloc : memref<!tpu.dma_semaphore, #tpu.memory_space<semaphore_mem>>
        %dma_start3A_195 = arith.constant 0 : i32
        %dma_start3A_196 = arith.constant 0 : i32
        %dma_start3A_197 = tpu.memref_slice %arg15[%dma_start3A_195, %dma_start3A_196] : memref<1024x64xf32, #tpu.memory_space<vmem>> -> memref<1024x64xf32, #tpu.memory_space<vmem>>
        %dma_start3A_198 = arith.constant 0 : i32
        %dma_start3A_199 = tpu.memref_slice %arg12[%mul3A_194, %dma_start3A_198] : memref<1024x64xf32, #tpu.memory_space<hbm>> -> memref<1024x64xf32, #tpu.memory_space<hbm>>
        %dma_start3A_200 = arith.constant 0 : i32
        %dma_start3A_201 = tpu.memref_slice %arg12[%mul3A_194, %dma_start3A_200] : memref<1024x64xf32, #tpu.memory_space<hbm>> -> memref<1024x64xf32, #tpu.memory_space<hbm>>
        %dma_start3A_202 = arith.constant 0 : i32
        %dma_start3A_203 = arith.constant 0 : i32
        %dma_start3A_204 = tpu.memref_slice %arg15[%dma_start3A_202, %dma_start3A_203] : memref<1024x64xf32, #tpu.memory_space<vmem>> -> memref<1024x64xf32, #tpu.memory_space<vmem>>
        tpu.enqueue_dma source(%dma_start3A_204 : memref<1024x64xf32, #tpu.memory_space<vmem>>) target(%dma_start3A_201 : memref<1024x64xf32, #tpu.memory_space<hbm>>) target_semaphore(%run_scoped3A : memref<!tpu.dma_semaphore, #tpu.memory_space<semaphore_mem>>)
        %dma_wait3A_205 = arith.constant 0 : i32
        %dma_wait3A_206 = arith.constant 0 : i32
        %dma_wait3A_207 = tpu.memref_slice %arg15[%dma_wait3A_205, %dma_wait3A_206] : memref<1024x64xf32, #tpu.memory_space<vmem>> -> memref<1024x64xf32, #tpu.memory_space<vmem>>
        %dma_wait3A_208 = arith.constant 0 : i32
        %dma_wait3A_209 = tpu.memref_slice %arg12[%mul3A_194, %dma_wait3A_208] : memref<1024x64xf32, #tpu.memory_space<hbm>> -> memref<1024x64xf32, #tpu.memory_space<hbm>>
        %dma_wait3A_210 = arith.constant 0 : i32
        %dma_wait3A_211 = tpu.memref_slice %arg12[%mul3A_194, %dma_wait3A_210] : memref<1024x64xf32, #tpu.memory_space<hbm>> -> memref<1024x64xf32, #tpu.memory_space<hbm>>
        %dma_wait3A_212 = arith.constant 0 : i32
        %dma_wait3A_213 = arith.constant 0 : i32
        %dma_wait3A_214 = tpu.memref_slice %arg15[%dma_wait3A_212, %dma_wait3A_213] : memref<1024x64xf32, #tpu.memory_space<vmem>> -> memref<1024x64xf32, #tpu.memory_space<vmem>>
        tpu.wait_dma2 semaphore(%run_scoped3A : memref<!tpu.dma_semaphore, #tpu.memory_space<semaphore_mem>>) src(%dma_wait3A_214 : memref<1024x64xf32, #tpu.memory_space<vmem>>) dst(%dma_wait3A_211 : memref<1024x64xf32, #tpu.memory_space<hbm>>)
        tpu.yield
      }) : () -> ()
    } else {
    }
    %scan3A_30 = arith.constant 1 : i32
    return
  }
}

#map = affine_map<(d0, d1) -> (0, 0)>
module attributes {stable_mosaic.version = 14 : i64} {
  func.func @body(%arg0: i32, %arg1: i32, %arg2: memref<10001x32xf32, #tpu.memory_space<hbm>>, %arg3: memref<10001x32xf32, #tpu.memory_space<hbm>>, %arg4: memref<10001x32xf32, #tpu.memory_space<hbm>>, %arg5: memref<10001x32xf32, #tpu.memory_space<hbm>>, %arg6: memref<10001x32xf32, #tpu.memory_space<hbm>>, %arg7: memref<10001x32xf32, #tpu.memory_space<hbm>>, %arg8: memref<10001x32xf32, #tpu.memory_space<hbm>>, %arg9: memref<1024x200xi32, #tpu.memory_space<hbm>>, %arg10: memref<1024x200xi32, #tpu.memory_space<hbm>>, %arg11: memref<1024x200xi32, #tpu.memory_space<hbm>>, %arg12: memref<1024x200xi32, #tpu.memory_space<hbm>>, %arg13: memref<8x128xi32, #tpu.memory_space<hbm>>, %arg14: memref<8x128xi32, #tpu.memory_space<hbm>>, %arg15: memref<80x128xi32, #tpu.memory_space<hbm>>, %arg16: memref<204800x128xf32, #tpu.memory_space<hbm>>, %arg17: memref<1024x32xf32, #tpu.memory_space<hbm>>, %arg18: memref<1024x32xf32, #tpu.memory_space<hbm>>, %arg19: memref<10240x32xf32, #tpu.memory_space<hbm>>, %arg20: memref<8x128xi32, #tpu.memory_space<vmem>>, %arg21: memref<4x200xi32, #tpu.memory_space<vmem>>, %arg22: memref<1024x32xf32, #tpu.memory_space<vmem>>, %arg23: memref<!tpu.dma_semaphore, #tpu.memory_space<semaphore_mem>>) attributes {dimension_semantics = [#tpu.dimension_semantics<core_parallel>, #tpu.dimension_semantics<subcore_parallel>], iteration_bounds = array<i64: 2, 16>, scalar_prefetch = 0 : i64, scratch_operands = 4 : i64, tpu.core_type = #tpu.core_type<sc_vector_subcore>, window_params = [{transform_indices = #map}, {transform_indices = #map}, {transform_indices = #map}, {transform_indices = #map}, {transform_indices = #map}, {transform_indices = #map}, {transform_indices = #map}, {transform_indices = #map}, {transform_indices = #map}, {transform_indices = #map}, {transform_indices = #map}, {transform_indices = #map}, {transform_indices = #map}, {transform_indices = #map}, {transform_indices = #map}, {transform_indices = #map}, {transform_indices = #map}, {transform_indices = #map}]} {
    %mul3A = arith.constant 2 : i32
    %mul3A_0 = arith.muli %arg1, %mul3A : i32
    %add3A = arith.addi %mul3A_0, %arg0 : i32
    %scan3A = arith.constant 0 : i32
    %scan3A_1 = arith.constant 8 : i32
    %scan3A_2 = arith.addi %scan3A, %scan3A_1 : i32
    %scan3A_3 = arith.constant 1 : i32
    scf.for %scan3A_59 = %scan3A to %scan3A_2 step %scan3A_3  : i32 {
      %mul3A_60 = arith.constant 1 : i32
      %mul3A_61 = arith.muli %scan3A_59, %mul3A_60 : i32
      %add3A_62 = arith.constant 0 : i32
      %add3A_63 = arith.addi %add3A_62, %mul3A_61 : i32
      %mul3A_64 = arith.constant 32 : i32
      %mul3A_65 = arith.muli %add3A_63, %mul3A_64 : i32
      %add3A_66 = arith.addi %add3A, %mul3A_65 : i32
      %mul3A_67 = arith.constant 4 : i32
      %mul3A_68 = arith.muli %add3A_66, %mul3A_67 : i32
      "tpu.region"() ({
        %run_scoped3A = tpu.sem_alloc : memref<!tpu.dma_semaphore, #tpu.memory_space<semaphore_mem>>
        %dma_start3A_229 = arith.constant 0 : i32
        %dma_start3A_230 = tpu.memref_slice %arg9[%mul3A_68, %dma_start3A_229] : memref<1024x200xi32, #tpu.memory_space<hbm>> -> memref<4x200xi32, #tpu.memory_space<hbm>>
        %dma_start3A_231 = arith.constant 0 : i32
        %dma_start3A_232 = tpu.memref_slice %arg9[%mul3A_68, %dma_start3A_231] : memref<1024x200xi32, #tpu.memory_space<hbm>> -> memref<4x200xi32, #tpu.memory_space<hbm>>
        tpu.enqueue_dma source(%dma_start3A_232 : memref<4x200xi32, #tpu.memory_space<hbm>>) target(%arg21 : memref<4x200xi32, #tpu.memory_space<vmem>>) target_semaphore(%run_scoped3A : memref<!tpu.dma_semaphore, #tpu.memory_space<semaphore_mem>>)
        %dma_wait3A_233 = arith.constant 0 : i32
        %dma_wait3A_234 = tpu.memref_slice %arg9[%mul3A_68, %dma_wait3A_233] : memref<1024x200xi32, #tpu.memory_space<hbm>> -> memref<4x200xi32, #tpu.memory_space<hbm>>
        %dma_wait3A_235 = arith.constant 0 : i32
        %dma_wait3A_236 = tpu.memref_slice %arg9[%mul3A_68, %dma_wait3A_235] : memref<1024x200xi32, #tpu.memory_space<hbm>> -> memref<4x200xi32, #tpu.memory_space<hbm>>
        tpu.wait_dma2 semaphore(%run_scoped3A : memref<!tpu.dma_semaphore, #tpu.memory_space<semaphore_mem>>) src(%dma_wait3A_236 : memref<4x200xi32, #tpu.memory_space<hbm>>) dst(%arg21 : memref<4x200xi32, #tpu.memory_space<vmem>>)
        tpu.yield
      }) : () -> ()
      %dma_start3A = arith.constant 0 : i32
      %dma_start3A_69 = arith.constant 0 : i32
      %dma_start3A_70 = arith.constant 0 : i32
      %dma_start3A_71 = tpu.memref_slice %arg22[%dma_start3A_69, %dma_start3A_70] : memref<1024x32xf32, #tpu.memory_space<vmem>> -> memref<128x32xf32, #tpu.memory_space<vmem>>
      %dma_start3A_72 = arith.constant 0 : i32
      %dma_start3A_73 = tpu.memref_slice %arg21[%dma_start3A, %dma_start3A_72] : memref<4x200xi32, #tpu.memory_space<vmem>> -> memref<1x128xi32, #tpu.memory_space<vmem>>
      %dma_start3A_74 = tpu.memref_squeeze %dma_start3A_73 : memref<1x128xi32, #tpu.memory_space<vmem>> -> memref<128xi32, #tpu.memory_space<vmem>>
      %dma_start3A_75 = arith.constant 0 : i32
      %dma_start3A_76 = arith.constant 0 : i32
      %dma_start3A_77 = tpu.memref_slice %arg2[%dma_start3A_75, %dma_start3A_76] : memref<10001x32xf32, #tpu.memory_space<hbm>> -> memref<10001x32xf32, #tpu.memory_space<hbm>>
      tpu.enqueue_indirect_dma source(%dma_start3A_77 : memref<10001x32xf32, #tpu.memory_space<hbm>>) target(%dma_start3A_71 : memref<128x32xf32, #tpu.memory_space<vmem>>) offsets(%dma_start3A_74 : memref<128xi32, #tpu.memory_space<vmem>>) semaphore(%arg23 : memref<!tpu.dma_semaphore, #tpu.memory_space<semaphore_mem>>)
      %dma_start3A_78 = arith.constant 0 : i32
      %dma_start3A_79 = arith.constant 128 : i32
      %dma_start3A_80 = arith.constant 0 : i32
      %dma_start3A_81 = tpu.memref_slice %arg22[%dma_start3A_79, %dma_start3A_80] : memref<1024x32xf32, #tpu.memory_space<vmem>> -> memref<72x32xf32, #tpu.memory_space<vmem>>
      %dma_start3A_82 = arith.constant 128 : i32
      %dma_start3A_83 = tpu.memref_slice %arg21[%dma_start3A_78, %dma_start3A_82] : memref<4x200xi32, #tpu.memory_space<vmem>> -> memref<1x72xi32, #tpu.memory_space<vmem>>
      %dma_start3A_84 = tpu.memref_squeeze %dma_start3A_83 : memref<1x72xi32, #tpu.memory_space<vmem>> -> memref<72xi32, #tpu.memory_space<vmem>>
      %dma_start3A_85 = arith.constant 0 : i32
      %dma_start3A_86 = arith.constant 0 : i32
      %dma_start3A_87 = tpu.memref_slice %arg2[%dma_start3A_85, %dma_start3A_86] : memref<10001x32xf32, #tpu.memory_space<hbm>> -> memref<10001x32xf32, #tpu.memory_space<hbm>>
      tpu.enqueue_indirect_dma source(%dma_start3A_87 : memref<10001x32xf32, #tpu.memory_space<hbm>>) target(%dma_start3A_81 : memref<72x32xf32, #tpu.memory_space<vmem>>) offsets(%dma_start3A_84 : memref<72xi32, #tpu.memory_space<vmem>>) semaphore(%arg23 : memref<!tpu.dma_semaphore, #tpu.memory_space<semaphore_mem>>)
      %dma_start3A_88 = arith.constant 1 : i32
      %dma_start3A_89 = arith.constant 200 : i32
      %dma_start3A_90 = arith.constant 0 : i32
      %dma_start3A_91 = tpu.memref_slice %arg22[%dma_start3A_89, %dma_start3A_90] : memref<1024x32xf32, #tpu.memory_space<vmem>> -> memref<128x32xf32, #tpu.memory_space<vmem>>
      %dma_start3A_92 = arith.constant 0 : i32
      %dma_start3A_93 = tpu.memref_slice %arg21[%dma_start3A_88, %dma_start3A_92] : memref<4x200xi32, #tpu.memory_space<vmem>> -> memref<1x128xi32, #tpu.memory_space<vmem>>
      %dma_start3A_94 = tpu.memref_squeeze %dma_start3A_93 : memref<1x128xi32, #tpu.memory_space<vmem>> -> memref<128xi32, #tpu.memory_space<vmem>>
      %dma_start3A_95 = arith.constant 0 : i32
      %dma_start3A_96 = arith.constant 0 : i32
      %dma_start3A_97 = tpu.memref_slice %arg2[%dma_start3A_95, %dma_start3A_96] : memref<10001x32xf32, #tpu.memory_space<hbm>> -> memref<10001x32xf32, #tpu.memory_space<hbm>>
      tpu.enqueue_indirect_dma source(%dma_start3A_97 : memref<10001x32xf32, #tpu.memory_space<hbm>>) target(%dma_start3A_91 : memref<128x32xf32, #tpu.memory_space<vmem>>) offsets(%dma_start3A_94 : memref<128xi32, #tpu.memory_space<vmem>>) semaphore(%arg23 : memref<!tpu.dma_semaphore, #tpu.memory_space<semaphore_mem>>)
      %dma_start3A_98 = arith.constant 1 : i32
      %dma_start3A_99 = arith.constant 328 : i32
      %dma_start3A_100 = arith.constant 0 : i32
      %dma_start3A_101 = tpu.memref_slice %arg22[%dma_start3A_99, %dma_start3A_100] : memref<1024x32xf32, #tpu.memory_space<vmem>> -> memref<72x32xf32, #tpu.memory_space<vmem>>
      %dma_start3A_102 = arith.constant 128 : i32
      %dma_start3A_103 = tpu.memref_slice %arg21[%dma_start3A_98, %dma_start3A_102] : memref<4x200xi32, #tpu.memory_space<vmem>> -> memref<1x72xi32, #tpu.memory_space<vmem>>
      %dma_start3A_104 = tpu.memref_squeeze %dma_start3A_103 : memref<1x72xi32, #tpu.memory_space<vmem>> -> memref<72xi32, #tpu.memory_space<vmem>>
      %dma_start3A_105 = arith.constant 0 : i32
      %dma_start3A_106 = arith.constant 0 : i32
      %dma_start3A_107 = tpu.memref_slice %arg2[%dma_start3A_105, %dma_start3A_106] : memref<10001x32xf32, #tpu.memory_space<hbm>> -> memref<10001x32xf32, #tpu.memory_space<hbm>>
      tpu.enqueue_indirect_dma source(%dma_start3A_107 : memref<10001x32xf32, #tpu.memory_space<hbm>>) target(%dma_start3A_101 : memref<72x32xf32, #tpu.memory_space<vmem>>) offsets(%dma_start3A_104 : memref<72xi32, #tpu.memory_space<vmem>>) semaphore(%arg23 : memref<!tpu.dma_semaphore, #tpu.memory_space<semaphore_mem>>)
      %dma_start3A_108 = arith.constant 2 : i32
      %dma_start3A_109 = arith.constant 400 : i32
      %dma_start3A_110 = arith.constant 0 : i32
      %dma_start3A_111 = tpu.memref_slice %arg22[%dma_start3A_109, %dma_start3A_110] : memref<1024x32xf32, #tpu.memory_space<vmem>> -> memref<128x32xf32, #tpu.memory_space<vmem>>
      %dma_start3A_112 = arith.constant 0 : i32
      %dma_start3A_113 = tpu.memref_slice %arg21[%dma_start3A_108, %dma_start3A_112] : memref<4x200xi32, #tpu.memory_space<vmem>> -> memref<1x128xi32, #tpu.memory_space<vmem>>
      %dma_start3A_114 = tpu.memref_squeeze %dma_start3A_113 : memref<1x128xi32, #tpu.memory_space<vmem>> -> memref<128xi32, #tpu.memory_space<vmem>>
      %dma_start3A_115 = arith.constant 0 : i32
      %dma_start3A_116 = arith.constant 0 : i32
      %dma_start3A_117 = tpu.memref_slice %arg2[%dma_start3A_115, %dma_start3A_116] : memref<10001x32xf32, #tpu.memory_space<hbm>> -> memref<10001x32xf32, #tpu.memory_space<hbm>>
      tpu.enqueue_indirect_dma source(%dma_start3A_117 : memref<10001x32xf32, #tpu.memory_space<hbm>>) target(%dma_start3A_111 : memref<128x32xf32, #tpu.memory_space<vmem>>) offsets(%dma_start3A_114 : memref<128xi32, #tpu.memory_space<vmem>>) semaphore(%arg23 : memref<!tpu.dma_semaphore, #tpu.memory_space<semaphore_mem>>)
      %dma_start3A_118 = arith.constant 2 : i32
      %dma_start3A_119 = arith.constant 528 : i32
      %dma_start3A_120 = arith.constant 0 : i32
      %dma_start3A_121 = tpu.memref_slice %arg22[%dma_start3A_119, %dma_start3A_120] : memref<1024x32xf32, #tpu.memory_space<vmem>> -> memref<72x32xf32, #tpu.memory_space<vmem>>
      %dma_start3A_122 = arith.constant 128 : i32
      %dma_start3A_123 = tpu.memref_slice %arg21[%dma_start3A_118, %dma_start3A_122] : memref<4x200xi32, #tpu.memory_space<vmem>> -> memref<1x72xi32, #tpu.memory_space<vmem>>
      %dma_start3A_124 = tpu.memref_squeeze %dma_start3A_123 : memref<1x72xi32, #tpu.memory_space<vmem>> -> memref<72xi32, #tpu.memory_space<vmem>>
      %dma_start3A_125 = arith.constant 0 : i32
      %dma_start3A_126 = arith.constant 0 : i32
      %dma_start3A_127 = tpu.memref_slice %arg2[%dma_start3A_125, %dma_start3A_126] : memref<10001x32xf32, #tpu.memory_space<hbm>> -> memref<10001x32xf32, #tpu.memory_space<hbm>>
      tpu.enqueue_indirect_dma source(%dma_start3A_127 : memref<10001x32xf32, #tpu.memory_space<hbm>>) target(%dma_start3A_121 : memref<72x32xf32, #tpu.memory_space<vmem>>) offsets(%dma_start3A_124 : memref<72xi32, #tpu.memory_space<vmem>>) semaphore(%arg23 : memref<!tpu.dma_semaphore, #tpu.memory_space<semaphore_mem>>)
      %dma_start3A_128 = arith.constant 3 : i32
      %dma_start3A_129 = arith.constant 600 : i32
      %dma_start3A_130 = arith.constant 0 : i32
      %dma_start3A_131 = tpu.memref_slice %arg22[%dma_start3A_129, %dma_start3A_130] : memref<1024x32xf32, #tpu.memory_space<vmem>> -> memref<128x32xf32, #tpu.memory_space<vmem>>
      %dma_start3A_132 = arith.constant 0 : i32
      %dma_start3A_133 = tpu.memref_slice %arg21[%dma_start3A_128, %dma_start3A_132] : memref<4x200xi32, #tpu.memory_space<vmem>> -> memref<1x128xi32, #tpu.memory_space<vmem>>
      %dma_start3A_134 = tpu.memref_squeeze %dma_start3A_133 : memref<1x128xi32, #tpu.memory_space<vmem>> -> memref<128xi32, #tpu.memory_space<vmem>>
      %dma_start3A_135 = arith.constant 0 : i32
      %dma_start3A_136 = arith.constant 0 : i32
      %dma_start3A_137 = tpu.memref_slice %arg2[%dma_start3A_135, %dma_start3A_136] : memref<10001x32xf32, #tpu.memory_space<hbm>> -> memref<10001x32xf32, #tpu.memory_space<hbm>>
      tpu.enqueue_indirect_dma source(%dma_start3A_137 : memref<10001x32xf32, #tpu.memory_space<hbm>>) target(%dma_start3A_131 : memref<128x32xf32, #tpu.memory_space<vmem>>) offsets(%dma_start3A_134 : memref<128xi32, #tpu.memory_space<vmem>>) semaphore(%arg23 : memref<!tpu.dma_semaphore, #tpu.memory_space<semaphore_mem>>)
      %dma_start3A_138 = arith.constant 3 : i32
      %dma_start3A_139 = arith.constant 728 : i32
      %dma_start3A_140 = arith.constant 0 : i32
      %dma_start3A_141 = tpu.memref_slice %arg22[%dma_start3A_139, %dma_start3A_140] : memref<1024x32xf32, #tpu.memory_space<vmem>> -> memref<72x32xf32, #tpu.memory_space<vmem>>
      %dma_start3A_142 = arith.constant 128 : i32
      %dma_start3A_143 = tpu.memref_slice %arg21[%dma_start3A_138, %dma_start3A_142] : memref<4x200xi32, #tpu.memory_space<vmem>> -> memref<1x72xi32, #tpu.memory_space<vmem>>
      %dma_start3A_144 = tpu.memref_squeeze %dma_start3A_143 : memref<1x72xi32, #tpu.memory_space<vmem>> -> memref<72xi32, #tpu.memory_space<vmem>>
      %dma_start3A_145 = arith.constant 0 : i32
      %dma_start3A_146 = arith.constant 0 : i32
      %dma_start3A_147 = tpu.memref_slice %arg2[%dma_start3A_145, %dma_start3A_146] : memref<10001x32xf32, #tpu.memory_space<hbm>> -> memref<10001x32xf32, #tpu.memory_space<hbm>>
      tpu.enqueue_indirect_dma source(%dma_start3A_147 : memref<10001x32xf32, #tpu.memory_space<hbm>>) target(%dma_start3A_141 : memref<72x32xf32, #tpu.memory_space<vmem>>) offsets(%dma_start3A_144 : memref<72xi32, #tpu.memory_space<vmem>>) semaphore(%arg23 : memref<!tpu.dma_semaphore, #tpu.memory_space<semaphore_mem>>)
      %dma_wait3A = arith.constant 0 : i32
      %dma_wait3A_148 = arith.constant 0 : i32
      %dma_wait3A_149 = arith.constant 0 : i32
      %dma_wait3A_150 = tpu.memref_slice %arg22[%dma_wait3A_148, %dma_wait3A_149] : memref<1024x32xf32, #tpu.memory_space<vmem>> -> memref<128x32xf32, #tpu.memory_space<vmem>>
      %dma_wait3A_151 = arith.constant 0 : i32
      %dma_wait3A_152 = tpu.memref_slice %arg21[%dma_wait3A, %dma_wait3A_151] : memref<4x200xi32, #tpu.memory_space<vmem>> -> memref<1x128xi32, #tpu.memory_space<vmem>>
      %dma_wait3A_153 = tpu.memref_squeeze %dma_wait3A_152 : memref<1x128xi32, #tpu.memory_space<vmem>> -> memref<128xi32, #tpu.memory_space<vmem>>
      %dma_wait3A_154 = arith.constant 0 : i32
      %dma_wait3A_155 = arith.constant 0 : i32
      %dma_wait3A_156 = tpu.memref_slice %arg2[%dma_wait3A_154, %dma_wait3A_155] : memref<10001x32xf32, #tpu.memory_space<hbm>> -> memref<10001x32xf32, #tpu.memory_space<hbm>>
      tpu.wait_indirect_dma semaphore(%arg23 : memref<!tpu.dma_semaphore, #tpu.memory_space<semaphore_mem>>) src(%dma_wait3A_156 : memref<10001x32xf32, #tpu.memory_space<hbm>>) dst(%dma_wait3A_150 : memref<128x32xf32, #tpu.memory_space<vmem>>)
      %dma_wait3A_157 = arith.constant 0 : i32
      %dma_wait3A_158 = arith.constant 128 : i32
      %dma_wait3A_159 = arith.constant 0 : i32
      %dma_wait3A_160 = tpu.memref_slice %arg22[%dma_wait3A_158, %dma_wait3A_159] : memref<1024x32xf32, #tpu.memory_space<vmem>> -> memref<72x32xf32, #tpu.memory_space<vmem>>
      %dma_wait3A_161 = arith.constant 128 : i32
      %dma_wait3A_162 = tpu.memref_slice %arg21[%dma_wait3A_157, %dma_wait3A_161] : memref<4x200xi32, #tpu.memory_space<vmem>> -> memref<1x72xi32, #tpu.memory_space<vmem>>
      %dma_wait3A_163 = tpu.memref_squeeze %dma_wait3A_162 : memref<1x72xi32, #tpu.memory_space<vmem>> -> memref<72xi32, #tpu.memory_space<vmem>>
      %dma_wait3A_164 = arith.constant 0 : i32
      %dma_wait3A_165 = arith.constant 0 : i32
      %dma_wait3A_166 = tpu.memref_slice %arg2[%dma_wait3A_164, %dma_wait3A_165] : memref<10001x32xf32, #tpu.memory_space<hbm>> -> memref<10001x32xf32, #tpu.memory_space<hbm>>
      tpu.wait_indirect_dma semaphore(%arg23 : memref<!tpu.dma_semaphore, #tpu.memory_space<semaphore_mem>>) src(%dma_wait3A_166 : memref<10001x32xf32, #tpu.memory_space<hbm>>) dst(%dma_wait3A_160 : memref<72x32xf32, #tpu.memory_space<vmem>>)
      %dma_wait3A_167 = arith.constant 1 : i32
      %dma_wait3A_168 = arith.constant 200 : i32
      %dma_wait3A_169 = arith.constant 0 : i32
      %dma_wait3A_170 = tpu.memref_slice %arg22[%dma_wait3A_168, %dma_wait3A_169] : memref<1024x32xf32, #tpu.memory_space<vmem>> -> memref<128x32xf32, #tpu.memory_space<vmem>>
      %dma_wait3A_171 = arith.constant 0 : i32
      %dma_wait3A_172 = tpu.memref_slice %arg21[%dma_wait3A_167, %dma_wait3A_171] : memref<4x200xi32, #tpu.memory_space<vmem>> -> memref<1x128xi32, #tpu.memory_space<vmem>>
      %dma_wait3A_173 = tpu.memref_squeeze %dma_wait3A_172 : memref<1x128xi32, #tpu.memory_space<vmem>> -> memref<128xi32, #tpu.memory_space<vmem>>
      %dma_wait3A_174 = arith.constant 0 : i32
      %dma_wait3A_175 = arith.constant 0 : i32
      %dma_wait3A_176 = tpu.memref_slice %arg2[%dma_wait3A_174, %dma_wait3A_175] : memref<10001x32xf32, #tpu.memory_space<hbm>> -> memref<10001x32xf32, #tpu.memory_space<hbm>>
      tpu.wait_indirect_dma semaphore(%arg23 : memref<!tpu.dma_semaphore, #tpu.memory_space<semaphore_mem>>) src(%dma_wait3A_176 : memref<10001x32xf32, #tpu.memory_space<hbm>>) dst(%dma_wait3A_170 : memref<128x32xf32, #tpu.memory_space<vmem>>)
      %dma_wait3A_177 = arith.constant 1 : i32
      %dma_wait3A_178 = arith.constant 328 : i32
      %dma_wait3A_179 = arith.constant 0 : i32
      %dma_wait3A_180 = tpu.memref_slice %arg22[%dma_wait3A_178, %dma_wait3A_179] : memref<1024x32xf32, #tpu.memory_space<vmem>> -> memref<72x32xf32, #tpu.memory_space<vmem>>
      %dma_wait3A_181 = arith.constant 128 : i32
      %dma_wait3A_182 = tpu.memref_slice %arg21[%dma_wait3A_177, %dma_wait3A_181] : memref<4x200xi32, #tpu.memory_space<vmem>> -> memref<1x72xi32, #tpu.memory_space<vmem>>
      %dma_wait3A_183 = tpu.memref_squeeze %dma_wait3A_182 : memref<1x72xi32, #tpu.memory_space<vmem>> -> memref<72xi32, #tpu.memory_space<vmem>>
      %dma_wait3A_184 = arith.constant 0 : i32
      %dma_wait3A_185 = arith.constant 0 : i32
      %dma_wait3A_186 = tpu.memref_slice %arg2[%dma_wait3A_184, %dma_wait3A_185] : memref<10001x32xf32, #tpu.memory_space<hbm>> -> memref<10001x32xf32, #tpu.memory_space<hbm>>
      tpu.wait_indirect_dma semaphore(%arg23 : memref<!tpu.dma_semaphore, #tpu.memory_space<semaphore_mem>>) src(%dma_wait3A_186 : memref<10001x32xf32, #tpu.memory_space<hbm>>) dst(%dma_wait3A_180 : memref<72x32xf32, #tpu.memory_space<vmem>>)
      %dma_wait3A_187 = arith.constant 2 : i32
      %dma_wait3A_188 = arith.constant 400 : i32
      %dma_wait3A_189 = arith.constant 0 : i32
      %dma_wait3A_190 = tpu.memref_slice %arg22[%dma_wait3A_188, %dma_wait3A_189] : memref<1024x32xf32, #tpu.memory_space<vmem>> -> memref<128x32xf32, #tpu.memory_space<vmem>>
      %dma_wait3A_191 = arith.constant 0 : i32
      %dma_wait3A_192 = tpu.memref_slice %arg21[%dma_wait3A_187, %dma_wait3A_191] : memref<4x200xi32, #tpu.memory_space<vmem>> -> memref<1x128xi32, #tpu.memory_space<vmem>>
      %dma_wait3A_193 = tpu.memref_squeeze %dma_wait3A_192 : memref<1x128xi32, #tpu.memory_space<vmem>> -> memref<128xi32, #tpu.memory_space<vmem>>
      %dma_wait3A_194 = arith.constant 0 : i32
      %dma_wait3A_195 = arith.constant 0 : i32
      %dma_wait3A_196 = tpu.memref_slice %arg2[%dma_wait3A_194, %dma_wait3A_195] : memref<10001x32xf32, #tpu.memory_space<hbm>> -> memref<10001x32xf32, #tpu.memory_space<hbm>>
      tpu.wait_indirect_dma semaphore(%arg23 : memref<!tpu.dma_semaphore, #tpu.memory_space<semaphore_mem>>) src(%dma_wait3A_196 : memref<10001x32xf32, #tpu.memory_space<hbm>>) dst(%dma_wait3A_190 : memref<128x32xf32, #tpu.memory_space<vmem>>)
      %dma_wait3A_197 = arith.constant 2 : i32
      %dma_wait3A_198 = arith.constant 528 : i32
      %dma_wait3A_199 = arith.constant 0 : i32
      %dma_wait3A_200 = tpu.memref_slice %arg22[%dma_wait3A_198, %dma_wait3A_199] : memref<1024x32xf32, #tpu.memory_space<vmem>> -> memref<72x32xf32, #tpu.memory_space<vmem>>
      %dma_wait3A_201 = arith.constant 128 : i32
      %dma_wait3A_202 = tpu.memref_slice %arg21[%dma_wait3A_197, %dma_wait3A_201] : memref<4x200xi32, #tpu.memory_space<vmem>> -> memref<1x72xi32, #tpu.memory_space<vmem>>
      %dma_wait3A_203 = tpu.memref_squeeze %dma_wait3A_202 : memref<1x72xi32, #tpu.memory_space<vmem>> -> memref<72xi32, #tpu.memory_space<vmem>>
      %dma_wait3A_204 = arith.constant 0 : i32
      %dma_wait3A_205 = arith.constant 0 : i32
      %dma_wait3A_206 = tpu.memref_slice %arg2[%dma_wait3A_204, %dma_wait3A_205] : memref<10001x32xf32, #tpu.memory_space<hbm>> -> memref<10001x32xf32, #tpu.memory_space<hbm>>
      tpu.wait_indirect_dma semaphore(%arg23 : memref<!tpu.dma_semaphore, #tpu.memory_space<semaphore_mem>>) src(%dma_wait3A_206 : memref<10001x32xf32, #tpu.memory_space<hbm>>) dst(%dma_wait3A_200 : memref<72x32xf32, #tpu.memory_space<vmem>>)
      %dma_wait3A_207 = arith.constant 3 : i32
      %dma_wait3A_208 = arith.constant 600 : i32
      %dma_wait3A_209 = arith.constant 0 : i32
      %dma_wait3A_210 = tpu.memref_slice %arg22[%dma_wait3A_208, %dma_wait3A_209] : memref<1024x32xf32, #tpu.memory_space<vmem>> -> memref<128x32xf32, #tpu.memory_space<vmem>>
      %dma_wait3A_211 = arith.constant 0 : i32
      %dma_wait3A_212 = tpu.memref_slice %arg21[%dma_wait3A_207, %dma_wait3A_211] : memref<4x200xi32, #tpu.memory_space<vmem>> -> memref<1x128xi32, #tpu.memory_space<vmem>>
      %dma_wait3A_213 = tpu.memref_squeeze %dma_wait3A_212 : memref<1x128xi32, #tpu.memory_space<vmem>> -> memref<128xi32, #tpu.memory_space<vmem>>
      %dma_wait3A_214 = arith.constant 0 : i32
      %dma_wait3A_215 = arith.constant 0 : i32
      %dma_wait3A_216 = tpu.memref_slice %arg2[%dma_wait3A_214, %dma_wait3A_215] : memref<10001x32xf32, #tpu.memory_space<hbm>> -> memref<10001x32xf32, #tpu.memory_space<hbm>>
      tpu.wait_indirect_dma semaphore(%arg23 : memref<!tpu.dma_semaphore, #tpu.memory_space<semaphore_mem>>) src(%dma_wait3A_216 : memref<10001x32xf32, #tpu.memory_space<hbm>>) dst(%dma_wait3A_210 : memref<128x32xf32, #tpu.memory_space<vmem>>)
      %dma_wait3A_217 = arith.constant 3 : i32
      %dma_wait3A_218 = arith.constant 728 : i32
      %dma_wait3A_219 = arith.constant 0 : i32
      %dma_wait3A_220 = tpu.memref_slice %arg22[%dma_wait3A_218, %dma_wait3A_219] : memref<1024x32xf32, #tpu.memory_space<vmem>> -> memref<72x32xf32, #tpu.memory_space<vmem>>
      %dma_wait3A_221 = arith.constant 128 : i32
      %dma_wait3A_222 = tpu.memref_slice %arg21[%dma_wait3A_217, %dma_wait3A_221] : memref<4x200xi32, #tpu.memory_space<vmem>> -> memref<1x72xi32, #tpu.memory_space<vmem>>
      %dma_wait3A_223 = tpu.memref_squeeze %dma_wait3A_222 : memref<1x72xi32, #tpu.memory_space<vmem>> -> memref<72xi32, #tpu.memory_space<vmem>>
      %dma_wait3A_224 = arith.constant 0 : i32
      %dma_wait3A_225 = arith.constant 0 : i32
      %dma_wait3A_226 = tpu.memref_slice %arg2[%dma_wait3A_224, %dma_wait3A_225] : memref<10001x32xf32, #tpu.memory_space<hbm>> -> memref<10001x32xf32, #tpu.memory_space<hbm>>
      tpu.wait_indirect_dma semaphore(%arg23 : memref<!tpu.dma_semaphore, #tpu.memory_space<semaphore_mem>>) src(%dma_wait3A_226 : memref<10001x32xf32, #tpu.memory_space<hbm>>) dst(%dma_wait3A_220 : memref<72x32xf32, #tpu.memory_space<vmem>>)
      %mul3A_227 = arith.constant 200 : i32
      %mul3A_228 = arith.muli %mul3A_68, %mul3A_227 : i32
      "tpu.region"() ({
        %run_scoped3A = tpu.sem_alloc : memref<!tpu.dma_semaphore, #tpu.memory_space<semaphore_mem>>
        %dma_start3A_229 = arith.constant 0 : i32
        %dma_start3A_230 = arith.constant 0 : i32
        %dma_start3A_231 = tpu.memref_slice %arg22[%dma_start3A_229, %dma_start3A_230] : memref<1024x32xf32, #tpu.memory_space<vmem>> -> memref<800x32xf32, #tpu.memory_space<vmem>>
        %dma_start3A_232 = arith.constant 0 : i32
        %dma_start3A_233 = tpu.memref_slice %arg16[%mul3A_228, %dma_start3A_232] : memref<204800x128xf32, #tpu.memory_space<hbm>> -> memref<800x32xf32, #tpu.memory_space<hbm>>
        %dma_start3A_234 = arith.constant 0 : i32
        %dma_start3A_235 = tpu.memref_slice %arg16[%mul3A_228, %dma_start3A_234] : memref<204800x128xf32, #tpu.memory_space<hbm>> -> memref<800x32xf32, #tpu.memory_space<hbm>>
        %dma_start3A_236 = arith.constant 0 : i32
        %dma_start3A_237 = arith.constant 0 : i32
        %dma_start3A_238 = tpu.memref_slice %arg22[%dma_start3A_236, %dma_start3A_237] : memref<1024x32xf32, #tpu.memory_space<vmem>> -> memref<800x32xf32, #tpu.memory_space<vmem>>
        tpu.enqueue_dma source(%dma_start3A_238 : memref<800x32xf32, #tpu.memory_space<vmem>>) target(%dma_start3A_235 : memref<800x32xf32, #tpu.memory_space<hbm>>) target_semaphore(%run_scoped3A : memref<!tpu.dma_semaphore, #tpu.memory_space<semaphore_mem>>)
        %dma_wait3A_239 = arith.constant 0 : i32
        %dma_wait3A_240 = arith.constant 0 : i32
        %dma_wait3A_241 = tpu.memref_slice %arg22[%dma_wait3A_239, %dma_wait3A_240] : memref<1024x32xf32, #tpu.memory_space<vmem>> -> memref<800x32xf32, #tpu.memory_space<vmem>>
        %dma_wait3A_242 = arith.constant 0 : i32
        %dma_wait3A_243 = tpu.memref_slice %arg16[%mul3A_228, %dma_wait3A_242] : memref<204800x128xf32, #tpu.memory_space<hbm>> -> memref<800x32xf32, #tpu.memory_space<hbm>>
        %dma_wait3A_244 = arith.constant 0 : i32
        %dma_wait3A_245 = tpu.memref_slice %arg16[%mul3A_228, %dma_wait3A_244] : memref<204800x128xf32, #tpu.memory_space<hbm>> -> memref<800x32xf32, #tpu.memory_space<hbm>>
        %dma_wait3A_246 = arith.constant 0 : i32
        %dma_wait3A_247 = arith.constant 0 : i32
        %dma_wait3A_248 = tpu.memref_slice %arg22[%dma_wait3A_246, %dma_wait3A_247] : memref<1024x32xf32, #tpu.memory_space<vmem>> -> memref<800x32xf32, #tpu.memory_space<vmem>>
        tpu.wait_dma2 semaphore(%run_scoped3A : memref<!tpu.dma_semaphore, #tpu.memory_space<semaphore_mem>>) src(%dma_wait3A_248 : memref<800x32xf32, #tpu.memory_space<vmem>>) dst(%dma_wait3A_245 : memref<800x32xf32, #tpu.memory_space<hbm>>)
        tpu.yield
      }) : () -> ()
    }
    %scan3A_4 = arith.constant 8 : i32
    %scan3A_5 = arith.constant 0 : i32
    %scan3A_6 = arith.constant 8 : i32
    %scan3A_7 = arith.addi %scan3A_5, %scan3A_6 : i32
    %scan3A_8 = arith.constant 1 : i32
    scf.for %scan3A_59 = %scan3A_5 to %scan3A_7 step %scan3A_8  : i32 {
      %mul3A_60 = arith.constant 1 : i32
      %mul3A_61 = arith.muli %scan3A_59, %mul3A_60 : i32
      %add3A_62 = arith.constant 0 : i32
      %add3A_63 = arith.addi %add3A_62, %mul3A_61 : i32
      %mul3A_64 = arith.constant 32 : i32
      %mul3A_65 = arith.muli %add3A_63, %mul3A_64 : i32
      %add3A_66 = arith.addi %add3A, %mul3A_65 : i32
      %mul3A_67 = arith.constant 4 : i32
      %mul3A_68 = arith.muli %add3A_66, %mul3A_67 : i32
      "tpu.region"() ({
        %run_scoped3A = tpu.sem_alloc : memref<!tpu.dma_semaphore, #tpu.memory_space<semaphore_mem>>
        %dma_start3A_229 = arith.constant 0 : i32
        %dma_start3A_230 = tpu.memref_slice %arg10[%mul3A_68, %dma_start3A_229] : memref<1024x200xi32, #tpu.memory_space<hbm>> -> memref<4x200xi32, #tpu.memory_space<hbm>>
        %dma_start3A_231 = arith.constant 0 : i32
        %dma_start3A_232 = tpu.memref_slice %arg10[%mul3A_68, %dma_start3A_231] : memref<1024x200xi32, #tpu.memory_space<hbm>> -> memref<4x200xi32, #tpu.memory_space<hbm>>
        tpu.enqueue_dma source(%dma_start3A_232 : memref<4x200xi32, #tpu.memory_space<hbm>>) target(%arg21 : memref<4x200xi32, #tpu.memory_space<vmem>>) target_semaphore(%run_scoped3A : memref<!tpu.dma_semaphore, #tpu.memory_space<semaphore_mem>>)
        %dma_wait3A_233 = arith.constant 0 : i32
        %dma_wait3A_234 = tpu.memref_slice %arg10[%mul3A_68, %dma_wait3A_233] : memref<1024x200xi32, #tpu.memory_space<hbm>> -> memref<4x200xi32, #tpu.memory_space<hbm>>
        %dma_wait3A_235 = arith.constant 0 : i32
        %dma_wait3A_236 = tpu.memref_slice %arg10[%mul3A_68, %dma_wait3A_235] : memref<1024x200xi32, #tpu.memory_space<hbm>> -> memref<4x200xi32, #tpu.memory_space<hbm>>
        tpu.wait_dma2 semaphore(%run_scoped3A : memref<!tpu.dma_semaphore, #tpu.memory_space<semaphore_mem>>) src(%dma_wait3A_236 : memref<4x200xi32, #tpu.memory_space<hbm>>) dst(%arg21 : memref<4x200xi32, #tpu.memory_space<vmem>>)
        tpu.yield
      }) : () -> ()
      %dma_start3A = arith.constant 0 : i32
      %dma_start3A_69 = arith.constant 0 : i32
      %dma_start3A_70 = arith.constant 0 : i32
      %dma_start3A_71 = tpu.memref_slice %arg22[%dma_start3A_69, %dma_start3A_70] : memref<1024x32xf32, #tpu.memory_space<vmem>> -> memref<128x32xf32, #tpu.memory_space<vmem>>
      %dma_start3A_72 = arith.constant 0 : i32
      %dma_start3A_73 = tpu.memref_slice %arg21[%dma_start3A, %dma_start3A_72] : memref<4x200xi32, #tpu.memory_space<vmem>> -> memref<1x128xi32, #tpu.memory_space<vmem>>
      %dma_start3A_74 = tpu.memref_squeeze %dma_start3A_73 : memref<1x128xi32, #tpu.memory_space<vmem>> -> memref<128xi32, #tpu.memory_space<vmem>>
      %dma_start3A_75 = arith.constant 0 : i32
      %dma_start3A_76 = arith.constant 0 : i32
      %dma_start3A_77 = tpu.memref_slice %arg3[%dma_start3A_75, %dma_start3A_76] : memref<10001x32xf32, #tpu.memory_space<hbm>> -> memref<10001x32xf32, #tpu.memory_space<hbm>>
      tpu.enqueue_indirect_dma source(%dma_start3A_77 : memref<10001x32xf32, #tpu.memory_space<hbm>>) target(%dma_start3A_71 : memref<128x32xf32, #tpu.memory_space<vmem>>) offsets(%dma_start3A_74 : memref<128xi32, #tpu.memory_space<vmem>>) semaphore(%arg23 : memref<!tpu.dma_semaphore, #tpu.memory_space<semaphore_mem>>)
      %dma_start3A_78 = arith.constant 0 : i32
      %dma_start3A_79 = arith.constant 128 : i32
      %dma_start3A_80 = arith.constant 0 : i32
      %dma_start3A_81 = tpu.memref_slice %arg22[%dma_start3A_79, %dma_start3A_80] : memref<1024x32xf32, #tpu.memory_space<vmem>> -> memref<72x32xf32, #tpu.memory_space<vmem>>
      %dma_start3A_82 = arith.constant 128 : i32
      %dma_start3A_83 = tpu.memref_slice %arg21[%dma_start3A_78, %dma_start3A_82] : memref<4x200xi32, #tpu.memory_space<vmem>> -> memref<1x72xi32, #tpu.memory_space<vmem>>
      %dma_start3A_84 = tpu.memref_squeeze %dma_start3A_83 : memref<1x72xi32, #tpu.memory_space<vmem>> -> memref<72xi32, #tpu.memory_space<vmem>>
      %dma_start3A_85 = arith.constant 0 : i32
      %dma_start3A_86 = arith.constant 0 : i32
      %dma_start3A_87 = tpu.memref_slice %arg3[%dma_start3A_85, %dma_start3A_86] : memref<10001x32xf32, #tpu.memory_space<hbm>> -> memref<10001x32xf32, #tpu.memory_space<hbm>>
      tpu.enqueue_indirect_dma source(%dma_start3A_87 : memref<10001x32xf32, #tpu.memory_space<hbm>>) target(%dma_start3A_81 : memref<72x32xf32, #tpu.memory_space<vmem>>) offsets(%dma_start3A_84 : memref<72xi32, #tpu.memory_space<vmem>>) semaphore(%arg23 : memref<!tpu.dma_semaphore, #tpu.memory_space<semaphore_mem>>)
      %dma_start3A_88 = arith.constant 1 : i32
      %dma_start3A_89 = arith.constant 200 : i32
      %dma_start3A_90 = arith.constant 0 : i32
      %dma_start3A_91 = tpu.memref_slice %arg22[%dma_start3A_89, %dma_start3A_90] : memref<1024x32xf32, #tpu.memory_space<vmem>> -> memref<128x32xf32, #tpu.memory_space<vmem>>
      %dma_start3A_92 = arith.constant 0 : i32
      %dma_start3A_93 = tpu.memref_slice %arg21[%dma_start3A_88, %dma_start3A_92] : memref<4x200xi32, #tpu.memory_space<vmem>> -> memref<1x128xi32, #tpu.memory_space<vmem>>
      %dma_start3A_94 = tpu.memref_squeeze %dma_start3A_93 : memref<1x128xi32, #tpu.memory_space<vmem>> -> memref<128xi32, #tpu.memory_space<vmem>>
      %dma_start3A_95 = arith.constant 0 : i32
      %dma_start3A_96 = arith.constant 0 : i32
      %dma_start3A_97 = tpu.memref_slice %arg3[%dma_start3A_95, %dma_start3A_96] : memref<10001x32xf32, #tpu.memory_space<hbm>> -> memref<10001x32xf32, #tpu.memory_space<hbm>>
      tpu.enqueue_indirect_dma source(%dma_start3A_97 : memref<10001x32xf32, #tpu.memory_space<hbm>>) target(%dma_start3A_91 : memref<128x32xf32, #tpu.memory_space<vmem>>) offsets(%dma_start3A_94 : memref<128xi32, #tpu.memory_space<vmem>>) semaphore(%arg23 : memref<!tpu.dma_semaphore, #tpu.memory_space<semaphore_mem>>)
      %dma_start3A_98 = arith.constant 1 : i32
      %dma_start3A_99 = arith.constant 328 : i32
      %dma_start3A_100 = arith.constant 0 : i32
      %dma_start3A_101 = tpu.memref_slice %arg22[%dma_start3A_99, %dma_start3A_100] : memref<1024x32xf32, #tpu.memory_space<vmem>> -> memref<72x32xf32, #tpu.memory_space<vmem>>
      %dma_start3A_102 = arith.constant 128 : i32
      %dma_start3A_103 = tpu.memref_slice %arg21[%dma_start3A_98, %dma_start3A_102] : memref<4x200xi32, #tpu.memory_space<vmem>> -> memref<1x72xi32, #tpu.memory_space<vmem>>
      %dma_start3A_104 = tpu.memref_squeeze %dma_start3A_103 : memref<1x72xi32, #tpu.memory_space<vmem>> -> memref<72xi32, #tpu.memory_space<vmem>>
      %dma_start3A_105 = arith.constant 0 : i32
      %dma_start3A_106 = arith.constant 0 : i32
      %dma_start3A_107 = tpu.memref_slice %arg3[%dma_start3A_105, %dma_start3A_106] : memref<10001x32xf32, #tpu.memory_space<hbm>> -> memref<10001x32xf32, #tpu.memory_space<hbm>>
      tpu.enqueue_indirect_dma source(%dma_start3A_107 : memref<10001x32xf32, #tpu.memory_space<hbm>>) target(%dma_start3A_101 : memref<72x32xf32, #tpu.memory_space<vmem>>) offsets(%dma_start3A_104 : memref<72xi32, #tpu.memory_space<vmem>>) semaphore(%arg23 : memref<!tpu.dma_semaphore, #tpu.memory_space<semaphore_mem>>)
      %dma_start3A_108 = arith.constant 2 : i32
      %dma_start3A_109 = arith.constant 400 : i32
      %dma_start3A_110 = arith.constant 0 : i32
      %dma_start3A_111 = tpu.memref_slice %arg22[%dma_start3A_109, %dma_start3A_110] : memref<1024x32xf32, #tpu.memory_space<vmem>> -> memref<128x32xf32, #tpu.memory_space<vmem>>
      %dma_start3A_112 = arith.constant 0 : i32
      %dma_start3A_113 = tpu.memref_slice %arg21[%dma_start3A_108, %dma_start3A_112] : memref<4x200xi32, #tpu.memory_space<vmem>> -> memref<1x128xi32, #tpu.memory_space<vmem>>
      %dma_start3A_114 = tpu.memref_squeeze %dma_start3A_113 : memref<1x128xi32, #tpu.memory_space<vmem>> -> memref<128xi32, #tpu.memory_space<vmem>>
      %dma_start3A_115 = arith.constant 0 : i32
      %dma_start3A_116 = arith.constant 0 : i32
      %dma_start3A_117 = tpu.memref_slice %arg3[%dma_start3A_115, %dma_start3A_116] : memref<10001x32xf32, #tpu.memory_space<hbm>> -> memref<10001x32xf32, #tpu.memory_space<hbm>>
      tpu.enqueue_indirect_dma source(%dma_start3A_117 : memref<10001x32xf32, #tpu.memory_space<hbm>>) target(%dma_start3A_111 : memref<128x32xf32, #tpu.memory_space<vmem>>) offsets(%dma_start3A_114 : memref<128xi32, #tpu.memory_space<vmem>>) semaphore(%arg23 : memref<!tpu.dma_semaphore, #tpu.memory_space<semaphore_mem>>)
      %dma_start3A_118 = arith.constant 2 : i32
      %dma_start3A_119 = arith.constant 528 : i32
      %dma_start3A_120 = arith.constant 0 : i32
      %dma_start3A_121 = tpu.memref_slice %arg22[%dma_start3A_119, %dma_start3A_120] : memref<1024x32xf32, #tpu.memory_space<vmem>> -> memref<72x32xf32, #tpu.memory_space<vmem>>
      %dma_start3A_122 = arith.constant 128 : i32
      %dma_start3A_123 = tpu.memref_slice %arg21[%dma_start3A_118, %dma_start3A_122] : memref<4x200xi32, #tpu.memory_space<vmem>> -> memref<1x72xi32, #tpu.memory_space<vmem>>
      %dma_start3A_124 = tpu.memref_squeeze %dma_start3A_123 : memref<1x72xi32, #tpu.memory_space<vmem>> -> memref<72xi32, #tpu.memory_space<vmem>>
      %dma_start3A_125 = arith.constant 0 : i32
      %dma_start3A_126 = arith.constant 0 : i32
      %dma_start3A_127 = tpu.memref_slice %arg3[%dma_start3A_125, %dma_start3A_126] : memref<10001x32xf32, #tpu.memory_space<hbm>> -> memref<10001x32xf32, #tpu.memory_space<hbm>>
      tpu.enqueue_indirect_dma source(%dma_start3A_127 : memref<10001x32xf32, #tpu.memory_space<hbm>>) target(%dma_start3A_121 : memref<72x32xf32, #tpu.memory_space<vmem>>) offsets(%dma_start3A_124 : memref<72xi32, #tpu.memory_space<vmem>>) semaphore(%arg23 : memref<!tpu.dma_semaphore, #tpu.memory_space<semaphore_mem>>)
      %dma_start3A_128 = arith.constant 3 : i32
      %dma_start3A_129 = arith.constant 600 : i32
      %dma_start3A_130 = arith.constant 0 : i32
      %dma_start3A_131 = tpu.memref_slice %arg22[%dma_start3A_129, %dma_start3A_130] : memref<1024x32xf32, #tpu.memory_space<vmem>> -> memref<128x32xf32, #tpu.memory_space<vmem>>
      %dma_start3A_132 = arith.constant 0 : i32
      %dma_start3A_133 = tpu.memref_slice %arg21[%dma_start3A_128, %dma_start3A_132] : memref<4x200xi32, #tpu.memory_space<vmem>> -> memref<1x128xi32, #tpu.memory_space<vmem>>
      %dma_start3A_134 = tpu.memref_squeeze %dma_start3A_133 : memref<1x128xi32, #tpu.memory_space<vmem>> -> memref<128xi32, #tpu.memory_space<vmem>>
      %dma_start3A_135 = arith.constant 0 : i32
      %dma_start3A_136 = arith.constant 0 : i32
      %dma_start3A_137 = tpu.memref_slice %arg3[%dma_start3A_135, %dma_start3A_136] : memref<10001x32xf32, #tpu.memory_space<hbm>> -> memref<10001x32xf32, #tpu.memory_space<hbm>>
      tpu.enqueue_indirect_dma source(%dma_start3A_137 : memref<10001x32xf32, #tpu.memory_space<hbm>>) target(%dma_start3A_131 : memref<128x32xf32, #tpu.memory_space<vmem>>) offsets(%dma_start3A_134 : memref<128xi32, #tpu.memory_space<vmem>>) semaphore(%arg23 : memref<!tpu.dma_semaphore, #tpu.memory_space<semaphore_mem>>)
      %dma_start3A_138 = arith.constant 3 : i32
      %dma_start3A_139 = arith.constant 728 : i32
      %dma_start3A_140 = arith.constant 0 : i32
      %dma_start3A_141 = tpu.memref_slice %arg22[%dma_start3A_139, %dma_start3A_140] : memref<1024x32xf32, #tpu.memory_space<vmem>> -> memref<72x32xf32, #tpu.memory_space<vmem>>
      %dma_start3A_142 = arith.constant 128 : i32
      %dma_start3A_143 = tpu.memref_slice %arg21[%dma_start3A_138, %dma_start3A_142] : memref<4x200xi32, #tpu.memory_space<vmem>> -> memref<1x72xi32, #tpu.memory_space<vmem>>
      %dma_start3A_144 = tpu.memref_squeeze %dma_start3A_143 : memref<1x72xi32, #tpu.memory_space<vmem>> -> memref<72xi32, #tpu.memory_space<vmem>>
      %dma_start3A_145 = arith.constant 0 : i32
      %dma_start3A_146 = arith.constant 0 : i32
      %dma_start3A_147 = tpu.memref_slice %arg3[%dma_start3A_145, %dma_start3A_146] : memref<10001x32xf32, #tpu.memory_space<hbm>> -> memref<10001x32xf32, #tpu.memory_space<hbm>>
      tpu.enqueue_indirect_dma source(%dma_start3A_147 : memref<10001x32xf32, #tpu.memory_space<hbm>>) target(%dma_start3A_141 : memref<72x32xf32, #tpu.memory_space<vmem>>) offsets(%dma_start3A_144 : memref<72xi32, #tpu.memory_space<vmem>>) semaphore(%arg23 : memref<!tpu.dma_semaphore, #tpu.memory_space<semaphore_mem>>)
      %dma_wait3A = arith.constant 0 : i32
      %dma_wait3A_148 = arith.constant 0 : i32
      %dma_wait3A_149 = arith.constant 0 : i32
      %dma_wait3A_150 = tpu.memref_slice %arg22[%dma_wait3A_148, %dma_wait3A_149] : memref<1024x32xf32, #tpu.memory_space<vmem>> -> memref<128x32xf32, #tpu.memory_space<vmem>>
      %dma_wait3A_151 = arith.constant 0 : i32
      %dma_wait3A_152 = tpu.memref_slice %arg21[%dma_wait3A, %dma_wait3A_151] : memref<4x200xi32, #tpu.memory_space<vmem>> -> memref<1x128xi32, #tpu.memory_space<vmem>>
      %dma_wait3A_153 = tpu.memref_squeeze %dma_wait3A_152 : memref<1x128xi32, #tpu.memory_space<vmem>> -> memref<128xi32, #tpu.memory_space<vmem>>
      %dma_wait3A_154 = arith.constant 0 : i32
      %dma_wait3A_155 = arith.constant 0 : i32
      %dma_wait3A_156 = tpu.memref_slice %arg3[%dma_wait3A_154, %dma_wait3A_155] : memref<10001x32xf32, #tpu.memory_space<hbm>> -> memref<10001x32xf32, #tpu.memory_space<hbm>>
      tpu.wait_indirect_dma semaphore(%arg23 : memref<!tpu.dma_semaphore, #tpu.memory_space<semaphore_mem>>) src(%dma_wait3A_156 : memref<10001x32xf32, #tpu.memory_space<hbm>>) dst(%dma_wait3A_150 : memref<128x32xf32, #tpu.memory_space<vmem>>)
      %dma_wait3A_157 = arith.constant 0 : i32
      %dma_wait3A_158 = arith.constant 128 : i32
      %dma_wait3A_159 = arith.constant 0 : i32
      %dma_wait3A_160 = tpu.memref_slice %arg22[%dma_wait3A_158, %dma_wait3A_159] : memref<1024x32xf32, #tpu.memory_space<vmem>> -> memref<72x32xf32, #tpu.memory_space<vmem>>
      %dma_wait3A_161 = arith.constant 128 : i32
      %dma_wait3A_162 = tpu.memref_slice %arg21[%dma_wait3A_157, %dma_wait3A_161] : memref<4x200xi32, #tpu.memory_space<vmem>> -> memref<1x72xi32, #tpu.memory_space<vmem>>
      %dma_wait3A_163 = tpu.memref_squeeze %dma_wait3A_162 : memref<1x72xi32, #tpu.memory_space<vmem>> -> memref<72xi32, #tpu.memory_space<vmem>>
      %dma_wait3A_164 = arith.constant 0 : i32
      %dma_wait3A_165 = arith.constant 0 : i32
      %dma_wait3A_166 = tpu.memref_slice %arg3[%dma_wait3A_164, %dma_wait3A_165] : memref<10001x32xf32, #tpu.memory_space<hbm>> -> memref<10001x32xf32, #tpu.memory_space<hbm>>
      tpu.wait_indirect_dma semaphore(%arg23 : memref<!tpu.dma_semaphore, #tpu.memory_space<semaphore_mem>>) src(%dma_wait3A_166 : memref<10001x32xf32, #tpu.memory_space<hbm>>) dst(%dma_wait3A_160 : memref<72x32xf32, #tpu.memory_space<vmem>>)
      %dma_wait3A_167 = arith.constant 1 : i32
      %dma_wait3A_168 = arith.constant 200 : i32
      %dma_wait3A_169 = arith.constant 0 : i32
      %dma_wait3A_170 = tpu.memref_slice %arg22[%dma_wait3A_168, %dma_wait3A_169] : memref<1024x32xf32, #tpu.memory_space<vmem>> -> memref<128x32xf32, #tpu.memory_space<vmem>>
      %dma_wait3A_171 = arith.constant 0 : i32
      %dma_wait3A_172 = tpu.memref_slice %arg21[%dma_wait3A_167, %dma_wait3A_171] : memref<4x200xi32, #tpu.memory_space<vmem>> -> memref<1x128xi32, #tpu.memory_space<vmem>>
      %dma_wait3A_173 = tpu.memref_squeeze %dma_wait3A_172 : memref<1x128xi32, #tpu.memory_space<vmem>> -> memref<128xi32, #tpu.memory_space<vmem>>
      %dma_wait3A_174 = arith.constant 0 : i32
      %dma_wait3A_175 = arith.constant 0 : i32
      %dma_wait3A_176 = tpu.memref_slice %arg3[%dma_wait3A_174, %dma_wait3A_175] : memref<10001x32xf32, #tpu.memory_space<hbm>> -> memref<10001x32xf32, #tpu.memory_space<hbm>>
      tpu.wait_indirect_dma semaphore(%arg23 : memref<!tpu.dma_semaphore, #tpu.memory_space<semaphore_mem>>) src(%dma_wait3A_176 : memref<10001x32xf32, #tpu.memory_space<hbm>>) dst(%dma_wait3A_170 : memref<128x32xf32, #tpu.memory_space<vmem>>)
      %dma_wait3A_177 = arith.constant 1 : i32
      %dma_wait3A_178 = arith.constant 328 : i32
      %dma_wait3A_179 = arith.constant 0 : i32
      %dma_wait3A_180 = tpu.memref_slice %arg22[%dma_wait3A_178, %dma_wait3A_179] : memref<1024x32xf32, #tpu.memory_space<vmem>> -> memref<72x32xf32, #tpu.memory_space<vmem>>
      %dma_wait3A_181 = arith.constant 128 : i32
      %dma_wait3A_182 = tpu.memref_slice %arg21[%dma_wait3A_177, %dma_wait3A_181] : memref<4x200xi32, #tpu.memory_space<vmem>> -> memref<1x72xi32, #tpu.memory_space<vmem>>
      %dma_wait3A_183 = tpu.memref_squeeze %dma_wait3A_182 : memref<1x72xi32, #tpu.memory_space<vmem>> -> memref<72xi32, #tpu.memory_space<vmem>>
      %dma_wait3A_184 = arith.constant 0 : i32
      %dma_wait3A_185 = arith.constant 0 : i32
      %dma_wait3A_186 = tpu.memref_slice %arg3[%dma_wait3A_184, %dma_wait3A_185] : memref<10001x32xf32, #tpu.memory_space<hbm>> -> memref<10001x32xf32, #tpu.memory_space<hbm>>
      tpu.wait_indirect_dma semaphore(%arg23 : memref<!tpu.dma_semaphore, #tpu.memory_space<semaphore_mem>>) src(%dma_wait3A_186 : memref<10001x32xf32, #tpu.memory_space<hbm>>) dst(%dma_wait3A_180 : memref<72x32xf32, #tpu.memory_space<vmem>>)
      %dma_wait3A_187 = arith.constant 2 : i32
      %dma_wait3A_188 = arith.constant 400 : i32
      %dma_wait3A_189 = arith.constant 0 : i32
      %dma_wait3A_190 = tpu.memref_slice %arg22[%dma_wait3A_188, %dma_wait3A_189] : memref<1024x32xf32, #tpu.memory_space<vmem>> -> memref<128x32xf32, #tpu.memory_space<vmem>>
      %dma_wait3A_191 = arith.constant 0 : i32
      %dma_wait3A_192 = tpu.memref_slice %arg21[%dma_wait3A_187, %dma_wait3A_191] : memref<4x200xi32, #tpu.memory_space<vmem>> -> memref<1x128xi32, #tpu.memory_space<vmem>>
      %dma_wait3A_193 = tpu.memref_squeeze %dma_wait3A_192 : memref<1x128xi32, #tpu.memory_space<vmem>> -> memref<128xi32, #tpu.memory_space<vmem>>
      %dma_wait3A_194 = arith.constant 0 : i32
      %dma_wait3A_195 = arith.constant 0 : i32
      %dma_wait3A_196 = tpu.memref_slice %arg3[%dma_wait3A_194, %dma_wait3A_195] : memref<10001x32xf32, #tpu.memory_space<hbm>> -> memref<10001x32xf32, #tpu.memory_space<hbm>>
      tpu.wait_indirect_dma semaphore(%arg23 : memref<!tpu.dma_semaphore, #tpu.memory_space<semaphore_mem>>) src(%dma_wait3A_196 : memref<10001x32xf32, #tpu.memory_space<hbm>>) dst(%dma_wait3A_190 : memref<128x32xf32, #tpu.memory_space<vmem>>)
      %dma_wait3A_197 = arith.constant 2 : i32
      %dma_wait3A_198 = arith.constant 528 : i32
      %dma_wait3A_199 = arith.constant 0 : i32
      %dma_wait3A_200 = tpu.memref_slice %arg22[%dma_wait3A_198, %dma_wait3A_199] : memref<1024x32xf32, #tpu.memory_space<vmem>> -> memref<72x32xf32, #tpu.memory_space<vmem>>
      %dma_wait3A_201 = arith.constant 128 : i32
      %dma_wait3A_202 = tpu.memref_slice %arg21[%dma_wait3A_197, %dma_wait3A_201] : memref<4x200xi32, #tpu.memory_space<vmem>> -> memref<1x72xi32, #tpu.memory_space<vmem>>
      %dma_wait3A_203 = tpu.memref_squeeze %dma_wait3A_202 : memref<1x72xi32, #tpu.memory_space<vmem>> -> memref<72xi32, #tpu.memory_space<vmem>>
      %dma_wait3A_204 = arith.constant 0 : i32
      %dma_wait3A_205 = arith.constant 0 : i32
      %dma_wait3A_206 = tpu.memref_slice %arg3[%dma_wait3A_204, %dma_wait3A_205] : memref<10001x32xf32, #tpu.memory_space<hbm>> -> memref<10001x32xf32, #tpu.memory_space<hbm>>
      tpu.wait_indirect_dma semaphore(%arg23 : memref<!tpu.dma_semaphore, #tpu.memory_space<semaphore_mem>>) src(%dma_wait3A_206 : memref<10001x32xf32, #tpu.memory_space<hbm>>) dst(%dma_wait3A_200 : memref<72x32xf32, #tpu.memory_space<vmem>>)
      %dma_wait3A_207 = arith.constant 3 : i32
      %dma_wait3A_208 = arith.constant 600 : i32
      %dma_wait3A_209 = arith.constant 0 : i32
      %dma_wait3A_210 = tpu.memref_slice %arg22[%dma_wait3A_208, %dma_wait3A_209] : memref<1024x32xf32, #tpu.memory_space<vmem>> -> memref<128x32xf32, #tpu.memory_space<vmem>>
      %dma_wait3A_211 = arith.constant 0 : i32
      %dma_wait3A_212 = tpu.memref_slice %arg21[%dma_wait3A_207, %dma_wait3A_211] : memref<4x200xi32, #tpu.memory_space<vmem>> -> memref<1x128xi32, #tpu.memory_space<vmem>>
      %dma_wait3A_213 = tpu.memref_squeeze %dma_wait3A_212 : memref<1x128xi32, #tpu.memory_space<vmem>> -> memref<128xi32, #tpu.memory_space<vmem>>
      %dma_wait3A_214 = arith.constant 0 : i32
      %dma_wait3A_215 = arith.constant 0 : i32
      %dma_wait3A_216 = tpu.memref_slice %arg3[%dma_wait3A_214, %dma_wait3A_215] : memref<10001x32xf32, #tpu.memory_space<hbm>> -> memref<10001x32xf32, #tpu.memory_space<hbm>>
      tpu.wait_indirect_dma semaphore(%arg23 : memref<!tpu.dma_semaphore, #tpu.memory_space<semaphore_mem>>) src(%dma_wait3A_216 : memref<10001x32xf32, #tpu.memory_space<hbm>>) dst(%dma_wait3A_210 : memref<128x32xf32, #tpu.memory_space<vmem>>)
      %dma_wait3A_217 = arith.constant 3 : i32
      %dma_wait3A_218 = arith.constant 728 : i32
      %dma_wait3A_219 = arith.constant 0 : i32
      %dma_wait3A_220 = tpu.memref_slice %arg22[%dma_wait3A_218, %dma_wait3A_219] : memref<1024x32xf32, #tpu.memory_space<vmem>> -> memref<72x32xf32, #tpu.memory_space<vmem>>
      %dma_wait3A_221 = arith.constant 128 : i32
      %dma_wait3A_222 = tpu.memref_slice %arg21[%dma_wait3A_217, %dma_wait3A_221] : memref<4x200xi32, #tpu.memory_space<vmem>> -> memref<1x72xi32, #tpu.memory_space<vmem>>
      %dma_wait3A_223 = tpu.memref_squeeze %dma_wait3A_222 : memref<1x72xi32, #tpu.memory_space<vmem>> -> memref<72xi32, #tpu.memory_space<vmem>>
      %dma_wait3A_224 = arith.constant 0 : i32
      %dma_wait3A_225 = arith.constant 0 : i32
      %dma_wait3A_226 = tpu.memref_slice %arg3[%dma_wait3A_224, %dma_wait3A_225] : memref<10001x32xf32, #tpu.memory_space<hbm>> -> memref<10001x32xf32, #tpu.memory_space<hbm>>
      tpu.wait_indirect_dma semaphore(%arg23 : memref<!tpu.dma_semaphore, #tpu.memory_space<semaphore_mem>>) src(%dma_wait3A_226 : memref<10001x32xf32, #tpu.memory_space<hbm>>) dst(%dma_wait3A_220 : memref<72x32xf32, #tpu.memory_space<vmem>>)
      %mul3A_227 = arith.constant 200 : i32
      %mul3A_228 = arith.muli %mul3A_68, %mul3A_227 : i32
      "tpu.region"() ({
        %run_scoped3A = tpu.sem_alloc : memref<!tpu.dma_semaphore, #tpu.memory_space<semaphore_mem>>
        %dma_start3A_229 = arith.constant 0 : i32
        %dma_start3A_230 = arith.constant 0 : i32
        %dma_start3A_231 = tpu.memref_slice %arg22[%dma_start3A_229, %dma_start3A_230] : memref<1024x32xf32, #tpu.memory_space<vmem>> -> memref<800x32xf32, #tpu.memory_space<vmem>>
        %dma_start3A_232 = arith.constant 32 : i32
        %dma_start3A_233 = tpu.memref_slice %arg16[%mul3A_228, %dma_start3A_232] : memref<204800x128xf32, #tpu.memory_space<hbm>> -> memref<800x32xf32, #tpu.memory_space<hbm>>
        %dma_start3A_234 = arith.constant 32 : i32
        %dma_start3A_235 = tpu.memref_slice %arg16[%mul3A_228, %dma_start3A_234] : memref<204800x128xf32, #tpu.memory_space<hbm>> -> memref<800x32xf32, #tpu.memory_space<hbm>>
        %dma_start3A_236 = arith.constant 0 : i32
        %dma_start3A_237 = arith.constant 0 : i32
        %dma_start3A_238 = tpu.memref_slice %arg22[%dma_start3A_236, %dma_start3A_237] : memref<1024x32xf32, #tpu.memory_space<vmem>> -> memref<800x32xf32, #tpu.memory_space<vmem>>
        tpu.enqueue_dma source(%dma_start3A_238 : memref<800x32xf32, #tpu.memory_space<vmem>>) target(%dma_start3A_235 : memref<800x32xf32, #tpu.memory_space<hbm>>) target_semaphore(%run_scoped3A : memref<!tpu.dma_semaphore, #tpu.memory_space<semaphore_mem>>)
        %dma_wait3A_239 = arith.constant 0 : i32
        %dma_wait3A_240 = arith.constant 0 : i32
        %dma_wait3A_241 = tpu.memref_slice %arg22[%dma_wait3A_239, %dma_wait3A_240] : memref<1024x32xf32, #tpu.memory_space<vmem>> -> memref<800x32xf32, #tpu.memory_space<vmem>>
        %dma_wait3A_242 = arith.constant 32 : i32
        %dma_wait3A_243 = tpu.memref_slice %arg16[%mul3A_228, %dma_wait3A_242] : memref<204800x128xf32, #tpu.memory_space<hbm>> -> memref<800x32xf32, #tpu.memory_space<hbm>>
        %dma_wait3A_244 = arith.constant 32 : i32
        %dma_wait3A_245 = tpu.memref_slice %arg16[%mul3A_228, %dma_wait3A_244] : memref<204800x128xf32, #tpu.memory_space<hbm>> -> memref<800x32xf32, #tpu.memory_space<hbm>>
        %dma_wait3A_246 = arith.constant 0 : i32
        %dma_wait3A_247 = arith.constant 0 : i32
        %dma_wait3A_248 = tpu.memref_slice %arg22[%dma_wait3A_246, %dma_wait3A_247] : memref<1024x32xf32, #tpu.memory_space<vmem>> -> memref<800x32xf32, #tpu.memory_space<vmem>>
        tpu.wait_dma2 semaphore(%run_scoped3A : memref<!tpu.dma_semaphore, #tpu.memory_space<semaphore_mem>>) src(%dma_wait3A_248 : memref<800x32xf32, #tpu.memory_space<vmem>>) dst(%dma_wait3A_245 : memref<800x32xf32, #tpu.memory_space<hbm>>)
        tpu.yield
      }) : () -> ()
    }
    %scan3A_9 = arith.constant 8 : i32
    %scan3A_10 = arith.constant 0 : i32
    %scan3A_11 = arith.constant 8 : i32
    %scan3A_12 = arith.addi %scan3A_10, %scan3A_11 : i32
    %scan3A_13 = arith.constant 1 : i32
    scf.for %scan3A_59 = %scan3A_10 to %scan3A_12 step %scan3A_13  : i32 {
      %mul3A_60 = arith.constant 1 : i32
      %mul3A_61 = arith.muli %scan3A_59, %mul3A_60 : i32
      %add3A_62 = arith.constant 0 : i32
      %add3A_63 = arith.addi %add3A_62, %mul3A_61 : i32
      %mul3A_64 = arith.constant 32 : i32
      %mul3A_65 = arith.muli %add3A_63, %mul3A_64 : i32
      %add3A_66 = arith.addi %add3A, %mul3A_65 : i32
      %mul3A_67 = arith.constant 4 : i32
      %mul3A_68 = arith.muli %add3A_66, %mul3A_67 : i32
      "tpu.region"() ({
        %run_scoped3A = tpu.sem_alloc : memref<!tpu.dma_semaphore, #tpu.memory_space<semaphore_mem>>
        %dma_start3A_229 = arith.constant 0 : i32
        %dma_start3A_230 = tpu.memref_slice %arg11[%mul3A_68, %dma_start3A_229] : memref<1024x200xi32, #tpu.memory_space<hbm>> -> memref<4x200xi32, #tpu.memory_space<hbm>>
        %dma_start3A_231 = arith.constant 0 : i32
        %dma_start3A_232 = tpu.memref_slice %arg11[%mul3A_68, %dma_start3A_231] : memref<1024x200xi32, #tpu.memory_space<hbm>> -> memref<4x200xi32, #tpu.memory_space<hbm>>
        tpu.enqueue_dma source(%dma_start3A_232 : memref<4x200xi32, #tpu.memory_space<hbm>>) target(%arg21 : memref<4x200xi32, #tpu.memory_space<vmem>>) target_semaphore(%run_scoped3A : memref<!tpu.dma_semaphore, #tpu.memory_space<semaphore_mem>>)
        %dma_wait3A_233 = arith.constant 0 : i32
        %dma_wait3A_234 = tpu.memref_slice %arg11[%mul3A_68, %dma_wait3A_233] : memref<1024x200xi32, #tpu.memory_space<hbm>> -> memref<4x200xi32, #tpu.memory_space<hbm>>
        %dma_wait3A_235 = arith.constant 0 : i32
        %dma_wait3A_236 = tpu.memref_slice %arg11[%mul3A_68, %dma_wait3A_235] : memref<1024x200xi32, #tpu.memory_space<hbm>> -> memref<4x200xi32, #tpu.memory_space<hbm>>
        tpu.wait_dma2 semaphore(%run_scoped3A : memref<!tpu.dma_semaphore, #tpu.memory_space<semaphore_mem>>) src(%dma_wait3A_236 : memref<4x200xi32, #tpu.memory_space<hbm>>) dst(%arg21 : memref<4x200xi32, #tpu.memory_space<vmem>>)
        tpu.yield
      }) : () -> ()
      %dma_start3A = arith.constant 0 : i32
      %dma_start3A_69 = arith.constant 0 : i32
      %dma_start3A_70 = arith.constant 0 : i32
      %dma_start3A_71 = tpu.memref_slice %arg22[%dma_start3A_69, %dma_start3A_70] : memref<1024x32xf32, #tpu.memory_space<vmem>> -> memref<128x32xf32, #tpu.memory_space<vmem>>
      %dma_start3A_72 = arith.constant 0 : i32
      %dma_start3A_73 = tpu.memref_slice %arg21[%dma_start3A, %dma_start3A_72] : memref<4x200xi32, #tpu.memory_space<vmem>> -> memref<1x128xi32, #tpu.memory_space<vmem>>
      %dma_start3A_74 = tpu.memref_squeeze %dma_start3A_73 : memref<1x128xi32, #tpu.memory_space<vmem>> -> memref<128xi32, #tpu.memory_space<vmem>>
      %dma_start3A_75 = arith.constant 0 : i32
      %dma_start3A_76 = arith.constant 0 : i32
      %dma_start3A_77 = tpu.memref_slice %arg4[%dma_start3A_75, %dma_start3A_76] : memref<10001x32xf32, #tpu.memory_space<hbm>> -> memref<10001x32xf32, #tpu.memory_space<hbm>>
      tpu.enqueue_indirect_dma source(%dma_start3A_77 : memref<10001x32xf32, #tpu.memory_space<hbm>>) target(%dma_start3A_71 : memref<128x32xf32, #tpu.memory_space<vmem>>) offsets(%dma_start3A_74 : memref<128xi32, #tpu.memory_space<vmem>>) semaphore(%arg23 : memref<!tpu.dma_semaphore, #tpu.memory_space<semaphore_mem>>)
      %dma_start3A_78 = arith.constant 0 : i32
      %dma_start3A_79 = arith.constant 128 : i32
      %dma_start3A_80 = arith.constant 0 : i32
      %dma_start3A_81 = tpu.memref_slice %arg22[%dma_start3A_79, %dma_start3A_80] : memref<1024x32xf32, #tpu.memory_space<vmem>> -> memref<72x32xf32, #tpu.memory_space<vmem>>
      %dma_start3A_82 = arith.constant 128 : i32
      %dma_start3A_83 = tpu.memref_slice %arg21[%dma_start3A_78, %dma_start3A_82] : memref<4x200xi32, #tpu.memory_space<vmem>> -> memref<1x72xi32, #tpu.memory_space<vmem>>
      %dma_start3A_84 = tpu.memref_squeeze %dma_start3A_83 : memref<1x72xi32, #tpu.memory_space<vmem>> -> memref<72xi32, #tpu.memory_space<vmem>>
      %dma_start3A_85 = arith.constant 0 : i32
      %dma_start3A_86 = arith.constant 0 : i32
      %dma_start3A_87 = tpu.memref_slice %arg4[%dma_start3A_85, %dma_start3A_86] : memref<10001x32xf32, #tpu.memory_space<hbm>> -> memref<10001x32xf32, #tpu.memory_space<hbm>>
      tpu.enqueue_indirect_dma source(%dma_start3A_87 : memref<10001x32xf32, #tpu.memory_space<hbm>>) target(%dma_start3A_81 : memref<72x32xf32, #tpu.memory_space<vmem>>) offsets(%dma_start3A_84 : memref<72xi32, #tpu.memory_space<vmem>>) semaphore(%arg23 : memref<!tpu.dma_semaphore, #tpu.memory_space<semaphore_mem>>)
      %dma_start3A_88 = arith.constant 1 : i32
      %dma_start3A_89 = arith.constant 200 : i32
      %dma_start3A_90 = arith.constant 0 : i32
      %dma_start3A_91 = tpu.memref_slice %arg22[%dma_start3A_89, %dma_start3A_90] : memref<1024x32xf32, #tpu.memory_space<vmem>> -> memref<128x32xf32, #tpu.memory_space<vmem>>
      %dma_start3A_92 = arith.constant 0 : i32
      %dma_start3A_93 = tpu.memref_slice %arg21[%dma_start3A_88, %dma_start3A_92] : memref<4x200xi32, #tpu.memory_space<vmem>> -> memref<1x128xi32, #tpu.memory_space<vmem>>
      %dma_start3A_94 = tpu.memref_squeeze %dma_start3A_93 : memref<1x128xi32, #tpu.memory_space<vmem>> -> memref<128xi32, #tpu.memory_space<vmem>>
      %dma_start3A_95 = arith.constant 0 : i32
      %dma_start3A_96 = arith.constant 0 : i32
      %dma_start3A_97 = tpu.memref_slice %arg4[%dma_start3A_95, %dma_start3A_96] : memref<10001x32xf32, #tpu.memory_space<hbm>> -> memref<10001x32xf32, #tpu.memory_space<hbm>>
      tpu.enqueue_indirect_dma source(%dma_start3A_97 : memref<10001x32xf32, #tpu.memory_space<hbm>>) target(%dma_start3A_91 : memref<128x32xf32, #tpu.memory_space<vmem>>) offsets(%dma_start3A_94 : memref<128xi32, #tpu.memory_space<vmem>>) semaphore(%arg23 : memref<!tpu.dma_semaphore, #tpu.memory_space<semaphore_mem>>)
      %dma_start3A_98 = arith.constant 1 : i32
      %dma_start3A_99 = arith.constant 328 : i32
      %dma_start3A_100 = arith.constant 0 : i32
      %dma_start3A_101 = tpu.memref_slice %arg22[%dma_start3A_99, %dma_start3A_100] : memref<1024x32xf32, #tpu.memory_space<vmem>> -> memref<72x32xf32, #tpu.memory_space<vmem>>
      %dma_start3A_102 = arith.constant 128 : i32
      %dma_start3A_103 = tpu.memref_slice %arg21[%dma_start3A_98, %dma_start3A_102] : memref<4x200xi32, #tpu.memory_space<vmem>> -> memref<1x72xi32, #tpu.memory_space<vmem>>
      %dma_start3A_104 = tpu.memref_squeeze %dma_start3A_103 : memref<1x72xi32, #tpu.memory_space<vmem>> -> memref<72xi32, #tpu.memory_space<vmem>>
      %dma_start3A_105 = arith.constant 0 : i32
      %dma_start3A_106 = arith.constant 0 : i32
      %dma_start3A_107 = tpu.memref_slice %arg4[%dma_start3A_105, %dma_start3A_106] : memref<10001x32xf32, #tpu.memory_space<hbm>> -> memref<10001x32xf32, #tpu.memory_space<hbm>>
      tpu.enqueue_indirect_dma source(%dma_start3A_107 : memref<10001x32xf32, #tpu.memory_space<hbm>>) target(%dma_start3A_101 : memref<72x32xf32, #tpu.memory_space<vmem>>) offsets(%dma_start3A_104 : memref<72xi32, #tpu.memory_space<vmem>>) semaphore(%arg23 : memref<!tpu.dma_semaphore, #tpu.memory_space<semaphore_mem>>)
      %dma_start3A_108 = arith.constant 2 : i32
      %dma_start3A_109 = arith.constant 400 : i32
      %dma_start3A_110 = arith.constant 0 : i32
      %dma_start3A_111 = tpu.memref_slice %arg22[%dma_start3A_109, %dma_start3A_110] : memref<1024x32xf32, #tpu.memory_space<vmem>> -> memref<128x32xf32, #tpu.memory_space<vmem>>
      %dma_start3A_112 = arith.constant 0 : i32
      %dma_start3A_113 = tpu.memref_slice %arg21[%dma_start3A_108, %dma_start3A_112] : memref<4x200xi32, #tpu.memory_space<vmem>> -> memref<1x128xi32, #tpu.memory_space<vmem>>
      %dma_start3A_114 = tpu.memref_squeeze %dma_start3A_113 : memref<1x128xi32, #tpu.memory_space<vmem>> -> memref<128xi32, #tpu.memory_space<vmem>>
      %dma_start3A_115 = arith.constant 0 : i32
      %dma_start3A_116 = arith.constant 0 : i32
      %dma_start3A_117 = tpu.memref_slice %arg4[%dma_start3A_115, %dma_start3A_116] : memref<10001x32xf32, #tpu.memory_space<hbm>> -> memref<10001x32xf32, #tpu.memory_space<hbm>>
      tpu.enqueue_indirect_dma source(%dma_start3A_117 : memref<10001x32xf32, #tpu.memory_space<hbm>>) target(%dma_start3A_111 : memref<128x32xf32, #tpu.memory_space<vmem>>) offsets(%dma_start3A_114 : memref<128xi32, #tpu.memory_space<vmem>>) semaphore(%arg23 : memref<!tpu.dma_semaphore, #tpu.memory_space<semaphore_mem>>)
      %dma_start3A_118 = arith.constant 2 : i32
      %dma_start3A_119 = arith.constant 528 : i32
      %dma_start3A_120 = arith.constant 0 : i32
      %dma_start3A_121 = tpu.memref_slice %arg22[%dma_start3A_119, %dma_start3A_120] : memref<1024x32xf32, #tpu.memory_space<vmem>> -> memref<72x32xf32, #tpu.memory_space<vmem>>
      %dma_start3A_122 = arith.constant 128 : i32
      %dma_start3A_123 = tpu.memref_slice %arg21[%dma_start3A_118, %dma_start3A_122] : memref<4x200xi32, #tpu.memory_space<vmem>> -> memref<1x72xi32, #tpu.memory_space<vmem>>
      %dma_start3A_124 = tpu.memref_squeeze %dma_start3A_123 : memref<1x72xi32, #tpu.memory_space<vmem>> -> memref<72xi32, #tpu.memory_space<vmem>>
      %dma_start3A_125 = arith.constant 0 : i32
      %dma_start3A_126 = arith.constant 0 : i32
      %dma_start3A_127 = tpu.memref_slice %arg4[%dma_start3A_125, %dma_start3A_126] : memref<10001x32xf32, #tpu.memory_space<hbm>> -> memref<10001x32xf32, #tpu.memory_space<hbm>>
      tpu.enqueue_indirect_dma source(%dma_start3A_127 : memref<10001x32xf32, #tpu.memory_space<hbm>>) target(%dma_start3A_121 : memref<72x32xf32, #tpu.memory_space<vmem>>) offsets(%dma_start3A_124 : memref<72xi32, #tpu.memory_space<vmem>>) semaphore(%arg23 : memref<!tpu.dma_semaphore, #tpu.memory_space<semaphore_mem>>)
      %dma_start3A_128 = arith.constant 3 : i32
      %dma_start3A_129 = arith.constant 600 : i32
      %dma_start3A_130 = arith.constant 0 : i32
      %dma_start3A_131 = tpu.memref_slice %arg22[%dma_start3A_129, %dma_start3A_130] : memref<1024x32xf32, #tpu.memory_space<vmem>> -> memref<128x32xf32, #tpu.memory_space<vmem>>
      %dma_start3A_132 = arith.constant 0 : i32
      %dma_start3A_133 = tpu.memref_slice %arg21[%dma_start3A_128, %dma_start3A_132] : memref<4x200xi32, #tpu.memory_space<vmem>> -> memref<1x128xi32, #tpu.memory_space<vmem>>
      %dma_start3A_134 = tpu.memref_squeeze %dma_start3A_133 : memref<1x128xi32, #tpu.memory_space<vmem>> -> memref<128xi32, #tpu.memory_space<vmem>>
      %dma_start3A_135 = arith.constant 0 : i32
      %dma_start3A_136 = arith.constant 0 : i32
      %dma_start3A_137 = tpu.memref_slice %arg4[%dma_start3A_135, %dma_start3A_136] : memref<10001x32xf32, #tpu.memory_space<hbm>> -> memref<10001x32xf32, #tpu.memory_space<hbm>>
      tpu.enqueue_indirect_dma source(%dma_start3A_137 : memref<10001x32xf32, #tpu.memory_space<hbm>>) target(%dma_start3A_131 : memref<128x32xf32, #tpu.memory_space<vmem>>) offsets(%dma_start3A_134 : memref<128xi32, #tpu.memory_space<vmem>>) semaphore(%arg23 : memref<!tpu.dma_semaphore, #tpu.memory_space<semaphore_mem>>)
      %dma_start3A_138 = arith.constant 3 : i32
      %dma_start3A_139 = arith.constant 728 : i32
      %dma_start3A_140 = arith.constant 0 : i32
      %dma_start3A_141 = tpu.memref_slice %arg22[%dma_start3A_139, %dma_start3A_140] : memref<1024x32xf32, #tpu.memory_space<vmem>> -> memref<72x32xf32, #tpu.memory_space<vmem>>
      %dma_start3A_142 = arith.constant 128 : i32
      %dma_start3A_143 = tpu.memref_slice %arg21[%dma_start3A_138, %dma_start3A_142] : memref<4x200xi32, #tpu.memory_space<vmem>> -> memref<1x72xi32, #tpu.memory_space<vmem>>
      %dma_start3A_144 = tpu.memref_squeeze %dma_start3A_143 : memref<1x72xi32, #tpu.memory_space<vmem>> -> memref<72xi32, #tpu.memory_space<vmem>>
      %dma_start3A_145 = arith.constant 0 : i32
      %dma_start3A_146 = arith.constant 0 : i32
      %dma_start3A_147 = tpu.memref_slice %arg4[%dma_start3A_145, %dma_start3A_146] : memref<10001x32xf32, #tpu.memory_space<hbm>> -> memref<10001x32xf32, #tpu.memory_space<hbm>>
      tpu.enqueue_indirect_dma source(%dma_start3A_147 : memref<10001x32xf32, #tpu.memory_space<hbm>>) target(%dma_start3A_141 : memref<72x32xf32, #tpu.memory_space<vmem>>) offsets(%dma_start3A_144 : memref<72xi32, #tpu.memory_space<vmem>>) semaphore(%arg23 : memref<!tpu.dma_semaphore, #tpu.memory_space<semaphore_mem>>)
      %dma_wait3A = arith.constant 0 : i32
      %dma_wait3A_148 = arith.constant 0 : i32
      %dma_wait3A_149 = arith.constant 0 : i32
      %dma_wait3A_150 = tpu.memref_slice %arg22[%dma_wait3A_148, %dma_wait3A_149] : memref<1024x32xf32, #tpu.memory_space<vmem>> -> memref<128x32xf32, #tpu.memory_space<vmem>>
      %dma_wait3A_151 = arith.constant 0 : i32
      %dma_wait3A_152 = tpu.memref_slice %arg21[%dma_wait3A, %dma_wait3A_151] : memref<4x200xi32, #tpu.memory_space<vmem>> -> memref<1x128xi32, #tpu.memory_space<vmem>>
      %dma_wait3A_153 = tpu.memref_squeeze %dma_wait3A_152 : memref<1x128xi32, #tpu.memory_space<vmem>> -> memref<128xi32, #tpu.memory_space<vmem>>
      %dma_wait3A_154 = arith.constant 0 : i32
      %dma_wait3A_155 = arith.constant 0 : i32
      %dma_wait3A_156 = tpu.memref_slice %arg4[%dma_wait3A_154, %dma_wait3A_155] : memref<10001x32xf32, #tpu.memory_space<hbm>> -> memref<10001x32xf32, #tpu.memory_space<hbm>>
      tpu.wait_indirect_dma semaphore(%arg23 : memref<!tpu.dma_semaphore, #tpu.memory_space<semaphore_mem>>) src(%dma_wait3A_156 : memref<10001x32xf32, #tpu.memory_space<hbm>>) dst(%dma_wait3A_150 : memref<128x32xf32, #tpu.memory_space<vmem>>)
      %dma_wait3A_157 = arith.constant 0 : i32
      %dma_wait3A_158 = arith.constant 128 : i32
      %dma_wait3A_159 = arith.constant 0 : i32
      %dma_wait3A_160 = tpu.memref_slice %arg22[%dma_wait3A_158, %dma_wait3A_159] : memref<1024x32xf32, #tpu.memory_space<vmem>> -> memref<72x32xf32, #tpu.memory_space<vmem>>
      %dma_wait3A_161 = arith.constant 128 : i32
      %dma_wait3A_162 = tpu.memref_slice %arg21[%dma_wait3A_157, %dma_wait3A_161] : memref<4x200xi32, #tpu.memory_space<vmem>> -> memref<1x72xi32, #tpu.memory_space<vmem>>
      %dma_wait3A_163 = tpu.memref_squeeze %dma_wait3A_162 : memref<1x72xi32, #tpu.memory_space<vmem>> -> memref<72xi32, #tpu.memory_space<vmem>>
      %dma_wait3A_164 = arith.constant 0 : i32
      %dma_wait3A_165 = arith.constant 0 : i32
      %dma_wait3A_166 = tpu.memref_slice %arg4[%dma_wait3A_164, %dma_wait3A_165] : memref<10001x32xf32, #tpu.memory_space<hbm>> -> memref<10001x32xf32, #tpu.memory_space<hbm>>
      tpu.wait_indirect_dma semaphore(%arg23 : memref<!tpu.dma_semaphore, #tpu.memory_space<semaphore_mem>>) src(%dma_wait3A_166 : memref<10001x32xf32, #tpu.memory_space<hbm>>) dst(%dma_wait3A_160 : memref<72x32xf32, #tpu.memory_space<vmem>>)
      %dma_wait3A_167 = arith.constant 1 : i32
      %dma_wait3A_168 = arith.constant 200 : i32
      %dma_wait3A_169 = arith.constant 0 : i32
      %dma_wait3A_170 = tpu.memref_slice %arg22[%dma_wait3A_168, %dma_wait3A_169] : memref<1024x32xf32, #tpu.memory_space<vmem>> -> memref<128x32xf32, #tpu.memory_space<vmem>>
      %dma_wait3A_171 = arith.constant 0 : i32
      %dma_wait3A_172 = tpu.memref_slice %arg21[%dma_wait3A_167, %dma_wait3A_171] : memref<4x200xi32, #tpu.memory_space<vmem>> -> memref<1x128xi32, #tpu.memory_space<vmem>>
      %dma_wait3A_173 = tpu.memref_squeeze %dma_wait3A_172 : memref<1x128xi32, #tpu.memory_space<vmem>> -> memref<128xi32, #tpu.memory_space<vmem>>
      %dma_wait3A_174 = arith.constant 0 : i32
      %dma_wait3A_175 = arith.constant 0 : i32
      %dma_wait3A_176 = tpu.memref_slice %arg4[%dma_wait3A_174, %dma_wait3A_175] : memref<10001x32xf32, #tpu.memory_space<hbm>> -> memref<10001x32xf32, #tpu.memory_space<hbm>>
      tpu.wait_indirect_dma semaphore(%arg23 : memref<!tpu.dma_semaphore, #tpu.memory_space<semaphore_mem>>) src(%dma_wait3A_176 : memref<10001x32xf32, #tpu.memory_space<hbm>>) dst(%dma_wait3A_170 : memref<128x32xf32, #tpu.memory_space<vmem>>)
      %dma_wait3A_177 = arith.constant 1 : i32
      %dma_wait3A_178 = arith.constant 328 : i32
      %dma_wait3A_179 = arith.constant 0 : i32
      %dma_wait3A_180 = tpu.memref_slice %arg22[%dma_wait3A_178, %dma_wait3A_179] : memref<1024x32xf32, #tpu.memory_space<vmem>> -> memref<72x32xf32, #tpu.memory_space<vmem>>
      %dma_wait3A_181 = arith.constant 128 : i32
      %dma_wait3A_182 = tpu.memref_slice %arg21[%dma_wait3A_177, %dma_wait3A_181] : memref<4x200xi32, #tpu.memory_space<vmem>> -> memref<1x72xi32, #tpu.memory_space<vmem>>
      %dma_wait3A_183 = tpu.memref_squeeze %dma_wait3A_182 : memref<1x72xi32, #tpu.memory_space<vmem>> -> memref<72xi32, #tpu.memory_space<vmem>>
      %dma_wait3A_184 = arith.constant 0 : i32
      %dma_wait3A_185 = arith.constant 0 : i32
      %dma_wait3A_186 = tpu.memref_slice %arg4[%dma_wait3A_184, %dma_wait3A_185] : memref<10001x32xf32, #tpu.memory_space<hbm>> -> memref<10001x32xf32, #tpu.memory_space<hbm>>
      tpu.wait_indirect_dma semaphore(%arg23 : memref<!tpu.dma_semaphore, #tpu.memory_space<semaphore_mem>>) src(%dma_wait3A_186 : memref<10001x32xf32, #tpu.memory_space<hbm>>) dst(%dma_wait3A_180 : memref<72x32xf32, #tpu.memory_space<vmem>>)
      %dma_wait3A_187 = arith.constant 2 : i32
      %dma_wait3A_188 = arith.constant 400 : i32
      %dma_wait3A_189 = arith.constant 0 : i32
      %dma_wait3A_190 = tpu.memref_slice %arg22[%dma_wait3A_188, %dma_wait3A_189] : memref<1024x32xf32, #tpu.memory_space<vmem>> -> memref<128x32xf32, #tpu.memory_space<vmem>>
      %dma_wait3A_191 = arith.constant 0 : i32
      %dma_wait3A_192 = tpu.memref_slice %arg21[%dma_wait3A_187, %dma_wait3A_191] : memref<4x200xi32, #tpu.memory_space<vmem>> -> memref<1x128xi32, #tpu.memory_space<vmem>>
      %dma_wait3A_193 = tpu.memref_squeeze %dma_wait3A_192 : memref<1x128xi32, #tpu.memory_space<vmem>> -> memref<128xi32, #tpu.memory_space<vmem>>
      %dma_wait3A_194 = arith.constant 0 : i32
      %dma_wait3A_195 = arith.constant 0 : i32
      %dma_wait3A_196 = tpu.memref_slice %arg4[%dma_wait3A_194, %dma_wait3A_195] : memref<10001x32xf32, #tpu.memory_space<hbm>> -> memref<10001x32xf32, #tpu.memory_space<hbm>>
      tpu.wait_indirect_dma semaphore(%arg23 : memref<!tpu.dma_semaphore, #tpu.memory_space<semaphore_mem>>) src(%dma_wait3A_196 : memref<10001x32xf32, #tpu.memory_space<hbm>>) dst(%dma_wait3A_190 : memref<128x32xf32, #tpu.memory_space<vmem>>)
      %dma_wait3A_197 = arith.constant 2 : i32
      %dma_wait3A_198 = arith.constant 528 : i32
      %dma_wait3A_199 = arith.constant 0 : i32
      %dma_wait3A_200 = tpu.memref_slice %arg22[%dma_wait3A_198, %dma_wait3A_199] : memref<1024x32xf32, #tpu.memory_space<vmem>> -> memref<72x32xf32, #tpu.memory_space<vmem>>
      %dma_wait3A_201 = arith.constant 128 : i32
      %dma_wait3A_202 = tpu.memref_slice %arg21[%dma_wait3A_197, %dma_wait3A_201] : memref<4x200xi32, #tpu.memory_space<vmem>> -> memref<1x72xi32, #tpu.memory_space<vmem>>
      %dma_wait3A_203 = tpu.memref_squeeze %dma_wait3A_202 : memref<1x72xi32, #tpu.memory_space<vmem>> -> memref<72xi32, #tpu.memory_space<vmem>>
      %dma_wait3A_204 = arith.constant 0 : i32
      %dma_wait3A_205 = arith.constant 0 : i32
      %dma_wait3A_206 = tpu.memref_slice %arg4[%dma_wait3A_204, %dma_wait3A_205] : memref<10001x32xf32, #tpu.memory_space<hbm>> -> memref<10001x32xf32, #tpu.memory_space<hbm>>
      tpu.wait_indirect_dma semaphore(%arg23 : memref<!tpu.dma_semaphore, #tpu.memory_space<semaphore_mem>>) src(%dma_wait3A_206 : memref<10001x32xf32, #tpu.memory_space<hbm>>) dst(%dma_wait3A_200 : memref<72x32xf32, #tpu.memory_space<vmem>>)
      %dma_wait3A_207 = arith.constant 3 : i32
      %dma_wait3A_208 = arith.constant 600 : i32
      %dma_wait3A_209 = arith.constant 0 : i32
      %dma_wait3A_210 = tpu.memref_slice %arg22[%dma_wait3A_208, %dma_wait3A_209] : memref<1024x32xf32, #tpu.memory_space<vmem>> -> memref<128x32xf32, #tpu.memory_space<vmem>>
      %dma_wait3A_211 = arith.constant 0 : i32
      %dma_wait3A_212 = tpu.memref_slice %arg21[%dma_wait3A_207, %dma_wait3A_211] : memref<4x200xi32, #tpu.memory_space<vmem>> -> memref<1x128xi32, #tpu.memory_space<vmem>>
      %dma_wait3A_213 = tpu.memref_squeeze %dma_wait3A_212 : memref<1x128xi32, #tpu.memory_space<vmem>> -> memref<128xi32, #tpu.memory_space<vmem>>
      %dma_wait3A_214 = arith.constant 0 : i32
      %dma_wait3A_215 = arith.constant 0 : i32
      %dma_wait3A_216 = tpu.memref_slice %arg4[%dma_wait3A_214, %dma_wait3A_215] : memref<10001x32xf32, #tpu.memory_space<hbm>> -> memref<10001x32xf32, #tpu.memory_space<hbm>>
      tpu.wait_indirect_dma semaphore(%arg23 : memref<!tpu.dma_semaphore, #tpu.memory_space<semaphore_mem>>) src(%dma_wait3A_216 : memref<10001x32xf32, #tpu.memory_space<hbm>>) dst(%dma_wait3A_210 : memref<128x32xf32, #tpu.memory_space<vmem>>)
      %dma_wait3A_217 = arith.constant 3 : i32
      %dma_wait3A_218 = arith.constant 728 : i32
      %dma_wait3A_219 = arith.constant 0 : i32
      %dma_wait3A_220 = tpu.memref_slice %arg22[%dma_wait3A_218, %dma_wait3A_219] : memref<1024x32xf32, #tpu.memory_space<vmem>> -> memref<72x32xf32, #tpu.memory_space<vmem>>
      %dma_wait3A_221 = arith.constant 128 : i32
      %dma_wait3A_222 = tpu.memref_slice %arg21[%dma_wait3A_217, %dma_wait3A_221] : memref<4x200xi32, #tpu.memory_space<vmem>> -> memref<1x72xi32, #tpu.memory_space<vmem>>
      %dma_wait3A_223 = tpu.memref_squeeze %dma_wait3A_222 : memref<1x72xi32, #tpu.memory_space<vmem>> -> memref<72xi32, #tpu.memory_space<vmem>>
      %dma_wait3A_224 = arith.constant 0 : i32
      %dma_wait3A_225 = arith.constant 0 : i32
      %dma_wait3A_226 = tpu.memref_slice %arg4[%dma_wait3A_224, %dma_wait3A_225] : memref<10001x32xf32, #tpu.memory_space<hbm>> -> memref<10001x32xf32, #tpu.memory_space<hbm>>
      tpu.wait_indirect_dma semaphore(%arg23 : memref<!tpu.dma_semaphore, #tpu.memory_space<semaphore_mem>>) src(%dma_wait3A_226 : memref<10001x32xf32, #tpu.memory_space<hbm>>) dst(%dma_wait3A_220 : memref<72x32xf32, #tpu.memory_space<vmem>>)
      %mul3A_227 = arith.constant 200 : i32
      %mul3A_228 = arith.muli %mul3A_68, %mul3A_227 : i32
      "tpu.region"() ({
        %run_scoped3A = tpu.sem_alloc : memref<!tpu.dma_semaphore, #tpu.memory_space<semaphore_mem>>
        %dma_start3A_229 = arith.constant 0 : i32
        %dma_start3A_230 = arith.constant 0 : i32
        %dma_start3A_231 = tpu.memref_slice %arg22[%dma_start3A_229, %dma_start3A_230] : memref<1024x32xf32, #tpu.memory_space<vmem>> -> memref<800x32xf32, #tpu.memory_space<vmem>>
        %dma_start3A_232 = arith.constant 64 : i32
        %dma_start3A_233 = tpu.memref_slice %arg16[%mul3A_228, %dma_start3A_232] : memref<204800x128xf32, #tpu.memory_space<hbm>> -> memref<800x32xf32, #tpu.memory_space<hbm>>
        %dma_start3A_234 = arith.constant 64 : i32
        %dma_start3A_235 = tpu.memref_slice %arg16[%mul3A_228, %dma_start3A_234] : memref<204800x128xf32, #tpu.memory_space<hbm>> -> memref<800x32xf32, #tpu.memory_space<hbm>>
        %dma_start3A_236 = arith.constant 0 : i32
        %dma_start3A_237 = arith.constant 0 : i32
        %dma_start3A_238 = tpu.memref_slice %arg22[%dma_start3A_236, %dma_start3A_237] : memref<1024x32xf32, #tpu.memory_space<vmem>> -> memref<800x32xf32, #tpu.memory_space<vmem>>
        tpu.enqueue_dma source(%dma_start3A_238 : memref<800x32xf32, #tpu.memory_space<vmem>>) target(%dma_start3A_235 : memref<800x32xf32, #tpu.memory_space<hbm>>) target_semaphore(%run_scoped3A : memref<!tpu.dma_semaphore, #tpu.memory_space<semaphore_mem>>)
        %dma_wait3A_239 = arith.constant 0 : i32
        %dma_wait3A_240 = arith.constant 0 : i32
        %dma_wait3A_241 = tpu.memref_slice %arg22[%dma_wait3A_239, %dma_wait3A_240] : memref<1024x32xf32, #tpu.memory_space<vmem>> -> memref<800x32xf32, #tpu.memory_space<vmem>>
        %dma_wait3A_242 = arith.constant 64 : i32
        %dma_wait3A_243 = tpu.memref_slice %arg16[%mul3A_228, %dma_wait3A_242] : memref<204800x128xf32, #tpu.memory_space<hbm>> -> memref<800x32xf32, #tpu.memory_space<hbm>>
        %dma_wait3A_244 = arith.constant 64 : i32
        %dma_wait3A_245 = tpu.memref_slice %arg16[%mul3A_228, %dma_wait3A_244] : memref<204800x128xf32, #tpu.memory_space<hbm>> -> memref<800x32xf32, #tpu.memory_space<hbm>>
        %dma_wait3A_246 = arith.constant 0 : i32
        %dma_wait3A_247 = arith.constant 0 : i32
        %dma_wait3A_248 = tpu.memref_slice %arg22[%dma_wait3A_246, %dma_wait3A_247] : memref<1024x32xf32, #tpu.memory_space<vmem>> -> memref<800x32xf32, #tpu.memory_space<vmem>>
        tpu.wait_dma2 semaphore(%run_scoped3A : memref<!tpu.dma_semaphore, #tpu.memory_space<semaphore_mem>>) src(%dma_wait3A_248 : memref<800x32xf32, #tpu.memory_space<vmem>>) dst(%dma_wait3A_245 : memref<800x32xf32, #tpu.memory_space<hbm>>)
        tpu.yield
      }) : () -> ()
    }
    %scan3A_14 = arith.constant 8 : i32
    %scan3A_15 = arith.constant 0 : i32
    %scan3A_16 = arith.constant 8 : i32
    %scan3A_17 = arith.addi %scan3A_15, %scan3A_16 : i32
    %scan3A_18 = arith.constant 1 : i32
    scf.for %scan3A_59 = %scan3A_15 to %scan3A_17 step %scan3A_18  : i32 {
      %mul3A_60 = arith.constant 1 : i32
      %mul3A_61 = arith.muli %scan3A_59, %mul3A_60 : i32
      %add3A_62 = arith.constant 0 : i32
      %add3A_63 = arith.addi %add3A_62, %mul3A_61 : i32
      %mul3A_64 = arith.constant 32 : i32
      %mul3A_65 = arith.muli %add3A_63, %mul3A_64 : i32
      %add3A_66 = arith.addi %add3A, %mul3A_65 : i32
      %mul3A_67 = arith.constant 4 : i32
      %mul3A_68 = arith.muli %add3A_66, %mul3A_67 : i32
      "tpu.region"() ({
        %run_scoped3A = tpu.sem_alloc : memref<!tpu.dma_semaphore, #tpu.memory_space<semaphore_mem>>
        %dma_start3A_229 = arith.constant 0 : i32
        %dma_start3A_230 = tpu.memref_slice %arg12[%mul3A_68, %dma_start3A_229] : memref<1024x200xi32, #tpu.memory_space<hbm>> -> memref<4x200xi32, #tpu.memory_space<hbm>>
        %dma_start3A_231 = arith.constant 0 : i32
        %dma_start3A_232 = tpu.memref_slice %arg12[%mul3A_68, %dma_start3A_231] : memref<1024x200xi32, #tpu.memory_space<hbm>> -> memref<4x200xi32, #tpu.memory_space<hbm>>
        tpu.enqueue_dma source(%dma_start3A_232 : memref<4x200xi32, #tpu.memory_space<hbm>>) target(%arg21 : memref<4x200xi32, #tpu.memory_space<vmem>>) target_semaphore(%run_scoped3A : memref<!tpu.dma_semaphore, #tpu.memory_space<semaphore_mem>>)
        %dma_wait3A_233 = arith.constant 0 : i32
        %dma_wait3A_234 = tpu.memref_slice %arg12[%mul3A_68, %dma_wait3A_233] : memref<1024x200xi32, #tpu.memory_space<hbm>> -> memref<4x200xi32, #tpu.memory_space<hbm>>
        %dma_wait3A_235 = arith.constant 0 : i32
        %dma_wait3A_236 = tpu.memref_slice %arg12[%mul3A_68, %dma_wait3A_235] : memref<1024x200xi32, #tpu.memory_space<hbm>> -> memref<4x200xi32, #tpu.memory_space<hbm>>
        tpu.wait_dma2 semaphore(%run_scoped3A : memref<!tpu.dma_semaphore, #tpu.memory_space<semaphore_mem>>) src(%dma_wait3A_236 : memref<4x200xi32, #tpu.memory_space<hbm>>) dst(%arg21 : memref<4x200xi32, #tpu.memory_space<vmem>>)
        tpu.yield
      }) : () -> ()
      %dma_start3A = arith.constant 0 : i32
      %dma_start3A_69 = arith.constant 0 : i32
      %dma_start3A_70 = arith.constant 0 : i32
      %dma_start3A_71 = tpu.memref_slice %arg22[%dma_start3A_69, %dma_start3A_70] : memref<1024x32xf32, #tpu.memory_space<vmem>> -> memref<128x32xf32, #tpu.memory_space<vmem>>
      %dma_start3A_72 = arith.constant 0 : i32
      %dma_start3A_73 = tpu.memref_slice %arg21[%dma_start3A, %dma_start3A_72] : memref<4x200xi32, #tpu.memory_space<vmem>> -> memref<1x128xi32, #tpu.memory_space<vmem>>
      %dma_start3A_74 = tpu.memref_squeeze %dma_start3A_73 : memref<1x128xi32, #tpu.memory_space<vmem>> -> memref<128xi32, #tpu.memory_space<vmem>>
      %dma_start3A_75 = arith.constant 0 : i32
      %dma_start3A_76 = arith.constant 0 : i32
      %dma_start3A_77 = tpu.memref_slice %arg5[%dma_start3A_75, %dma_start3A_76] : memref<10001x32xf32, #tpu.memory_space<hbm>> -> memref<10001x32xf32, #tpu.memory_space<hbm>>
      tpu.enqueue_indirect_dma source(%dma_start3A_77 : memref<10001x32xf32, #tpu.memory_space<hbm>>) target(%dma_start3A_71 : memref<128x32xf32, #tpu.memory_space<vmem>>) offsets(%dma_start3A_74 : memref<128xi32, #tpu.memory_space<vmem>>) semaphore(%arg23 : memref<!tpu.dma_semaphore, #tpu.memory_space<semaphore_mem>>)
      %dma_start3A_78 = arith.constant 0 : i32
      %dma_start3A_79 = arith.constant 128 : i32
      %dma_start3A_80 = arith.constant 0 : i32
      %dma_start3A_81 = tpu.memref_slice %arg22[%dma_start3A_79, %dma_start3A_80] : memref<1024x32xf32, #tpu.memory_space<vmem>> -> memref<72x32xf32, #tpu.memory_space<vmem>>
      %dma_start3A_82 = arith.constant 128 : i32
      %dma_start3A_83 = tpu.memref_slice %arg21[%dma_start3A_78, %dma_start3A_82] : memref<4x200xi32, #tpu.memory_space<vmem>> -> memref<1x72xi32, #tpu.memory_space<vmem>>
      %dma_start3A_84 = tpu.memref_squeeze %dma_start3A_83 : memref<1x72xi32, #tpu.memory_space<vmem>> -> memref<72xi32, #tpu.memory_space<vmem>>
      %dma_start3A_85 = arith.constant 0 : i32
      %dma_start3A_86 = arith.constant 0 : i32
      %dma_start3A_87 = tpu.memref_slice %arg5[%dma_start3A_85, %dma_start3A_86] : memref<10001x32xf32, #tpu.memory_space<hbm>> -> memref<10001x32xf32, #tpu.memory_space<hbm>>
      tpu.enqueue_indirect_dma source(%dma_start3A_87 : memref<10001x32xf32, #tpu.memory_space<hbm>>) target(%dma_start3A_81 : memref<72x32xf32, #tpu.memory_space<vmem>>) offsets(%dma_start3A_84 : memref<72xi32, #tpu.memory_space<vmem>>) semaphore(%arg23 : memref<!tpu.dma_semaphore, #tpu.memory_space<semaphore_mem>>)
      %dma_start3A_88 = arith.constant 1 : i32
      %dma_start3A_89 = arith.constant 200 : i32
      %dma_start3A_90 = arith.constant 0 : i32
      %dma_start3A_91 = tpu.memref_slice %arg22[%dma_start3A_89, %dma_start3A_90] : memref<1024x32xf32, #tpu.memory_space<vmem>> -> memref<128x32xf32, #tpu.memory_space<vmem>>
      %dma_start3A_92 = arith.constant 0 : i32
      %dma_start3A_93 = tpu.memref_slice %arg21[%dma_start3A_88, %dma_start3A_92] : memref<4x200xi32, #tpu.memory_space<vmem>> -> memref<1x128xi32, #tpu.memory_space<vmem>>
      %dma_start3A_94 = tpu.memref_squeeze %dma_start3A_93 : memref<1x128xi32, #tpu.memory_space<vmem>> -> memref<128xi32, #tpu.memory_space<vmem>>
      %dma_start3A_95 = arith.constant 0 : i32
      %dma_start3A_96 = arith.constant 0 : i32
      %dma_start3A_97 = tpu.memref_slice %arg5[%dma_start3A_95, %dma_start3A_96] : memref<10001x32xf32, #tpu.memory_space<hbm>> -> memref<10001x32xf32, #tpu.memory_space<hbm>>
      tpu.enqueue_indirect_dma source(%dma_start3A_97 : memref<10001x32xf32, #tpu.memory_space<hbm>>) target(%dma_start3A_91 : memref<128x32xf32, #tpu.memory_space<vmem>>) offsets(%dma_start3A_94 : memref<128xi32, #tpu.memory_space<vmem>>) semaphore(%arg23 : memref<!tpu.dma_semaphore, #tpu.memory_space<semaphore_mem>>)
      %dma_start3A_98 = arith.constant 1 : i32
      %dma_start3A_99 = arith.constant 328 : i32
      %dma_start3A_100 = arith.constant 0 : i32
      %dma_start3A_101 = tpu.memref_slice %arg22[%dma_start3A_99, %dma_start3A_100] : memref<1024x32xf32, #tpu.memory_space<vmem>> -> memref<72x32xf32, #tpu.memory_space<vmem>>
      %dma_start3A_102 = arith.constant 128 : i32
      %dma_start3A_103 = tpu.memref_slice %arg21[%dma_start3A_98, %dma_start3A_102] : memref<4x200xi32, #tpu.memory_space<vmem>> -> memref<1x72xi32, #tpu.memory_space<vmem>>
      %dma_start3A_104 = tpu.memref_squeeze %dma_start3A_103 : memref<1x72xi32, #tpu.memory_space<vmem>> -> memref<72xi32, #tpu.memory_space<vmem>>
      %dma_start3A_105 = arith.constant 0 : i32
      %dma_start3A_106 = arith.constant 0 : i32
      %dma_start3A_107 = tpu.memref_slice %arg5[%dma_start3A_105, %dma_start3A_106] : memref<10001x32xf32, #tpu.memory_space<hbm>> -> memref<10001x32xf32, #tpu.memory_space<hbm>>
      tpu.enqueue_indirect_dma source(%dma_start3A_107 : memref<10001x32xf32, #tpu.memory_space<hbm>>) target(%dma_start3A_101 : memref<72x32xf32, #tpu.memory_space<vmem>>) offsets(%dma_start3A_104 : memref<72xi32, #tpu.memory_space<vmem>>) semaphore(%arg23 : memref<!tpu.dma_semaphore, #tpu.memory_space<semaphore_mem>>)
      %dma_start3A_108 = arith.constant 2 : i32
      %dma_start3A_109 = arith.constant 400 : i32
      %dma_start3A_110 = arith.constant 0 : i32
      %dma_start3A_111 = tpu.memref_slice %arg22[%dma_start3A_109, %dma_start3A_110] : memref<1024x32xf32, #tpu.memory_space<vmem>> -> memref<128x32xf32, #tpu.memory_space<vmem>>
      %dma_start3A_112 = arith.constant 0 : i32
      %dma_start3A_113 = tpu.memref_slice %arg21[%dma_start3A_108, %dma_start3A_112] : memref<4x200xi32, #tpu.memory_space<vmem>> -> memref<1x128xi32, #tpu.memory_space<vmem>>
      %dma_start3A_114 = tpu.memref_squeeze %dma_start3A_113 : memref<1x128xi32, #tpu.memory_space<vmem>> -> memref<128xi32, #tpu.memory_space<vmem>>
      %dma_start3A_115 = arith.constant 0 : i32
      %dma_start3A_116 = arith.constant 0 : i32
      %dma_start3A_117 = tpu.memref_slice %arg5[%dma_start3A_115, %dma_start3A_116] : memref<10001x32xf32, #tpu.memory_space<hbm>> -> memref<10001x32xf32, #tpu.memory_space<hbm>>
      tpu.enqueue_indirect_dma source(%dma_start3A_117 : memref<10001x32xf32, #tpu.memory_space<hbm>>) target(%dma_start3A_111 : memref<128x32xf32, #tpu.memory_space<vmem>>) offsets(%dma_start3A_114 : memref<128xi32, #tpu.memory_space<vmem>>) semaphore(%arg23 : memref<!tpu.dma_semaphore, #tpu.memory_space<semaphore_mem>>)
      %dma_start3A_118 = arith.constant 2 : i32
      %dma_start3A_119 = arith.constant 528 : i32
      %dma_start3A_120 = arith.constant 0 : i32
      %dma_start3A_121 = tpu.memref_slice %arg22[%dma_start3A_119, %dma_start3A_120] : memref<1024x32xf32, #tpu.memory_space<vmem>> -> memref<72x32xf32, #tpu.memory_space<vmem>>
      %dma_start3A_122 = arith.constant 128 : i32
      %dma_start3A_123 = tpu.memref_slice %arg21[%dma_start3A_118, %dma_start3A_122] : memref<4x200xi32, #tpu.memory_space<vmem>> -> memref<1x72xi32, #tpu.memory_space<vmem>>
      %dma_start3A_124 = tpu.memref_squeeze %dma_start3A_123 : memref<1x72xi32, #tpu.memory_space<vmem>> -> memref<72xi32, #tpu.memory_space<vmem>>
      %dma_start3A_125 = arith.constant 0 : i32
      %dma_start3A_126 = arith.constant 0 : i32
      %dma_start3A_127 = tpu.memref_slice %arg5[%dma_start3A_125, %dma_start3A_126] : memref<10001x32xf32, #tpu.memory_space<hbm>> -> memref<10001x32xf32, #tpu.memory_space<hbm>>
      tpu.enqueue_indirect_dma source(%dma_start3A_127 : memref<10001x32xf32, #tpu.memory_space<hbm>>) target(%dma_start3A_121 : memref<72x32xf32, #tpu.memory_space<vmem>>) offsets(%dma_start3A_124 : memref<72xi32, #tpu.memory_space<vmem>>) semaphore(%arg23 : memref<!tpu.dma_semaphore, #tpu.memory_space<semaphore_mem>>)
      %dma_start3A_128 = arith.constant 3 : i32
      %dma_start3A_129 = arith.constant 600 : i32
      %dma_start3A_130 = arith.constant 0 : i32
      %dma_start3A_131 = tpu.memref_slice %arg22[%dma_start3A_129, %dma_start3A_130] : memref<1024x32xf32, #tpu.memory_space<vmem>> -> memref<128x32xf32, #tpu.memory_space<vmem>>
      %dma_start3A_132 = arith.constant 0 : i32
      %dma_start3A_133 = tpu.memref_slice %arg21[%dma_start3A_128, %dma_start3A_132] : memref<4x200xi32, #tpu.memory_space<vmem>> -> memref<1x128xi32, #tpu.memory_space<vmem>>
      %dma_start3A_134 = tpu.memref_squeeze %dma_start3A_133 : memref<1x128xi32, #tpu.memory_space<vmem>> -> memref<128xi32, #tpu.memory_space<vmem>>
      %dma_start3A_135 = arith.constant 0 : i32
      %dma_start3A_136 = arith.constant 0 : i32
      %dma_start3A_137 = tpu.memref_slice %arg5[%dma_start3A_135, %dma_start3A_136] : memref<10001x32xf32, #tpu.memory_space<hbm>> -> memref<10001x32xf32, #tpu.memory_space<hbm>>
      tpu.enqueue_indirect_dma source(%dma_start3A_137 : memref<10001x32xf32, #tpu.memory_space<hbm>>) target(%dma_start3A_131 : memref<128x32xf32, #tpu.memory_space<vmem>>) offsets(%dma_start3A_134 : memref<128xi32, #tpu.memory_space<vmem>>) semaphore(%arg23 : memref<!tpu.dma_semaphore, #tpu.memory_space<semaphore_mem>>)
      %dma_start3A_138 = arith.constant 3 : i32
      %dma_start3A_139 = arith.constant 728 : i32
      %dma_start3A_140 = arith.constant 0 : i32
      %dma_start3A_141 = tpu.memref_slice %arg22[%dma_start3A_139, %dma_start3A_140] : memref<1024x32xf32, #tpu.memory_space<vmem>> -> memref<72x32xf32, #tpu.memory_space<vmem>>
      %dma_start3A_142 = arith.constant 128 : i32
      %dma_start3A_143 = tpu.memref_slice %arg21[%dma_start3A_138, %dma_start3A_142] : memref<4x200xi32, #tpu.memory_space<vmem>> -> memref<1x72xi32, #tpu.memory_space<vmem>>
      %dma_start3A_144 = tpu.memref_squeeze %dma_start3A_143 : memref<1x72xi32, #tpu.memory_space<vmem>> -> memref<72xi32, #tpu.memory_space<vmem>>
      %dma_start3A_145 = arith.constant 0 : i32
      %dma_start3A_146 = arith.constant 0 : i32
      %dma_start3A_147 = tpu.memref_slice %arg5[%dma_start3A_145, %dma_start3A_146] : memref<10001x32xf32, #tpu.memory_space<hbm>> -> memref<10001x32xf32, #tpu.memory_space<hbm>>
      tpu.enqueue_indirect_dma source(%dma_start3A_147 : memref<10001x32xf32, #tpu.memory_space<hbm>>) target(%dma_start3A_141 : memref<72x32xf32, #tpu.memory_space<vmem>>) offsets(%dma_start3A_144 : memref<72xi32, #tpu.memory_space<vmem>>) semaphore(%arg23 : memref<!tpu.dma_semaphore, #tpu.memory_space<semaphore_mem>>)
      %dma_wait3A = arith.constant 0 : i32
      %dma_wait3A_148 = arith.constant 0 : i32
      %dma_wait3A_149 = arith.constant 0 : i32
      %dma_wait3A_150 = tpu.memref_slice %arg22[%dma_wait3A_148, %dma_wait3A_149] : memref<1024x32xf32, #tpu.memory_space<vmem>> -> memref<128x32xf32, #tpu.memory_space<vmem>>
      %dma_wait3A_151 = arith.constant 0 : i32
      %dma_wait3A_152 = tpu.memref_slice %arg21[%dma_wait3A, %dma_wait3A_151] : memref<4x200xi32, #tpu.memory_space<vmem>> -> memref<1x128xi32, #tpu.memory_space<vmem>>
      %dma_wait3A_153 = tpu.memref_squeeze %dma_wait3A_152 : memref<1x128xi32, #tpu.memory_space<vmem>> -> memref<128xi32, #tpu.memory_space<vmem>>
      %dma_wait3A_154 = arith.constant 0 : i32
      %dma_wait3A_155 = arith.constant 0 : i32
      %dma_wait3A_156 = tpu.memref_slice %arg5[%dma_wait3A_154, %dma_wait3A_155] : memref<10001x32xf32, #tpu.memory_space<hbm>> -> memref<10001x32xf32, #tpu.memory_space<hbm>>
      tpu.wait_indirect_dma semaphore(%arg23 : memref<!tpu.dma_semaphore, #tpu.memory_space<semaphore_mem>>) src(%dma_wait3A_156 : memref<10001x32xf32, #tpu.memory_space<hbm>>) dst(%dma_wait3A_150 : memref<128x32xf32, #tpu.memory_space<vmem>>)
      %dma_wait3A_157 = arith.constant 0 : i32
      %dma_wait3A_158 = arith.constant 128 : i32
      %dma_wait3A_159 = arith.constant 0 : i32
      %dma_wait3A_160 = tpu.memref_slice %arg22[%dma_wait3A_158, %dma_wait3A_159] : memref<1024x32xf32, #tpu.memory_space<vmem>> -> memref<72x32xf32, #tpu.memory_space<vmem>>
      %dma_wait3A_161 = arith.constant 128 : i32
      %dma_wait3A_162 = tpu.memref_slice %arg21[%dma_wait3A_157, %dma_wait3A_161] : memref<4x200xi32, #tpu.memory_space<vmem>> -> memref<1x72xi32, #tpu.memory_space<vmem>>
      %dma_wait3A_163 = tpu.memref_squeeze %dma_wait3A_162 : memref<1x72xi32, #tpu.memory_space<vmem>> -> memref<72xi32, #tpu.memory_space<vmem>>
      %dma_wait3A_164 = arith.constant 0 : i32
      %dma_wait3A_165 = arith.constant 0 : i32
      %dma_wait3A_166 = tpu.memref_slice %arg5[%dma_wait3A_164, %dma_wait3A_165] : memref<10001x32xf32, #tpu.memory_space<hbm>> -> memref<10001x32xf32, #tpu.memory_space<hbm>>
      tpu.wait_indirect_dma semaphore(%arg23 : memref<!tpu.dma_semaphore, #tpu.memory_space<semaphore_mem>>) src(%dma_wait3A_166 : memref<10001x32xf32, #tpu.memory_space<hbm>>) dst(%dma_wait3A_160 : memref<72x32xf32, #tpu.memory_space<vmem>>)
      %dma_wait3A_167 = arith.constant 1 : i32
      %dma_wait3A_168 = arith.constant 200 : i32
      %dma_wait3A_169 = arith.constant 0 : i32
      %dma_wait3A_170 = tpu.memref_slice %arg22[%dma_wait3A_168, %dma_wait3A_169] : memref<1024x32xf32, #tpu.memory_space<vmem>> -> memref<128x32xf32, #tpu.memory_space<vmem>>
      %dma_wait3A_171 = arith.constant 0 : i32
      %dma_wait3A_172 = tpu.memref_slice %arg21[%dma_wait3A_167, %dma_wait3A_171] : memref<4x200xi32, #tpu.memory_space<vmem>> -> memref<1x128xi32, #tpu.memory_space<vmem>>
      %dma_wait3A_173 = tpu.memref_squeeze %dma_wait3A_172 : memref<1x128xi32, #tpu.memory_space<vmem>> -> memref<128xi32, #tpu.memory_space<vmem>>
      %dma_wait3A_174 = arith.constant 0 : i32
      %dma_wait3A_175 = arith.constant 0 : i32
      %dma_wait3A_176 = tpu.memref_slice %arg5[%dma_wait3A_174, %dma_wait3A_175] : memref<10001x32xf32, #tpu.memory_space<hbm>> -> memref<10001x32xf32, #tpu.memory_space<hbm>>
      tpu.wait_indirect_dma semaphore(%arg23 : memref<!tpu.dma_semaphore, #tpu.memory_space<semaphore_mem>>) src(%dma_wait3A_176 : memref<10001x32xf32, #tpu.memory_space<hbm>>) dst(%dma_wait3A_170 : memref<128x32xf32, #tpu.memory_space<vmem>>)
      %dma_wait3A_177 = arith.constant 1 : i32
      %dma_wait3A_178 = arith.constant 328 : i32
      %dma_wait3A_179 = arith.constant 0 : i32
      %dma_wait3A_180 = tpu.memref_slice %arg22[%dma_wait3A_178, %dma_wait3A_179] : memref<1024x32xf32, #tpu.memory_space<vmem>> -> memref<72x32xf32, #tpu.memory_space<vmem>>
      %dma_wait3A_181 = arith.constant 128 : i32
      %dma_wait3A_182 = tpu.memref_slice %arg21[%dma_wait3A_177, %dma_wait3A_181] : memref<4x200xi32, #tpu.memory_space<vmem>> -> memref<1x72xi32, #tpu.memory_space<vmem>>
      %dma_wait3A_183 = tpu.memref_squeeze %dma_wait3A_182 : memref<1x72xi32, #tpu.memory_space<vmem>> -> memref<72xi32, #tpu.memory_space<vmem>>
      %dma_wait3A_184 = arith.constant 0 : i32
      %dma_wait3A_185 = arith.constant 0 : i32
      %dma_wait3A_186 = tpu.memref_slice %arg5[%dma_wait3A_184, %dma_wait3A_185] : memref<10001x32xf32, #tpu.memory_space<hbm>> -> memref<10001x32xf32, #tpu.memory_space<hbm>>
      tpu.wait_indirect_dma semaphore(%arg23 : memref<!tpu.dma_semaphore, #tpu.memory_space<semaphore_mem>>) src(%dma_wait3A_186 : memref<10001x32xf32, #tpu.memory_space<hbm>>) dst(%dma_wait3A_180 : memref<72x32xf32, #tpu.memory_space<vmem>>)
      %dma_wait3A_187 = arith.constant 2 : i32
      %dma_wait3A_188 = arith.constant 400 : i32
      %dma_wait3A_189 = arith.constant 0 : i32
      %dma_wait3A_190 = tpu.memref_slice %arg22[%dma_wait3A_188, %dma_wait3A_189] : memref<1024x32xf32, #tpu.memory_space<vmem>> -> memref<128x32xf32, #tpu.memory_space<vmem>>
      %dma_wait3A_191 = arith.constant 0 : i32
      %dma_wait3A_192 = tpu.memref_slice %arg21[%dma_wait3A_187, %dma_wait3A_191] : memref<4x200xi32, #tpu.memory_space<vmem>> -> memref<1x128xi32, #tpu.memory_space<vmem>>
      %dma_wait3A_193 = tpu.memref_squeeze %dma_wait3A_192 : memref<1x128xi32, #tpu.memory_space<vmem>> -> memref<128xi32, #tpu.memory_space<vmem>>
      %dma_wait3A_194 = arith.constant 0 : i32
      %dma_wait3A_195 = arith.constant 0 : i32
      %dma_wait3A_196 = tpu.memref_slice %arg5[%dma_wait3A_194, %dma_wait3A_195] : memref<10001x32xf32, #tpu.memory_space<hbm>> -> memref<10001x32xf32, #tpu.memory_space<hbm>>
      tpu.wait_indirect_dma semaphore(%arg23 : memref<!tpu.dma_semaphore, #tpu.memory_space<semaphore_mem>>) src(%dma_wait3A_196 : memref<10001x32xf32, #tpu.memory_space<hbm>>) dst(%dma_wait3A_190 : memref<128x32xf32, #tpu.memory_space<vmem>>)
      %dma_wait3A_197 = arith.constant 2 : i32
      %dma_wait3A_198 = arith.constant 528 : i32
      %dma_wait3A_199 = arith.constant 0 : i32
      %dma_wait3A_200 = tpu.memref_slice %arg22[%dma_wait3A_198, %dma_wait3A_199] : memref<1024x32xf32, #tpu.memory_space<vmem>> -> memref<72x32xf32, #tpu.memory_space<vmem>>
      %dma_wait3A_201 = arith.constant 128 : i32
      %dma_wait3A_202 = tpu.memref_slice %arg21[%dma_wait3A_197, %dma_wait3A_201] : memref<4x200xi32, #tpu.memory_space<vmem>> -> memref<1x72xi32, #tpu.memory_space<vmem>>
      %dma_wait3A_203 = tpu.memref_squeeze %dma_wait3A_202 : memref<1x72xi32, #tpu.memory_space<vmem>> -> memref<72xi32, #tpu.memory_space<vmem>>
      %dma_wait3A_204 = arith.constant 0 : i32
      %dma_wait3A_205 = arith.constant 0 : i32
      %dma_wait3A_206 = tpu.memref_slice %arg5[%dma_wait3A_204, %dma_wait3A_205] : memref<10001x32xf32, #tpu.memory_space<hbm>> -> memref<10001x32xf32, #tpu.memory_space<hbm>>
      tpu.wait_indirect_dma semaphore(%arg23 : memref<!tpu.dma_semaphore, #tpu.memory_space<semaphore_mem>>) src(%dma_wait3A_206 : memref<10001x32xf32, #tpu.memory_space<hbm>>) dst(%dma_wait3A_200 : memref<72x32xf32, #tpu.memory_space<vmem>>)
      %dma_wait3A_207 = arith.constant 3 : i32
      %dma_wait3A_208 = arith.constant 600 : i32
      %dma_wait3A_209 = arith.constant 0 : i32
      %dma_wait3A_210 = tpu.memref_slice %arg22[%dma_wait3A_208, %dma_wait3A_209] : memref<1024x32xf32, #tpu.memory_space<vmem>> -> memref<128x32xf32, #tpu.memory_space<vmem>>
      %dma_wait3A_211 = arith.constant 0 : i32
      %dma_wait3A_212 = tpu.memref_slice %arg21[%dma_wait3A_207, %dma_wait3A_211] : memref<4x200xi32, #tpu.memory_space<vmem>> -> memref<1x128xi32, #tpu.memory_space<vmem>>
      %dma_wait3A_213 = tpu.memref_squeeze %dma_wait3A_212 : memref<1x128xi32, #tpu.memory_space<vmem>> -> memref<128xi32, #tpu.memory_space<vmem>>
      %dma_wait3A_214 = arith.constant 0 : i32
      %dma_wait3A_215 = arith.constant 0 : i32
      %dma_wait3A_216 = tpu.memref_slice %arg5[%dma_wait3A_214, %dma_wait3A_215] : memref<10001x32xf32, #tpu.memory_space<hbm>> -> memref<10001x32xf32, #tpu.memory_space<hbm>>
      tpu.wait_indirect_dma semaphore(%arg23 : memref<!tpu.dma_semaphore, #tpu.memory_space<semaphore_mem>>) src(%dma_wait3A_216 : memref<10001x32xf32, #tpu.memory_space<hbm>>) dst(%dma_wait3A_210 : memref<128x32xf32, #tpu.memory_space<vmem>>)
      %dma_wait3A_217 = arith.constant 3 : i32
      %dma_wait3A_218 = arith.constant 728 : i32
      %dma_wait3A_219 = arith.constant 0 : i32
      %dma_wait3A_220 = tpu.memref_slice %arg22[%dma_wait3A_218, %dma_wait3A_219] : memref<1024x32xf32, #tpu.memory_space<vmem>> -> memref<72x32xf32, #tpu.memory_space<vmem>>
      %dma_wait3A_221 = arith.constant 128 : i32
      %dma_wait3A_222 = tpu.memref_slice %arg21[%dma_wait3A_217, %dma_wait3A_221] : memref<4x200xi32, #tpu.memory_space<vmem>> -> memref<1x72xi32, #tpu.memory_space<vmem>>
      %dma_wait3A_223 = tpu.memref_squeeze %dma_wait3A_222 : memref<1x72xi32, #tpu.memory_space<vmem>> -> memref<72xi32, #tpu.memory_space<vmem>>
      %dma_wait3A_224 = arith.constant 0 : i32
      %dma_wait3A_225 = arith.constant 0 : i32
      %dma_wait3A_226 = tpu.memref_slice %arg5[%dma_wait3A_224, %dma_wait3A_225] : memref<10001x32xf32, #tpu.memory_space<hbm>> -> memref<10001x32xf32, #tpu.memory_space<hbm>>
      tpu.wait_indirect_dma semaphore(%arg23 : memref<!tpu.dma_semaphore, #tpu.memory_space<semaphore_mem>>) src(%dma_wait3A_226 : memref<10001x32xf32, #tpu.memory_space<hbm>>) dst(%dma_wait3A_220 : memref<72x32xf32, #tpu.memory_space<vmem>>)
      %mul3A_227 = arith.constant 200 : i32
      %mul3A_228 = arith.muli %mul3A_68, %mul3A_227 : i32
      "tpu.region"() ({
        %run_scoped3A = tpu.sem_alloc : memref<!tpu.dma_semaphore, #tpu.memory_space<semaphore_mem>>
        %dma_start3A_229 = arith.constant 0 : i32
        %dma_start3A_230 = arith.constant 0 : i32
        %dma_start3A_231 = tpu.memref_slice %arg22[%dma_start3A_229, %dma_start3A_230] : memref<1024x32xf32, #tpu.memory_space<vmem>> -> memref<800x32xf32, #tpu.memory_space<vmem>>
        %dma_start3A_232 = arith.constant 96 : i32
        %dma_start3A_233 = tpu.memref_slice %arg16[%mul3A_228, %dma_start3A_232] : memref<204800x128xf32, #tpu.memory_space<hbm>> -> memref<800x32xf32, #tpu.memory_space<hbm>>
        %dma_start3A_234 = arith.constant 96 : i32
        %dma_start3A_235 = tpu.memref_slice %arg16[%mul3A_228, %dma_start3A_234] : memref<204800x128xf32, #tpu.memory_space<hbm>> -> memref<800x32xf32, #tpu.memory_space<hbm>>
        %dma_start3A_236 = arith.constant 0 : i32
        %dma_start3A_237 = arith.constant 0 : i32
        %dma_start3A_238 = tpu.memref_slice %arg22[%dma_start3A_236, %dma_start3A_237] : memref<1024x32xf32, #tpu.memory_space<vmem>> -> memref<800x32xf32, #tpu.memory_space<vmem>>
        tpu.enqueue_dma source(%dma_start3A_238 : memref<800x32xf32, #tpu.memory_space<vmem>>) target(%dma_start3A_235 : memref<800x32xf32, #tpu.memory_space<hbm>>) target_semaphore(%run_scoped3A : memref<!tpu.dma_semaphore, #tpu.memory_space<semaphore_mem>>)
        %dma_wait3A_239 = arith.constant 0 : i32
        %dma_wait3A_240 = arith.constant 0 : i32
        %dma_wait3A_241 = tpu.memref_slice %arg22[%dma_wait3A_239, %dma_wait3A_240] : memref<1024x32xf32, #tpu.memory_space<vmem>> -> memref<800x32xf32, #tpu.memory_space<vmem>>
        %dma_wait3A_242 = arith.constant 96 : i32
        %dma_wait3A_243 = tpu.memref_slice %arg16[%mul3A_228, %dma_wait3A_242] : memref<204800x128xf32, #tpu.memory_space<hbm>> -> memref<800x32xf32, #tpu.memory_space<hbm>>
        %dma_wait3A_244 = arith.constant 96 : i32
        %dma_wait3A_245 = tpu.memref_slice %arg16[%mul3A_228, %dma_wait3A_244] : memref<204800x128xf32, #tpu.memory_space<hbm>> -> memref<800x32xf32, #tpu.memory_space<hbm>>
        %dma_wait3A_246 = arith.constant 0 : i32
        %dma_wait3A_247 = arith.constant 0 : i32
        %dma_wait3A_248 = tpu.memref_slice %arg22[%dma_wait3A_246, %dma_wait3A_247] : memref<1024x32xf32, #tpu.memory_space<vmem>> -> memref<800x32xf32, #tpu.memory_space<vmem>>
        tpu.wait_dma2 semaphore(%run_scoped3A : memref<!tpu.dma_semaphore, #tpu.memory_space<semaphore_mem>>) src(%dma_wait3A_248 : memref<800x32xf32, #tpu.memory_space<vmem>>) dst(%dma_wait3A_245 : memref<800x32xf32, #tpu.memory_space<hbm>>)
        tpu.yield
      }) : () -> ()
    }
    %scan3A_19 = arith.constant 8 : i32
    %scan3A_20 = arith.constant 0 : i32
    %mul3A_21 = arith.constant 1 : i32
    %mul3A_22 = arith.muli %scan3A_20, %mul3A_21 : i32
    %add3A_23 = arith.constant 0 : i32
    %add3A_24 = arith.addi %add3A_23, %mul3A_22 : i32
    %mul3A_25 = arith.constant 32 : i32
    %mul3A_26 = arith.muli %add3A_24, %mul3A_25 : i32
    %add3A_27 = arith.addi %add3A, %mul3A_26 : i32
    %lt3A = arith.constant 1 : i32
    %lt3A_28 = arith.cmpi slt, %add3A_27, %lt3A : i32
    %convert_element_type3A = arith.extui %lt3A_28 : i1 to i32
    %cond3A = arith.constant 0 : i32
    %cond3A_29 = arith.cmpi ne, %convert_element_type3A, %cond3A : i32
    scf.if %cond3A_29 {
      %mul3A_59 = arith.constant 8 : i32
      %mul3A_60 = arith.muli %add3A_27, %mul3A_59 : i32
      %multiple_of3A = tpu.assume_multiple %mul3A_60, 8 : i32
      %add3A_61 = arith.constant 0 : i32
      %add3A_62 = arith.addi %add3A_61, %multiple_of3A : i32
      "tpu.region"() ({
        %run_scoped3A = tpu.sem_alloc : memref<!tpu.dma_semaphore, #tpu.memory_space<semaphore_mem>>
        %dma_start3A_223 = arith.constant 0 : i32
        %dma_start3A_224 = arith.constant 0 : i32
        %dma_start3A_225 = tpu.memref_slice %arg20[%dma_start3A_223, %dma_start3A_224] : memref<8x128xi32, #tpu.memory_space<vmem>> -> memref<8x128xi32, #tpu.memory_space<vmem>>
        %dma_start3A_226 = arith.constant 0 : i32
        %dma_start3A_227 = tpu.memref_slice %arg13[%add3A_62, %dma_start3A_226] : memref<8x128xi32, #tpu.memory_space<hbm>> -> memref<8x128xi32, #tpu.memory_space<hbm>>
        %dma_start3A_228 = arith.constant 0 : i32
        %dma_start3A_229 = arith.constant 0 : i32
        %dma_start3A_230 = tpu.memref_slice %arg20[%dma_start3A_228, %dma_start3A_229] : memref<8x128xi32, #tpu.memory_space<vmem>> -> memref<8x128xi32, #tpu.memory_space<vmem>>
        %dma_start3A_231 = arith.constant 0 : i32
        %dma_start3A_232 = tpu.memref_slice %arg13[%add3A_62, %dma_start3A_231] : memref<8x128xi32, #tpu.memory_space<hbm>> -> memref<8x128xi32, #tpu.memory_space<hbm>>
        tpu.enqueue_dma source(%dma_start3A_232 : memref<8x128xi32, #tpu.memory_space<hbm>>) target(%dma_start3A_230 : memref<8x128xi32, #tpu.memory_space<vmem>>) target_semaphore(%run_scoped3A : memref<!tpu.dma_semaphore, #tpu.memory_space<semaphore_mem>>)
        %dma_wait3A_233 = arith.constant 0 : i32
        %dma_wait3A_234 = arith.constant 0 : i32
        %dma_wait3A_235 = tpu.memref_slice %arg20[%dma_wait3A_233, %dma_wait3A_234] : memref<8x128xi32, #tpu.memory_space<vmem>> -> memref<8x128xi32, #tpu.memory_space<vmem>>
        %dma_wait3A_236 = arith.constant 0 : i32
        %dma_wait3A_237 = tpu.memref_slice %arg13[%add3A_62, %dma_wait3A_236] : memref<8x128xi32, #tpu.memory_space<hbm>> -> memref<8x128xi32, #tpu.memory_space<hbm>>
        %dma_wait3A_238 = arith.constant 0 : i32
        %dma_wait3A_239 = arith.constant 0 : i32
        %dma_wait3A_240 = tpu.memref_slice %arg20[%dma_wait3A_238, %dma_wait3A_239] : memref<8x128xi32, #tpu.memory_space<vmem>> -> memref<8x128xi32, #tpu.memory_space<vmem>>
        %dma_wait3A_241 = arith.constant 0 : i32
        %dma_wait3A_242 = tpu.memref_slice %arg13[%add3A_62, %dma_wait3A_241] : memref<8x128xi32, #tpu.memory_space<hbm>> -> memref<8x128xi32, #tpu.memory_space<hbm>>
        tpu.wait_dma2 semaphore(%run_scoped3A : memref<!tpu.dma_semaphore, #tpu.memory_space<semaphore_mem>>) src(%dma_wait3A_242 : memref<8x128xi32, #tpu.memory_space<hbm>>) dst(%dma_wait3A_240 : memref<8x128xi32, #tpu.memory_space<vmem>>)
        tpu.yield
      }) : () -> ()
      %dma_start3A = arith.constant 0 : i32
      %dma_start3A_63 = arith.constant 0 : i32
      %dma_start3A_64 = arith.constant 0 : i32
      %dma_start3A_65 = tpu.memref_slice %arg22[%dma_start3A_63, %dma_start3A_64] : memref<1024x32xf32, #tpu.memory_space<vmem>> -> memref<128x32xf32, #tpu.memory_space<vmem>>
      %dma_start3A_66 = arith.constant 0 : i32
      %dma_start3A_67 = tpu.memref_slice %arg20[%dma_start3A, %dma_start3A_66] : memref<8x128xi32, #tpu.memory_space<vmem>> -> memref<1x128xi32, #tpu.memory_space<vmem>>
      %dma_start3A_68 = tpu.memref_squeeze %dma_start3A_67 : memref<1x128xi32, #tpu.memory_space<vmem>> -> memref<128xi32, #tpu.memory_space<vmem>>
      %dma_start3A_69 = arith.constant 0 : i32
      %dma_start3A_70 = arith.constant 0 : i32
      %dma_start3A_71 = tpu.memref_slice %arg6[%dma_start3A_69, %dma_start3A_70] : memref<10001x32xf32, #tpu.memory_space<hbm>> -> memref<10001x32xf32, #tpu.memory_space<hbm>>
      tpu.enqueue_indirect_dma source(%dma_start3A_71 : memref<10001x32xf32, #tpu.memory_space<hbm>>) target(%dma_start3A_65 : memref<128x32xf32, #tpu.memory_space<vmem>>) offsets(%dma_start3A_68 : memref<128xi32, #tpu.memory_space<vmem>>) semaphore(%arg23 : memref<!tpu.dma_semaphore, #tpu.memory_space<semaphore_mem>>)
      %dma_start3A_72 = arith.constant 1 : i32
      %dma_start3A_73 = arith.constant 128 : i32
      %dma_start3A_74 = arith.constant 0 : i32
      %dma_start3A_75 = tpu.memref_slice %arg22[%dma_start3A_73, %dma_start3A_74] : memref<1024x32xf32, #tpu.memory_space<vmem>> -> memref<128x32xf32, #tpu.memory_space<vmem>>
      %dma_start3A_76 = arith.constant 0 : i32
      %dma_start3A_77 = tpu.memref_slice %arg20[%dma_start3A_72, %dma_start3A_76] : memref<8x128xi32, #tpu.memory_space<vmem>> -> memref<1x128xi32, #tpu.memory_space<vmem>>
      %dma_start3A_78 = tpu.memref_squeeze %dma_start3A_77 : memref<1x128xi32, #tpu.memory_space<vmem>> -> memref<128xi32, #tpu.memory_space<vmem>>
      %dma_start3A_79 = arith.constant 0 : i32
      %dma_start3A_80 = arith.constant 0 : i32
      %dma_start3A_81 = tpu.memref_slice %arg6[%dma_start3A_79, %dma_start3A_80] : memref<10001x32xf32, #tpu.memory_space<hbm>> -> memref<10001x32xf32, #tpu.memory_space<hbm>>
      tpu.enqueue_indirect_dma source(%dma_start3A_81 : memref<10001x32xf32, #tpu.memory_space<hbm>>) target(%dma_start3A_75 : memref<128x32xf32, #tpu.memory_space<vmem>>) offsets(%dma_start3A_78 : memref<128xi32, #tpu.memory_space<vmem>>) semaphore(%arg23 : memref<!tpu.dma_semaphore, #tpu.memory_space<semaphore_mem>>)
      %dma_start3A_82 = arith.constant 2 : i32
      %dma_start3A_83 = arith.constant 256 : i32
      %dma_start3A_84 = arith.constant 0 : i32
      %dma_start3A_85 = tpu.memref_slice %arg22[%dma_start3A_83, %dma_start3A_84] : memref<1024x32xf32, #tpu.memory_space<vmem>> -> memref<128x32xf32, #tpu.memory_space<vmem>>
      %dma_start3A_86 = arith.constant 0 : i32
      %dma_start3A_87 = tpu.memref_slice %arg20[%dma_start3A_82, %dma_start3A_86] : memref<8x128xi32, #tpu.memory_space<vmem>> -> memref<1x128xi32, #tpu.memory_space<vmem>>
      %dma_start3A_88 = tpu.memref_squeeze %dma_start3A_87 : memref<1x128xi32, #tpu.memory_space<vmem>> -> memref<128xi32, #tpu.memory_space<vmem>>
      %dma_start3A_89 = arith.constant 0 : i32
      %dma_start3A_90 = arith.constant 0 : i32
      %dma_start3A_91 = tpu.memref_slice %arg6[%dma_start3A_89, %dma_start3A_90] : memref<10001x32xf32, #tpu.memory_space<hbm>> -> memref<10001x32xf32, #tpu.memory_space<hbm>>
      tpu.enqueue_indirect_dma source(%dma_start3A_91 : memref<10001x32xf32, #tpu.memory_space<hbm>>) target(%dma_start3A_85 : memref<128x32xf32, #tpu.memory_space<vmem>>) offsets(%dma_start3A_88 : memref<128xi32, #tpu.memory_space<vmem>>) semaphore(%arg23 : memref<!tpu.dma_semaphore, #tpu.memory_space<semaphore_mem>>)
      %dma_start3A_92 = arith.constant 3 : i32
      %dma_start3A_93 = arith.constant 384 : i32
      %dma_start3A_94 = arith.constant 0 : i32
      %dma_start3A_95 = tpu.memref_slice %arg22[%dma_start3A_93, %dma_start3A_94] : memref<1024x32xf32, #tpu.memory_space<vmem>> -> memref<128x32xf32, #tpu.memory_space<vmem>>
      %dma_start3A_96 = arith.constant 0 : i32
      %dma_start3A_97 = tpu.memref_slice %arg20[%dma_start3A_92, %dma_start3A_96] : memref<8x128xi32, #tpu.memory_space<vmem>> -> memref<1x128xi32, #tpu.memory_space<vmem>>
      %dma_start3A_98 = tpu.memref_squeeze %dma_start3A_97 : memref<1x128xi32, #tpu.memory_space<vmem>> -> memref<128xi32, #tpu.memory_space<vmem>>
      %dma_start3A_99 = arith.constant 0 : i32
      %dma_start3A_100 = arith.constant 0 : i32
      %dma_start3A_101 = tpu.memref_slice %arg6[%dma_start3A_99, %dma_start3A_100] : memref<10001x32xf32, #tpu.memory_space<hbm>> -> memref<10001x32xf32, #tpu.memory_space<hbm>>
      tpu.enqueue_indirect_dma source(%dma_start3A_101 : memref<10001x32xf32, #tpu.memory_space<hbm>>) target(%dma_start3A_95 : memref<128x32xf32, #tpu.memory_space<vmem>>) offsets(%dma_start3A_98 : memref<128xi32, #tpu.memory_space<vmem>>) semaphore(%arg23 : memref<!tpu.dma_semaphore, #tpu.memory_space<semaphore_mem>>)
      %dma_start3A_102 = arith.constant 4 : i32
      %dma_start3A_103 = arith.constant 512 : i32
      %dma_start3A_104 = arith.constant 0 : i32
      %dma_start3A_105 = tpu.memref_slice %arg22[%dma_start3A_103, %dma_start3A_104] : memref<1024x32xf32, #tpu.memory_space<vmem>> -> memref<128x32xf32, #tpu.memory_space<vmem>>
      %dma_start3A_106 = arith.constant 0 : i32
      %dma_start3A_107 = tpu.memref_slice %arg20[%dma_start3A_102, %dma_start3A_106] : memref<8x128xi32, #tpu.memory_space<vmem>> -> memref<1x128xi32, #tpu.memory_space<vmem>>
      %dma_start3A_108 = tpu.memref_squeeze %dma_start3A_107 : memref<1x128xi32, #tpu.memory_space<vmem>> -> memref<128xi32, #tpu.memory_space<vmem>>
      %dma_start3A_109 = arith.constant 0 : i32
      %dma_start3A_110 = arith.constant 0 : i32
      %dma_start3A_111 = tpu.memref_slice %arg6[%dma_start3A_109, %dma_start3A_110] : memref<10001x32xf32, #tpu.memory_space<hbm>> -> memref<10001x32xf32, #tpu.memory_space<hbm>>
      tpu.enqueue_indirect_dma source(%dma_start3A_111 : memref<10001x32xf32, #tpu.memory_space<hbm>>) target(%dma_start3A_105 : memref<128x32xf32, #tpu.memory_space<vmem>>) offsets(%dma_start3A_108 : memref<128xi32, #tpu.memory_space<vmem>>) semaphore(%arg23 : memref<!tpu.dma_semaphore, #tpu.memory_space<semaphore_mem>>)
      %dma_start3A_112 = arith.constant 5 : i32
      %dma_start3A_113 = arith.constant 640 : i32
      %dma_start3A_114 = arith.constant 0 : i32
      %dma_start3A_115 = tpu.memref_slice %arg22[%dma_start3A_113, %dma_start3A_114] : memref<1024x32xf32, #tpu.memory_space<vmem>> -> memref<128x32xf32, #tpu.memory_space<vmem>>
      %dma_start3A_116 = arith.constant 0 : i32
      %dma_start3A_117 = tpu.memref_slice %arg20[%dma_start3A_112, %dma_start3A_116] : memref<8x128xi32, #tpu.memory_space<vmem>> -> memref<1x128xi32, #tpu.memory_space<vmem>>
      %dma_start3A_118 = tpu.memref_squeeze %dma_start3A_117 : memref<1x128xi32, #tpu.memory_space<vmem>> -> memref<128xi32, #tpu.memory_space<vmem>>
      %dma_start3A_119 = arith.constant 0 : i32
      %dma_start3A_120 = arith.constant 0 : i32
      %dma_start3A_121 = tpu.memref_slice %arg6[%dma_start3A_119, %dma_start3A_120] : memref<10001x32xf32, #tpu.memory_space<hbm>> -> memref<10001x32xf32, #tpu.memory_space<hbm>>
      tpu.enqueue_indirect_dma source(%dma_start3A_121 : memref<10001x32xf32, #tpu.memory_space<hbm>>) target(%dma_start3A_115 : memref<128x32xf32, #tpu.memory_space<vmem>>) offsets(%dma_start3A_118 : memref<128xi32, #tpu.memory_space<vmem>>) semaphore(%arg23 : memref<!tpu.dma_semaphore, #tpu.memory_space<semaphore_mem>>)
      %dma_start3A_122 = arith.constant 6 : i32
      %dma_start3A_123 = arith.constant 768 : i32
      %dma_start3A_124 = arith.constant 0 : i32
      %dma_start3A_125 = tpu.memref_slice %arg22[%dma_start3A_123, %dma_start3A_124] : memref<1024x32xf32, #tpu.memory_space<vmem>> -> memref<128x32xf32, #tpu.memory_space<vmem>>
      %dma_start3A_126 = arith.constant 0 : i32
      %dma_start3A_127 = tpu.memref_slice %arg20[%dma_start3A_122, %dma_start3A_126] : memref<8x128xi32, #tpu.memory_space<vmem>> -> memref<1x128xi32, #tpu.memory_space<vmem>>
      %dma_start3A_128 = tpu.memref_squeeze %dma_start3A_127 : memref<1x128xi32, #tpu.memory_space<vmem>> -> memref<128xi32, #tpu.memory_space<vmem>>
      %dma_start3A_129 = arith.constant 0 : i32
      %dma_start3A_130 = arith.constant 0 : i32
      %dma_start3A_131 = tpu.memref_slice %arg6[%dma_start3A_129, %dma_start3A_130] : memref<10001x32xf32, #tpu.memory_space<hbm>> -> memref<10001x32xf32, #tpu.memory_space<hbm>>
      tpu.enqueue_indirect_dma source(%dma_start3A_131 : memref<10001x32xf32, #tpu.memory_space<hbm>>) target(%dma_start3A_125 : memref<128x32xf32, #tpu.memory_space<vmem>>) offsets(%dma_start3A_128 : memref<128xi32, #tpu.memory_space<vmem>>) semaphore(%arg23 : memref<!tpu.dma_semaphore, #tpu.memory_space<semaphore_mem>>)
      %dma_start3A_132 = arith.constant 7 : i32
      %dma_start3A_133 = arith.constant 896 : i32
      %dma_start3A_134 = arith.constant 0 : i32
      %dma_start3A_135 = tpu.memref_slice %arg22[%dma_start3A_133, %dma_start3A_134] : memref<1024x32xf32, #tpu.memory_space<vmem>> -> memref<128x32xf32, #tpu.memory_space<vmem>>
      %dma_start3A_136 = arith.constant 0 : i32
      %dma_start3A_137 = tpu.memref_slice %arg20[%dma_start3A_132, %dma_start3A_136] : memref<8x128xi32, #tpu.memory_space<vmem>> -> memref<1x128xi32, #tpu.memory_space<vmem>>
      %dma_start3A_138 = tpu.memref_squeeze %dma_start3A_137 : memref<1x128xi32, #tpu.memory_space<vmem>> -> memref<128xi32, #tpu.memory_space<vmem>>
      %dma_start3A_139 = arith.constant 0 : i32
      %dma_start3A_140 = arith.constant 0 : i32
      %dma_start3A_141 = tpu.memref_slice %arg6[%dma_start3A_139, %dma_start3A_140] : memref<10001x32xf32, #tpu.memory_space<hbm>> -> memref<10001x32xf32, #tpu.memory_space<hbm>>
      tpu.enqueue_indirect_dma source(%dma_start3A_141 : memref<10001x32xf32, #tpu.memory_space<hbm>>) target(%dma_start3A_135 : memref<128x32xf32, #tpu.memory_space<vmem>>) offsets(%dma_start3A_138 : memref<128xi32, #tpu.memory_space<vmem>>) semaphore(%arg23 : memref<!tpu.dma_semaphore, #tpu.memory_space<semaphore_mem>>)
      %dma_wait3A = arith.constant 0 : i32
      %dma_wait3A_142 = arith.constant 0 : i32
      %dma_wait3A_143 = arith.constant 0 : i32
      %dma_wait3A_144 = tpu.memref_slice %arg22[%dma_wait3A_142, %dma_wait3A_143] : memref<1024x32xf32, #tpu.memory_space<vmem>> -> memref<128x32xf32, #tpu.memory_space<vmem>>
      %dma_wait3A_145 = arith.constant 0 : i32
      %dma_wait3A_146 = tpu.memref_slice %arg20[%dma_wait3A, %dma_wait3A_145] : memref<8x128xi32, #tpu.memory_space<vmem>> -> memref<1x128xi32, #tpu.memory_space<vmem>>
      %dma_wait3A_147 = tpu.memref_squeeze %dma_wait3A_146 : memref<1x128xi32, #tpu.memory_space<vmem>> -> memref<128xi32, #tpu.memory_space<vmem>>
      %dma_wait3A_148 = arith.constant 0 : i32
      %dma_wait3A_149 = arith.constant 0 : i32
      %dma_wait3A_150 = tpu.memref_slice %arg6[%dma_wait3A_148, %dma_wait3A_149] : memref<10001x32xf32, #tpu.memory_space<hbm>> -> memref<10001x32xf32, #tpu.memory_space<hbm>>
      tpu.wait_indirect_dma semaphore(%arg23 : memref<!tpu.dma_semaphore, #tpu.memory_space<semaphore_mem>>) src(%dma_wait3A_150 : memref<10001x32xf32, #tpu.memory_space<hbm>>) dst(%dma_wait3A_144 : memref<128x32xf32, #tpu.memory_space<vmem>>)
      %dma_wait3A_151 = arith.constant 1 : i32
      %dma_wait3A_152 = arith.constant 128 : i32
      %dma_wait3A_153 = arith.constant 0 : i32
      %dma_wait3A_154 = tpu.memref_slice %arg22[%dma_wait3A_152, %dma_wait3A_153] : memref<1024x32xf32, #tpu.memory_space<vmem>> -> memref<128x32xf32, #tpu.memory_space<vmem>>
      %dma_wait3A_155 = arith.constant 0 : i32
      %dma_wait3A_156 = tpu.memref_slice %arg20[%dma_wait3A_151, %dma_wait3A_155] : memref<8x128xi32, #tpu.memory_space<vmem>> -> memref<1x128xi32, #tpu.memory_space<vmem>>
      %dma_wait3A_157 = tpu.memref_squeeze %dma_wait3A_156 : memref<1x128xi32, #tpu.memory_space<vmem>> -> memref<128xi32, #tpu.memory_space<vmem>>
      %dma_wait3A_158 = arith.constant 0 : i32
      %dma_wait3A_159 = arith.constant 0 : i32
      %dma_wait3A_160 = tpu.memref_slice %arg6[%dma_wait3A_158, %dma_wait3A_159] : memref<10001x32xf32, #tpu.memory_space<hbm>> -> memref<10001x32xf32, #tpu.memory_space<hbm>>
      tpu.wait_indirect_dma semaphore(%arg23 : memref<!tpu.dma_semaphore, #tpu.memory_space<semaphore_mem>>) src(%dma_wait3A_160 : memref<10001x32xf32, #tpu.memory_space<hbm>>) dst(%dma_wait3A_154 : memref<128x32xf32, #tpu.memory_space<vmem>>)
      %dma_wait3A_161 = arith.constant 2 : i32
      %dma_wait3A_162 = arith.constant 256 : i32
      %dma_wait3A_163 = arith.constant 0 : i32
      %dma_wait3A_164 = tpu.memref_slice %arg22[%dma_wait3A_162, %dma_wait3A_163] : memref<1024x32xf32, #tpu.memory_space<vmem>> -> memref<128x32xf32, #tpu.memory_space<vmem>>
      %dma_wait3A_165 = arith.constant 0 : i32
      %dma_wait3A_166 = tpu.memref_slice %arg20[%dma_wait3A_161, %dma_wait3A_165] : memref<8x128xi32, #tpu.memory_space<vmem>> -> memref<1x128xi32, #tpu.memory_space<vmem>>
      %dma_wait3A_167 = tpu.memref_squeeze %dma_wait3A_166 : memref<1x128xi32, #tpu.memory_space<vmem>> -> memref<128xi32, #tpu.memory_space<vmem>>
      %dma_wait3A_168 = arith.constant 0 : i32
      %dma_wait3A_169 = arith.constant 0 : i32
      %dma_wait3A_170 = tpu.memref_slice %arg6[%dma_wait3A_168, %dma_wait3A_169] : memref<10001x32xf32, #tpu.memory_space<hbm>> -> memref<10001x32xf32, #tpu.memory_space<hbm>>
      tpu.wait_indirect_dma semaphore(%arg23 : memref<!tpu.dma_semaphore, #tpu.memory_space<semaphore_mem>>) src(%dma_wait3A_170 : memref<10001x32xf32, #tpu.memory_space<hbm>>) dst(%dma_wait3A_164 : memref<128x32xf32, #tpu.memory_space<vmem>>)
      %dma_wait3A_171 = arith.constant 3 : i32
      %dma_wait3A_172 = arith.constant 384 : i32
      %dma_wait3A_173 = arith.constant 0 : i32
      %dma_wait3A_174 = tpu.memref_slice %arg22[%dma_wait3A_172, %dma_wait3A_173] : memref<1024x32xf32, #tpu.memory_space<vmem>> -> memref<128x32xf32, #tpu.memory_space<vmem>>
      %dma_wait3A_175 = arith.constant 0 : i32
      %dma_wait3A_176 = tpu.memref_slice %arg20[%dma_wait3A_171, %dma_wait3A_175] : memref<8x128xi32, #tpu.memory_space<vmem>> -> memref<1x128xi32, #tpu.memory_space<vmem>>
      %dma_wait3A_177 = tpu.memref_squeeze %dma_wait3A_176 : memref<1x128xi32, #tpu.memory_space<vmem>> -> memref<128xi32, #tpu.memory_space<vmem>>
      %dma_wait3A_178 = arith.constant 0 : i32
      %dma_wait3A_179 = arith.constant 0 : i32
      %dma_wait3A_180 = tpu.memref_slice %arg6[%dma_wait3A_178, %dma_wait3A_179] : memref<10001x32xf32, #tpu.memory_space<hbm>> -> memref<10001x32xf32, #tpu.memory_space<hbm>>
      tpu.wait_indirect_dma semaphore(%arg23 : memref<!tpu.dma_semaphore, #tpu.memory_space<semaphore_mem>>) src(%dma_wait3A_180 : memref<10001x32xf32, #tpu.memory_space<hbm>>) dst(%dma_wait3A_174 : memref<128x32xf32, #tpu.memory_space<vmem>>)
      %dma_wait3A_181 = arith.constant 4 : i32
      %dma_wait3A_182 = arith.constant 512 : i32
      %dma_wait3A_183 = arith.constant 0 : i32
      %dma_wait3A_184 = tpu.memref_slice %arg22[%dma_wait3A_182, %dma_wait3A_183] : memref<1024x32xf32, #tpu.memory_space<vmem>> -> memref<128x32xf32, #tpu.memory_space<vmem>>
      %dma_wait3A_185 = arith.constant 0 : i32
      %dma_wait3A_186 = tpu.memref_slice %arg20[%dma_wait3A_181, %dma_wait3A_185] : memref<8x128xi32, #tpu.memory_space<vmem>> -> memref<1x128xi32, #tpu.memory_space<vmem>>
      %dma_wait3A_187 = tpu.memref_squeeze %dma_wait3A_186 : memref<1x128xi32, #tpu.memory_space<vmem>> -> memref<128xi32, #tpu.memory_space<vmem>>
      %dma_wait3A_188 = arith.constant 0 : i32
      %dma_wait3A_189 = arith.constant 0 : i32
      %dma_wait3A_190 = tpu.memref_slice %arg6[%dma_wait3A_188, %dma_wait3A_189] : memref<10001x32xf32, #tpu.memory_space<hbm>> -> memref<10001x32xf32, #tpu.memory_space<hbm>>
      tpu.wait_indirect_dma semaphore(%arg23 : memref<!tpu.dma_semaphore, #tpu.memory_space<semaphore_mem>>) src(%dma_wait3A_190 : memref<10001x32xf32, #tpu.memory_space<hbm>>) dst(%dma_wait3A_184 : memref<128x32xf32, #tpu.memory_space<vmem>>)
      %dma_wait3A_191 = arith.constant 5 : i32
      %dma_wait3A_192 = arith.constant 640 : i32
      %dma_wait3A_193 = arith.constant 0 : i32
      %dma_wait3A_194 = tpu.memref_slice %arg22[%dma_wait3A_192, %dma_wait3A_193] : memref<1024x32xf32, #tpu.memory_space<vmem>> -> memref<128x32xf32, #tpu.memory_space<vmem>>
      %dma_wait3A_195 = arith.constant 0 : i32
      %dma_wait3A_196 = tpu.memref_slice %arg20[%dma_wait3A_191, %dma_wait3A_195] : memref<8x128xi32, #tpu.memory_space<vmem>> -> memref<1x128xi32, #tpu.memory_space<vmem>>
      %dma_wait3A_197 = tpu.memref_squeeze %dma_wait3A_196 : memref<1x128xi32, #tpu.memory_space<vmem>> -> memref<128xi32, #tpu.memory_space<vmem>>
      %dma_wait3A_198 = arith.constant 0 : i32
      %dma_wait3A_199 = arith.constant 0 : i32
      %dma_wait3A_200 = tpu.memref_slice %arg6[%dma_wait3A_198, %dma_wait3A_199] : memref<10001x32xf32, #tpu.memory_space<hbm>> -> memref<10001x32xf32, #tpu.memory_space<hbm>>
      tpu.wait_indirect_dma semaphore(%arg23 : memref<!tpu.dma_semaphore, #tpu.memory_space<semaphore_mem>>) src(%dma_wait3A_200 : memref<10001x32xf32, #tpu.memory_space<hbm>>) dst(%dma_wait3A_194 : memref<128x32xf32, #tpu.memory_space<vmem>>)
      %dma_wait3A_201 = arith.constant 6 : i32
      %dma_wait3A_202 = arith.constant 768 : i32
      %dma_wait3A_203 = arith.constant 0 : i32
      %dma_wait3A_204 = tpu.memref_slice %arg22[%dma_wait3A_202, %dma_wait3A_203] : memref<1024x32xf32, #tpu.memory_space<vmem>> -> memref<128x32xf32, #tpu.memory_space<vmem>>
      %dma_wait3A_205 = arith.constant 0 : i32
      %dma_wait3A_206 = tpu.memref_slice %arg20[%dma_wait3A_201, %dma_wait3A_205] : memref<8x128xi32, #tpu.memory_space<vmem>> -> memref<1x128xi32, #tpu.memory_space<vmem>>
      %dma_wait3A_207 = tpu.memref_squeeze %dma_wait3A_206 : memref<1x128xi32, #tpu.memory_space<vmem>> -> memref<128xi32, #tpu.memory_space<vmem>>
      %dma_wait3A_208 = arith.constant 0 : i32
      %dma_wait3A_209 = arith.constant 0 : i32
      %dma_wait3A_210 = tpu.memref_slice %arg6[%dma_wait3A_208, %dma_wait3A_209] : memref<10001x32xf32, #tpu.memory_space<hbm>> -> memref<10001x32xf32, #tpu.memory_space<hbm>>
      tpu.wait_indirect_dma semaphore(%arg23 : memref<!tpu.dma_semaphore, #tpu.memory_space<semaphore_mem>>) src(%dma_wait3A_210 : memref<10001x32xf32, #tpu.memory_space<hbm>>) dst(%dma_wait3A_204 : memref<128x32xf32, #tpu.memory_space<vmem>>)
      %dma_wait3A_211 = arith.constant 7 : i32
      %dma_wait3A_212 = arith.constant 896 : i32
      %dma_wait3A_213 = arith.constant 0 : i32
      %dma_wait3A_214 = tpu.memref_slice %arg22[%dma_wait3A_212, %dma_wait3A_213] : memref<1024x32xf32, #tpu.memory_space<vmem>> -> memref<128x32xf32, #tpu.memory_space<vmem>>
      %dma_wait3A_215 = arith.constant 0 : i32
      %dma_wait3A_216 = tpu.memref_slice %arg20[%dma_wait3A_211, %dma_wait3A_215] : memref<8x128xi32, #tpu.memory_space<vmem>> -> memref<1x128xi32, #tpu.memory_space<vmem>>
      %dma_wait3A_217 = tpu.memref_squeeze %dma_wait3A_216 : memref<1x128xi32, #tpu.memory_space<vmem>> -> memref<128xi32, #tpu.memory_space<vmem>>
      %dma_wait3A_218 = arith.constant 0 : i32
      %dma_wait3A_219 = arith.constant 0 : i32
      %dma_wait3A_220 = tpu.memref_slice %arg6[%dma_wait3A_218, %dma_wait3A_219] : memref<10001x32xf32, #tpu.memory_space<hbm>> -> memref<10001x32xf32, #tpu.memory_space<hbm>>
      tpu.wait_indirect_dma semaphore(%arg23 : memref<!tpu.dma_semaphore, #tpu.memory_space<semaphore_mem>>) src(%dma_wait3A_220 : memref<10001x32xf32, #tpu.memory_space<hbm>>) dst(%dma_wait3A_214 : memref<128x32xf32, #tpu.memory_space<vmem>>)
      %mul3A_221 = arith.constant 128 : i32
      %mul3A_222 = arith.muli %multiple_of3A, %mul3A_221 : i32
      "tpu.region"() ({
        %run_scoped3A = tpu.sem_alloc : memref<!tpu.dma_semaphore, #tpu.memory_space<semaphore_mem>>
        %dma_start3A_223 = arith.constant 0 : i32
        %dma_start3A_224 = arith.constant 0 : i32
        %dma_start3A_225 = tpu.memref_slice %arg22[%dma_start3A_223, %dma_start3A_224] : memref<1024x32xf32, #tpu.memory_space<vmem>> -> memref<1024x32xf32, #tpu.memory_space<vmem>>
        %dma_start3A_226 = arith.constant 0 : i32
        %dma_start3A_227 = tpu.memref_slice %arg17[%mul3A_222, %dma_start3A_226] : memref<1024x32xf32, #tpu.memory_space<hbm>> -> memref<1024x32xf32, #tpu.memory_space<hbm>>
        %dma_start3A_228 = arith.constant 0 : i32
        %dma_start3A_229 = tpu.memref_slice %arg17[%mul3A_222, %dma_start3A_228] : memref<1024x32xf32, #tpu.memory_space<hbm>> -> memref<1024x32xf32, #tpu.memory_space<hbm>>
        %dma_start3A_230 = arith.constant 0 : i32
        %dma_start3A_231 = arith.constant 0 : i32
        %dma_start3A_232 = tpu.memref_slice %arg22[%dma_start3A_230, %dma_start3A_231] : memref<1024x32xf32, #tpu.memory_space<vmem>> -> memref<1024x32xf32, #tpu.memory_space<vmem>>
        tpu.enqueue_dma source(%dma_start3A_232 : memref<1024x32xf32, #tpu.memory_space<vmem>>) target(%dma_start3A_229 : memref<1024x32xf32, #tpu.memory_space<hbm>>) target_semaphore(%run_scoped3A : memref<!tpu.dma_semaphore, #tpu.memory_space<semaphore_mem>>)
        %dma_wait3A_233 = arith.constant 0 : i32
        %dma_wait3A_234 = arith.constant 0 : i32
        %dma_wait3A_235 = tpu.memref_slice %arg22[%dma_wait3A_233, %dma_wait3A_234] : memref<1024x32xf32, #tpu.memory_space<vmem>> -> memref<1024x32xf32, #tpu.memory_space<vmem>>
        %dma_wait3A_236 = arith.constant 0 : i32
        %dma_wait3A_237 = tpu.memref_slice %arg17[%mul3A_222, %dma_wait3A_236] : memref<1024x32xf32, #tpu.memory_space<hbm>> -> memref<1024x32xf32, #tpu.memory_space<hbm>>
        %dma_wait3A_238 = arith.constant 0 : i32
        %dma_wait3A_239 = tpu.memref_slice %arg17[%mul3A_222, %dma_wait3A_238] : memref<1024x32xf32, #tpu.memory_space<hbm>> -> memref<1024x32xf32, #tpu.memory_space<hbm>>
        %dma_wait3A_240 = arith.constant 0 : i32
        %dma_wait3A_241 = arith.constant 0 : i32
        %dma_wait3A_242 = tpu.memref_slice %arg22[%dma_wait3A_240, %dma_wait3A_241] : memref<1024x32xf32, #tpu.memory_space<vmem>> -> memref<1024x32xf32, #tpu.memory_space<vmem>>
        tpu.wait_dma2 semaphore(%run_scoped3A : memref<!tpu.dma_semaphore, #tpu.memory_space<semaphore_mem>>) src(%dma_wait3A_242 : memref<1024x32xf32, #tpu.memory_space<vmem>>) dst(%dma_wait3A_239 : memref<1024x32xf32, #tpu.memory_space<hbm>>)
        tpu.yield
      }) : () -> ()
    } else {
    }
    %scan3A_30 = arith.constant 1 : i32
    %scan3A_31 = arith.constant 0 : i32
    %mul3A_32 = arith.constant 1 : i32
    %mul3A_33 = arith.muli %scan3A_31, %mul3A_32 : i32
    %add3A_34 = arith.constant 0 : i32
    %add3A_35 = arith.addi %add3A_34, %mul3A_33 : i32
    %mul3A_36 = arith.constant 32 : i32
    %mul3A_37 = arith.muli %add3A_35, %mul3A_36 : i32
    %add3A_38 = arith.addi %add3A, %mul3A_37 : i32
    %lt3A_39 = arith.constant 1 : i32
    %lt3A_40 = arith.cmpi slt, %add3A_38, %lt3A_39 : i32
    %convert_element_type3A_41 = arith.extui %lt3A_40 : i1 to i32
    %cond3A_42 = arith.constant 0 : i32
    %cond3A_43 = arith.cmpi ne, %convert_element_type3A_41, %cond3A_42 : i32
    scf.if %cond3A_43 {
      %mul3A_59 = arith.constant 8 : i32
      %mul3A_60 = arith.muli %add3A_38, %mul3A_59 : i32
      %multiple_of3A = tpu.assume_multiple %mul3A_60, 8 : i32
      %add3A_61 = arith.constant 0 : i32
      %add3A_62 = arith.addi %add3A_61, %multiple_of3A : i32
      "tpu.region"() ({
        %run_scoped3A = tpu.sem_alloc : memref<!tpu.dma_semaphore, #tpu.memory_space<semaphore_mem>>
        %dma_start3A_223 = arith.constant 0 : i32
        %dma_start3A_224 = arith.constant 0 : i32
        %dma_start3A_225 = tpu.memref_slice %arg20[%dma_start3A_223, %dma_start3A_224] : memref<8x128xi32, #tpu.memory_space<vmem>> -> memref<8x128xi32, #tpu.memory_space<vmem>>
        %dma_start3A_226 = arith.constant 0 : i32
        %dma_start3A_227 = tpu.memref_slice %arg14[%add3A_62, %dma_start3A_226] : memref<8x128xi32, #tpu.memory_space<hbm>> -> memref<8x128xi32, #tpu.memory_space<hbm>>
        %dma_start3A_228 = arith.constant 0 : i32
        %dma_start3A_229 = arith.constant 0 : i32
        %dma_start3A_230 = tpu.memref_slice %arg20[%dma_start3A_228, %dma_start3A_229] : memref<8x128xi32, #tpu.memory_space<vmem>> -> memref<8x128xi32, #tpu.memory_space<vmem>>
        %dma_start3A_231 = arith.constant 0 : i32
        %dma_start3A_232 = tpu.memref_slice %arg14[%add3A_62, %dma_start3A_231] : memref<8x128xi32, #tpu.memory_space<hbm>> -> memref<8x128xi32, #tpu.memory_space<hbm>>
        tpu.enqueue_dma source(%dma_start3A_232 : memref<8x128xi32, #tpu.memory_space<hbm>>) target(%dma_start3A_230 : memref<8x128xi32, #tpu.memory_space<vmem>>) target_semaphore(%run_scoped3A : memref<!tpu.dma_semaphore, #tpu.memory_space<semaphore_mem>>)
        %dma_wait3A_233 = arith.constant 0 : i32
        %dma_wait3A_234 = arith.constant 0 : i32
        %dma_wait3A_235 = tpu.memref_slice %arg20[%dma_wait3A_233, %dma_wait3A_234] : memref<8x128xi32, #tpu.memory_space<vmem>> -> memref<8x128xi32, #tpu.memory_space<vmem>>
        %dma_wait3A_236 = arith.constant 0 : i32
        %dma_wait3A_237 = tpu.memref_slice %arg14[%add3A_62, %dma_wait3A_236] : memref<8x128xi32, #tpu.memory_space<hbm>> -> memref<8x128xi32, #tpu.memory_space<hbm>>
        %dma_wait3A_238 = arith.constant 0 : i32
        %dma_wait3A_239 = arith.constant 0 : i32
        %dma_wait3A_240 = tpu.memref_slice %arg20[%dma_wait3A_238, %dma_wait3A_239] : memref<8x128xi32, #tpu.memory_space<vmem>> -> memref<8x128xi32, #tpu.memory_space<vmem>>
        %dma_wait3A_241 = arith.constant 0 : i32
        %dma_wait3A_242 = tpu.memref_slice %arg14[%add3A_62, %dma_wait3A_241] : memref<8x128xi32, #tpu.memory_space<hbm>> -> memref<8x128xi32, #tpu.memory_space<hbm>>
        tpu.wait_dma2 semaphore(%run_scoped3A : memref<!tpu.dma_semaphore, #tpu.memory_space<semaphore_mem>>) src(%dma_wait3A_242 : memref<8x128xi32, #tpu.memory_space<hbm>>) dst(%dma_wait3A_240 : memref<8x128xi32, #tpu.memory_space<vmem>>)
        tpu.yield
      }) : () -> ()
      %dma_start3A = arith.constant 0 : i32
      %dma_start3A_63 = arith.constant 0 : i32
      %dma_start3A_64 = arith.constant 0 : i32
      %dma_start3A_65 = tpu.memref_slice %arg22[%dma_start3A_63, %dma_start3A_64] : memref<1024x32xf32, #tpu.memory_space<vmem>> -> memref<128x32xf32, #tpu.memory_space<vmem>>
      %dma_start3A_66 = arith.constant 0 : i32
      %dma_start3A_67 = tpu.memref_slice %arg20[%dma_start3A, %dma_start3A_66] : memref<8x128xi32, #tpu.memory_space<vmem>> -> memref<1x128xi32, #tpu.memory_space<vmem>>
      %dma_start3A_68 = tpu.memref_squeeze %dma_start3A_67 : memref<1x128xi32, #tpu.memory_space<vmem>> -> memref<128xi32, #tpu.memory_space<vmem>>
      %dma_start3A_69 = arith.constant 0 : i32
      %dma_start3A_70 = arith.constant 0 : i32
      %dma_start3A_71 = tpu.memref_slice %arg7[%dma_start3A_69, %dma_start3A_70] : memref<10001x32xf32, #tpu.memory_space<hbm>> -> memref<10001x32xf32, #tpu.memory_space<hbm>>
      tpu.enqueue_indirect_dma source(%dma_start3A_71 : memref<10001x32xf32, #tpu.memory_space<hbm>>) target(%dma_start3A_65 : memref<128x32xf32, #tpu.memory_space<vmem>>) offsets(%dma_start3A_68 : memref<128xi32, #tpu.memory_space<vmem>>) semaphore(%arg23 : memref<!tpu.dma_semaphore, #tpu.memory_space<semaphore_mem>>)
      %dma_start3A_72 = arith.constant 1 : i32
      %dma_start3A_73 = arith.constant 128 : i32
      %dma_start3A_74 = arith.constant 0 : i32
      %dma_start3A_75 = tpu.memref_slice %arg22[%dma_start3A_73, %dma_start3A_74] : memref<1024x32xf32, #tpu.memory_space<vmem>> -> memref<128x32xf32, #tpu.memory_space<vmem>>
      %dma_start3A_76 = arith.constant 0 : i32
      %dma_start3A_77 = tpu.memref_slice %arg20[%dma_start3A_72, %dma_start3A_76] : memref<8x128xi32, #tpu.memory_space<vmem>> -> memref<1x128xi32, #tpu.memory_space<vmem>>
      %dma_start3A_78 = tpu.memref_squeeze %dma_start3A_77 : memref<1x128xi32, #tpu.memory_space<vmem>> -> memref<128xi32, #tpu.memory_space<vmem>>
      %dma_start3A_79 = arith.constant 0 : i32
      %dma_start3A_80 = arith.constant 0 : i32
      %dma_start3A_81 = tpu.memref_slice %arg7[%dma_start3A_79, %dma_start3A_80] : memref<10001x32xf32, #tpu.memory_space<hbm>> -> memref<10001x32xf32, #tpu.memory_space<hbm>>
      tpu.enqueue_indirect_dma source(%dma_start3A_81 : memref<10001x32xf32, #tpu.memory_space<hbm>>) target(%dma_start3A_75 : memref<128x32xf32, #tpu.memory_space<vmem>>) offsets(%dma_start3A_78 : memref<128xi32, #tpu.memory_space<vmem>>) semaphore(%arg23 : memref<!tpu.dma_semaphore, #tpu.memory_space<semaphore_mem>>)
      %dma_start3A_82 = arith.constant 2 : i32
      %dma_start3A_83 = arith.constant 256 : i32
      %dma_start3A_84 = arith.constant 0 : i32
      %dma_start3A_85 = tpu.memref_slice %arg22[%dma_start3A_83, %dma_start3A_84] : memref<1024x32xf32, #tpu.memory_space<vmem>> -> memref<128x32xf32, #tpu.memory_space<vmem>>
      %dma_start3A_86 = arith.constant 0 : i32
      %dma_start3A_87 = tpu.memref_slice %arg20[%dma_start3A_82, %dma_start3A_86] : memref<8x128xi32, #tpu.memory_space<vmem>> -> memref<1x128xi32, #tpu.memory_space<vmem>>
      %dma_start3A_88 = tpu.memref_squeeze %dma_start3A_87 : memref<1x128xi32, #tpu.memory_space<vmem>> -> memref<128xi32, #tpu.memory_space<vmem>>
      %dma_start3A_89 = arith.constant 0 : i32
      %dma_start3A_90 = arith.constant 0 : i32
      %dma_start3A_91 = tpu.memref_slice %arg7[%dma_start3A_89, %dma_start3A_90] : memref<10001x32xf32, #tpu.memory_space<hbm>> -> memref<10001x32xf32, #tpu.memory_space<hbm>>
      tpu.enqueue_indirect_dma source(%dma_start3A_91 : memref<10001x32xf32, #tpu.memory_space<hbm>>) target(%dma_start3A_85 : memref<128x32xf32, #tpu.memory_space<vmem>>) offsets(%dma_start3A_88 : memref<128xi32, #tpu.memory_space<vmem>>) semaphore(%arg23 : memref<!tpu.dma_semaphore, #tpu.memory_space<semaphore_mem>>)
      %dma_start3A_92 = arith.constant 3 : i32
      %dma_start3A_93 = arith.constant 384 : i32
      %dma_start3A_94 = arith.constant 0 : i32
      %dma_start3A_95 = tpu.memref_slice %arg22[%dma_start3A_93, %dma_start3A_94] : memref<1024x32xf32, #tpu.memory_space<vmem>> -> memref<128x32xf32, #tpu.memory_space<vmem>>
      %dma_start3A_96 = arith.constant 0 : i32
      %dma_start3A_97 = tpu.memref_slice %arg20[%dma_start3A_92, %dma_start3A_96] : memref<8x128xi32, #tpu.memory_space<vmem>> -> memref<1x128xi32, #tpu.memory_space<vmem>>
      %dma_start3A_98 = tpu.memref_squeeze %dma_start3A_97 : memref<1x128xi32, #tpu.memory_space<vmem>> -> memref<128xi32, #tpu.memory_space<vmem>>
      %dma_start3A_99 = arith.constant 0 : i32
      %dma_start3A_100 = arith.constant 0 : i32
      %dma_start3A_101 = tpu.memref_slice %arg7[%dma_start3A_99, %dma_start3A_100] : memref<10001x32xf32, #tpu.memory_space<hbm>> -> memref<10001x32xf32, #tpu.memory_space<hbm>>
      tpu.enqueue_indirect_dma source(%dma_start3A_101 : memref<10001x32xf32, #tpu.memory_space<hbm>>) target(%dma_start3A_95 : memref<128x32xf32, #tpu.memory_space<vmem>>) offsets(%dma_start3A_98 : memref<128xi32, #tpu.memory_space<vmem>>) semaphore(%arg23 : memref<!tpu.dma_semaphore, #tpu.memory_space<semaphore_mem>>)
      %dma_start3A_102 = arith.constant 4 : i32
      %dma_start3A_103 = arith.constant 512 : i32
      %dma_start3A_104 = arith.constant 0 : i32
      %dma_start3A_105 = tpu.memref_slice %arg22[%dma_start3A_103, %dma_start3A_104] : memref<1024x32xf32, #tpu.memory_space<vmem>> -> memref<128x32xf32, #tpu.memory_space<vmem>>
      %dma_start3A_106 = arith.constant 0 : i32
      %dma_start3A_107 = tpu.memref_slice %arg20[%dma_start3A_102, %dma_start3A_106] : memref<8x128xi32, #tpu.memory_space<vmem>> -> memref<1x128xi32, #tpu.memory_space<vmem>>
      %dma_start3A_108 = tpu.memref_squeeze %dma_start3A_107 : memref<1x128xi32, #tpu.memory_space<vmem>> -> memref<128xi32, #tpu.memory_space<vmem>>
      %dma_start3A_109 = arith.constant 0 : i32
      %dma_start3A_110 = arith.constant 0 : i32
      %dma_start3A_111 = tpu.memref_slice %arg7[%dma_start3A_109, %dma_start3A_110] : memref<10001x32xf32, #tpu.memory_space<hbm>> -> memref<10001x32xf32, #tpu.memory_space<hbm>>
      tpu.enqueue_indirect_dma source(%dma_start3A_111 : memref<10001x32xf32, #tpu.memory_space<hbm>>) target(%dma_start3A_105 : memref<128x32xf32, #tpu.memory_space<vmem>>) offsets(%dma_start3A_108 : memref<128xi32, #tpu.memory_space<vmem>>) semaphore(%arg23 : memref<!tpu.dma_semaphore, #tpu.memory_space<semaphore_mem>>)
      %dma_start3A_112 = arith.constant 5 : i32
      %dma_start3A_113 = arith.constant 640 : i32
      %dma_start3A_114 = arith.constant 0 : i32
      %dma_start3A_115 = tpu.memref_slice %arg22[%dma_start3A_113, %dma_start3A_114] : memref<1024x32xf32, #tpu.memory_space<vmem>> -> memref<128x32xf32, #tpu.memory_space<vmem>>
      %dma_start3A_116 = arith.constant 0 : i32
      %dma_start3A_117 = tpu.memref_slice %arg20[%dma_start3A_112, %dma_start3A_116] : memref<8x128xi32, #tpu.memory_space<vmem>> -> memref<1x128xi32, #tpu.memory_space<vmem>>
      %dma_start3A_118 = tpu.memref_squeeze %dma_start3A_117 : memref<1x128xi32, #tpu.memory_space<vmem>> -> memref<128xi32, #tpu.memory_space<vmem>>
      %dma_start3A_119 = arith.constant 0 : i32
      %dma_start3A_120 = arith.constant 0 : i32
      %dma_start3A_121 = tpu.memref_slice %arg7[%dma_start3A_119, %dma_start3A_120] : memref<10001x32xf32, #tpu.memory_space<hbm>> -> memref<10001x32xf32, #tpu.memory_space<hbm>>
      tpu.enqueue_indirect_dma source(%dma_start3A_121 : memref<10001x32xf32, #tpu.memory_space<hbm>>) target(%dma_start3A_115 : memref<128x32xf32, #tpu.memory_space<vmem>>) offsets(%dma_start3A_118 : memref<128xi32, #tpu.memory_space<vmem>>) semaphore(%arg23 : memref<!tpu.dma_semaphore, #tpu.memory_space<semaphore_mem>>)
      %dma_start3A_122 = arith.constant 6 : i32
      %dma_start3A_123 = arith.constant 768 : i32
      %dma_start3A_124 = arith.constant 0 : i32
      %dma_start3A_125 = tpu.memref_slice %arg22[%dma_start3A_123, %dma_start3A_124] : memref<1024x32xf32, #tpu.memory_space<vmem>> -> memref<128x32xf32, #tpu.memory_space<vmem>>
      %dma_start3A_126 = arith.constant 0 : i32
      %dma_start3A_127 = tpu.memref_slice %arg20[%dma_start3A_122, %dma_start3A_126] : memref<8x128xi32, #tpu.memory_space<vmem>> -> memref<1x128xi32, #tpu.memory_space<vmem>>
      %dma_start3A_128 = tpu.memref_squeeze %dma_start3A_127 : memref<1x128xi32, #tpu.memory_space<vmem>> -> memref<128xi32, #tpu.memory_space<vmem>>
      %dma_start3A_129 = arith.constant 0 : i32
      %dma_start3A_130 = arith.constant 0 : i32
      %dma_start3A_131 = tpu.memref_slice %arg7[%dma_start3A_129, %dma_start3A_130] : memref<10001x32xf32, #tpu.memory_space<hbm>> -> memref<10001x32xf32, #tpu.memory_space<hbm>>
      tpu.enqueue_indirect_dma source(%dma_start3A_131 : memref<10001x32xf32, #tpu.memory_space<hbm>>) target(%dma_start3A_125 : memref<128x32xf32, #tpu.memory_space<vmem>>) offsets(%dma_start3A_128 : memref<128xi32, #tpu.memory_space<vmem>>) semaphore(%arg23 : memref<!tpu.dma_semaphore, #tpu.memory_space<semaphore_mem>>)
      %dma_start3A_132 = arith.constant 7 : i32
      %dma_start3A_133 = arith.constant 896 : i32
      %dma_start3A_134 = arith.constant 0 : i32
      %dma_start3A_135 = tpu.memref_slice %arg22[%dma_start3A_133, %dma_start3A_134] : memref<1024x32xf32, #tpu.memory_space<vmem>> -> memref<128x32xf32, #tpu.memory_space<vmem>>
      %dma_start3A_136 = arith.constant 0 : i32
      %dma_start3A_137 = tpu.memref_slice %arg20[%dma_start3A_132, %dma_start3A_136] : memref<8x128xi32, #tpu.memory_space<vmem>> -> memref<1x128xi32, #tpu.memory_space<vmem>>
      %dma_start3A_138 = tpu.memref_squeeze %dma_start3A_137 : memref<1x128xi32, #tpu.memory_space<vmem>> -> memref<128xi32, #tpu.memory_space<vmem>>
      %dma_start3A_139 = arith.constant 0 : i32
      %dma_start3A_140 = arith.constant 0 : i32
      %dma_start3A_141 = tpu.memref_slice %arg7[%dma_start3A_139, %dma_start3A_140] : memref<10001x32xf32, #tpu.memory_space<hbm>> -> memref<10001x32xf32, #tpu.memory_space<hbm>>
      tpu.enqueue_indirect_dma source(%dma_start3A_141 : memref<10001x32xf32, #tpu.memory_space<hbm>>) target(%dma_start3A_135 : memref<128x32xf32, #tpu.memory_space<vmem>>) offsets(%dma_start3A_138 : memref<128xi32, #tpu.memory_space<vmem>>) semaphore(%arg23 : memref<!tpu.dma_semaphore, #tpu.memory_space<semaphore_mem>>)
      %dma_wait3A = arith.constant 0 : i32
      %dma_wait3A_142 = arith.constant 0 : i32
      %dma_wait3A_143 = arith.constant 0 : i32
      %dma_wait3A_144 = tpu.memref_slice %arg22[%dma_wait3A_142, %dma_wait3A_143] : memref<1024x32xf32, #tpu.memory_space<vmem>> -> memref<128x32xf32, #tpu.memory_space<vmem>>
      %dma_wait3A_145 = arith.constant 0 : i32
      %dma_wait3A_146 = tpu.memref_slice %arg20[%dma_wait3A, %dma_wait3A_145] : memref<8x128xi32, #tpu.memory_space<vmem>> -> memref<1x128xi32, #tpu.memory_space<vmem>>
      %dma_wait3A_147 = tpu.memref_squeeze %dma_wait3A_146 : memref<1x128xi32, #tpu.memory_space<vmem>> -> memref<128xi32, #tpu.memory_space<vmem>>
      %dma_wait3A_148 = arith.constant 0 : i32
      %dma_wait3A_149 = arith.constant 0 : i32
      %dma_wait3A_150 = tpu.memref_slice %arg7[%dma_wait3A_148, %dma_wait3A_149] : memref<10001x32xf32, #tpu.memory_space<hbm>> -> memref<10001x32xf32, #tpu.memory_space<hbm>>
      tpu.wait_indirect_dma semaphore(%arg23 : memref<!tpu.dma_semaphore, #tpu.memory_space<semaphore_mem>>) src(%dma_wait3A_150 : memref<10001x32xf32, #tpu.memory_space<hbm>>) dst(%dma_wait3A_144 : memref<128x32xf32, #tpu.memory_space<vmem>>)
      %dma_wait3A_151 = arith.constant 1 : i32
      %dma_wait3A_152 = arith.constant 128 : i32
      %dma_wait3A_153 = arith.constant 0 : i32
      %dma_wait3A_154 = tpu.memref_slice %arg22[%dma_wait3A_152, %dma_wait3A_153] : memref<1024x32xf32, #tpu.memory_space<vmem>> -> memref<128x32xf32, #tpu.memory_space<vmem>>
      %dma_wait3A_155 = arith.constant 0 : i32
      %dma_wait3A_156 = tpu.memref_slice %arg20[%dma_wait3A_151, %dma_wait3A_155] : memref<8x128xi32, #tpu.memory_space<vmem>> -> memref<1x128xi32, #tpu.memory_space<vmem>>
      %dma_wait3A_157 = tpu.memref_squeeze %dma_wait3A_156 : memref<1x128xi32, #tpu.memory_space<vmem>> -> memref<128xi32, #tpu.memory_space<vmem>>
      %dma_wait3A_158 = arith.constant 0 : i32
      %dma_wait3A_159 = arith.constant 0 : i32
      %dma_wait3A_160 = tpu.memref_slice %arg7[%dma_wait3A_158, %dma_wait3A_159] : memref<10001x32xf32, #tpu.memory_space<hbm>> -> memref<10001x32xf32, #tpu.memory_space<hbm>>
      tpu.wait_indirect_dma semaphore(%arg23 : memref<!tpu.dma_semaphore, #tpu.memory_space<semaphore_mem>>) src(%dma_wait3A_160 : memref<10001x32xf32, #tpu.memory_space<hbm>>) dst(%dma_wait3A_154 : memref<128x32xf32, #tpu.memory_space<vmem>>)
      %dma_wait3A_161 = arith.constant 2 : i32
      %dma_wait3A_162 = arith.constant 256 : i32
      %dma_wait3A_163 = arith.constant 0 : i32
      %dma_wait3A_164 = tpu.memref_slice %arg22[%dma_wait3A_162, %dma_wait3A_163] : memref<1024x32xf32, #tpu.memory_space<vmem>> -> memref<128x32xf32, #tpu.memory_space<vmem>>
      %dma_wait3A_165 = arith.constant 0 : i32
      %dma_wait3A_166 = tpu.memref_slice %arg20[%dma_wait3A_161, %dma_wait3A_165] : memref<8x128xi32, #tpu.memory_space<vmem>> -> memref<1x128xi32, #tpu.memory_space<vmem>>
      %dma_wait3A_167 = tpu.memref_squeeze %dma_wait3A_166 : memref<1x128xi32, #tpu.memory_space<vmem>> -> memref<128xi32, #tpu.memory_space<vmem>>
      %dma_wait3A_168 = arith.constant 0 : i32
      %dma_wait3A_169 = arith.constant 0 : i32
      %dma_wait3A_170 = tpu.memref_slice %arg7[%dma_wait3A_168, %dma_wait3A_169] : memref<10001x32xf32, #tpu.memory_space<hbm>> -> memref<10001x32xf32, #tpu.memory_space<hbm>>
      tpu.wait_indirect_dma semaphore(%arg23 : memref<!tpu.dma_semaphore, #tpu.memory_space<semaphore_mem>>) src(%dma_wait3A_170 : memref<10001x32xf32, #tpu.memory_space<hbm>>) dst(%dma_wait3A_164 : memref<128x32xf32, #tpu.memory_space<vmem>>)
      %dma_wait3A_171 = arith.constant 3 : i32
      %dma_wait3A_172 = arith.constant 384 : i32
      %dma_wait3A_173 = arith.constant 0 : i32
      %dma_wait3A_174 = tpu.memref_slice %arg22[%dma_wait3A_172, %dma_wait3A_173] : memref<1024x32xf32, #tpu.memory_space<vmem>> -> memref<128x32xf32, #tpu.memory_space<vmem>>
      %dma_wait3A_175 = arith.constant 0 : i32
      %dma_wait3A_176 = tpu.memref_slice %arg20[%dma_wait3A_171, %dma_wait3A_175] : memref<8x128xi32, #tpu.memory_space<vmem>> -> memref<1x128xi32, #tpu.memory_space<vmem>>
      %dma_wait3A_177 = tpu.memref_squeeze %dma_wait3A_176 : memref<1x128xi32, #tpu.memory_space<vmem>> -> memref<128xi32, #tpu.memory_space<vmem>>
      %dma_wait3A_178 = arith.constant 0 : i32
      %dma_wait3A_179 = arith.constant 0 : i32
      %dma_wait3A_180 = tpu.memref_slice %arg7[%dma_wait3A_178, %dma_wait3A_179] : memref<10001x32xf32, #tpu.memory_space<hbm>> -> memref<10001x32xf32, #tpu.memory_space<hbm>>
      tpu.wait_indirect_dma semaphore(%arg23 : memref<!tpu.dma_semaphore, #tpu.memory_space<semaphore_mem>>) src(%dma_wait3A_180 : memref<10001x32xf32, #tpu.memory_space<hbm>>) dst(%dma_wait3A_174 : memref<128x32xf32, #tpu.memory_space<vmem>>)
      %dma_wait3A_181 = arith.constant 4 : i32
      %dma_wait3A_182 = arith.constant 512 : i32
      %dma_wait3A_183 = arith.constant 0 : i32
      %dma_wait3A_184 = tpu.memref_slice %arg22[%dma_wait3A_182, %dma_wait3A_183] : memref<1024x32xf32, #tpu.memory_space<vmem>> -> memref<128x32xf32, #tpu.memory_space<vmem>>
      %dma_wait3A_185 = arith.constant 0 : i32
      %dma_wait3A_186 = tpu.memref_slice %arg20[%dma_wait3A_181, %dma_wait3A_185] : memref<8x128xi32, #tpu.memory_space<vmem>> -> memref<1x128xi32, #tpu.memory_space<vmem>>
      %dma_wait3A_187 = tpu.memref_squeeze %dma_wait3A_186 : memref<1x128xi32, #tpu.memory_space<vmem>> -> memref<128xi32, #tpu.memory_space<vmem>>
      %dma_wait3A_188 = arith.constant 0 : i32
      %dma_wait3A_189 = arith.constant 0 : i32
      %dma_wait3A_190 = tpu.memref_slice %arg7[%dma_wait3A_188, %dma_wait3A_189] : memref<10001x32xf32, #tpu.memory_space<hbm>> -> memref<10001x32xf32, #tpu.memory_space<hbm>>
      tpu.wait_indirect_dma semaphore(%arg23 : memref<!tpu.dma_semaphore, #tpu.memory_space<semaphore_mem>>) src(%dma_wait3A_190 : memref<10001x32xf32, #tpu.memory_space<hbm>>) dst(%dma_wait3A_184 : memref<128x32xf32, #tpu.memory_space<vmem>>)
      %dma_wait3A_191 = arith.constant 5 : i32
      %dma_wait3A_192 = arith.constant 640 : i32
      %dma_wait3A_193 = arith.constant 0 : i32
      %dma_wait3A_194 = tpu.memref_slice %arg22[%dma_wait3A_192, %dma_wait3A_193] : memref<1024x32xf32, #tpu.memory_space<vmem>> -> memref<128x32xf32, #tpu.memory_space<vmem>>
      %dma_wait3A_195 = arith.constant 0 : i32
      %dma_wait3A_196 = tpu.memref_slice %arg20[%dma_wait3A_191, %dma_wait3A_195] : memref<8x128xi32, #tpu.memory_space<vmem>> -> memref<1x128xi32, #tpu.memory_space<vmem>>
      %dma_wait3A_197 = tpu.memref_squeeze %dma_wait3A_196 : memref<1x128xi32, #tpu.memory_space<vmem>> -> memref<128xi32, #tpu.memory_space<vmem>>
      %dma_wait3A_198 = arith.constant 0 : i32
      %dma_wait3A_199 = arith.constant 0 : i32
      %dma_wait3A_200 = tpu.memref_slice %arg7[%dma_wait3A_198, %dma_wait3A_199] : memref<10001x32xf32, #tpu.memory_space<hbm>> -> memref<10001x32xf32, #tpu.memory_space<hbm>>
      tpu.wait_indirect_dma semaphore(%arg23 : memref<!tpu.dma_semaphore, #tpu.memory_space<semaphore_mem>>) src(%dma_wait3A_200 : memref<10001x32xf32, #tpu.memory_space<hbm>>) dst(%dma_wait3A_194 : memref<128x32xf32, #tpu.memory_space<vmem>>)
      %dma_wait3A_201 = arith.constant 6 : i32
      %dma_wait3A_202 = arith.constant 768 : i32
      %dma_wait3A_203 = arith.constant 0 : i32
      %dma_wait3A_204 = tpu.memref_slice %arg22[%dma_wait3A_202, %dma_wait3A_203] : memref<1024x32xf32, #tpu.memory_space<vmem>> -> memref<128x32xf32, #tpu.memory_space<vmem>>
      %dma_wait3A_205 = arith.constant 0 : i32
      %dma_wait3A_206 = tpu.memref_slice %arg20[%dma_wait3A_201, %dma_wait3A_205] : memref<8x128xi32, #tpu.memory_space<vmem>> -> memref<1x128xi32, #tpu.memory_space<vmem>>
      %dma_wait3A_207 = tpu.memref_squeeze %dma_wait3A_206 : memref<1x128xi32, #tpu.memory_space<vmem>> -> memref<128xi32, #tpu.memory_space<vmem>>
      %dma_wait3A_208 = arith.constant 0 : i32
      %dma_wait3A_209 = arith.constant 0 : i32
      %dma_wait3A_210 = tpu.memref_slice %arg7[%dma_wait3A_208, %dma_wait3A_209] : memref<10001x32xf32, #tpu.memory_space<hbm>> -> memref<10001x32xf32, #tpu.memory_space<hbm>>
      tpu.wait_indirect_dma semaphore(%arg23 : memref<!tpu.dma_semaphore, #tpu.memory_space<semaphore_mem>>) src(%dma_wait3A_210 : memref<10001x32xf32, #tpu.memory_space<hbm>>) dst(%dma_wait3A_204 : memref<128x32xf32, #tpu.memory_space<vmem>>)
      %dma_wait3A_211 = arith.constant 7 : i32
      %dma_wait3A_212 = arith.constant 896 : i32
      %dma_wait3A_213 = arith.constant 0 : i32
      %dma_wait3A_214 = tpu.memref_slice %arg22[%dma_wait3A_212, %dma_wait3A_213] : memref<1024x32xf32, #tpu.memory_space<vmem>> -> memref<128x32xf32, #tpu.memory_space<vmem>>
      %dma_wait3A_215 = arith.constant 0 : i32
      %dma_wait3A_216 = tpu.memref_slice %arg20[%dma_wait3A_211, %dma_wait3A_215] : memref<8x128xi32, #tpu.memory_space<vmem>> -> memref<1x128xi32, #tpu.memory_space<vmem>>
      %dma_wait3A_217 = tpu.memref_squeeze %dma_wait3A_216 : memref<1x128xi32, #tpu.memory_space<vmem>> -> memref<128xi32, #tpu.memory_space<vmem>>
      %dma_wait3A_218 = arith.constant 0 : i32
      %dma_wait3A_219 = arith.constant 0 : i32
      %dma_wait3A_220 = tpu.memref_slice %arg7[%dma_wait3A_218, %dma_wait3A_219] : memref<10001x32xf32, #tpu.memory_space<hbm>> -> memref<10001x32xf32, #tpu.memory_space<hbm>>
      tpu.wait_indirect_dma semaphore(%arg23 : memref<!tpu.dma_semaphore, #tpu.memory_space<semaphore_mem>>) src(%dma_wait3A_220 : memref<10001x32xf32, #tpu.memory_space<hbm>>) dst(%dma_wait3A_214 : memref<128x32xf32, #tpu.memory_space<vmem>>)
      %mul3A_221 = arith.constant 128 : i32
      %mul3A_222 = arith.muli %multiple_of3A, %mul3A_221 : i32
      "tpu.region"() ({
        %run_scoped3A = tpu.sem_alloc : memref<!tpu.dma_semaphore, #tpu.memory_space<semaphore_mem>>
        %dma_start3A_223 = arith.constant 0 : i32
        %dma_start3A_224 = arith.constant 0 : i32
        %dma_start3A_225 = tpu.memref_slice %arg22[%dma_start3A_223, %dma_start3A_224] : memref<1024x32xf32, #tpu.memory_space<vmem>> -> memref<1024x32xf32, #tpu.memory_space<vmem>>
        %dma_start3A_226 = arith.constant 0 : i32
        %dma_start3A_227 = tpu.memref_slice %arg18[%mul3A_222, %dma_start3A_226] : memref<1024x32xf32, #tpu.memory_space<hbm>> -> memref<1024x32xf32, #tpu.memory_space<hbm>>
        %dma_start3A_228 = arith.constant 0 : i32
        %dma_start3A_229 = tpu.memref_slice %arg18[%mul3A_222, %dma_start3A_228] : memref<1024x32xf32, #tpu.memory_space<hbm>> -> memref<1024x32xf32, #tpu.memory_space<hbm>>
        %dma_start3A_230 = arith.constant 0 : i32
        %dma_start3A_231 = arith.constant 0 : i32
        %dma_start3A_232 = tpu.memref_slice %arg22[%dma_start3A_230, %dma_start3A_231] : memref<1024x32xf32, #tpu.memory_space<vmem>> -> memref<1024x32xf32, #tpu.memory_space<vmem>>
        tpu.enqueue_dma source(%dma_start3A_232 : memref<1024x32xf32, #tpu.memory_space<vmem>>) target(%dma_start3A_229 : memref<1024x32xf32, #tpu.memory_space<hbm>>) target_semaphore(%run_scoped3A : memref<!tpu.dma_semaphore, #tpu.memory_space<semaphore_mem>>)
        %dma_wait3A_233 = arith.constant 0 : i32
        %dma_wait3A_234 = arith.constant 0 : i32
        %dma_wait3A_235 = tpu.memref_slice %arg22[%dma_wait3A_233, %dma_wait3A_234] : memref<1024x32xf32, #tpu.memory_space<vmem>> -> memref<1024x32xf32, #tpu.memory_space<vmem>>
        %dma_wait3A_236 = arith.constant 0 : i32
        %dma_wait3A_237 = tpu.memref_slice %arg18[%mul3A_222, %dma_wait3A_236] : memref<1024x32xf32, #tpu.memory_space<hbm>> -> memref<1024x32xf32, #tpu.memory_space<hbm>>
        %dma_wait3A_238 = arith.constant 0 : i32
        %dma_wait3A_239 = tpu.memref_slice %arg18[%mul3A_222, %dma_wait3A_238] : memref<1024x32xf32, #tpu.memory_space<hbm>> -> memref<1024x32xf32, #tpu.memory_space<hbm>>
        %dma_wait3A_240 = arith.constant 0 : i32
        %dma_wait3A_241 = arith.constant 0 : i32
        %dma_wait3A_242 = tpu.memref_slice %arg22[%dma_wait3A_240, %dma_wait3A_241] : memref<1024x32xf32, #tpu.memory_space<vmem>> -> memref<1024x32xf32, #tpu.memory_space<vmem>>
        tpu.wait_dma2 semaphore(%run_scoped3A : memref<!tpu.dma_semaphore, #tpu.memory_space<semaphore_mem>>) src(%dma_wait3A_242 : memref<1024x32xf32, #tpu.memory_space<vmem>>) dst(%dma_wait3A_239 : memref<1024x32xf32, #tpu.memory_space<hbm>>)
        tpu.yield
      }) : () -> ()
    } else {
    }
    %scan3A_44 = arith.constant 1 : i32
    %scan3A_45 = arith.constant 0 : i32
    %mul3A_46 = arith.constant 1 : i32
    %mul3A_47 = arith.muli %scan3A_45, %mul3A_46 : i32
    %add3A_48 = arith.constant 0 : i32
    %add3A_49 = arith.addi %add3A_48, %mul3A_47 : i32
    %mul3A_50 = arith.constant 32 : i32
    %mul3A_51 = arith.muli %add3A_49, %mul3A_50 : i32
    %add3A_52 = arith.addi %add3A, %mul3A_51 : i32
    %lt3A_53 = arith.constant 10 : i32
    %lt3A_54 = arith.cmpi slt, %add3A_52, %lt3A_53 : i32
    %convert_element_type3A_55 = arith.extui %lt3A_54 : i1 to i32
    %cond3A_56 = arith.constant 0 : i32
    %cond3A_57 = arith.cmpi ne, %convert_element_type3A_55, %cond3A_56 : i32
    scf.if %cond3A_57 {
      %mul3A_59 = arith.constant 8 : i32
      %mul3A_60 = arith.muli %add3A_52, %mul3A_59 : i32
      %multiple_of3A = tpu.assume_multiple %mul3A_60, 8 : i32
      %add3A_61 = arith.constant 0 : i32
      %add3A_62 = arith.addi %add3A_61, %multiple_of3A : i32
      "tpu.region"() ({
        %run_scoped3A = tpu.sem_alloc : memref<!tpu.dma_semaphore, #tpu.memory_space<semaphore_mem>>
        %dma_start3A_223 = arith.constant 0 : i32
        %dma_start3A_224 = arith.constant 0 : i32
        %dma_start3A_225 = tpu.memref_slice %arg20[%dma_start3A_223, %dma_start3A_224] : memref<8x128xi32, #tpu.memory_space<vmem>> -> memref<8x128xi32, #tpu.memory_space<vmem>>
        %dma_start3A_226 = arith.constant 0 : i32
        %dma_start3A_227 = tpu.memref_slice %arg15[%add3A_62, %dma_start3A_226] : memref<80x128xi32, #tpu.memory_space<hbm>> -> memref<8x128xi32, #tpu.memory_space<hbm>>
        %dma_start3A_228 = arith.constant 0 : i32
        %dma_start3A_229 = arith.constant 0 : i32
        %dma_start3A_230 = tpu.memref_slice %arg20[%dma_start3A_228, %dma_start3A_229] : memref<8x128xi32, #tpu.memory_space<vmem>> -> memref<8x128xi32, #tpu.memory_space<vmem>>
        %dma_start3A_231 = arith.constant 0 : i32
        %dma_start3A_232 = tpu.memref_slice %arg15[%add3A_62, %dma_start3A_231] : memref<80x128xi32, #tpu.memory_space<hbm>> -> memref<8x128xi32, #tpu.memory_space<hbm>>
        tpu.enqueue_dma source(%dma_start3A_232 : memref<8x128xi32, #tpu.memory_space<hbm>>) target(%dma_start3A_230 : memref<8x128xi32, #tpu.memory_space<vmem>>) target_semaphore(%run_scoped3A : memref<!tpu.dma_semaphore, #tpu.memory_space<semaphore_mem>>)
        %dma_wait3A_233 = arith.constant 0 : i32
        %dma_wait3A_234 = arith.constant 0 : i32
        %dma_wait3A_235 = tpu.memref_slice %arg20[%dma_wait3A_233, %dma_wait3A_234] : memref<8x128xi32, #tpu.memory_space<vmem>> -> memref<8x128xi32, #tpu.memory_space<vmem>>
        %dma_wait3A_236 = arith.constant 0 : i32
        %dma_wait3A_237 = tpu.memref_slice %arg15[%add3A_62, %dma_wait3A_236] : memref<80x128xi32, #tpu.memory_space<hbm>> -> memref<8x128xi32, #tpu.memory_space<hbm>>
        %dma_wait3A_238 = arith.constant 0 : i32
        %dma_wait3A_239 = arith.constant 0 : i32
        %dma_wait3A_240 = tpu.memref_slice %arg20[%dma_wait3A_238, %dma_wait3A_239] : memref<8x128xi32, #tpu.memory_space<vmem>> -> memref<8x128xi32, #tpu.memory_space<vmem>>
        %dma_wait3A_241 = arith.constant 0 : i32
        %dma_wait3A_242 = tpu.memref_slice %arg15[%add3A_62, %dma_wait3A_241] : memref<80x128xi32, #tpu.memory_space<hbm>> -> memref<8x128xi32, #tpu.memory_space<hbm>>
        tpu.wait_dma2 semaphore(%run_scoped3A : memref<!tpu.dma_semaphore, #tpu.memory_space<semaphore_mem>>) src(%dma_wait3A_242 : memref<8x128xi32, #tpu.memory_space<hbm>>) dst(%dma_wait3A_240 : memref<8x128xi32, #tpu.memory_space<vmem>>)
        tpu.yield
      }) : () -> ()
      %dma_start3A = arith.constant 0 : i32
      %dma_start3A_63 = arith.constant 0 : i32
      %dma_start3A_64 = arith.constant 0 : i32
      %dma_start3A_65 = tpu.memref_slice %arg22[%dma_start3A_63, %dma_start3A_64] : memref<1024x32xf32, #tpu.memory_space<vmem>> -> memref<128x32xf32, #tpu.memory_space<vmem>>
      %dma_start3A_66 = arith.constant 0 : i32
      %dma_start3A_67 = tpu.memref_slice %arg20[%dma_start3A, %dma_start3A_66] : memref<8x128xi32, #tpu.memory_space<vmem>> -> memref<1x128xi32, #tpu.memory_space<vmem>>
      %dma_start3A_68 = tpu.memref_squeeze %dma_start3A_67 : memref<1x128xi32, #tpu.memory_space<vmem>> -> memref<128xi32, #tpu.memory_space<vmem>>
      %dma_start3A_69 = arith.constant 0 : i32
      %dma_start3A_70 = arith.constant 0 : i32
      %dma_start3A_71 = tpu.memref_slice %arg8[%dma_start3A_69, %dma_start3A_70] : memref<10001x32xf32, #tpu.memory_space<hbm>> -> memref<10001x32xf32, #tpu.memory_space<hbm>>
      tpu.enqueue_indirect_dma source(%dma_start3A_71 : memref<10001x32xf32, #tpu.memory_space<hbm>>) target(%dma_start3A_65 : memref<128x32xf32, #tpu.memory_space<vmem>>) offsets(%dma_start3A_68 : memref<128xi32, #tpu.memory_space<vmem>>) semaphore(%arg23 : memref<!tpu.dma_semaphore, #tpu.memory_space<semaphore_mem>>)
      %dma_start3A_72 = arith.constant 1 : i32
      %dma_start3A_73 = arith.constant 128 : i32
      %dma_start3A_74 = arith.constant 0 : i32
      %dma_start3A_75 = tpu.memref_slice %arg22[%dma_start3A_73, %dma_start3A_74] : memref<1024x32xf32, #tpu.memory_space<vmem>> -> memref<128x32xf32, #tpu.memory_space<vmem>>
      %dma_start3A_76 = arith.constant 0 : i32
      %dma_start3A_77 = tpu.memref_slice %arg20[%dma_start3A_72, %dma_start3A_76] : memref<8x128xi32, #tpu.memory_space<vmem>> -> memref<1x128xi32, #tpu.memory_space<vmem>>
      %dma_start3A_78 = tpu.memref_squeeze %dma_start3A_77 : memref<1x128xi32, #tpu.memory_space<vmem>> -> memref<128xi32, #tpu.memory_space<vmem>>
      %dma_start3A_79 = arith.constant 0 : i32
      %dma_start3A_80 = arith.constant 0 : i32
      %dma_start3A_81 = tpu.memref_slice %arg8[%dma_start3A_79, %dma_start3A_80] : memref<10001x32xf32, #tpu.memory_space<hbm>> -> memref<10001x32xf32, #tpu.memory_space<hbm>>
      tpu.enqueue_indirect_dma source(%dma_start3A_81 : memref<10001x32xf32, #tpu.memory_space<hbm>>) target(%dma_start3A_75 : memref<128x32xf32, #tpu.memory_space<vmem>>) offsets(%dma_start3A_78 : memref<128xi32, #tpu.memory_space<vmem>>) semaphore(%arg23 : memref<!tpu.dma_semaphore, #tpu.memory_space<semaphore_mem>>)
      %dma_start3A_82 = arith.constant 2 : i32
      %dma_start3A_83 = arith.constant 256 : i32
      %dma_start3A_84 = arith.constant 0 : i32
      %dma_start3A_85 = tpu.memref_slice %arg22[%dma_start3A_83, %dma_start3A_84] : memref<1024x32xf32, #tpu.memory_space<vmem>> -> memref<128x32xf32, #tpu.memory_space<vmem>>
      %dma_start3A_86 = arith.constant 0 : i32
      %dma_start3A_87 = tpu.memref_slice %arg20[%dma_start3A_82, %dma_start3A_86] : memref<8x128xi32, #tpu.memory_space<vmem>> -> memref<1x128xi32, #tpu.memory_space<vmem>>
      %dma_start3A_88 = tpu.memref_squeeze %dma_start3A_87 : memref<1x128xi32, #tpu.memory_space<vmem>> -> memref<128xi32, #tpu.memory_space<vmem>>
      %dma_start3A_89 = arith.constant 0 : i32
      %dma_start3A_90 = arith.constant 0 : i32
      %dma_start3A_91 = tpu.memref_slice %arg8[%dma_start3A_89, %dma_start3A_90] : memref<10001x32xf32, #tpu.memory_space<hbm>> -> memref<10001x32xf32, #tpu.memory_space<hbm>>
      tpu.enqueue_indirect_dma source(%dma_start3A_91 : memref<10001x32xf32, #tpu.memory_space<hbm>>) target(%dma_start3A_85 : memref<128x32xf32, #tpu.memory_space<vmem>>) offsets(%dma_start3A_88 : memref<128xi32, #tpu.memory_space<vmem>>) semaphore(%arg23 : memref<!tpu.dma_semaphore, #tpu.memory_space<semaphore_mem>>)
      %dma_start3A_92 = arith.constant 3 : i32
      %dma_start3A_93 = arith.constant 384 : i32
      %dma_start3A_94 = arith.constant 0 : i32
      %dma_start3A_95 = tpu.memref_slice %arg22[%dma_start3A_93, %dma_start3A_94] : memref<1024x32xf32, #tpu.memory_space<vmem>> -> memref<128x32xf32, #tpu.memory_space<vmem>>
      %dma_start3A_96 = arith.constant 0 : i32
      %dma_start3A_97 = tpu.memref_slice %arg20[%dma_start3A_92, %dma_start3A_96] : memref<8x128xi32, #tpu.memory_space<vmem>> -> memref<1x128xi32, #tpu.memory_space<vmem>>
      %dma_start3A_98 = tpu.memref_squeeze %dma_start3A_97 : memref<1x128xi32, #tpu.memory_space<vmem>> -> memref<128xi32, #tpu.memory_space<vmem>>
      %dma_start3A_99 = arith.constant 0 : i32
      %dma_start3A_100 = arith.constant 0 : i32
      %dma_start3A_101 = tpu.memref_slice %arg8[%dma_start3A_99, %dma_start3A_100] : memref<10001x32xf32, #tpu.memory_space<hbm>> -> memref<10001x32xf32, #tpu.memory_space<hbm>>
      tpu.enqueue_indirect_dma source(%dma_start3A_101 : memref<10001x32xf32, #tpu.memory_space<hbm>>) target(%dma_start3A_95 : memref<128x32xf32, #tpu.memory_space<vmem>>) offsets(%dma_start3A_98 : memref<128xi32, #tpu.memory_space<vmem>>) semaphore(%arg23 : memref<!tpu.dma_semaphore, #tpu.memory_space<semaphore_mem>>)
      %dma_start3A_102 = arith.constant 4 : i32
      %dma_start3A_103 = arith.constant 512 : i32
      %dma_start3A_104 = arith.constant 0 : i32
      %dma_start3A_105 = tpu.memref_slice %arg22[%dma_start3A_103, %dma_start3A_104] : memref<1024x32xf32, #tpu.memory_space<vmem>> -> memref<128x32xf32, #tpu.memory_space<vmem>>
      %dma_start3A_106 = arith.constant 0 : i32
      %dma_start3A_107 = tpu.memref_slice %arg20[%dma_start3A_102, %dma_start3A_106] : memref<8x128xi32, #tpu.memory_space<vmem>> -> memref<1x128xi32, #tpu.memory_space<vmem>>
      %dma_start3A_108 = tpu.memref_squeeze %dma_start3A_107 : memref<1x128xi32, #tpu.memory_space<vmem>> -> memref<128xi32, #tpu.memory_space<vmem>>
      %dma_start3A_109 = arith.constant 0 : i32
      %dma_start3A_110 = arith.constant 0 : i32
      %dma_start3A_111 = tpu.memref_slice %arg8[%dma_start3A_109, %dma_start3A_110] : memref<10001x32xf32, #tpu.memory_space<hbm>> -> memref<10001x32xf32, #tpu.memory_space<hbm>>
      tpu.enqueue_indirect_dma source(%dma_start3A_111 : memref<10001x32xf32, #tpu.memory_space<hbm>>) target(%dma_start3A_105 : memref<128x32xf32, #tpu.memory_space<vmem>>) offsets(%dma_start3A_108 : memref<128xi32, #tpu.memory_space<vmem>>) semaphore(%arg23 : memref<!tpu.dma_semaphore, #tpu.memory_space<semaphore_mem>>)
      %dma_start3A_112 = arith.constant 5 : i32
      %dma_start3A_113 = arith.constant 640 : i32
      %dma_start3A_114 = arith.constant 0 : i32
      %dma_start3A_115 = tpu.memref_slice %arg22[%dma_start3A_113, %dma_start3A_114] : memref<1024x32xf32, #tpu.memory_space<vmem>> -> memref<128x32xf32, #tpu.memory_space<vmem>>
      %dma_start3A_116 = arith.constant 0 : i32
      %dma_start3A_117 = tpu.memref_slice %arg20[%dma_start3A_112, %dma_start3A_116] : memref<8x128xi32, #tpu.memory_space<vmem>> -> memref<1x128xi32, #tpu.memory_space<vmem>>
      %dma_start3A_118 = tpu.memref_squeeze %dma_start3A_117 : memref<1x128xi32, #tpu.memory_space<vmem>> -> memref<128xi32, #tpu.memory_space<vmem>>
      %dma_start3A_119 = arith.constant 0 : i32
      %dma_start3A_120 = arith.constant 0 : i32
      %dma_start3A_121 = tpu.memref_slice %arg8[%dma_start3A_119, %dma_start3A_120] : memref<10001x32xf32, #tpu.memory_space<hbm>> -> memref<10001x32xf32, #tpu.memory_space<hbm>>
      tpu.enqueue_indirect_dma source(%dma_start3A_121 : memref<10001x32xf32, #tpu.memory_space<hbm>>) target(%dma_start3A_115 : memref<128x32xf32, #tpu.memory_space<vmem>>) offsets(%dma_start3A_118 : memref<128xi32, #tpu.memory_space<vmem>>) semaphore(%arg23 : memref<!tpu.dma_semaphore, #tpu.memory_space<semaphore_mem>>)
      %dma_start3A_122 = arith.constant 6 : i32
      %dma_start3A_123 = arith.constant 768 : i32
      %dma_start3A_124 = arith.constant 0 : i32
      %dma_start3A_125 = tpu.memref_slice %arg22[%dma_start3A_123, %dma_start3A_124] : memref<1024x32xf32, #tpu.memory_space<vmem>> -> memref<128x32xf32, #tpu.memory_space<vmem>>
      %dma_start3A_126 = arith.constant 0 : i32
      %dma_start3A_127 = tpu.memref_slice %arg20[%dma_start3A_122, %dma_start3A_126] : memref<8x128xi32, #tpu.memory_space<vmem>> -> memref<1x128xi32, #tpu.memory_space<vmem>>
      %dma_start3A_128 = tpu.memref_squeeze %dma_start3A_127 : memref<1x128xi32, #tpu.memory_space<vmem>> -> memref<128xi32, #tpu.memory_space<vmem>>
      %dma_start3A_129 = arith.constant 0 : i32
      %dma_start3A_130 = arith.constant 0 : i32
      %dma_start3A_131 = tpu.memref_slice %arg8[%dma_start3A_129, %dma_start3A_130] : memref<10001x32xf32, #tpu.memory_space<hbm>> -> memref<10001x32xf32, #tpu.memory_space<hbm>>
      tpu.enqueue_indirect_dma source(%dma_start3A_131 : memref<10001x32xf32, #tpu.memory_space<hbm>>) target(%dma_start3A_125 : memref<128x32xf32, #tpu.memory_space<vmem>>) offsets(%dma_start3A_128 : memref<128xi32, #tpu.memory_space<vmem>>) semaphore(%arg23 : memref<!tpu.dma_semaphore, #tpu.memory_space<semaphore_mem>>)
      %dma_start3A_132 = arith.constant 7 : i32
      %dma_start3A_133 = arith.constant 896 : i32
      %dma_start3A_134 = arith.constant 0 : i32
      %dma_start3A_135 = tpu.memref_slice %arg22[%dma_start3A_133, %dma_start3A_134] : memref<1024x32xf32, #tpu.memory_space<vmem>> -> memref<128x32xf32, #tpu.memory_space<vmem>>
      %dma_start3A_136 = arith.constant 0 : i32
      %dma_start3A_137 = tpu.memref_slice %arg20[%dma_start3A_132, %dma_start3A_136] : memref<8x128xi32, #tpu.memory_space<vmem>> -> memref<1x128xi32, #tpu.memory_space<vmem>>
      %dma_start3A_138 = tpu.memref_squeeze %dma_start3A_137 : memref<1x128xi32, #tpu.memory_space<vmem>> -> memref<128xi32, #tpu.memory_space<vmem>>
      %dma_start3A_139 = arith.constant 0 : i32
      %dma_start3A_140 = arith.constant 0 : i32
      %dma_start3A_141 = tpu.memref_slice %arg8[%dma_start3A_139, %dma_start3A_140] : memref<10001x32xf32, #tpu.memory_space<hbm>> -> memref<10001x32xf32, #tpu.memory_space<hbm>>
      tpu.enqueue_indirect_dma source(%dma_start3A_141 : memref<10001x32xf32, #tpu.memory_space<hbm>>) target(%dma_start3A_135 : memref<128x32xf32, #tpu.memory_space<vmem>>) offsets(%dma_start3A_138 : memref<128xi32, #tpu.memory_space<vmem>>) semaphore(%arg23 : memref<!tpu.dma_semaphore, #tpu.memory_space<semaphore_mem>>)
      %dma_wait3A = arith.constant 0 : i32
      %dma_wait3A_142 = arith.constant 0 : i32
      %dma_wait3A_143 = arith.constant 0 : i32
      %dma_wait3A_144 = tpu.memref_slice %arg22[%dma_wait3A_142, %dma_wait3A_143] : memref<1024x32xf32, #tpu.memory_space<vmem>> -> memref<128x32xf32, #tpu.memory_space<vmem>>
      %dma_wait3A_145 = arith.constant 0 : i32
      %dma_wait3A_146 = tpu.memref_slice %arg20[%dma_wait3A, %dma_wait3A_145] : memref<8x128xi32, #tpu.memory_space<vmem>> -> memref<1x128xi32, #tpu.memory_space<vmem>>
      %dma_wait3A_147 = tpu.memref_squeeze %dma_wait3A_146 : memref<1x128xi32, #tpu.memory_space<vmem>> -> memref<128xi32, #tpu.memory_space<vmem>>
      %dma_wait3A_148 = arith.constant 0 : i32
      %dma_wait3A_149 = arith.constant 0 : i32
      %dma_wait3A_150 = tpu.memref_slice %arg8[%dma_wait3A_148, %dma_wait3A_149] : memref<10001x32xf32, #tpu.memory_space<hbm>> -> memref<10001x32xf32, #tpu.memory_space<hbm>>
      tpu.wait_indirect_dma semaphore(%arg23 : memref<!tpu.dma_semaphore, #tpu.memory_space<semaphore_mem>>) src(%dma_wait3A_150 : memref<10001x32xf32, #tpu.memory_space<hbm>>) dst(%dma_wait3A_144 : memref<128x32xf32, #tpu.memory_space<vmem>>)
      %dma_wait3A_151 = arith.constant 1 : i32
      %dma_wait3A_152 = arith.constant 128 : i32
      %dma_wait3A_153 = arith.constant 0 : i32
      %dma_wait3A_154 = tpu.memref_slice %arg22[%dma_wait3A_152, %dma_wait3A_153] : memref<1024x32xf32, #tpu.memory_space<vmem>> -> memref<128x32xf32, #tpu.memory_space<vmem>>
      %dma_wait3A_155 = arith.constant 0 : i32
      %dma_wait3A_156 = tpu.memref_slice %arg20[%dma_wait3A_151, %dma_wait3A_155] : memref<8x128xi32, #tpu.memory_space<vmem>> -> memref<1x128xi32, #tpu.memory_space<vmem>>
      %dma_wait3A_157 = tpu.memref_squeeze %dma_wait3A_156 : memref<1x128xi32, #tpu.memory_space<vmem>> -> memref<128xi32, #tpu.memory_space<vmem>>
      %dma_wait3A_158 = arith.constant 0 : i32
      %dma_wait3A_159 = arith.constant 0 : i32
      %dma_wait3A_160 = tpu.memref_slice %arg8[%dma_wait3A_158, %dma_wait3A_159] : memref<10001x32xf32, #tpu.memory_space<hbm>> -> memref<10001x32xf32, #tpu.memory_space<hbm>>
      tpu.wait_indirect_dma semaphore(%arg23 : memref<!tpu.dma_semaphore, #tpu.memory_space<semaphore_mem>>) src(%dma_wait3A_160 : memref<10001x32xf32, #tpu.memory_space<hbm>>) dst(%dma_wait3A_154 : memref<128x32xf32, #tpu.memory_space<vmem>>)
      %dma_wait3A_161 = arith.constant 2 : i32
      %dma_wait3A_162 = arith.constant 256 : i32
      %dma_wait3A_163 = arith.constant 0 : i32
      %dma_wait3A_164 = tpu.memref_slice %arg22[%dma_wait3A_162, %dma_wait3A_163] : memref<1024x32xf32, #tpu.memory_space<vmem>> -> memref<128x32xf32, #tpu.memory_space<vmem>>
      %dma_wait3A_165 = arith.constant 0 : i32
      %dma_wait3A_166 = tpu.memref_slice %arg20[%dma_wait3A_161, %dma_wait3A_165] : memref<8x128xi32, #tpu.memory_space<vmem>> -> memref<1x128xi32, #tpu.memory_space<vmem>>
      %dma_wait3A_167 = tpu.memref_squeeze %dma_wait3A_166 : memref<1x128xi32, #tpu.memory_space<vmem>> -> memref<128xi32, #tpu.memory_space<vmem>>
      %dma_wait3A_168 = arith.constant 0 : i32
      %dma_wait3A_169 = arith.constant 0 : i32
      %dma_wait3A_170 = tpu.memref_slice %arg8[%dma_wait3A_168, %dma_wait3A_169] : memref<10001x32xf32, #tpu.memory_space<hbm>> -> memref<10001x32xf32, #tpu.memory_space<hbm>>
      tpu.wait_indirect_dma semaphore(%arg23 : memref<!tpu.dma_semaphore, #tpu.memory_space<semaphore_mem>>) src(%dma_wait3A_170 : memref<10001x32xf32, #tpu.memory_space<hbm>>) dst(%dma_wait3A_164 : memref<128x32xf32, #tpu.memory_space<vmem>>)
      %dma_wait3A_171 = arith.constant 3 : i32
      %dma_wait3A_172 = arith.constant 384 : i32
      %dma_wait3A_173 = arith.constant 0 : i32
      %dma_wait3A_174 = tpu.memref_slice %arg22[%dma_wait3A_172, %dma_wait3A_173] : memref<1024x32xf32, #tpu.memory_space<vmem>> -> memref<128x32xf32, #tpu.memory_space<vmem>>
      %dma_wait3A_175 = arith.constant 0 : i32
      %dma_wait3A_176 = tpu.memref_slice %arg20[%dma_wait3A_171, %dma_wait3A_175] : memref<8x128xi32, #tpu.memory_space<vmem>> -> memref<1x128xi32, #tpu.memory_space<vmem>>
      %dma_wait3A_177 = tpu.memref_squeeze %dma_wait3A_176 : memref<1x128xi32, #tpu.memory_space<vmem>> -> memref<128xi32, #tpu.memory_space<vmem>>
      %dma_wait3A_178 = arith.constant 0 : i32
      %dma_wait3A_179 = arith.constant 0 : i32
      %dma_wait3A_180 = tpu.memref_slice %arg8[%dma_wait3A_178, %dma_wait3A_179] : memref<10001x32xf32, #tpu.memory_space<hbm>> -> memref<10001x32xf32, #tpu.memory_space<hbm>>
      tpu.wait_indirect_dma semaphore(%arg23 : memref<!tpu.dma_semaphore, #tpu.memory_space<semaphore_mem>>) src(%dma_wait3A_180 : memref<10001x32xf32, #tpu.memory_space<hbm>>) dst(%dma_wait3A_174 : memref<128x32xf32, #tpu.memory_space<vmem>>)
      %dma_wait3A_181 = arith.constant 4 : i32
      %dma_wait3A_182 = arith.constant 512 : i32
      %dma_wait3A_183 = arith.constant 0 : i32
      %dma_wait3A_184 = tpu.memref_slice %arg22[%dma_wait3A_182, %dma_wait3A_183] : memref<1024x32xf32, #tpu.memory_space<vmem>> -> memref<128x32xf32, #tpu.memory_space<vmem>>
      %dma_wait3A_185 = arith.constant 0 : i32
      %dma_wait3A_186 = tpu.memref_slice %arg20[%dma_wait3A_181, %dma_wait3A_185] : memref<8x128xi32, #tpu.memory_space<vmem>> -> memref<1x128xi32, #tpu.memory_space<vmem>>
      %dma_wait3A_187 = tpu.memref_squeeze %dma_wait3A_186 : memref<1x128xi32, #tpu.memory_space<vmem>> -> memref<128xi32, #tpu.memory_space<vmem>>
      %dma_wait3A_188 = arith.constant 0 : i32
      %dma_wait3A_189 = arith.constant 0 : i32
      %dma_wait3A_190 = tpu.memref_slice %arg8[%dma_wait3A_188, %dma_wait3A_189] : memref<10001x32xf32, #tpu.memory_space<hbm>> -> memref<10001x32xf32, #tpu.memory_space<hbm>>
      tpu.wait_indirect_dma semaphore(%arg23 : memref<!tpu.dma_semaphore, #tpu.memory_space<semaphore_mem>>) src(%dma_wait3A_190 : memref<10001x32xf32, #tpu.memory_space<hbm>>) dst(%dma_wait3A_184 : memref<128x32xf32, #tpu.memory_space<vmem>>)
      %dma_wait3A_191 = arith.constant 5 : i32
      %dma_wait3A_192 = arith.constant 640 : i32
      %dma_wait3A_193 = arith.constant 0 : i32
      %dma_wait3A_194 = tpu.memref_slice %arg22[%dma_wait3A_192, %dma_wait3A_193] : memref<1024x32xf32, #tpu.memory_space<vmem>> -> memref<128x32xf32, #tpu.memory_space<vmem>>
      %dma_wait3A_195 = arith.constant 0 : i32
      %dma_wait3A_196 = tpu.memref_slice %arg20[%dma_wait3A_191, %dma_wait3A_195] : memref<8x128xi32, #tpu.memory_space<vmem>> -> memref<1x128xi32, #tpu.memory_space<vmem>>
      %dma_wait3A_197 = tpu.memref_squeeze %dma_wait3A_196 : memref<1x128xi32, #tpu.memory_space<vmem>> -> memref<128xi32, #tpu.memory_space<vmem>>
      %dma_wait3A_198 = arith.constant 0 : i32
      %dma_wait3A_199 = arith.constant 0 : i32
      %dma_wait3A_200 = tpu.memref_slice %arg8[%dma_wait3A_198, %dma_wait3A_199] : memref<10001x32xf32, #tpu.memory_space<hbm>> -> memref<10001x32xf32, #tpu.memory_space<hbm>>
      tpu.wait_indirect_dma semaphore(%arg23 : memref<!tpu.dma_semaphore, #tpu.memory_space<semaphore_mem>>) src(%dma_wait3A_200 : memref<10001x32xf32, #tpu.memory_space<hbm>>) dst(%dma_wait3A_194 : memref<128x32xf32, #tpu.memory_space<vmem>>)
      %dma_wait3A_201 = arith.constant 6 : i32
      %dma_wait3A_202 = arith.constant 768 : i32
      %dma_wait3A_203 = arith.constant 0 : i32
      %dma_wait3A_204 = tpu.memref_slice %arg22[%dma_wait3A_202, %dma_wait3A_203] : memref<1024x32xf32, #tpu.memory_space<vmem>> -> memref<128x32xf32, #tpu.memory_space<vmem>>
      %dma_wait3A_205 = arith.constant 0 : i32
      %dma_wait3A_206 = tpu.memref_slice %arg20[%dma_wait3A_201, %dma_wait3A_205] : memref<8x128xi32, #tpu.memory_space<vmem>> -> memref<1x128xi32, #tpu.memory_space<vmem>>
      %dma_wait3A_207 = tpu.memref_squeeze %dma_wait3A_206 : memref<1x128xi32, #tpu.memory_space<vmem>> -> memref<128xi32, #tpu.memory_space<vmem>>
      %dma_wait3A_208 = arith.constant 0 : i32
      %dma_wait3A_209 = arith.constant 0 : i32
      %dma_wait3A_210 = tpu.memref_slice %arg8[%dma_wait3A_208, %dma_wait3A_209] : memref<10001x32xf32, #tpu.memory_space<hbm>> -> memref<10001x32xf32, #tpu.memory_space<hbm>>
      tpu.wait_indirect_dma semaphore(%arg23 : memref<!tpu.dma_semaphore, #tpu.memory_space<semaphore_mem>>) src(%dma_wait3A_210 : memref<10001x32xf32, #tpu.memory_space<hbm>>) dst(%dma_wait3A_204 : memref<128x32xf32, #tpu.memory_space<vmem>>)
      %dma_wait3A_211 = arith.constant 7 : i32
      %dma_wait3A_212 = arith.constant 896 : i32
      %dma_wait3A_213 = arith.constant 0 : i32
      %dma_wait3A_214 = tpu.memref_slice %arg22[%dma_wait3A_212, %dma_wait3A_213] : memref<1024x32xf32, #tpu.memory_space<vmem>> -> memref<128x32xf32, #tpu.memory_space<vmem>>
      %dma_wait3A_215 = arith.constant 0 : i32
      %dma_wait3A_216 = tpu.memref_slice %arg20[%dma_wait3A_211, %dma_wait3A_215] : memref<8x128xi32, #tpu.memory_space<vmem>> -> memref<1x128xi32, #tpu.memory_space<vmem>>
      %dma_wait3A_217 = tpu.memref_squeeze %dma_wait3A_216 : memref<1x128xi32, #tpu.memory_space<vmem>> -> memref<128xi32, #tpu.memory_space<vmem>>
      %dma_wait3A_218 = arith.constant 0 : i32
      %dma_wait3A_219 = arith.constant 0 : i32
      %dma_wait3A_220 = tpu.memref_slice %arg8[%dma_wait3A_218, %dma_wait3A_219] : memref<10001x32xf32, #tpu.memory_space<hbm>> -> memref<10001x32xf32, #tpu.memory_space<hbm>>
      tpu.wait_indirect_dma semaphore(%arg23 : memref<!tpu.dma_semaphore, #tpu.memory_space<semaphore_mem>>) src(%dma_wait3A_220 : memref<10001x32xf32, #tpu.memory_space<hbm>>) dst(%dma_wait3A_214 : memref<128x32xf32, #tpu.memory_space<vmem>>)
      %mul3A_221 = arith.constant 128 : i32
      %mul3A_222 = arith.muli %multiple_of3A, %mul3A_221 : i32
      "tpu.region"() ({
        %run_scoped3A = tpu.sem_alloc : memref<!tpu.dma_semaphore, #tpu.memory_space<semaphore_mem>>
        %dma_start3A_223 = arith.constant 0 : i32
        %dma_start3A_224 = arith.constant 0 : i32
        %dma_start3A_225 = tpu.memref_slice %arg22[%dma_start3A_223, %dma_start3A_224] : memref<1024x32xf32, #tpu.memory_space<vmem>> -> memref<1024x32xf32, #tpu.memory_space<vmem>>
        %dma_start3A_226 = arith.constant 0 : i32
        %dma_start3A_227 = tpu.memref_slice %arg19[%mul3A_222, %dma_start3A_226] : memref<10240x32xf32, #tpu.memory_space<hbm>> -> memref<1024x32xf32, #tpu.memory_space<hbm>>
        %dma_start3A_228 = arith.constant 0 : i32
        %dma_start3A_229 = tpu.memref_slice %arg19[%mul3A_222, %dma_start3A_228] : memref<10240x32xf32, #tpu.memory_space<hbm>> -> memref<1024x32xf32, #tpu.memory_space<hbm>>
        %dma_start3A_230 = arith.constant 0 : i32
        %dma_start3A_231 = arith.constant 0 : i32
        %dma_start3A_232 = tpu.memref_slice %arg22[%dma_start3A_230, %dma_start3A_231] : memref<1024x32xf32, #tpu.memory_space<vmem>> -> memref<1024x32xf32, #tpu.memory_space<vmem>>
        tpu.enqueue_dma source(%dma_start3A_232 : memref<1024x32xf32, #tpu.memory_space<vmem>>) target(%dma_start3A_229 : memref<1024x32xf32, #tpu.memory_space<hbm>>) target_semaphore(%run_scoped3A : memref<!tpu.dma_semaphore, #tpu.memory_space<semaphore_mem>>)
        %dma_wait3A_233 = arith.constant 0 : i32
        %dma_wait3A_234 = arith.constant 0 : i32
        %dma_wait3A_235 = tpu.memref_slice %arg22[%dma_wait3A_233, %dma_wait3A_234] : memref<1024x32xf32, #tpu.memory_space<vmem>> -> memref<1024x32xf32, #tpu.memory_space<vmem>>
        %dma_wait3A_236 = arith.constant 0 : i32
        %dma_wait3A_237 = tpu.memref_slice %arg19[%mul3A_222, %dma_wait3A_236] : memref<10240x32xf32, #tpu.memory_space<hbm>> -> memref<1024x32xf32, #tpu.memory_space<hbm>>
        %dma_wait3A_238 = arith.constant 0 : i32
        %dma_wait3A_239 = tpu.memref_slice %arg19[%mul3A_222, %dma_wait3A_238] : memref<10240x32xf32, #tpu.memory_space<hbm>> -> memref<1024x32xf32, #tpu.memory_space<hbm>>
        %dma_wait3A_240 = arith.constant 0 : i32
        %dma_wait3A_241 = arith.constant 0 : i32
        %dma_wait3A_242 = tpu.memref_slice %arg22[%dma_wait3A_240, %dma_wait3A_241] : memref<1024x32xf32, #tpu.memory_space<vmem>> -> memref<1024x32xf32, #tpu.memory_space<vmem>>
        tpu.wait_dma2 semaphore(%run_scoped3A : memref<!tpu.dma_semaphore, #tpu.memory_space<semaphore_mem>>) src(%dma_wait3A_242 : memref<1024x32xf32, #tpu.memory_space<vmem>>) dst(%dma_wait3A_239 : memref<1024x32xf32, #tpu.memory_space<hbm>>)
        tpu.yield
      }) : () -> ()
    } else {
    }
    %scan3A_58 = arith.constant 1 : i32
    return
  }
}

module attributes {stable_mosaic.version = 14 : i64} {
  func.func @_user_tower_body(%arg0: memref<1024x64xf32, #tpu.memory_space<vmem>>, %arg1: memref<1024x32xf32, #tpu.memory_space<vmem>>, %arg2: memref<1024x32xf32, #tpu.memory_space<vmem>>, %arg3: memref<10240x32xf32, #tpu.memory_space<vmem>>, %arg4: memref<1024x1xf32, #tpu.memory_space<vmem>>, %arg5: memref<64x256xf32, #tpu.memory_space<vmem>>, %arg6: memref<32x256xf32, #tpu.memory_space<vmem>>, %arg7: memref<32x256xf32, #tpu.memory_space<vmem>>, %arg8: memref<32x256xf32, #tpu.memory_space<vmem>>, %arg9: memref<1x256xf32, #tpu.memory_space<vmem>>, %arg10: memref<1x256xf32, #tpu.memory_space<vmem>>, %arg11: memref<256x128xf32, #tpu.memory_space<vmem>>, %arg12: memref<128x128xf32, #tpu.memory_space<vmem>>, %arg13: memref<1x128xf32, #tpu.memory_space<vmem>>, %arg14: memref<1024x128xf32, #tpu.memory_space<vmem>>) attributes {dimension_semantics = [], scalar_prefetch = 0 : i64, scratch_operands = 0 : i64, tpu.core_type = #tpu.core_type<tc>} {
    %get3A = arith.constant 0 : index
    %get3A_0 = arith.constant 0 : index
    %get3A_1 = vector.load %arg3[%get3A, %get3A_0] : memref<10240x32xf32, #tpu.memory_space<vmem>>, vector<10240x32xf32>
    %reshape3A = vector.shape_cast %get3A_1 : vector<10240x32xf32> to vector<1024x10x32xf32>
    %reduce_sum3A = arith.constant dense<0.000000e+00> : vector<1024x32xf32>
    %reduce_sum3A_2 = vector.multi_reduction <add>, %reshape3A, %reduce_sum3A [1] : vector<1024x10x32xf32> to vector<1024x32xf32>
    %get3A_3 = arith.constant 0 : index
    %get3A_4 = arith.constant 0 : index
    %get3A_5 = vector.load %arg0[%get3A_3, %get3A_4] : memref<1024x64xf32, #tpu.memory_space<vmem>>, vector<1024x64xf32>
    %get3A_6 = arith.constant 0 : index
    %get3A_7 = arith.constant 0 : index
    %get3A_8 = vector.load %arg5[%get3A_6, %get3A_7] : memref<64x256xf32, #tpu.memory_space<vmem>>, vector<64x256xf32>
    %dot_general3A = arith.constant dense<0.000000e+00> : vector<1024x256xf32>
    %dot_general3A_9 = tpu.matmul %get3A_5, %get3A_8, %dot_general3A {dimension_numbers = #tpu.dot_dimension_numbers<[1], [0], [0], [1], [0, 0, 1, 1], [], []>, transpose_lhs_hint = false} : vector<1024x64xf32>, vector<64x256xf32>, vector<1024x256xf32> -> vector<1024x256xf32>
    %get3A_10 = arith.constant 0 : index
    %get3A_11 = arith.constant 0 : index
    %get3A_12 = vector.load %arg1[%get3A_10, %get3A_11] : memref<1024x32xf32, #tpu.memory_space<vmem>>, vector<1024x32xf32>
    %get3A_13 = arith.constant 0 : index
    %get3A_14 = arith.constant 0 : index
    %get3A_15 = vector.load %arg6[%get3A_13, %get3A_14] : memref<32x256xf32, #tpu.memory_space<vmem>>, vector<32x256xf32>
    %dot_general3A_16 = arith.constant dense<0.000000e+00> : vector<1024x256xf32>
    %dot_general3A_17 = tpu.matmul %get3A_12, %get3A_15, %dot_general3A_16 {dimension_numbers = #tpu.dot_dimension_numbers<[1], [0], [0], [1], [0, 0, 1, 1], [], []>, transpose_lhs_hint = false} : vector<1024x32xf32>, vector<32x256xf32>, vector<1024x256xf32> -> vector<1024x256xf32>
    %add3A = arith.addf %dot_general3A_9, %dot_general3A_17 : vector<1024x256xf32>
    %get3A_18 = arith.constant 0 : index
    %get3A_19 = arith.constant 0 : index
    %get3A_20 = vector.load %arg2[%get3A_18, %get3A_19] : memref<1024x32xf32, #tpu.memory_space<vmem>>, vector<1024x32xf32>
    %get3A_21 = arith.constant 0 : index
    %get3A_22 = arith.constant 0 : index
    %get3A_23 = vector.load %arg7[%get3A_21, %get3A_22] : memref<32x256xf32, #tpu.memory_space<vmem>>, vector<32x256xf32>
    %dot_general3A_24 = arith.constant dense<0.000000e+00> : vector<1024x256xf32>
    %dot_general3A_25 = tpu.matmul %get3A_20, %get3A_23, %dot_general3A_24 {dimension_numbers = #tpu.dot_dimension_numbers<[1], [0], [0], [1], [0, 0, 1, 1], [], []>, transpose_lhs_hint = false} : vector<1024x32xf32>, vector<32x256xf32>, vector<1024x256xf32> -> vector<1024x256xf32>
    %add3A_26 = arith.addf %add3A, %dot_general3A_25 : vector<1024x256xf32>
    %get3A_27 = arith.constant 0 : index
    %get3A_28 = arith.constant 0 : index
    %get3A_29 = vector.load %arg8[%get3A_27, %get3A_28] : memref<32x256xf32, #tpu.memory_space<vmem>>, vector<32x256xf32>
    %dot_general3A_30 = arith.constant dense<0.000000e+00> : vector<1024x256xf32>
    %dot_general3A_31 = tpu.matmul %reduce_sum3A_2, %get3A_29, %dot_general3A_30 {dimension_numbers = #tpu.dot_dimension_numbers<[1], [0], [0], [1], [0, 0, 1, 1], [], []>, transpose_lhs_hint = false} : vector<1024x32xf32>, vector<32x256xf32>, vector<1024x256xf32> -> vector<1024x256xf32>
    %add3A_32 = arith.addf %add3A_26, %dot_general3A_31 : vector<1024x256xf32>
    %get3A_33 = arith.constant 0 : index
    %get3A_34 = arith.constant 0 : index
    %get3A_35 = vector.load %arg4[%get3A_33, %get3A_34] : memref<1024x1xf32, #tpu.memory_space<vmem>>, vector<1024x1xf32>
    %get3A_36 = arith.constant 0 : index
    %get3A_37 = arith.constant 0 : index
    %get3A_38 = vector.load %arg9[%get3A_36, %get3A_37] : memref<1x256xf32, #tpu.memory_space<vmem>>, vector<1x256xf32>
    %mul3A = vector.broadcast %get3A_35 : vector<1024x1xf32> to vector<1024x256xf32>
    %mul3A_39 = vector.broadcast %get3A_38 : vector<1x256xf32> to vector<1024x256xf32>
    %mul3A_40 = arith.mulf %mul3A, %mul3A_39 : vector<1024x256xf32>
    %add3A_41 = arith.addf %add3A_32, %mul3A_40 : vector<1024x256xf32>
    %get3A_42 = arith.constant 0 : index
    %get3A_43 = arith.constant 0 : index
    %get3A_44 = vector.load %arg10[%get3A_42, %get3A_43] : memref<1x256xf32, #tpu.memory_space<vmem>>, vector<1x256xf32>
    %add3A_45 = vector.broadcast %get3A_44 : vector<1x256xf32> to vector<1024x256xf32>
    %add3A_46 = arith.addf %add3A_41, %add3A_45 : vector<1024x256xf32>
    %max3A = arith.constant 0.000000e+00 : f32
    %max3A_47 = vector.broadcast %max3A : f32 to vector<1024x256xf32>
    %max3A_48 = arith.maximumf %add3A_46, %max3A_47 : vector<1024x256xf32>
    %get3A_49 = arith.constant 0 : index
    %get3A_50 = arith.constant 0 : index
    %get3A_51 = vector.load %arg11[%get3A_49, %get3A_50] : memref<256x128xf32, #tpu.memory_space<vmem>>, vector<256x128xf32>
    %dot_general3A_52 = arith.constant dense<0.000000e+00> : vector<1024x128xf32>
    %dot_general3A_53 = tpu.matmul %max3A_48, %get3A_51, %dot_general3A_52 {dimension_numbers = #tpu.dot_dimension_numbers<[1], [0], [0], [1], [0, 0, 1, 1], [], []>, transpose_lhs_hint = false} : vector<1024x256xf32>, vector<256x128xf32>, vector<1024x128xf32> -> vector<1024x128xf32>
    %get3A_54 = arith.constant 0 : index
    %get3A_55 = arith.constant 0 : index
    %get3A_56 = vector.load %arg12[%get3A_54, %get3A_55] : memref<128x128xf32, #tpu.memory_space<vmem>>, vector<128x128xf32>
    %dot_general3A_57 = arith.constant dense<0.000000e+00> : vector<1024x128xf32>
    %dot_general3A_58 = tpu.matmul %dot_general3A_53, %get3A_56, %dot_general3A_57 {dimension_numbers = #tpu.dot_dimension_numbers<[1], [0], [0], [1], [0, 0, 1, 1], [], []>, transpose_lhs_hint = false} : vector<1024x128xf32>, vector<128x128xf32>, vector<1024x128xf32> -> vector<1024x128xf32>
    %get3A_59 = arith.constant 0 : index
    %get3A_60 = arith.constant 0 : index
    %get3A_61 = vector.load %arg13[%get3A_59, %get3A_60] : memref<1x128xf32, #tpu.memory_space<vmem>>, vector<1x128xf32>
    %add3A_62 = vector.broadcast %get3A_61 : vector<1x128xf32> to vector<1024x128xf32>
    %add3A_63 = arith.addf %dot_general3A_58, %add3A_62 : vector<1024x128xf32>
    %swap3A = arith.constant 0 : index
    %swap3A_64 = arith.constant 0 : index
    %swap3A_65 = vector.load %arg14[%swap3A, %swap3A_64] : memref<1024x128xf32, #tpu.memory_space<vmem>>, vector<1024x128xf32>
    tpu.vector_store %arg14[%swap3A, %swap3A_64], %add3A_63 {strides = array<i32>} : memref<1024x128xf32, #tpu.memory_space<vmem>>, vector<1024x128xf32>,
    return
  }
}

module attributes {stable_mosaic.version = 14 : i64} {
  func.func @_main_body(%arg0: i32, %arg1: memref<409600xf32, #tpu.memory_space<vmem>>, %arg2: memref<409600xf32, #tpu.memory_space<vmem>>, %arg3: memref<409600xf32, #tpu.memory_space<vmem>>, %arg4: memref<16x200x128xf32, #tpu.memory_space<vmem>>, %arg5: memref<16x200xf32, #tpu.memory_space<vmem>>, %arg6: memref<16x200xf32, #tpu.memory_space<vmem>>, %arg7: memref<16x128xf32, #tpu.memory_space<vmem>>, %arg8: memref<3200x16xf32, #tpu.memory_space<vmem>>, %arg9: memref<256x256xf32, #tpu.memory_space<vmem>>, %arg10: memref<256x256xf32, #tpu.memory_space<vmem>>, %arg11: memref<64x256xf32, #tpu.memory_space<vmem>>, %arg12: memref<1x256xf32, #tpu.memory_space<vmem>>, %arg13: memref<1x256xf32, #tpu.memory_space<vmem>>, %arg14: memref<128x256xf32, #tpu.memory_space<vmem>>, %arg15: memref<1x256xf32, #tpu.memory_space<vmem>>, %arg16: memref<256x128xf32, #tpu.memory_space<vmem>>, %arg17: memref<1x256xf32, #tpu.memory_space<vmem>>, %arg18: memref<256x128xf32, #tpu.memory_space<vmem>>, %arg19: memref<16x200x128xf32, #tpu.memory_space<vmem>>) attributes {dimension_semantics = [#tpu.dimension_semantics<arbitrary>], iteration_bounds = array<i64: 64>, scalar_prefetch = 0 : i64, scratch_operands = 0 : i64, tpu.core_type = #tpu.core_type<tc>, window_params = [{transform_indices = @transform_0, window_bounds = array<i64: 409600>}, {transform_indices = @transform_1, window_bounds = array<i64: 409600>}, {transform_indices = @transform_2, window_bounds = array<i64: 409600>}, {transform_indices = @transform_3, window_bounds = array<i64: 16, 200, 128>}, {transform_indices = @transform_4, window_bounds = array<i64: 16, 200>}, {transform_indices = @transform_5, window_bounds = array<i64: 16, 200>}, {transform_indices = @transform_6, window_bounds = array<i64: 16, 128>}, {pipeline_mode = #tpu.pipeline_mode<synchronous>, transform_indices = @transform_7, window_bounds = array<i64: 3200, 16>}, {pipeline_mode = #tpu.pipeline_mode<synchronous>, transform_indices = @transform_8, window_bounds = array<i64: 256, 256>}, {pipeline_mode = #tpu.pipeline_mode<synchronous>, transform_indices = @transform_9, window_bounds = array<i64: 256, 256>}, {pipeline_mode = #tpu.pipeline_mode<synchronous>, transform_indices = @transform_10, window_bounds = array<i64: 64, 256>}, {pipeline_mode = #tpu.pipeline_mode<synchronous>, transform_indices = @transform_11, window_bounds = array<i64: 1, 256>}, {pipeline_mode = #tpu.pipeline_mode<synchronous>, transform_indices = @transform_12, window_bounds = array<i64: 1, 256>}, {pipeline_mode = #tpu.pipeline_mode<synchronous>, transform_indices = @transform_13, window_bounds = array<i64: 128, 256>}, {pipeline_mode = #tpu.pipeline_mode<synchronous>, transform_indices = @transform_14, window_bounds = array<i64: 1, 256>}, {pipeline_mode = #tpu.pipeline_mode<synchronous>, transform_indices = @transform_15, window_bounds = array<i64: 256, 128>}, {pipeline_mode = #tpu.pipeline_mode<synchronous>, transform_indices = @transform_16, window_bounds = array<i64: 1, 256>}, {pipeline_mode = #tpu.pipeline_mode<synchronous>, transform_indices = @transform_17, window_bounds = array<i64: 256, 128>}, {transform_indices = @transform_18, window_bounds = array<i64: 16, 200, 128>}]} {
    %get3A = arith.constant 0 : index
    %get3A_0 = vector.load %arg1[%get3A] : memref<409600xf32, #tpu.memory_space<vmem>>, vector<409600xf32>
    %reshape3A = vector.shape_cast %get3A_0 : vector<409600xf32> to vector<3200x128xf32>
    %get3A_1 = arith.constant 0 : index
    %get3A_2 = vector.load %arg2[%get3A_1] : memref<409600xf32, #tpu.memory_space<vmem>>, vector<409600xf32>
    %reshape3A_3 = vector.shape_cast %get3A_2 : vector<409600xf32> to vector<3200x128xf32>
    %get3A_4 = arith.constant 0 : index
    %get3A_5 = vector.load %arg3[%get3A_4] : memref<409600xf32, #tpu.memory_space<vmem>>, vector<409600xf32>
    %reshape3A_6 = vector.shape_cast %get3A_5 : vector<409600xf32> to vector<3200x128xf32>
    %slice3A = vector.extract_strided_slice %reshape3A_6 {offsets = [0, 0], sizes = [3200, 64], strides = [1, 1]} : vector<3200x128xf32> to vector<3200x64xf32>
    %get3A_7 = arith.constant 0 : index
    %get3A_8 = arith.constant 0 : index
    %get3A_9 = arith.constant 0 : index
    %get3A_10 = vector.load %arg4[%get3A_7, %get3A_8, %get3A_9] : memref<16x200x128xf32, #tpu.memory_space<vmem>>, vector<16x200x128xf32>
    %reshape3A_11 = vector.shape_cast %get3A_10 : vector<16x200x128xf32> to vector<3200x128xf32>
    %get3A_12 = arith.constant 0 : index
    %get3A_13 = arith.constant 0 : index
    %get3A_14 = vector.load %arg5[%get3A_12, %get3A_13] : memref<16x200xf32, #tpu.memory_space<vmem>>, vector<16x200xf32>
    %broadcast_in_dim3A = vector.shape_cast %get3A_14 : vector<16x200xf32> to vector<16x200x1xf32>
    %broadcast_in_dim3A_15 = vector.shape_cast %broadcast_in_dim3A : vector<16x200x1xf32> to vector<16x200x1xf32>
    %broadcast_in_dim3A_16 = vector.broadcast %broadcast_in_dim3A_15 : vector<16x200x1xf32> to vector<16x200x256xf32>
    %reshape3A_17 = vector.shape_cast %broadcast_in_dim3A_16 : vector<16x200x256xf32> to vector<3200x256xf32>
    %get3A_18 = arith.constant 0 : index
    %get3A_19 = arith.constant 0 : index
    %get3A_20 = vector.load %arg6[%get3A_18, %get3A_19] : memref<16x200xf32, #tpu.memory_space<vmem>>, vector<16x200xf32>
    %broadcast_in_dim3A_21 = vector.shape_cast %get3A_20 : vector<16x200xf32> to vector<16x200x1xf32>
    %broadcast_in_dim3A_22 = vector.shape_cast %broadcast_in_dim3A_21 : vector<16x200x1xf32> to vector<16x200x1xf32>
    %broadcast_in_dim3A_23 = vector.broadcast %broadcast_in_dim3A_22 : vector<16x200x1xf32> to vector<16x200x256xf32>
    %reshape3A_24 = vector.shape_cast %broadcast_in_dim3A_23 : vector<16x200x256xf32> to vector<3200x256xf32>
    %concatenate3A = tpu.concatenate %reshape3A, %reshape3A_3 in 1 : vector<3200x128xf32>, vector<3200x128xf32> -> vector<3200x256xf32>
    %get3A_25 = arith.constant 0 : index
    %get3A_26 = arith.constant 0 : index
    %get3A_27 = vector.load %arg9[%get3A_25, %get3A_26] : memref<256x256xf32, #tpu.memory_space<vmem>>, vector<256x256xf32>
    %dot_general3A = arith.constant dense<0.000000e+00> : vector<3200x256xf32>
    %dot_general3A_28 = tpu.matmul %concatenate3A, %get3A_27, %dot_general3A {dimension_numbers = #tpu.dot_dimension_numbers<[1], [0], [0], [1], [0, 0, 1, 1], [], []>, transpose_lhs_hint = false} : vector<3200x256xf32>, vector<256x256xf32>, vector<3200x256xf32> -> vector<3200x256xf32>
    %get3A_29 = arith.constant 0 : index
    %get3A_30 = arith.constant 0 : index
    %get3A_31 = vector.load %arg14[%get3A_29, %get3A_30] : memref<128x256xf32, #tpu.memory_space<vmem>>, vector<128x256xf32>
    %dot_general3A_32 = arith.constant dense<0.000000e+00> : vector<3200x256xf32>
    %dot_general3A_33 = tpu.matmul %reshape3A_11, %get3A_31, %dot_general3A_32 {dimension_numbers = #tpu.dot_dimension_numbers<[1], [0], [0], [1], [0, 0, 1, 1], [], []>, transpose_lhs_hint = false} : vector<3200x128xf32>, vector<128x256xf32>, vector<3200x256xf32> -> vector<3200x256xf32>
    %add3A = arith.addf %dot_general3A_28, %dot_general3A_33 : vector<3200x256xf32>
    %get3A_34 = arith.constant 0 : index
    %get3A_35 = arith.constant 0 : index
    %get3A_36 = vector.load %arg12[%get3A_34, %get3A_35] : memref<1x256xf32, #tpu.memory_space<vmem>>, vector<1x256xf32>
    %mul3A = vector.broadcast %get3A_36 : vector<1x256xf32> to vector<3200x256xf32>
    %mul3A_37 = arith.mulf %reshape3A_17, %mul3A : vector<3200x256xf32>
    %add3A_38 = arith.addf %add3A, %mul3A_37 : vector<3200x256xf32>
    %get3A_39 = arith.constant 0 : index
    %get3A_40 = arith.constant 0 : index
    %get3A_41 = vector.load %arg13[%get3A_39, %get3A_40] : memref<1x256xf32, #tpu.memory_space<vmem>>, vector<1x256xf32>
    %mul3A_42 = vector.broadcast %get3A_41 : vector<1x256xf32> to vector<3200x256xf32>
    %mul3A_43 = arith.mulf %reshape3A_24, %mul3A_42 : vector<3200x256xf32>
    %add3A_44 = arith.addf %add3A_38, %mul3A_43 : vector<3200x256xf32>
    %get3A_45 = arith.constant 0 : index
    %get3A_46 = arith.constant 0 : index
    %get3A_47 = vector.load %arg15[%get3A_45, %get3A_46] : memref<1x256xf32, #tpu.memory_space<vmem>>, vector<1x256xf32>
    %add3A_48 = vector.broadcast %get3A_47 : vector<1x256xf32> to vector<3200x256xf32>
    %add3A_49 = arith.addf %add3A_44, %add3A_48 : vector<3200x256xf32>
    %get3A_50 = arith.constant 0 : index
    %get3A_51 = arith.constant 0 : index
    %get3A_52 = vector.load %arg10[%get3A_50, %get3A_51] : memref<256x256xf32, #tpu.memory_space<vmem>>, vector<256x256xf32>
    %dot_general3A_53 = arith.constant dense<0.000000e+00> : vector<3200x256xf32>
    %dot_general3A_54 = tpu.matmul %concatenate3A, %get3A_52, %dot_general3A_53 {dimension_numbers = #tpu.dot_dimension_numbers<[1], [0], [0], [1], [0, 0, 1, 1], [], []>, transpose_lhs_hint = false} : vector<3200x256xf32>, vector<256x256xf32>, vector<3200x256xf32> -> vector<3200x256xf32>
    %get3A_55 = arith.constant 0 : index
    %get3A_56 = arith.constant 0 : index
    %get3A_57 = vector.load %arg11[%get3A_55, %get3A_56] : memref<64x256xf32, #tpu.memory_space<vmem>>, vector<64x256xf32>
    %dot_general3A_58 = arith.constant dense<0.000000e+00> : vector<3200x256xf32>
    %dot_general3A_59 = tpu.matmul %slice3A, %get3A_57, %dot_general3A_58 {dimension_numbers = #tpu.dot_dimension_numbers<[1], [0], [0], [1], [0, 0, 1, 1], [], []>, transpose_lhs_hint = false} : vector<3200x64xf32>, vector<64x256xf32>, vector<3200x256xf32> -> vector<3200x256xf32>
    %add3A_60 = arith.addf %dot_general3A_54, %dot_general3A_59 : vector<3200x256xf32>
    %get3A_61 = arith.constant 0 : index
    %get3A_62 = arith.constant 0 : index
    %get3A_63 = vector.load %arg17[%get3A_61, %get3A_62] : memref<1x256xf32, #tpu.memory_space<vmem>>, vector<1x256xf32>
    %add3A_64 = vector.broadcast %get3A_63 : vector<1x256xf32> to vector<3200x256xf32>
    %add3A_65 = arith.addf %add3A_60, %add3A_64 : vector<3200x256xf32>
    %max3A = arith.constant 0.000000e+00 : f32
    %max3A_66 = vector.broadcast %max3A : f32 to vector<3200x256xf32>
    %max3A_67 = arith.maximumf %add3A_49, %max3A_66 : vector<3200x256xf32>
    %get3A_68 = arith.constant 0 : index
    %get3A_69 = arith.constant 0 : index
    %get3A_70 = vector.load %arg16[%get3A_68, %get3A_69] : memref<256x128xf32, #tpu.memory_space<vmem>>, vector<256x128xf32>
    %dot_general3A_71 = arith.constant dense<0.000000e+00> : vector<3200x128xf32>
    %dot_general3A_72 = tpu.matmul %max3A_67, %get3A_70, %dot_general3A_71 {dimension_numbers = #tpu.dot_dimension_numbers<[1], [0], [0], [1], [0, 0, 1, 1], [], []>, transpose_lhs_hint = false} : vector<3200x256xf32>, vector<256x128xf32>, vector<3200x128xf32> -> vector<3200x128xf32>
    %max3A_73 = arith.constant 0.000000e+00 : f32
    %max3A_74 = vector.broadcast %max3A_73 : f32 to vector<3200x256xf32>
    %max3A_75 = arith.maximumf %add3A_65, %max3A_74 : vector<3200x256xf32>
    %get3A_76 = arith.constant 0 : index
    %get3A_77 = arith.constant 0 : index
    %get3A_78 = vector.load %arg18[%get3A_76, %get3A_77] : memref<256x128xf32, #tpu.memory_space<vmem>>, vector<256x128xf32>
    %dot_general3A_79 = arith.constant dense<0.000000e+00> : vector<3200x128xf32>
    %dot_general3A_80 = tpu.matmul %max3A_75, %get3A_78, %dot_general3A_79 {dimension_numbers = #tpu.dot_dimension_numbers<[1], [0], [0], [1], [0, 0, 1, 1], [], []>, transpose_lhs_hint = false} : vector<3200x256xf32>, vector<256x128xf32>, vector<3200x128xf32> -> vector<3200x128xf32>
    %add3A_81 = arith.addf %dot_general3A_72, %dot_general3A_80 : vector<3200x128xf32>
    %get3A_82 = arith.constant 0 : index
    %get3A_83 = arith.constant 0 : index
    %get3A_84 = vector.load %arg8[%get3A_82, %get3A_83] : memref<3200x16xf32, #tpu.memory_space<vmem>>, vector<3200x16xf32>
    %get3A_85 = arith.constant 0 : index
    %get3A_86 = arith.constant 0 : index
    %get3A_87 = vector.load %arg7[%get3A_85, %get3A_86] : memref<16x128xf32, #tpu.memory_space<vmem>>, vector<16x128xf32>
    %dot_general3A_88 = arith.constant dense<0.000000e+00> : vector<3200x128xf32>
    %dot_general3A_89 = tpu.matmul %get3A_84, %get3A_87, %dot_general3A_88 {dimension_numbers = #tpu.dot_dimension_numbers<[1], [0], [0], [1], [0, 0, 1, 1], [], []>, transpose_lhs_hint = false} : vector<3200x16xf32>, vector<16x128xf32>, vector<3200x128xf32> -> vector<3200x128xf32>
    %add3A_90 = arith.addf %add3A_81, %dot_general3A_89 : vector<3200x128xf32>
    %reshape3A_91 = vector.shape_cast %add3A_90 : vector<3200x128xf32> to vector<16x200x128xf32>
    %swap3A = arith.constant 0 : index
    %swap3A_92 = arith.constant 0 : index
    %swap3A_93 = arith.constant 0 : index
    %swap3A_94 = vector.load %arg19[%swap3A, %swap3A_92, %swap3A_93] : memref<16x200x128xf32, #tpu.memory_space<vmem>>, vector<16x200x128xf32>
    tpu.vector_store %arg19[%swap3A, %swap3A_92, %swap3A_93], %reshape3A_91 {strides = array<i32>} : memref<16x200x128xf32, #tpu.memory_space<vmem>>, vector<16x200x128xf32>,
    return
  }
  func.func @transform_0(%arg0: i32) -> i32 {
    %c0_i32 = arith.constant 0 : i32
    return %arg0 : i32
  }
  func.func @transform_1(%arg0: i32) -> i32 {
    %c0_i32 = arith.constant 0 : i32
    return %arg0 : i32
  }
  func.func @transform_2(%arg0: i32) -> i32 {
    %c0_i32 = arith.constant 0 : i32
    return %arg0 : i32
  }
  func.func @transform_3(%arg0: i32) -> (i32, i32, i32) {
    %c0_i32 = arith.constant 0 : i32
    %c0_i32_0 = arith.constant 0 : i32
    %c0_i32_1 = arith.constant 0 : i32
    return %arg0, %c0_i32, %c0_i32_0 : i32, i32, i32
  }
  func.func @transform_4(%arg0: i32) -> (i32, i32) {
    %c0_i32 = arith.constant 0 : i32
    %c0_i32_0 = arith.constant 0 : i32
    return %arg0, %c0_i32 : i32, i32
  }
  func.func @transform_5(%arg0: i32) -> (i32, i32) {
    %c0_i32 = arith.constant 0 : i32
    %c0_i32_0 = arith.constant 0 : i32
    return %arg0, %c0_i32 : i32, i32
  }
  func.func @transform_6(%arg0: i32) -> (i32, i32) {
    %c0_i32 = arith.constant 0 : i32
    %c0_i32_0 = arith.constant 0 : i32
    return %arg0, %c0_i32 : i32, i32
  }
  func.func @transform_7(%arg0: i32) -> (i32, i32) {
    %c0_i32 = arith.constant 0 : i32
    %c0_i32_0 = arith.constant 0 : i32
    %c0_i32_1 = arith.constant 0 : i32
    return %c0_i32, %c0_i32_0 : i32, i32
  }
  func.func @transform_8(%arg0: i32) -> (i32, i32) {
    %c0_i32 = arith.constant 0 : i32
    %c0_i32_0 = arith.constant 0 : i32
    %c0_i32_1 = arith.constant 0 : i32
    return %c0_i32, %c0_i32_0 : i32, i32
  }
  func.func @transform_9(%arg0: i32) -> (i32, i32) {
    %c0_i32 = arith.constant 0 : i32
    %c0_i32_0 = arith.constant 0 : i32
    %c0_i32_1 = arith.constant 0 : i32
    return %c0_i32, %c0_i32_0 : i32, i32
  }
  func.func @transform_10(%arg0: i32) -> (i32, i32) {
    %c0_i32 = arith.constant 0 : i32
    %c0_i32_0 = arith.constant 0 : i32
    %c0_i32_1 = arith.constant 0 : i32
    return %c0_i32, %c0_i32_0 : i32, i32
  }
  func.func @transform_11(%arg0: i32) -> (i32, i32) {
    %c0_i32 = arith.constant 0 : i32
    %c0_i32_0 = arith.constant 0 : i32
    %c0_i32_1 = arith.constant 0 : i32
    return %c0_i32, %c0_i32_0 : i32, i32
  }
  func.func @transform_12(%arg0: i32) -> (i32, i32) {
    %c0_i32 = arith.constant 0 : i32
    %c0_i32_0 = arith.constant 0 : i32
    %c0_i32_1 = arith.constant 0 : i32
    return %c0_i32, %c0_i32_0 : i32, i32
  }
  func.func @transform_13(%arg0: i32) -> (i32, i32) {
    %c0_i32 = arith.constant 0 : i32
    %c0_i32_0 = arith.constant 0 : i32
    %c0_i32_1 = arith.constant 0 : i32
    return %c0_i32, %c0_i32_0 : i32, i32
  }
  func.func @transform_14(%arg0: i32) -> (i32, i32) {
    %c0_i32 = arith.constant 0 : i32
    %c0_i32_0 = arith.constant 0 : i32
    %c0_i32_1 = arith.constant 0 : i32
    return %c0_i32, %c0_i32_0 : i32, i32
  }
  func.func @transform_15(%arg0: i32) -> (i32, i32) {
    %c0_i32 = arith.constant 0 : i32
    %c0_i32_0 = arith.constant 0 : i32
    %c0_i32_1 = arith.constant 0 : i32
    return %c0_i32, %c0_i32_0 : i32, i32
  }
  func.func @transform_16(%arg0: i32) -> (i32, i32) {
    %c0_i32 = arith.constant 0 : i32
    %c0_i32_0 = arith.constant 0 : i32
    %c0_i32_1 = arith.constant 0 : i32
    return %c0_i32, %c0_i32_0 : i32, i32
  }
  func.func @transform_17(%arg0: i32) -> (i32, i32) {
    %c0_i32 = arith.constant 0 : i32
    %c0_i32_0 = arith.constant 0 : i32
    %c0_i32_1 = arith.constant 0 : i32
    return %c0_i32, %c0_i32_0 : i32, i32
  }
  func.func @transform_18(%arg0: i32) -> (i32, i32, i32) {
    %c0_i32 = arith.constant 0 : i32
    %c0_i32_0 = arith.constant 0 : i32
    %c0_i32_1 = arith.constant 0 : i32
    return %arg0, %c0_i32, %c0_i32_0 : i32, i32, i32
  }
}

</mosaic_0001>

<sc_bundles>
// kernel: kernel.6.cloned.1.call-start
scs
__scs_entry_jumppad:
0x0: {  	(pc) =	sbr.rel $0x88, $3  }
0x1: {  	(tag) =	ssettag $0x0;
	lr =	simm.s32 $0x1  }
0x2: {  	[smem:$0x3F75] =	sst lr;
	_ =	strace $0xD0000000  }
0x3: {  	_ = 	snop  }
0x4: {  	_ = 	snop  }
0x5: {  	_ = 	snop  }
0x6: {  	_ = 	snop  }
0x7: {  	_ = 	snop  }
__scs_overlays_trampoline_lowered:
0x8: {  	[smem:$0x3F84] =	sst s0  }
0x9: {  	[smem:$0x3F85] =	sst s1  }
0xa: {  	[smem:$0x3F86] =	sst s2  }
0xb: {  	[smem:$0x3F87] =	sst s3  }
0xc: {  	[smem:$0x3F88] =	sst s4  }
0xd: {  	[smem:$0x3F89] =	sst s5  }
0xe: {  	[smem:$0x3F8A] =	sst s6  }
0xf: {  	[smem:$0x3F8B] =	sst s7  }
0x10: {  	[smem:$0x3F8C] =	sst s8  }
0x11: {  	[smem:$0x3F8D] =	sst s9;
	s0 =	simm.s32 @!p0 $0x0  }
0x12: {  	s1 =	sld [smem:$0x3F73];
	s0 =	simm.s32 @p0 $0x1  }
0x13: {  	[smem:$0x3F8E] =	sst s0;
	s0 =	simm.s32 @!p1 $0x0  }
0x14: {  	s2 =	sld [smem:$0x3F72];
	s0 =	simm.s32 @p1 $0x1  }
0x15: {  	[smem:$0x3F8F] =	sst s0;
	s0 =	simm.s32 @!p2 $0x0  }
0x16: {  	s3 =	sld [smem:$0x3FDB];
	s0 =	simm.s32 @p2 $0x1  }
0x17: {  	s4 =	simm.s32 $0x1BF5;
	[smem:$0x3F91] =	sst s0  }
0x18: {  	s0 =	sld [smem:$0x3F74];
	_ =	swait.ge [sflag:s4], $0x0  }
0x19: {  	s7 =	sld [smem:$0x3F75]  }
0x1a: {  	s8 =	sadd.s32 $0xFFFFE003, lr  }
0x1b: {  	s9 =	sadd.s32 $0xFFFFFEF7, lr;
	s5 =	simm.s32 $0xFFFFFFFF;
	p2 =	slt.u32 s8, $0xFFFFF086  }
0x1c: {  	p1 =	slt.u32 s9, $0xF7A;
	s5 =	simm.s32 @!p2 $0x0  }
0x1d: {  	s5 =	simm.s32 @p1 $0x1;
	p0 =	seq.s32 s7, s2  }
0x1e: {  	s7 =	smul.u32 @!p0 $0xF7A, s2;
	p2 =	seq.s32 @!p0 s5, $0x0  }
0x1f: {  	s9 =	smul.u32 $0xF7A, s1;
	s8 =	simm.s32 @!p0 $0x1BF5;
	p2 =	por !p2, p0  }
0x20: {  	[sflag:s8] =	ssyncset.s32 @!p0 $0xFFFFF086;
	s6 =	sadd.s32 @!p0 s3, s7;
	s7 =	simm.s32 @!p0 $0x108  }
0x21: {  	s3 =	sadd.s32 s3, s9;
	s6 =	sadd.s32 @!p0 $0x88, s6;
	s7 =	simm.s32 @p2 $0x1082  }
0x22: {  	[simem:s7], [sflag:s8] =	dma.local @!p0 [hbm:s6], $0xF7A  }
0x23: {  	s9 =	sor.u32 $0xD0000000, s2;
	s6 =	simm.s32 $0x108;
	_ =	swait.ge @!p0 [sflag:s8], $0x0  }
0x24: {  	s3 =	sadd.s32 $0x88, s3;
	s6 =	simm.s32 @!p1 $0x1082;
	[sflag:s4] =	ssyncset.s32 $0xFFFFF086  }
0x25: {  	[simem:s6], [sflag:s4] =	dma.local [hbm:s3], $0xF7A  }
0x26: {  	[smem:$0x3F75] =	sst s1;
	(tag) =	ssettag s2;
	_ =	strace s9  }
0x27: {  	s1 =	sld [smem:$0x3F85]  }
0x28: {  	s2 =	sld [smem:$0x3F86]  }
0x29: {  	s4 =	sld [smem:$0x3F88]  }
0x2a: {  	p0 =	seq.s32 s5, $0x0;
	s5 =	sld [smem:$0x3F89]  }
0x2b: {  	s6 =	sld [smem:$0x3F8A]  }
0x2c: {  	s7 =	sld [smem:$0x3F8B]  }
0x2d: {  	s3 =	simm.s32 $0x108;
	s8 =	sld [smem:$0x3F8C]  }
0x2e: {  	s3 =	simm.s32 @!p0 $0x1082;
	s9 =	sld [smem:$0x3F8D]  }
0x2f: {  	lr =	sadd.s32 s0, s3;
	s0 =	sld [smem:$0x3F84]  }
0x30: {  	s3 =	sld [smem:$0x3F87]  }
0x31: {  	[smem:$0x3F90] =	sst s10  }
0x32: {  	s10 =	sld [smem:$0x3F8E];
	_ =	sdelay $0x3  }
0x33: {  	p0 =	seq.s32 s10, $0x1;
	s10 =	sld [smem:$0x3F90];
	_ =	sdelay $0x3  }
0x34: {  	[smem:$0x3F90] =	sst s10  }
0x35: {  	s10 =	sld [smem:$0x3F8F];
	_ =	sdelay $0x3  }
0x36: {  	p1 =	seq.s32 s10, $0x1;
	s10 =	sld [smem:$0x3F90];
	_ =	sdelay $0x3  }
0x37: {  	[smem:$0x3F90] =	sst s10  }
0x38: {  	s10 =	sld [smem:$0x3F91]  }
0x39: {  	_ = 	snop;
	(pc) =	sbr.ind lr, $3  }
0x3a: {  	_ = 	snop  }
0x3b: {  	_ = 	snop  }
0x3c: {  	p2 =	seq.s32 s10, $0x1;
	s10 =	sld [smem:$0x3F90]  }
0x3d: {  	_ =	shalt  }
0x3e: {  	_ =	shalt  }
0x3f: {  	_ =	shalt  }
0x40: {  	_ =	shalt  }
0x41: {  	_ =	shalt  }
0x42: {  	_ =	shalt  }
0x43: {  	_ =	shalt  }
0x44: {  	_ =	shalt  }
0x45: {  	_ =	shalt  }
0x46: {  	_ =	shalt  }
0x47: {  	_ =	shalt  }
0x48: {  	_ =	shalt  }
0x49: {  	_ =	shalt  }
0x4a: {  	_ =	shalt  }
0x4b: {  	_ =	shalt  }
0x4c: {  	_ =	shalt  }
0x4d: {  	_ =	shalt  }
0x4e: {  	_ =	shalt  }
0x4f: {  	_ =	shalt  }
0x50: {  	_ =	shalt  }
0x51: {  	_ =	shalt  }
0x52: {  	_ =	shalt  }
0x53: {  	_ =	shalt  }
0x54: {  	_ =	shalt  }
0x55: {  	_ =	shalt  }
0x56: {  	_ =	shalt  }
0x57: {  	_ =	shalt  }
0x58: {  	_ =	shalt  }
0x59: {  	_ =	shalt  }
0x5a: {  	_ =	shalt  }
0x5b: {  	_ =	shalt  }
0x5c: {  	_ =	shalt  }
0x5d: {  	_ =	shalt  }
0x5e: {  	_ =	shalt  }
0x5f: {  	_ =	shalt  }
0x60: {  	_ =	shalt  }
0x61: {  	_ =	shalt  }
0x62: {  	_ =	shalt  }
0x63: {  	_ =	shalt  }
0x64: {  	_ =	shalt  }
0x65: {  	_ =	shalt  }
0x66: {  	_ =	shalt  }
0x67: {  	_ =	shalt  }
0x68: {  	_ =	shalt  }
0x69: {  	_ =	shalt  }
0x6a: {  	_ =	shalt  }
0x6b: {  	_ =	shalt  }
0x6c: {  	_ =	shalt  }
0x6d: {  	_ =	shalt  }
0x6e: {  	_ =	shalt  }
0x6f: {  	_ =	shalt  }
0x70: {  	_ =	shalt  }
0x71: {  	_ =	shalt  }
0x72: {  	_ =	shalt  }
0x73: {  	_ =	shalt  }
0x74: {  	_ =	shalt  }
0x75: {  	_ =	shalt  }
0x76: {  	_ =	shalt  }
0x77: {  	_ =	shalt  }
0x78: {  	_ =	shalt  }
0x79: {  	_ =	shalt  }
0x7a: {  	_ =	shalt  }
0x7b: {  	_ =	shalt  }
0x7c: {  	_ =	shalt  }
0x7d: {  	_ =	shalt  }
0x7e: {  	_ =	shalt  }
0x7f: {  	_ =	shalt  }
0x80: {  	_ =	shalt  }
0x81: {  	_ =	shalt  }
0x82: {  	_ =	shalt  }
0x83: {  	_ =	shalt  }
0x84: {  	_ =	shalt  }
0x85: {  	_ =	shalt  }
0x86: {  	_ =	shalt  }
0x87: {  	_ =	shalt  }
.Lfunc_end0:
.L_simem_size_0:
called_computation_lowered:
.L_overlay_start_0:
0x88: {  	s2 =	sld [smem:$0x3FD9]  }
0x89: {  	s3 =	sld [smem:$0x3FFE];
	_ =	sdelay $0x1  }
0x8a: {  	s1 =	srdreg.scid  }
0x8b: {  	s0 =	sand.u32 $0x1, s1  }
0x8c: {  	s17 =	sshll.u32 s0, $0xA;
	s2 =	sadd.s32 s3, s2  }
0x8d: {  	s2 =	sadd.s32 s2, s17  }
0x8e: {  	[smem:$0x3F9C] =	sst s2  }
0x8f: {  	_ = 	snop  }
0x90: {  	s18 =	sld [smem:$0x3FC8]  }
0x91: {  	s4 =	sld [smem:$0x3FC7]  }
0x92: {  	s5 =	sld [smem:$0x3FD0];
	(tm) =	ssettm $0x1  }
0x93: {  	s19 =	sld [smem:$0x3FFB];
	_ =	sdelay $0x3  }
0x94: {  	_ =	strace s19  }
0x95: {  	s2 =	sld [smem:$0x3FFC];
	_ =	sdelay $0x3  }
0x96: {  	_ =	strace s2  }
0x97: {  	s2 =	sld [smem:$0x3FFD];
	_ =	sdelay $0x3  }
0x98: {  	_ =	strace s2  }
0x99: {  	_ =	strace $0x8FFFFFFF  }
0x9a: {  	s20 =	sld [smem:$0x3FDB];
	_ =	sdelay $0x1  }
0x9b: {  	s6 =	simm.s32 $_scs_section_size  }
0x9c: {  	s7 =	simm.s32 $_size__tile_overlayer_lowered;
	s8 =	simm.s32 $_tile_overlayer_lowered  }
0x9d: {  	s9 =	simm.s32 $0x1BFF;
	s21 =	sshll.u32 s8, $0x1;
	s6 =	sadd.s32 s6, s20  }
0x9e: {  	s22 =	simm.s32 $0x0;
	s7 =	sshll.u32 s7, $0x1;
	s8 =	sadd.s32 s21, s6  }
0x9f: {  	[timem:s22], [sflag:s9] =	dma.local [hbm:s8], s7  }
0xa0: {  	_ =	swait.ge [sflag:s9], s7  }
0xa1: {  	s7 =	ssub.s32 $0x0, s7;
	[sflag:s9] =	ssyncset.done $0x0  }
0xa2: {  	[sflag:s9] =	ssyncadd.s32 s7;
	_ =	sdelay $0x1  }
0xa3: {  	s23 =	simm.s32 $0x1B8B  }
0xa4: {  	_ =	swait.ge [sflag:s23], $0x1  }
0xa5: {  	[sflag:s23] =	ssyncset.done $0x0  }
0xa6: {  	[sflag:s23] =	ssyncadd.s32 $0xFFFFFFFF  }
0xa7: {  	s7 =	sld [smem:$0x0]  }
0xa8: {  	s8 =	sand.u32 $0xFFFFFFFE, s1  }
0xa9: {  	p0 =	sne.s32 s1, s8  }
0xaa: {  	s8 =	sshll.u32 @p0 s8, $0xE  }
0xab: {  	s8 =	sadd.s32 @p0 $0x11B8D, s8;
	s9 =	sshll.u32 @p0 s7, $0x11  }
0xac: {  	s8 =	sor.u32 @p0 s9, s8  }
0xad: {  	[sflag:s8] =	ssyncadd.remote.s32 @p0 $0x1;
	_ =	sdelay $0x1  }
0xae: {  	s8 =	simm.s32 @p0 $0x1B8D  }
0xaf: {  	_ =	swait.eq @p0 [sflag:s8], $0x1  }
0xb0: {  	[sflag:s8] =	ssyncadd.s32 @p0 $0xFFFFFFFF  }
0xb1: {  	s9 =	sshll.u32 @!p0 s1, $0xE  }
0xb2: {  	s9 =	sor.u32 @!p0 $0x4000, s9;
	s8 =	simm.s32 @!p0 $0x1B8D  }
0xb3: {  	s7 =	sshll.u32 @!p0 s7, $0x11;
	s9 =	sadd.s32 @!p0 $0x11B8D, s9;
	_ =	swait.eq @!p0 [sflag:s8], $0x1  }
0xb4: {  	s7 =	sor.u32 @!p0 s7, s9;
	[sflag:s8] =	ssyncadd.s32 @!p0 $0xFFFFFFFF  }
0xb5: {  	s25 =	simm.s32 $0x1B8E;
	s24 =	sld [smem:$0x3FFE];
	[sflag:s7] =	ssyncadd.remote.s32 @!p0 $0x1  }
0xb6: {  	s26 =	simm.s32 $execute0_lowered;
	[smem:$0x3FD2] =	sst s25  }
0xb7: {  	s8 =	sshll.u32 s26, $0x1;
	_ =	strace $0x80000049;
	[dreg:$0x1] =	wrdreg $0xFFFFFFFF  }
0xb8: {  	s28 =	simm.s32 $_size_execute0_lowered;
	s6 =	sadd.s32 s6, s8;
	[dreg:$0x0] =	wrdreg $0x0  }
0xb9: {  	s8 =	sshll.u32 s28, $0x1;
	[dreg:$0x2] =	wrdreg s6  }
0xba: {  	[dreg:$0x3] =	wrdreg s8  }
0xbb: {  	[dreg:$0x4] =	wrdreg $0xC0  }
0xbc: {  	_ =	task [dreg:s22], $0x5FFFF  }
0xbd: {  	[dreg:$0x1] =	wrdreg $0xFFFFFFFF  }
0xbe: {  	[dreg:$0x0] =	wrdreg $0x60  }
0xbf: {  	[dreg:$0x2] =	wrdreg s24  }
0xc0: {  	[dreg:$0x3] =	wrdreg s18  }
0xc1: {  	[dreg:$0x4] =	wrdreg s4  }
0xc2: {  	[dreg:$0x5] =	wrdreg s5  }
0xc3: {  	[dreg:$0x6] =	wrdreg $0x9  }
0xc4: {  	_ =	task.clear_ibuf [dreg:s22], $0x7FFFF;
	_ =	strace $0x90000049  }
0xc5: {  	s29 =	simm.s32 $0x9;
	_ =	strace $0x8000004B  }
0xc6: {  	_ =	swait.ge [sflag:s29], $0x1  }
0xc7: {  	[sflag:s29] =	ssyncadd.s32 $0xFFFFFFFF  }
0xc8: {  	_ =	strace $0x9000004B  }
0xc9: {  	_ =	sfence  }
0xca: {  	s30 =	sld [smem:$0x0];
	_ =	sdelay $0x2  }
0xcb: {  	s31 =	sshll.u32 s1, $0xD;
	s1 =	sshrl.u32 s1, $0x2  }
0xcc: {  	s4 =	sand.u32 $0x4000, s31;
	s1 =	sadd.s32 s1, s30  }
0xcd: {  	s0 =	sor.u32 s4, s0;
	s1 =	sshll.u32 s1, $0x11  }
0xce: {  	s0 =	sor.u32 s1, s0  }
0xcf: {  	s0 =	sadd.s32 $0x8F2B, s0  }
0xd0: {  	[sflag:s0] =	ssyncadd.remote.s32 $0x1  }
0xd1: {  	_ =	sfence.sel $0xFFFF  }
0xd2: {  	[dreg:$0x0] =	wrdreg $0xFFFFFFFF;
	(pc) =	sbr.abs _section_cstart, $3  }
0xd3: {  	[dreg:$0x1] =	wrdreg $0xFFFFFFFF  }
0xd4: {  	_ =	task.clear_ibuf [dreg:s22], $0x2FFFF;
	_ =	strace $0x9FFFFFFF  }
0xd5: {  	(tm) =	ssettm $0x7FFFFFFF  }
tec
execute0_lowered:
.L_overlay_start_1:
0x0: {  	(tag) =	ssettag $0x1  }
0x1: {  	s0 =	rddreg [dreg:$0x0]  }
0x2: {  	s1 =	rddreg [dreg:$0x3];
	s21 =	simm.s32 $0x0;
	s13 =	stileid.u32  }
0x3: {  	s2 =	srdreg.scid;
	s28 =	simm.s32 $0x80;
	s29 =	simm.s32 $0x720  }
0x4: {  	s30 =	simm.s32 $0x48;
	s31 =	simm.s32 $0x480;
	s5 =	sadd.s32 $0x788200, s0  }
0x5: {  	[smem:$0x7FF] =	sst s21;
	s6 =	sadd.s32 $0x792000, s0;
	s7 =	sadd.s32 $0x79BE00, s0  }
0x6: {  	s8 =	sadd.s32 $0x7A5C00, s0;
	s3 =	sadd.s32 $0x7AFA00, s0;
	s2 =	sand.u32 $0x1, s2  }
0x7: {  	s23 =	sshll.u32 s13, $0x1;
	s4 =	sadd.s32 $0x7B9800, s0;
	s24 =	smul.u32 $0xC8, s13  }
0x8: {  	s9 =	sadd.s32 $0x7C3600, s0;
	_ =	strace $0x8000004A;
	[dreg:$0x6] =	wrdreg s3  }
0x9: {  	s10 =	smul.u32 $0x6400, s13;
	s12 =	sadd.s32 $0x7E6A00, s0;
	[dreg:$0x7] =	wrdreg s4  }
0xa: {  	p1 =	sgt.u32 s13, $0x4;
	s13 =	simm.s32 $0x590;
	[dreg:$0x8] =	wrdreg s9  }
0xb: {  	s3 =	sor.u32 s2, s23;
	s11 =	smul.u32 $0x3200, s2;
	[dreg:$0x9] =	wrdreg s12  }
0xc: {  	s26 =	smul.u32 $0x64, s2;
	s14 =	ssub.s32 $0x2, s2;
	s2 =	simm.s32 $0x548  }
0xd: {  	s12 =	simm.s32 $0x3020;
	s25 =	sshll.u32 s3, $0x7;
	s4 =	sadd.s32 s24, s0  }
0xe: {  	s10 =	sadd.s32 s10, s0;
	s16 =	sshll.u32 s3, $0xC;
	s18 =	sshrl.u32 s14, $0x1  }
0xf: {  	p0 =	sne.s32 s3, $0x0;
	s9 =	sadd.s32 s25, s0;
	s0 =	sadd.s32 $0x7E7A00, s0  }
0x10: {  	s17 =	sadd.s32 s11, s10;
	s4 =	sadd.s32 s26, s4;
	s1 =	sadd.s32 s1, s16  }
0x11: {  	s10 =	simm.s32 $0x6220;
	[dreg:$0xa] =	wrdreg s0;
	s15 =	sadd.s32 $0x7E6400, s9  }
0x12: {  	s11 =	sadd.s32 $0x7E8A00, s17;
	s24 =	sadd.s32 $0x7CD400, s4;
	[dreg:$0xf] =	wrdreg s1  }
0x13: {  	s0 =	ssub.s32 s14, s18;
	s19 =	sadd.s32 $0x7E8A04, s17;
	[dreg:$0xb] =	wrdreg s15  }
0x14: {  	s20 =	sadd.s32 $0x7D3800, s4;
	s22 =	sadd.s32 $0x7E8A08, s17;
	[dreg:$0xc] =	wrdreg s11  }
0x15: {  	s23 =	sadd.s32 $0x7D9C00, s4;
	s25 =	sadd.s32 $0x7E8A0C, s17;
	[dreg:$0xe] =	wrdreg s19  }
0x16: {  	s26 =	sadd.s32 $0x7E0000, s4;
	s4 =	simm.s32 $0x4C8;
	[dreg:$0x5] =	wrdreg s20  }
0x17: {  	s1 =	simm.s32 $0x2020;
	s14 =	simm.s32 $0x3920;
	[dreg:$0x10] =	wrdreg s22  }
0x18: {  	s9 =	simm.s32 $0x6D8;
	s17 =	simm.s32 $0x1;
	[dreg:$0x11] =	wrdreg s23  }
.Ltmp0:
0x19: {  	s18 =	simm.s32 $0x0;
	[dreg:$0x13] =	wrdreg s25;
	(pc) =	sbr.rel .LBB2_1-.Ltmp0, $4  }
0x1a: {  	s0 =	smax.u32 s0, $0x1;
	[dreg:$0x14] =	wrdreg s26;
	s25 =	simm.s32 $0x400  }
0x1b: {  	s26 =	simm.s32 $0x2;
	s19 =	simm.s32 $0x610;
	s22 =	simm.s32 $0x4920  }
0x1c: {  	s15 =	simm.s32 $0x658;
	s20 =	simm.s32 $0x5220;
	[dreg:$0xd] =	wrdreg s24  }
0x1d: {  	s23 =	simm.s32 $0x20;
	[dreg:$0x12] =	wrdreg s0;
	s0 =	simm.s32 $0x1720  }
.LBB2_19:
0x1e: {  	s21 =	simm.s32 @!p1 $0x0;
	s3 =	rddreg [dreg:$0xb];
	s11 =	simm.s32 @!p1 $0x2  }
0x1f: {  	[tilespmem:s21], [sflag:$0x2] =	stream.linear.gather @!p1 [hbm4b:s3+s21], $0x400, $0x38;
	[tilespmem:$0x8720] =	vst v63  }
0x20: {  	_ =	swait.ge @!p1 [sflag:s11], $0x400  }
0x21: {  	s16 =	simm.s32 @!p1 $0x80;
	[sflag:s11] =	ssyncset.done @!p1 $0x0  }
0x22: {  	s24 =	simm.s32 @!p1 $0x720;
	s3 =	rddreg [dreg:$0x8];
	[sflag:s11] =	ssyncadd.s32 @!p1 $0xFFFFFC00  }
0x23: {  	[tilespmem:s24], [sflag:$0x1] =	stream.indirect.gather @!p1 [hbm4b:s3+s16], $0x20, s21, s16, $0xb8;
	[tilespmem:$0x8720] =	vst v63  }
0x24: {  	s21 =	simm.s32 @!p1 $0x1720  }
0x25: {  	[tilespmem:s21], [sflag:$0x1] =	stream.indirect.gather @!p1 [hbm4b:s3+s16], $0x20, s16, s16, $0xb8;
	[tilespmem:$0x8720] =	vst v63  }
0x26: {  	s24 =	simm.s32 @!p1 $0x2720;
	s21 =	simm.s32 @!p1 $0x100  }
0x27: {  	[tilespmem:s24], [sflag:$0x1] =	stream.indirect.gather @!p1 [hbm4b:s3+s16], $0x20, s21, s16, $0xb8;
	[tilespmem:$0x8720] =	vst v63  }
0x28: {  	s21 =	simm.s32 @!p1 $0x180;
	s24 =	simm.s32 @!p1 $0x3720  }
0x29: {  	[tilespmem:s24], [sflag:$0x1] =	stream.indirect.gather @!p1 [hbm4b:s3+s16], $0x20, s21, s16, $0xb8;
	[tilespmem:$0x8720] =	vst v63  }
0x2a: {  	s21 =	simm.s32 @!p1 $0x200;
	s24 =	simm.s32 @!p1 $0x4720  }
0x2b: {  	[tilespmem:s24], [sflag:$0x1] =	stream.indirect.gather @!p1 [hbm4b:s3+s16], $0x20, s21, s16, $0xb8;
	[tilespmem:$0x8720] =	vst v63  }
0x2c: {  	s21 =	simm.s32 @!p1 $0x280;
	s24 =	simm.s32 @!p1 $0x5720  }
0x2d: {  	[tilespmem:s24], [sflag:$0x1] =	stream.indirect.gather @!p1 [hbm4b:s3+s16], $0x20, s21, s16, $0xb8;
	[tilespmem:$0x8720] =	vst v63  }
0x2e: {  	s21 =	simm.s32 @!p1 $0x300;
	s24 =	simm.s32 @!p1 $0x6720  }
0x2f: {  	[tilespmem:s24], [sflag:$0x1] =	stream.indirect.gather @!p1 [hbm4b:s3+s16], $0x20, s21, s16, $0xb8;
	[tilespmem:$0x8720] =	vst v63  }
0x30: {  	s21 =	simm.s32 @!p1 $0x380;
	s24 =	simm.s32 @!p1 $0x7720  }
0x31: {  	[tilespmem:s24], [sflag:$0x1] =	stream.indirect.gather @!p1 [hbm4b:s3+s16], $0x20, s21, s16, $0xb8;
	[tilespmem:$0x8720] =	vst v63  }
0x32: {  	s16 =	simm.s32 @!p1 $0x1  }
0x33: {  	_ =	swait.ge @!p1 [sflag:s16], $0x1000  }
0x34: {  	[sflag:s16] =	ssyncset.done @!p1 $0x0  }
0x35: {  	[sflag:s16] =	ssyncadd.s32 @!p1 $0xFFFFF000  }
0x36: {  	_ =	swait.ge @!p1 [sflag:s16], $0x1000  }
0x37: {  	[sflag:s16] =	ssyncset.done @!p1 $0x0  }
0x38: {  	[sflag:s16] =	ssyncadd.s32 @!p1 $0xFFFFF000  }
0x39: {  	_ =	swait.ge @!p1 [sflag:s16], $0x1000  }
0x3a: {  	[sflag:s16] =	ssyncset.done @!p1 $0x0  }
0x3b: {  	[sflag:s16] =	ssyncadd.s32 @!p1 $0xFFFFF000  }
0x3c: {  	_ =	swait.ge @!p1 [sflag:s16], $0x1000  }
0x3d: {  	[sflag:s16] =	ssyncset.done @!p1 $0x0  }
0x3e: {  	[sflag:s16] =	ssyncadd.s32 @!p1 $0xFFFFF000  }
0x3f: {  	_ =	swait.ge @!p1 [sflag:s16], $0x1000  }
0x40: {  	[sflag:s16] =	ssyncset.done @!p1 $0x0  }
0x41: {  	[sflag:s16] =	ssyncadd.s32 @!p1 $0xFFFFF000  }
0x42: {  	_ =	swait.ge @!p1 [sflag:s16], $0x1000  }
0x43: {  	[sflag:s16] =	ssyncset.done @!p1 $0x0  }
0x44: {  	[sflag:s16] =	ssyncadd.s32 @!p1 $0xFFFFF000  }
0x45: {  	_ =	swait.ge @!p1 [sflag:s16], $0x1000  }
0x46: {  	[sflag:s16] =	ssyncset.done @!p1 $0x0  }
0x47: {  	[sflag:s16] =	ssyncadd.s32 @!p1 $0xFFFFF000  }
0x48: {  	_ =	swait.ge @!p1 [sflag:s16], $0x1000  }
0x49: {  	s24 =	simm.s32 @!p1 $0x0;
	[sflag:s16] =	ssyncset.done @!p1 $0x0  }
0x4a: {  	s3 =	rddreg [dreg:$0xf];
	[sflag:s16] =	ssyncadd.s32 @!p1 $0xFFFFF000;
	s16 =	simm.s32 @!p1 $0x720  }
0x4b: {  	[hbm4b:s3+s24] =	stream.linear.scatter @!p1 [tilespmem:s16], [sflag:$0x2], $0x8000, $0x38;
	[tilespmem:$0x8720] =	vst v63  }
0x4c: {  	_ =	swait.ge @!p1 [sflag:s11], $0x8000  }
0x4d: {  	s18 =	sadd.s32 $0x1, s18;
	s24 =	rddreg [dreg:$0x12]  }
0x4e: {  	p2 =	sne.s32 s18, s24  }
.Ltmp1:
0x4f: {  	_ = 	snop;
	(pc) =	sbr.rel @!p2 .LBB2_20-.Ltmp1, $3  }
0x50: {  	_ =	sdelay $0x1  }
0x51: {  	[sflag:s11] =	ssyncset.done @!p1 $0x0  }
0x52: {  	s21 =	simm.s32 $0x0;
	[sflag:s11] =	ssyncadd.s32 @!p1 $0xFFFF8000;
	s24 =	rddreg [dreg:$0xd]  }
.LBB2_1:
0x53: {  	[dreg:$0x15] =	wrdreg s18;
	s3 =	sadd.s32 $0x0, s24  }
0x54: {  	[tilespmem:s25], [sflag:$0x2] =	stream.linear.gather [hbm4b:s3+s21], $0x320, $0x38;
	[tilespmem:$0x8720] =	vst v63  }
0x55: {  	_ =	swait.ge [sflag:s26], $0x320  }
0x56: {  	[sflag:s26] =	ssyncset.done $0x0  }
0x57: {  	[sflag:s26] =	ssyncadd.s32 $0xFFFFFCE0  }
0x58: {  	[tilespmem:s29], [sflag:$0x1] =	stream.indirect.gather [hbm4b:s5+s28], $0x20, s25, s28, $0xb8;
	[tilespmem:$0x8720] =	vst v63  }
0x59: {  	_ = 	snop  }
0x5a: {  	[tilespmem:s0], [sflag:$0x1] =	stream.indirect.gather [hbm4b:s5+s30], $0x20, s31, s30, $0xb8;
	[tilespmem:$0x8720] =	vst v63  }
0x5b: {  	_ = 	snop  }
0x5c: {  	[tilespmem:s1], [sflag:$0x1] =	stream.indirect.gather [hbm4b:s5+s28], $0x20, s4, s28, $0xb8;
	[tilespmem:$0x8720] =	vst v63  }
0x5d: {  	_ = 	snop  }
0x5e: {  	[tilespmem:s12], [sflag:$0x1] =	stream.indirect.gather [hbm4b:s5+s30], $0x20, s2, s30, $0xb8;
	[tilespmem:$0x8720] =	vst v63  }
0x5f: {  	_ = 	snop  }
0x60: {  	[tilespmem:s14], [sflag:$0x1] =	stream.indirect.gather [hbm4b:s5+s28], $0x20, s13, s28, $0xb8;
	[tilespmem:$0x8720] =	vst v63  }
0x61: {  	_ = 	snop  }
0x62: {  	[tilespmem:s22], [sflag:$0x1] =	stream.indirect.gather [hbm4b:s5+s30], $0x20, s19, s30, $0xb8;
	[tilespmem:$0x8720] =	vst v63  }
0x63: {  	_ = 	snop  }
0x64: {  	[tilespmem:s20], [sflag:$0x1] =	stream.indirect.gather [hbm4b:s5+s28], $0x20, s15, s28, $0xb8;
	[tilespmem:$0x8720] =	vst v63  }
0x65: {  	_ = 	snop  }
0x66: {  	[tilespmem:s10], [sflag:$0x1] =	stream.indirect.gather [hbm4b:s5+s30], $0x20, s9, s30, $0xb8;
	[tilespmem:$0x8720] =	vst v63  }
0x67: {  	_ =	swait.ge [sflag:s17], $0x1000  }
0x68: {  	[sflag:s17] =	ssyncset.done $0x0  }
0x69: {  	[sflag:s17] =	ssyncadd.s32 $0xFFFFF000  }
0x6a: {  	_ =	swait.ge [sflag:s17], $0x900  }
0x6b: {  	[sflag:s17] =	ssyncset.done $0x0  }
0x6c: {  	[sflag:s17] =	ssyncadd.s32 $0xFFFFF700  }
0x6d: {  	_ =	swait.ge [sflag:s17], $0x1000  }
0x6e: {  	[sflag:s17] =	ssyncset.done $0x0  }
0x6f: {  	[sflag:s17] =	ssyncadd.s32 $0xFFFFF000  }
0x70: {  	_ =	swait.ge [sflag:s17], $0x900  }
0x71: {  	[sflag:s17] =	ssyncset.done $0x0  }
0x72: {  	[sflag:s17] =	ssyncadd.s32 $0xFFFFF700  }
0x73: {  	_ =	swait.ge [sflag:s17], $0x1000  }
0x74: {  	[sflag:s17] =	ssyncset.done $0x0  }
0x75: {  	[sflag:s17] =	ssyncadd.s32 $0xFFFFF000  }
0x76: {  	_ =	swait.ge [sflag:s17], $0x900  }
0x77: {  	[sflag:s17] =	ssyncset.done $0x0  }
0x78: {  	[sflag:s17] =	ssyncadd.s32 $0xFFFFF700  }
0x79: {  	_ =	swait.ge [sflag:s17], $0x1000  }
0x7a: {  	[sflag:s17] =	ssyncset.done $0x0  }
0x7b: {  	[sflag:s17] =	ssyncadd.s32 $0xFFFFF000  }
0x7c: {  	_ =	swait.ge [sflag:s17], $0x900  }
0x7d: {  	[sflag:s17] =	ssyncset.done $0x0  }
0x7e: {  	s21 =	rddreg [dreg:$0xc];
	[sflag:s17] =	ssyncadd.s32 $0xFFFFF700  }
0x7f: {  	[hbm4b:s21+s23] =	stream.strided.scatter [tilespmem:s29], [sflag:$0x2], $0x6400, s28, s23, $0x38;
	[tilespmem:$0x8720] =	vst v63  }
0x80: {  	s18 =	sadd.s32 $0xC80, s24;
	_ =	swait.ge [sflag:s26], $0x6400  }
0x81: {  	s16 =	simm.s32 $0x1900;
	s3 =	sadd.s32 $0x64000, s21;
	[sflag:s26] =	ssyncset.done $0x0  }
.LBB2_2:
0x82: {  	s21 =	sadd.s32 s16, s24;
	s11 =	simm.s32 $0x0;
	[sflag:s26] =	ssyncadd.s32 $0xFFFF9C00  }
0x83: {  	[tilespmem:s25], [sflag:$0x2] =	stream.linear.gather [hbm4b:s18+s11], $0x320, $0x38;
	[tilespmem:$0x8720] =	vst v63  }
0x84: {  	p2 =	sne.s32 s16, $0x5780;
	s16 =	sadd.s32 $0xC80, s16;
	_ =	swait.ge [sflag:s26], $0x320  }
0x85: {  	s18 =	smov.u32 s21;
	[sflag:s26] =	ssyncset.done $0x0  }
0x86: {  	[sflag:s26] =	ssyncadd.s32 $0xFFFFFCE0  }
0x87: {  	[tilespmem:s29], [sflag:$0x1] =	stream.indirect.gather [hbm4b:s5+s28], $0x20, s25, s28, $0xb8;
	[tilespmem:$0x8720] =	vst v63  }
0x88: {  	_ = 	snop  }
0x89: {  	[tilespmem:s0], [sflag:$0x1] =	stream.indirect.gather [hbm4b:s5+s30], $0x20, s31, s30, $0xb8;
	[tilespmem:$0x8720] =	vst v63  }
0x8a: {  	_ = 	snop  }
0x8b: {  	[tilespmem:s1], [sflag:$0x1] =	stream.indirect.gather [hbm4b:s5+s28], $0x20, s4, s28, $0xb8;
	[tilespmem:$0x8720] =	vst v63  }
0x8c: {  	_ = 	snop  }
0x8d: {  	[tilespmem:s12], [sflag:$0x1] =	stream.indirect.gather [hbm4b:s5+s30], $0x20, s2, s30, $0xb8;
	[tilespmem:$0x8720] =	vst v63  }
0x8e: {  	_ = 	snop  }
0x8f: {  	[tilespmem:s14], [sflag:$0x1] =	stream.indirect.gather [hbm4b:s5+s28], $0x20, s13, s28, $0xb8;
	[tilespmem:$0x8720] =	vst v63  }
0x90: {  	_ = 	snop  }
0x91: {  	[tilespmem:s22], [sflag:$0x1] =	stream.indirect.gather [hbm4b:s5+s30], $0x20, s19, s30, $0xb8;
	[tilespmem:$0x8720] =	vst v63  }
0x92: {  	_ = 	snop  }
0x93: {  	[tilespmem:s20], [sflag:$0x1] =	stream.indirect.gather [hbm4b:s5+s28], $0x20, s15, s28, $0xb8;
	[tilespmem:$0x8720] =	vst v63  }
0x94: {  	_ = 	snop  }
0x95: {  	[tilespmem:s10], [sflag:$0x1] =	stream.indirect.gather [hbm4b:s5+s30], $0x20, s9, s30, $0xb8;
	[tilespmem:$0x8720] =	vst v63  }
0x96: {  	_ =	swait.ge [sflag:s17], $0x1000  }
0x97: {  	[sflag:s17] =	ssyncset.done $0x0  }
0x98: {  	[sflag:s17] =	ssyncadd.s32 $0xFFFFF000  }
0x99: {  	_ =	swait.ge [sflag:s17], $0x900  }
0x9a: {  	[sflag:s17] =	ssyncset.done $0x0  }
0x9b: {  	[sflag:s17] =	ssyncadd.s32 $0xFFFFF700  }
0x9c: {  	_ =	swait.ge [sflag:s17], $0x1000  }
0x9d: {  	[sflag:s17] =	ssyncset.done $0x0  }
0x9e: {  	[sflag:s17] =	ssyncadd.s32 $0xFFFFF000  }
0x9f: {  	_ =	swait.ge [sflag:s17], $0x900  }
0xa0: {  	[sflag:s17] =	ssyncset.done $0x0  }
0xa1: {  	[sflag:s17] =	ssyncadd.s32 $0xFFFFF700  }
0xa2: {  	_ =	swait.ge [sflag:s17], $0x1000  }
0xa3: {  	[sflag:s17] =	ssyncset.done $0x0  }
0xa4: {  	[sflag:s17] =	ssyncadd.s32 $0xFFFFF000  }
0xa5: {  	_ =	swait.ge [sflag:s17], $0x900  }
0xa6: {  	[sflag:s17] =	ssyncset.done $0x0  }
0xa7: {  	[sflag:s17] =	ssyncadd.s32 $0xFFFFF700  }
0xa8: {  	_ =	swait.ge [sflag:s17], $0x1000  }
0xa9: {  	[sflag:s17] =	ssyncset.done $0x0  }
0xaa: {  	[sflag:s17] =	ssyncadd.s32 $0xFFFFF000  }
0xab: {  	_ =	swait.ge [sflag:s17], $0x900  }
.Ltmp2:
0xac: {  	[sflag:s17] =	ssyncset.done $0x0;
	(pc) =	sbr.rel @p2 .LBB2_2-.Ltmp2, $4  }
0xad: {  	[sflag:s17] =	ssyncadd.s32 $0xFFFFF700  }
0xae: {  	[hbm4b:s3+s23] =	stream.strided.scatter [tilespmem:s29], [sflag:$0x2], $0x6400, s28, s23, $0x38;
	[tilespmem:$0x8720] =	vst v63  }
0xaf: {  	_ =	swait.ge [sflag:s26], $0x6400  }
0xb0: {  	s3 =	sadd.s32 $0x64000, s3;
	[sflag:s26] =	ssyncset.done $0x0  }
0xb1: {  	[sflag:s26] =	ssyncadd.s32 $0xFFFF9C00  }
0xb2: {  	[tilespmem:s25], [sflag:$0x2] =	stream.linear.gather [hbm4b:s18+s11], $0x320, $0x38;
	[tilespmem:$0x8720] =	vst v63  }
0xb3: {  	_ =	swait.ge [sflag:s26], $0x320  }
0xb4: {  	[sflag:s26] =	ssyncset.done $0x0  }
0xb5: {  	[sflag:s26] =	ssyncadd.s32 $0xFFFFFCE0  }
0xb6: {  	[tilespmem:s29], [sflag:$0x1] =	stream.indirect.gather [hbm4b:s5+s28], $0x20, s25, s28, $0xb8;
	[tilespmem:$0x8720] =	vst v63  }
0xb7: {  	_ = 	snop  }
0xb8: {  	[tilespmem:s0], [sflag:$0x1] =	stream.indirect.gather [hbm4b:s5+s30], $0x20, s31, s30, $0xb8;
	[tilespmem:$0x8720] =	vst v63  }
0xb9: {  	_ = 	snop  }
0xba: {  	[tilespmem:s1], [sflag:$0x1] =	stream.indirect.gather [hbm4b:s5+s28], $0x20, s4, s28, $0xb8;
	[tilespmem:$0x8720] =	vst v63  }
0xbb: {  	_ = 	snop  }
0xbc: {  	[tilespmem:s12], [sflag:$0x1] =	stream.indirect.gather [hbm4b:s5+s30], $0x20, s2, s30, $0xb8;
	[tilespmem:$0x8720] =	vst v63  }
0xbd: {  	_ = 	snop  }
0xbe: {  	[tilespmem:s14], [sflag:$0x1] =	stream.indirect.gather [hbm4b:s5+s28], $0x20, s13, s28, $0xb8;
	[tilespmem:$0x8720] =	vst v63  }
0xbf: {  	_ = 	snop  }
0xc0: {  	[tilespmem:s22], [sflag:$0x1] =	stream.indirect.gather [hbm4b:s5+s30], $0x20, s19, s30, $0xb8;
	[tilespmem:$0x8720] =	vst v63  }
0xc1: {  	_ = 	snop  }
0xc2: {  	[tilespmem:s20], [sflag:$0x1] =	stream.indirect.gather [hbm4b:s5+s28], $0x20, s15, s28, $0xb8;
	[tilespmem:$0x8720] =	vst v63  }
0xc3: {  	_ = 	snop  }
0xc4: {  	[tilespmem:s10], [sflag:$0x1] =	stream.indirect.gather [hbm4b:s5+s30], $0x20, s9, s30, $0xb8;
	[tilespmem:$0x8720] =	vst v63  }
0xc5: {  	_ =	swait.ge [sflag:s17], $0x1000  }
0xc6: {  	[sflag:s17] =	ssyncset.done $0x0  }
0xc7: {  	[sflag:s17] =	ssyncadd.s32 $0xFFFFF000  }
0xc8: {  	_ =	swait.ge [sflag:s17], $0x900  }
0xc9: {  	[sflag:s17] =	ssyncset.done $0x0  }
0xca: {  	[sflag:s17] =	ssyncadd.s32 $0xFFFFF700  }
0xcb: {  	_ =	swait.ge [sflag:s17], $0x1000  }
0xcc: {  	[sflag:s17] =	ssyncset.done $0x0  }
0xcd: {  	[sflag:s17] =	ssyncadd.s32 $0xFFFFF000  }
0xce: {  	_ =	swait.ge [sflag:s17], $0x900  }
0xcf: {  	[sflag:s17] =	ssyncset.done $0x0  }
0xd0: {  	[sflag:s17] =	ssyncadd.s32 $0xFFFFF700  }
0xd1: {  	_ =	swait.ge [sflag:s17], $0x1000  }
0xd2: {  	[sflag:s17] =	ssyncset.done $0x0  }
0xd3: {  	[sflag:s17] =	ssyncadd.s32 $0xFFFFF000  }
0xd4: {  	_ =	swait.ge [sflag:s17], $0x900  }
0xd5: {  	[sflag:s17] =	ssyncset.done $0x0  }
0xd6: {  	[sflag:s17] =	ssyncadd.s32 $0xFFFFF700  }
0xd7: {  	_ =	swait.ge [sflag:s17], $0x1000  }
0xd8: {  	[sflag:s17] =	ssyncset.done $0x0  }
0xd9: {  	[sflag:s17] =	ssyncadd.s32 $0xFFFFF000  }
0xda: {  	_ =	swait.ge [sflag:s17], $0x900  }
0xdb: {  	p3 =	por $0x1, $0x1;
	[sflag:s17] =	ssyncset.done $0x0  }
.Ltmp3:
0xdc: {  	[sflag:s17] =	ssyncadd.s32 $0xFFFFF700;
	(pc) =	sbr.rel @!p3 .LBB2_8-.Ltmp3, $4  }
0xdd: {  	[hbm4b:s3+s23] =	stream.strided.scatter [tilespmem:s29], [sflag:$0x2], $0x6400, s28, s23, $0x38;
	[tilespmem:$0x8720] =	vst v63  }
0xde: {  	p2 =	por $0x0, $0x0;
	p4 =	por $0x0, $0x0;
	_ =	swait.ge [sflag:s26], $0x6400  }
0xdf: {  	s18 =	simm.s32 $0x0;
	[sflag:s26] =	ssyncset.done $0x0;
	s16 =	rddreg [dreg:$0xe]  }
0xe0: {  	s3 =	simm.s32 $0xC80;
	s21 =	rddreg [dreg:$0x5];
	[sflag:s26] =	ssyncadd.s32 $0xFFFF9C00  }
0xe1: {  	s16 =	sadd.s32 $0x0, s21  }
0xe2: {  	[tilespmem:s25], [sflag:$0x2] =	stream.linear.gather [hbm4b:s16+s11], $0x320, $0x38;
	[tilespmem:$0x8720] =	vst v63  }
0xe3: {  	_ =	swait.ge [sflag:s26], $0x320  }
0xe4: {  	[sflag:s26] =	ssyncset.done $0x0  }
0xe5: {  	[sflag:s26] =	ssyncadd.s32 $0xFFFFFCE0  }
0xe6: {  	[tilespmem:s29], [sflag:$0x1] =	stream.indirect.gather [hbm4b:s6+s28], $0x20, s25, s28, $0xb8;
	[tilespmem:$0x8720] =	vst v63  }
0xe7: {  	_ = 	snop  }
0xe8: {  	[tilespmem:s0], [sflag:$0x1] =	stream.indirect.gather [hbm4b:s6+s30], $0x20, s31, s30, $0xb8;
	[tilespmem:$0x8720] =	vst v63  }
0xe9: {  	_ = 	snop  }
0xea: {  	[tilespmem:s1], [sflag:$0x1] =	stream.indirect.gather [hbm4b:s6+s28], $0x20, s4, s28, $0xb8;
	[tilespmem:$0x8720] =	vst v63  }
0xeb: {  	_ = 	snop  }
0xec: {  	[tilespmem:s12], [sflag:$0x1] =	stream.indirect.gather [hbm4b:s6+s30], $0x20, s2, s30, $0xb8;
	[tilespmem:$0x8720] =	vst v63  }
0xed: {  	_ = 	snop  }
0xee: {  	[tilespmem:s14], [sflag:$0x1] =	stream.indirect.gather [hbm4b:s6+s28], $0x20, s13, s28, $0xb8;
	[tilespmem:$0x8720] =	vst v63  }
0xef: {  	_ = 	snop  }
0xf0: {  	[tilespmem:s22], [sflag:$0x1] =	stream.indirect.gather [hbm4b:s6+s30], $0x20, s19, s30, $0xb8;
	[tilespmem:$0x8720] =	vst v63  }
0xf1: {  	_ = 	snop  }
0xf2: {  	[tilespmem:s20], [sflag:$0x1] =	stream.indirect.gather [hbm4b:s6+s28], $0x20, s15, s28, $0xb8;
	[tilespmem:$0x8720] =	vst v63  }
0xf3: {  	_ = 	snop  }
0xf4: {  	[tilespmem:s10], [sflag:$0x1] =	stream.indirect.gather [hbm4b:s6+s30], $0x20, s9, s30, $0xb8;
	[tilespmem:$0x8720] =	vst v63  }
0xf5: {  	_ =	swait.ge [sflag:s17], $0x1000  }
0xf6: {  	[sflag:s17] =	ssyncset.done $0x0  }
0xf7: {  	[sflag:s17] =	ssyncadd.s32 $0xFFFFF000  }
0xf8: {  	_ =	swait.ge [sflag:s17], $0x900  }
0xf9: {  	[sflag:s17] =	ssyncset.done $0x0  }
0xfa: {  	[sflag:s17] =	ssyncadd.s32 $0xFFFFF700  }
0xfb: {  	_ =	swait.ge [sflag:s17], $0x1000  }
0xfc: {  	[sflag:s17] =	ssyncset.done $0x0  }
0xfd: {  	[sflag:s17] =	ssyncadd.s32 $0xFFFFF000  }
0xfe: {  	_ =	swait.ge [sflag:s17], $0x900  }
0xff: {  	[sflag:s17] =	ssyncset.done $0x0  }
0x100: {  	[sflag:s17] =	ssyncadd.s32 $0xFFFFF700  }
0x101: {  	_ =	swait.ge [sflag:s17], $0x1000  }
0x102: {  	[sflag:s17] =	ssyncset.done $0x0  }
0x103: {  	[sflag:s17] =	ssyncadd.s32 $0xFFFFF000  }
0x104: {  	_ =	swait.ge [sflag:s17], $0x900  }
0x105: {  	[sflag:s17] =	ssyncset.done $0x0  }
0x106: {  	[sflag:s17] =	ssyncadd.s32 $0xFFFFF700  }
0x107: {  	_ =	swait.ge [sflag:s17], $0x1000  }
0x108: {  	[sflag:s17] =	ssyncset.done $0x0  }
0x109: {  	[sflag:s17] =	ssyncadd.s32 $0xFFFFF000  }
0x10a: {  	p5 =	por $0x1, $0x1;
	_ =	swait.ge [sflag:s17], $0x900  }
.Ltmp4:
0x10b: {  	[sflag:s17] =	ssyncset.done $0x0;
	(pc) =	sbr.rel @!p5 .LBB2_5-.Ltmp4, $4  }
0x10c: {  	s24 =	rddreg [dreg:$0xe];
	[sflag:s17] =	ssyncadd.s32 $0xFFFFF700  }
0x10d: {  	[hbm4b:s24+s23] =	stream.strided.scatter [tilespmem:s29], [sflag:$0x2], $0x6400, s28, s23, $0x38;
	[tilespmem:$0x8720] =	vst v63  }
0x10e: {  	s18 =	simm.s32 $0x1900;
	_ =	swait.ge [sflag:s26], $0x6400  }
0x10f: {  	p4 =	por $0x1, $0x1;
	s16 =	sadd.s32 $0x64000, s24;
	[sflag:s26] =	ssyncset.done $0x0  }
.LBB2_6:
0x110: {  	s24 =	sadd.s32 s3, s21;
	[sflag:s26] =	ssyncadd.s32 $0xFFFF9C00  }
0x111: {  	[tilespmem:s25], [sflag:$0x2] =	stream.linear.gather [hbm4b:s24+s11], $0x320, $0x38;
	[tilespmem:$0x8720] =	vst v63  }
0x112: {  	_ =	swait.ge [sflag:s26], $0x320  }
0x113: {  	[sflag:s26] =	ssyncset.done $0x0  }
0x114: {  	[sflag:s26] =	ssyncadd.s32 $0xFFFFFCE0  }
0x115: {  	[tilespmem:s29], [sflag:$0x1] =	stream.indirect.gather [hbm4b:s6+s28], $0x20, s25, s28, $0xb8;
	[tilespmem:$0x8720] =	vst v63  }
0x116: {  	_ = 	snop  }
0x117: {  	[tilespmem:s0], [sflag:$0x1] =	stream.indirect.gather [hbm4b:s6+s30], $0x20, s31, s30, $0xb8;
	[tilespmem:$0x8720] =	vst v63  }
0x118: {  	_ = 	snop  }
0x119: {  	[tilespmem:s1], [sflag:$0x1] =	stream.indirect.gather [hbm4b:s6+s28], $0x20, s4, s28, $0xb8;
	[tilespmem:$0x8720] =	vst v63  }
0x11a: {  	_ = 	snop  }
0x11b: {  	[tilespmem:s12], [sflag:$0x1] =	stream.indirect.gather [hbm4b:s6+s30], $0x20, s2, s30, $0xb8;
	[tilespmem:$0x8720] =	vst v63  }
0x11c: {  	_ = 	snop  }
0x11d: {  	[tilespmem:s14], [sflag:$0x1] =	stream.indirect.gather [hbm4b:s6+s28], $0x20, s13, s28, $0xb8;
	[tilespmem:$0x8720] =	vst v63  }
0x11e: {  	_ = 	snop  }
0x11f: {  	[tilespmem:s22], [sflag:$0x1] =	stream.indirect.gather [hbm4b:s6+s30], $0x20, s19, s30, $0xb8;
	[tilespmem:$0x8720] =	vst v63  }
0x120: {  	_ = 	snop  }
0x121: {  	[tilespmem:s20], [sflag:$0x1] =	stream.indirect.gather [hbm4b:s6+s28], $0x20, s15, s28, $0xb8;
	[tilespmem:$0x8720] =	vst v63  }
0x122: {  	_ = 	snop  }
0x123: {  	[tilespmem:s10], [sflag:$0x1] =	stream.indirect.gather [hbm4b:s6+s30], $0x20, s9, s30, $0xb8;
	[tilespmem:$0x8720] =	vst v63  }
0x124: {  	_ =	swait.ge [sflag:s17], $0x1000  }
0x125: {  	[sflag:s17] =	ssyncset.done $0x0  }
0x126: {  	[sflag:s17] =	ssyncadd.s32 $0xFFFFF000  }
0x127: {  	_ =	swait.ge [sflag:s17], $0x900  }
0x128: {  	[sflag:s17] =	ssyncset.done $0x0  }
0x129: {  	[sflag:s17] =	ssyncadd.s32 $0xFFFFF700  }
0x12a: {  	_ =	swait.ge [sflag:s17], $0x1000  }
0x12b: {  	[sflag:s17] =	ssyncset.done $0x0  }
0x12c: {  	[sflag:s17] =	ssyncadd.s32 $0xFFFFF000  }
0x12d: {  	_ =	swait.ge [sflag:s17], $0x900  }
0x12e: {  	[sflag:s17] =	ssyncset.done $0x0  }
0x12f: {  	[sflag:s17] =	ssyncadd.s32 $0xFFFFF700  }
0x130: {  	_ =	swait.ge [sflag:s17], $0x1000  }
0x131: {  	[sflag:s17] =	ssyncset.done $0x0  }
0x132: {  	[sflag:s17] =	ssyncadd.s32 $0xFFFFF000  }
0x133: {  	_ =	swait.ge [sflag:s17], $0x900  }
0x134: {  	[sflag:s17] =	ssyncset.done $0x0  }
0x135: {  	[sflag:s17] =	ssyncadd.s32 $0xFFFFF700  }
0x136: {  	_ =	swait.ge [sflag:s17], $0x1000  }
0x137: {  	[sflag:s17] =	ssyncset.done $0x0  }
0x138: {  	[sflag:s17] =	ssyncadd.s32 $0xFFFFF000  }
0x139: {  	p5 =	sne.s32 s18, $0x5780;
	_ =	swait.ge [sflag:s17], $0x900  }
.Ltmp5:
0x13a: {  	[sflag:s17] =	ssyncset.done $0x0;
	(pc) =	sbr.rel @p5 .LBB2_6-.Ltmp5, $4  }
0x13b: {  	s21 =	sadd.s32 $0xC80, s18;
	[sflag:s17] =	ssyncadd.s32 $0xFFFFF700  }
0x13c: {  	[hbm4b:s16+s23] =	stream.strided.scatter [tilespmem:s29], [sflag:$0x2], $0x6400, s28, s23, $0x38;
	[tilespmem:$0x8720] =	vst v63  }
0x13d: {  	s3 =	smov.u32 s18;
	s18 =	smov.u32 s21;
	_ =	swait.ge [sflag:s26], $0x6400  }
0x13e: {  	s16 =	sadd.s32 $0x64000, s16;
	[sflag:s26] =	ssyncset.done $0x0;
	s21 =	rddreg [dreg:$0x5]  }
0x13f: {  	s18 =	smov.u32 s3  }
.LBB2_8:
0x140: {  	s3 =	sadd.s32 s18, s21;
	[sflag:s26] =	ssyncadd.s32 @p4 $0xFFFF9C00  }
0x141: {  	[tilespmem:s25], [sflag:$0x2] =	stream.linear.gather [hbm4b:s3+s11], $0x320, $0x38;
	[tilespmem:$0x8720] =	vst v63  }
0x142: {  	_ =	swait.ge [sflag:s26], $0x320  }
0x143: {  	[sflag:s26] =	ssyncset.done $0x0  }
0x144: {  	[sflag:s26] =	ssyncadd.s32 $0xFFFFFCE0  }
0x145: {  	[tilespmem:s29], [sflag:$0x1] =	stream.indirect.gather [hbm4b:s6+s28], $0x20, s25, s28, $0xb8;
	[tilespmem:$0x8720] =	vst v63  }
0x146: {  	_ = 	snop  }
0x147: {  	[tilespmem:s0], [sflag:$0x1] =	stream.indirect.gather [hbm4b:s6+s30], $0x20, s31, s30, $0xb8;
	[tilespmem:$0x8720] =	vst v63  }
0x148: {  	_ = 	snop  }
0x149: {  	[tilespmem:s1], [sflag:$0x1] =	stream.indirect.gather [hbm4b:s6+s28], $0x20, s4, s28, $0xb8;
	[tilespmem:$0x8720] =	vst v63  }
0x14a: {  	_ = 	snop  }
0x14b: {  	[tilespmem:s12], [sflag:$0x1] =	stream.indirect.gather [hbm4b:s6+s30], $0x20, s2, s30, $0xb8;
	[tilespmem:$0x8720] =	vst v63  }
0x14c: {  	_ = 	snop  }
0x14d: {  	[tilespmem:s14], [sflag:$0x1] =	stream.indirect.gather [hbm4b:s6+s28], $0x20, s13, s28, $0xb8;
	[tilespmem:$0x8720] =	vst v63  }
0x14e: {  	_ = 	snop  }
0x14f: {  	[tilespmem:s22], [sflag:$0x1] =	stream.indirect.gather [hbm4b:s6+s30], $0x20, s19, s30, $0xb8;
	[tilespmem:$0x8720] =	vst v63  }
0x150: {  	_ = 	snop  }
0x151: {  	[tilespmem:s20], [sflag:$0x1] =	stream.indirect.gather [hbm4b:s6+s28], $0x20, s15, s28, $0xb8;
	[tilespmem:$0x8720] =	vst v63  }
0x152: {  	_ = 	snop  }
0x153: {  	[tilespmem:s10], [sflag:$0x1] =	stream.indirect.gather [hbm4b:s6+s30], $0x20, s9, s30, $0xb8;
	[tilespmem:$0x8720] =	vst v63  }
0x154: {  	_ =	swait.ge [sflag:s17], $0x1000  }
0x155: {  	[sflag:s17] =	ssyncset.done $0x0  }
0x156: {  	[sflag:s17] =	ssyncadd.s32 $0xFFFFF000  }
0x157: {  	_ =	swait.ge [sflag:s17], $0x900  }
0x158: {  	[sflag:s17] =	ssyncset.done $0x0  }
0x159: {  	[sflag:s17] =	ssyncadd.s32 $0xFFFFF700  }
0x15a: {  	_ =	swait.ge [sflag:s17], $0x1000  }
0x15b: {  	[sflag:s17] =	ssyncset.done $0x0  }
0x15c: {  	[sflag:s17] =	ssyncadd.s32 $0xFFFFF000  }
0x15d: {  	_ =	swait.ge [sflag:s17], $0x900  }
0x15e: {  	[sflag:s17] =	ssyncset.done $0x0  }
0x15f: {  	[sflag:s17] =	ssyncadd.s32 $0xFFFFF700  }
0x160: {  	_ =	swait.ge [sflag:s17], $0x1000  }
0x161: {  	[sflag:s17] =	ssyncset.done $0x0  }
0x162: {  	[sflag:s17] =	ssyncadd.s32 $0xFFFFF000  }
0x163: {  	_ =	swait.ge [sflag:s17], $0x900  }
0x164: {  	[sflag:s17] =	ssyncset.done $0x0  }
0x165: {  	[sflag:s17] =	ssyncadd.s32 $0xFFFFF700  }
0x166: {  	_ =	swait.ge [sflag:s17], $0x1000  }
0x167: {  	[sflag:s17] =	ssyncset.done $0x0  }
0x168: {  	[sflag:s17] =	ssyncadd.s32 $0xFFFFF000  }
0x169: {  	_ =	swait.ge [sflag:s17], $0x900  }
0x16a: {  	[sflag:s17] =	ssyncset.done $0x0  }
.Ltmp6:
0x16b: {  	[sflag:s17] =	ssyncadd.s32 $0xFFFFF700;
	(pc) =	sbr.rel @!p3 .LBB2_9-.Ltmp6, $4  }
0x16c: {  	[hbm4b:s16+s23] =	stream.strided.scatter [tilespmem:s29], [sflag:$0x2], $0x6400, s28, s23, $0x38;
	[tilespmem:$0x8720] =	vst v63  }
0x16d: {  	_ =	swait.ge [sflag:s26], $0x6400  }
0x16e: {  	[sflag:s26] =	ssyncset.done $0x0;
	s24 =	rddreg [dreg:$0x11]  }
0x16f: {  	[sflag:s26] =	ssyncadd.s32 $0xFFFF9C00;
	s18 =	sadd.s32 $0x0, s24  }
0x170: {  	s11 =	simm.s32 $0x0  }
0x171: {  	[tilespmem:s25], [sflag:$0x2] =	stream.linear.gather [hbm4b:s18+s11], $0x320, $0x38;
	[tilespmem:$0x8720] =	vst v63  }
0x172: {  	_ =	swait.ge [sflag:s26], $0x320  }
0x173: {  	[sflag:s26] =	ssyncset.done $0x0  }
0x174: {  	[sflag:s26] =	ssyncadd.s32 $0xFFFFFCE0  }
0x175: {  	[tilespmem:s29], [sflag:$0x1] =	stream.indirect.gather [hbm4b:s7+s28], $0x20, s25, s28, $0xb8;
	[tilespmem:$0x8720] =	vst v63  }
0x176: {  	_ = 	snop  }
0x177: {  	[tilespmem:s0], [sflag:$0x1] =	stream.indirect.gather [hbm4b:s7+s30], $0x20, s31, s30, $0xb8;
	[tilespmem:$0x8720] =	vst v63  }
0x178: {  	_ = 	snop  }
0x179: {  	[tilespmem:s1], [sflag:$0x1] =	stream.indirect.gather [hbm4b:s7+s28], $0x20, s4, s28, $0xb8;
	[tilespmem:$0x8720] =	vst v63  }
0x17a: {  	_ = 	snop  }
0x17b: {  	[tilespmem:s12], [sflag:$0x1] =	stream.indirect.gather [hbm4b:s7+s30], $0x20, s2, s30, $0xb8;
	[tilespmem:$0x8720] =	vst v63  }
0x17c: {  	_ = 	snop  }
0x17d: {  	[tilespmem:s14], [sflag:$0x1] =	stream.indirect.gather [hbm4b:s7+s28], $0x20, s13, s28, $0xb8;
	[tilespmem:$0x8720] =	vst v63  }
0x17e: {  	_ = 	snop  }
0x17f: {  	[tilespmem:s22], [sflag:$0x1] =	stream.indirect.gather [hbm4b:s7+s30], $0x20, s19, s30, $0xb8;
	[tilespmem:$0x8720] =	vst v63  }
0x180: {  	_ = 	snop  }
0x181: {  	[tilespmem:s20], [sflag:$0x1] =	stream.indirect.gather [hbm4b:s7+s28], $0x20, s15, s28, $0xb8;
	[tilespmem:$0x8720] =	vst v63  }
0x182: {  	_ = 	snop  }
0x183: {  	[tilespmem:s10], [sflag:$0x1] =	stream.indirect.gather [hbm4b:s7+s30], $0x20, s9, s30, $0xb8;
	[tilespmem:$0x8720] =	vst v63  }
0x184: {  	_ =	swait.ge [sflag:s17], $0x1000  }
0x185: {  	[sflag:s17] =	ssyncset.done $0x0  }
0x186: {  	[sflag:s17] =	ssyncadd.s32 $0xFFFFF000  }
0x187: {  	_ =	swait.ge [sflag:s17], $0x900  }
0x188: {  	[sflag:s17] =	ssyncset.done $0x0  }
0x189: {  	[sflag:s17] =	ssyncadd.s32 $0xFFFFF700  }
0x18a: {  	_ =	swait.ge [sflag:s17], $0x1000  }
0x18b: {  	[sflag:s17] =	ssyncset.done $0x0  }
0x18c: {  	[sflag:s17] =	ssyncadd.s32 $0xFFFFF000  }
0x18d: {  	_ =	swait.ge [sflag:s17], $0x900  }
0x18e: {  	[sflag:s17] =	ssyncset.done $0x0  }
0x18f: {  	[sflag:s17] =	ssyncadd.s32 $0xFFFFF700  }
0x190: {  	_ =	swait.ge [sflag:s17], $0x1000  }
0x191: {  	[sflag:s17] =	ssyncset.done $0x0  }
0x192: {  	[sflag:s17] =	ssyncadd.s32 $0xFFFFF000  }
0x193: {  	_ =	swait.ge [sflag:s17], $0x900  }
0x194: {  	[sflag:s17] =	ssyncset.done $0x0  }
0x195: {  	[sflag:s17] =	ssyncadd.s32 $0xFFFFF700  }
0x196: {  	_ =	swait.ge [sflag:s17], $0x1000  }
0x197: {  	[sflag:s17] =	ssyncset.done $0x0  }
0x198: {  	[sflag:s17] =	ssyncadd.s32 $0xFFFFF000  }
0x199: {  	p3 =	por $0x1, $0x1;
	_ =	swait.ge [sflag:s17], $0x900  }
.Ltmp7:
0x19a: {  	[sflag:s17] =	ssyncset.done $0x0;
	(pc) =	sbr.rel @!p3 .LBB2_12-.Ltmp7, $4  }
0x19b: {  	s3 =	rddreg [dreg:$0x10];
	[sflag:s17] =	ssyncadd.s32 $0xFFFFF700  }
0x19c: {  	[hbm4b:s3+s23] =	stream.strided.scatter [tilespmem:s29], [sflag:$0x2], $0x6400, s28, s23, $0x38;
	[tilespmem:$0x8720] =	vst v63  }
0x19d: {  	s16 =	simm.s32 $0x1900;
	p2 =	por $0x1, $0x1;
	_ =	swait.ge [sflag:s26], $0x6400  }
0x19e: {  	s18 =	sadd.s32 $0xC80, s24;
	s3 =	sadd.s32 $0x64000, s3;
	[sflag:s26] =	ssyncset.done $0x0  }
.LBB2_11:
0x19f: {  	s21 =	sadd.s32 s16, s24;
	[sflag:s26] =	ssyncadd.s32 $0xFFFF9C00  }
0x1a0: {  	[tilespmem:s25], [sflag:$0x2] =	stream.linear.gather [hbm4b:s18+s11], $0x320, $0x38;
	[tilespmem:$0x8720] =	vst v63  }
0x1a1: {  	p3 =	sne.s32 s16, $0x5780;
	s16 =	sadd.s32 $0xC80, s16;
	_ =	swait.ge [sflag:s26], $0x320  }
0x1a2: {  	s18 =	smov.u32 s21;
	[sflag:s26] =	ssyncset.done $0x0  }
0x1a3: {  	[sflag:s26] =	ssyncadd.s32 $0xFFFFFCE0  }
0x1a4: {  	[tilespmem:s29], [sflag:$0x1] =	stream.indirect.gather [hbm4b:s7+s28], $0x20, s25, s28, $0xb8;
	[tilespmem:$0x8720] =	vst v63  }
0x1a5: {  	_ = 	snop  }
0x1a6: {  	[tilespmem:s0], [sflag:$0x1] =	stream.indirect.gather [hbm4b:s7+s30], $0x20, s31, s30, $0xb8;
	[tilespmem:$0x8720] =	vst v63  }
0x1a7: {  	_ = 	snop  }
0x1a8: {  	[tilespmem:s1], [sflag:$0x1] =	stream.indirect.gather [hbm4b:s7+s28], $0x20, s4, s28, $0xb8;
	[tilespmem:$0x8720] =	vst v63  }
0x1a9: {  	_ = 	snop  }
0x1aa: {  	[tilespmem:s12], [sflag:$0x1] =	stream.indirect.gather [hbm4b:s7+s30], $0x20, s2, s30, $0xb8;
	[tilespmem:$0x8720] =	vst v63  }
0x1ab: {  	_ = 	snop  }
0x1ac: {  	[tilespmem:s14], [sflag:$0x1] =	stream.indirect.gather [hbm4b:s7+s28], $0x20, s13, s28, $0xb8;
	[tilespmem:$0x8720] =	vst v63  }
0x1ad: {  	_ = 	snop  }
0x1ae: {  	[tilespmem:s22], [sflag:$0x1] =	stream.indirect.gather [hbm4b:s7+s30], $0x20, s19, s30, $0xb8;
	[tilespmem:$0x8720] =	vst v63  }
0x1af: {  	_ = 	snop  }
0x1b0: {  	[tilespmem:s20], [sflag:$0x1] =	stream.indirect.gather [hbm4b:s7+s28], $0x20, s15, s28, $0xb8;
	[tilespmem:$0x8720] =	vst v63  }
0x1b1: {  	_ = 	snop  }
0x1b2: {  	[tilespmem:s10], [sflag:$0x1] =	stream.indirect.gather [hbm4b:s7+s30], $0x20, s9, s30, $0xb8;
	[tilespmem:$0x8720] =	vst v63  }
0x1b3: {  	_ =	swait.ge [sflag:s17], $0x1000  }
0x1b4: {  	[sflag:s17] =	ssyncset.done $0x0  }
0x1b5: {  	[sflag:s17] =	ssyncadd.s32 $0xFFFFF000  }
0x1b6: {  	_ =	swait.ge [sflag:s17], $0x900  }
0x1b7: {  	[sflag:s17] =	ssyncset.done $0x0  }
0x1b8: {  	[sflag:s17] =	ssyncadd.s32 $0xFFFFF700  }
0x1b9: {  	_ =	swait.ge [sflag:s17], $0x1000  }
0x1ba: {  	[sflag:s17] =	ssyncset.done $0x0  }
0x1bb: {  	[sflag:s17] =	ssyncadd.s32 $0xFFFFF000  }
0x1bc: {  	_ =	swait.ge [sflag:s17], $0x900  }
0x1bd: {  	[sflag:s17] =	ssyncset.done $0x0  }
0x1be: {  	[sflag:s17] =	ssyncadd.s32 $0xFFFFF700  }
0x1bf: {  	_ =	swait.ge [sflag:s17], $0x1000  }
0x1c0: {  	[sflag:s17] =	ssyncset.done $0x0  }
0x1c1: {  	[sflag:s17] =	ssyncadd.s32 $0xFFFFF000  }
0x1c2: {  	_ =	swait.ge [sflag:s17], $0x900  }
0x1c3: {  	[sflag:s17] =	ssyncset.done $0x0  }
0x1c4: {  	[sflag:s17] =	ssyncadd.s32 $0xFFFFF700  }
0x1c5: {  	_ =	swait.ge [sflag:s17], $0x1000  }
0x1c6: {  	[sflag:s17] =	ssyncset.done $0x0  }
0x1c7: {  	[sflag:s17] =	ssyncadd.s32 $0xFFFFF000  }
0x1c8: {  	_ =	swait.ge [sflag:s17], $0x900  }
.Ltmp8:
0x1c9: {  	[sflag:s17] =	ssyncset.done $0x0;
	(pc) =	sbr.rel @p3 .LBB2_11-.Ltmp8, $4  }
0x1ca: {  	[sflag:s17] =	ssyncadd.s32 $0xFFFFF700  }
0x1cb: {  	[hbm4b:s3+s23] =	stream.strided.scatter [tilespmem:s29], [sflag:$0x2], $0x6400, s28, s23, $0x38;
	[tilespmem:$0x8720] =	vst v63  }
0x1cc: {  	_ =	swait.ge [sflag:s26], $0x6400  }
0x1cd: {  	s3 =	sadd.s32 $0x64000, s3;
	[sflag:s26] =	ssyncset.done $0x0  }
.LBB2_12:
0x1ce: {  	s16 =	simm.s32 $0x0;
	[sflag:s26] =	ssyncadd.s32 @p2 $0xFFFF9C00  }
0x1cf: {  	[tilespmem:s25], [sflag:$0x2] =	stream.linear.gather [hbm4b:s18+s16], $0x320, $0x38;
	[tilespmem:$0x8720] =	vst v63  }
0x1d0: {  	_ =	swait.ge [sflag:s26], $0x320  }
0x1d1: {  	[sflag:s26] =	ssyncset.done $0x0  }
0x1d2: {  	[sflag:s26] =	ssyncadd.s32 $0xFFFFFCE0  }
0x1d3: {  	[tilespmem:s29], [sflag:$0x1] =	stream.indirect.gather [hbm4b:s7+s28], $0x20, s25, s28, $0xb8;
	[tilespmem:$0x8720] =	vst v63  }
0x1d4: {  	_ = 	snop  }
0x1d5: {  	[tilespmem:s0], [sflag:$0x1] =	stream.indirect.gather [hbm4b:s7+s30], $0x20, s31, s30, $0xb8;
	[tilespmem:$0x8720] =	vst v63  }
0x1d6: {  	_ = 	snop  }
0x1d7: {  	[tilespmem:s1], [sflag:$0x1] =	stream.indirect.gather [hbm4b:s7+s28], $0x20, s4, s28, $0xb8;
	[tilespmem:$0x8720] =	vst v63  }
0x1d8: {  	_ = 	snop  }
0x1d9: {  	[tilespmem:s12], [sflag:$0x1] =	stream.indirect.gather [hbm4b:s7+s30], $0x20, s2, s30, $0xb8;
	[tilespmem:$0x8720] =	vst v63  }
0x1da: {  	_ = 	snop  }
0x1db: {  	[tilespmem:s14], [sflag:$0x1] =	stream.indirect.gather [hbm4b:s7+s28], $0x20, s13, s28, $0xb8;
	[tilespmem:$0x8720] =	vst v63  }
0x1dc: {  	_ = 	snop  }
0x1dd: {  	[tilespmem:s22], [sflag:$0x1] =	stream.indirect.gather [hbm4b:s7+s30], $0x20, s19, s30, $0xb8;
	[tilespmem:$0x8720] =	vst v63  }
0x1de: {  	_ = 	snop  }
0x1df: {  	[tilespmem:s20], [sflag:$0x1] =	stream.indirect.gather [hbm4b:s7+s28], $0x20, s15, s28, $0xb8;
	[tilespmem:$0x8720] =	vst v63  }
0x1e0: {  	_ = 	snop  }
0x1e1: {  	[tilespmem:s10], [sflag:$0x1] =	stream.indirect.gather [hbm4b:s7+s30], $0x20, s9, s30, $0xb8;
	[tilespmem:$0x8720] =	vst v63  }
0x1e2: {  	_ =	swait.ge [sflag:s17], $0x1000  }
0x1e3: {  	[sflag:s17] =	ssyncset.done $0x0  }
0x1e4: {  	[sflag:s17] =	ssyncadd.s32 $0xFFFFF000  }
0x1e5: {  	_ =	swait.ge [sflag:s17], $0x900  }
0x1e6: {  	[sflag:s17] =	ssyncset.done $0x0  }
0x1e7: {  	[sflag:s17] =	ssyncadd.s32 $0xFFFFF700  }
0x1e8: {  	_ =	swait.ge [sflag:s17], $0x1000  }
0x1e9: {  	[sflag:s17] =	ssyncset.done $0x0  }
0x1ea: {  	[sflag:s17] =	ssyncadd.s32 $0xFFFFF000  }
0x1eb: {  	_ =	swait.ge [sflag:s17], $0x900  }
0x1ec: {  	[sflag:s17] =	ssyncset.done $0x0  }
0x1ed: {  	[sflag:s17] =	ssyncadd.s32 $0xFFFFF700  }
0x1ee: {  	_ =	swait.ge [sflag:s17], $0x1000  }
0x1ef: {  	[sflag:s17] =	ssyncset.done $0x0  }
0x1f0: {  	[sflag:s17] =	ssyncadd.s32 $0xFFFFF000  }
0x1f1: {  	_ =	swait.ge [sflag:s17], $0x900  }
0x1f2: {  	[sflag:s17] =	ssyncset.done $0x0  }
0x1f3: {  	[sflag:s17] =	ssyncadd.s32 $0xFFFFF700  }
0x1f4: {  	_ =	swait.ge [sflag:s17], $0x1000  }
0x1f5: {  	[sflag:s17] =	ssyncset.done $0x0  }
0x1f6: {  	[sflag:s17] =	ssyncadd.s32 $0xFFFFF000  }
0x1f7: {  	_ =	swait.ge [sflag:s17], $0x900  }
0x1f8: {  	p3 =	por $0x1, $0x1;
	[sflag:s17] =	ssyncset.done $0x0  }
.Ltmp9:
0x1f9: {  	[sflag:s17] =	ssyncadd.s32 $0xFFFFF700;
	(pc) =	sbr.rel @!p3 .LBB2_17-.Ltmp9, $4  }
0x1fa: {  	[hbm4b:s3+s23] =	stream.strided.scatter [tilespmem:s29], [sflag:$0x2], $0x6400, s28, s23, $0x38;
	[tilespmem:$0x8720] =	vst v63  }
0x1fb: {  	p2 =	por $0x0, $0x0;
	_ =	swait.ge [sflag:s26], $0x6400  }
0x1fc: {  	s21 =	simm.s32 $0x0;
	[sflag:s26] =	ssyncset.done $0x0;
	s11 =	rddreg [dreg:$0x13]  }
0x1fd: {  	s3 =	simm.s32 $0xC80;
	s24 =	rddreg [dreg:$0x14];
	[sflag:s26] =	ssyncadd.s32 $0xFFFF9C00  }
0x1fe: {  	s11 =	sadd.s32 $0x0, s24  }
0x1ff: {  	[tilespmem:s25], [sflag:$0x2] =	stream.linear.gather [hbm4b:s11+s21], $0x320, $0x38;
	[tilespmem:$0x8720] =	vst v63  }
0x200: {  	_ =	swait.ge [sflag:s26], $0x320  }
0x201: {  	[sflag:s26] =	ssyncset.done $0x0  }
0x202: {  	[sflag:s26] =	ssyncadd.s32 $0xFFFFFCE0  }
0x203: {  	[tilespmem:s29], [sflag:$0x1] =	stream.indirect.gather [hbm4b:s8+s28], $0x20, s25, s28, $0xb8;
	[tilespmem:$0x8720] =	vst v63  }
0x204: {  	_ = 	snop  }
0x205: {  	[tilespmem:s0], [sflag:$0x1] =	stream.indirect.gather [hbm4b:s8+s30], $0x20, s31, s30, $0xb8;
	[tilespmem:$0x8720] =	vst v63  }
0x206: {  	_ = 	snop  }
0x207: {  	[tilespmem:s1], [sflag:$0x1] =	stream.indirect.gather [hbm4b:s8+s28], $0x20, s4, s28, $0xb8;
	[tilespmem:$0x8720] =	vst v63  }
0x208: {  	_ = 	snop  }
0x209: {  	[tilespmem:s12], [sflag:$0x1] =	stream.indirect.gather [hbm4b:s8+s30], $0x20, s2, s30, $0xb8;
	[tilespmem:$0x8720] =	vst v63  }
0x20a: {  	_ = 	snop  }
0x20b: {  	[tilespmem:s14], [sflag:$0x1] =	stream.indirect.gather [hbm4b:s8+s28], $0x20, s13, s28, $0xb8;
	[tilespmem:$0x8720] =	vst v63  }
0x20c: {  	_ = 	snop  }
0x20d: {  	[tilespmem:s22], [sflag:$0x1] =	stream.indirect.gather [hbm4b:s8+s30], $0x20, s19, s30, $0xb8;
	[tilespmem:$0x8720] =	vst v63  }
0x20e: {  	_ = 	snop  }
0x20f: {  	[tilespmem:s20], [sflag:$0x1] =	stream.indirect.gather [hbm4b:s8+s28], $0x20, s15, s28, $0xb8;
	[tilespmem:$0x8720] =	vst v63  }
0x210: {  	_ = 	snop  }
0x211: {  	[tilespmem:s10], [sflag:$0x1] =	stream.indirect.gather [hbm4b:s8+s30], $0x20, s9, s30, $0xb8;
	[tilespmem:$0x8720] =	vst v63  }
0x212: {  	_ =	swait.ge [sflag:s17], $0x1000  }
0x213: {  	[sflag:s17] =	ssyncset.done $0x0  }
0x214: {  	[sflag:s17] =	ssyncadd.s32 $0xFFFFF000  }
0x215: {  	_ =	swait.ge [sflag:s17], $0x900  }
0x216: {  	[sflag:s17] =	ssyncset.done $0x0  }
0x217: {  	[sflag:s17] =	ssyncadd.s32 $0xFFFFF700  }
0x218: {  	_ =	swait.ge [sflag:s17], $0x1000  }
0x219: {  	[sflag:s17] =	ssyncset.done $0x0  }
0x21a: {  	[sflag:s17] =	ssyncadd.s32 $0xFFFFF000  }
0x21b: {  	_ =	swait.ge [sflag:s17], $0x900  }
0x21c: {  	[sflag:s17] =	ssyncset.done $0x0  }
0x21d: {  	[sflag:s17] =	ssyncadd.s32 $0xFFFFF700  }
0x21e: {  	_ =	swait.ge [sflag:s17], $0x1000  }
0x21f: {  	[sflag:s17] =	ssyncset.done $0x0  }
0x220: {  	[sflag:s17] =	ssyncadd.s32 $0xFFFFF000  }
0x221: {  	_ =	swait.ge [sflag:s17], $0x900  }
0x222: {  	[sflag:s17] =	ssyncset.done $0x0  }
0x223: {  	[sflag:s17] =	ssyncadd.s32 $0xFFFFF700  }
0x224: {  	_ =	swait.ge [sflag:s17], $0x1000  }
0x225: {  	[sflag:s17] =	ssyncset.done $0x0  }
0x226: {  	[sflag:s17] =	ssyncadd.s32 $0xFFFFF000  }
0x227: {  	p3 =	por $0x1, $0x1;
	_ =	swait.ge [sflag:s17], $0x900  }
.Ltmp10:
0x228: {  	[sflag:s17] =	ssyncset.done $0x0;
	(pc) =	sbr.rel @!p3 .LBB2_14-.Ltmp10, $4  }
0x229: {  	s16 =	rddreg [dreg:$0x13];
	[sflag:s17] =	ssyncadd.s32 $0xFFFFF700  }
0x22a: {  	[hbm4b:s16+s23] =	stream.strided.scatter [tilespmem:s29], [sflag:$0x2], $0x6400, s28, s23, $0x38;
	[tilespmem:$0x8720] =	vst v63  }
0x22b: {  	s18 =	simm.s32 $0x1900;
	_ =	swait.ge [sflag:s26], $0x6400  }
0x22c: {  	p2 =	por $0x1, $0x1;
	s11 =	sadd.s32 $0x64000, s16;
	[sflag:s26] =	ssyncset.done $0x0  }
.LBB2_15:
0x22d: {  	s31 =	simm.s32 $0x0;
	s21 =	sadd.s32 s3, s24  }
0x22e: {  	[sflag:s26] =	ssyncadd.s32 $0xFFFF9C00;
	s3 =	smov.u32 s18;
	s16 =	sadd.s32 $0xC80, s18  }
0x22f: {  	[tilespmem:s25], [sflag:$0x2] =	stream.linear.gather [hbm4b:s21+s31], $0x320, $0x38;
	[tilespmem:$0x8720] =	vst v63  }
0x230: {  	s31 =	simm.s32 $0x480;
	s21 =	simm.s32 $0x0  }
0x231: {  	p3 =	sne.s32 s18, $0x5780;
	_ =	swait.ge [sflag:s26], $0x320  }
0x232: {  	[sflag:s26] =	ssyncset.done $0x0  }
0x233: {  	[sflag:s26] =	ssyncadd.s32 $0xFFFFFCE0  }
0x234: {  	[tilespmem:s29], [sflag:$0x1] =	stream.indirect.gather [hbm4b:s8+s28], $0x20, s25, s28, $0xb8;
	[tilespmem:$0x8720] =	vst v63  }
0x235: {  	_ = 	snop  }
0x236: {  	[tilespmem:s0], [sflag:$0x1] =	stream.indirect.gather [hbm4b:s8+s30], $0x20, s31, s30, $0xb8;
	[tilespmem:$0x8720] =	vst v63  }
0x237: {  	_ = 	snop  }
0x238: {  	[tilespmem:s1], [sflag:$0x1] =	stream.indirect.gather [hbm4b:s8+s28], $0x20, s4, s28, $0xb8;
	[tilespmem:$0x8720] =	vst v63  }
0x239: {  	_ = 	snop  }
0x23a: {  	[tilespmem:s12], [sflag:$0x1] =	stream.indirect.gather [hbm4b:s8+s30], $0x20, s2, s30, $0xb8;
	[tilespmem:$0x8720] =	vst v63  }
0x23b: {  	_ = 	snop  }
0x23c: {  	[tilespmem:s14], [sflag:$0x1] =	stream.indirect.gather [hbm4b:s8+s28], $0x20, s13, s28, $0xb8;
	[tilespmem:$0x8720] =	vst v63  }
0x23d: {  	_ = 	snop  }
0x23e: {  	[tilespmem:s22], [sflag:$0x1] =	stream.indirect.gather [hbm4b:s8+s30], $0x20, s19, s30, $0xb8;
	[tilespmem:$0x8720] =	vst v63  }
0x23f: {  	_ = 	snop  }
0x240: {  	[tilespmem:s20], [sflag:$0x1] =	stream.indirect.gather [hbm4b:s8+s28], $0x20, s15, s28, $0xb8;
	[tilespmem:$0x8720] =	vst v63  }
0x241: {  	_ = 	snop  }
0x242: {  	[tilespmem:s10], [sflag:$0x1] =	stream.indirect.gather [hbm4b:s8+s30], $0x20, s9, s30, $0xb8;
	[tilespmem:$0x8720] =	vst v63  }
0x243: {  	_ =	swait.ge [sflag:s17], $0x1000  }
0x244: {  	[sflag:s17] =	ssyncset.done $0x0  }
0x245: {  	[sflag:s17] =	ssyncadd.s32 $0xFFFFF000  }
0x246: {  	_ =	swait.ge [sflag:s17], $0x900  }
0x247: {  	[sflag:s17] =	ssyncset.done $0x0  }
0x248: {  	[sflag:s17] =	ssyncadd.s32 $0xFFFFF700  }
0x249: {  	_ =	swait.ge [sflag:s17], $0x1000  }
0x24a: {  	[sflag:s17] =	ssyncset.done $0x0  }
0x24b: {  	[sflag:s17] =	ssyncadd.s32 $0xFFFFF000  }
0x24c: {  	_ =	swait.ge [sflag:s17], $0x900  }
0x24d: {  	[sflag:s17] =	ssyncset.done $0x0  }
0x24e: {  	[sflag:s17] =	ssyncadd.s32 $0xFFFFF700  }
0x24f: {  	_ =	swait.ge [sflag:s17], $0x1000  }
0x250: {  	[sflag:s17] =	ssyncset.done $0x0  }
0x251: {  	[sflag:s17] =	ssyncadd.s32 $0xFFFFF000  }
0x252: {  	_ =	swait.ge [sflag:s17], $0x900  }
0x253: {  	[sflag:s17] =	ssyncset.done $0x0  }
0x254: {  	[sflag:s17] =	ssyncadd.s32 $0xFFFFF700  }
0x255: {  	_ =	swait.ge [sflag:s17], $0x1000  }
0x256: {  	[sflag:s17] =	ssyncset.done $0x0  }
0x257: {  	[sflag:s17] =	ssyncadd.s32 $0xFFFFF000  }
0x258: {  	_ =	swait.ge [sflag:s17], $0x900  }
.Ltmp11:
0x259: {  	[sflag:s17] =	ssyncset.done $0x0;
	(pc) =	sbr.rel @p3 .LBB2_15-.Ltmp11, $4  }
0x25a: {  	[sflag:s17] =	ssyncadd.s32 $0xFFFFF700  }
0x25b: {  	[hbm4b:s11+s23] =	stream.strided.scatter [tilespmem:s29], [sflag:$0x2], $0x6400, s28, s23, $0x38;
	[tilespmem:$0x8720] =	vst v63  }
0x25c: {  	_ =	swait.ge [sflag:s26], $0x6400  }
0x25d: {  	s18 =	smov.u32 s16;
	s11 =	sadd.s32 $0x64000, s11;
	[sflag:s26] =	ssyncset.done $0x0  }
0x25e: {  	s16 =	smov.u32 s3  }
.LBB2_17:
0x25f: {  	s3 =	sadd.s32 s16, s24;
	[sflag:s26] =	ssyncadd.s32 @p2 $0xFFFF9C00  }
0x260: {  	[tilespmem:s25], [sflag:$0x2] =	stream.linear.gather [hbm4b:s3+s21], $0x320, $0x38;
	[tilespmem:$0x8720] =	vst v63  }
0x261: {  	_ =	swait.ge [sflag:s26], $0x320  }
0x262: {  	[sflag:s26] =	ssyncset.done $0x0  }
0x263: {  	[sflag:s26] =	ssyncadd.s32 $0xFFFFFCE0  }
0x264: {  	[tilespmem:s29], [sflag:$0x1] =	stream.indirect.gather [hbm4b:s8+s28], $0x20, s25, s28, $0xb8;
	[tilespmem:$0x8720] =	vst v63  }
0x265: {  	_ = 	snop  }
0x266: {  	[tilespmem:s0], [sflag:$0x1] =	stream.indirect.gather [hbm4b:s8+s30], $0x20, s31, s30, $0xb8;
	[tilespmem:$0x8720] =	vst v63  }
0x267: {  	_ = 	snop  }
0x268: {  	[tilespmem:s1], [sflag:$0x1] =	stream.indirect.gather [hbm4b:s8+s28], $0x20, s4, s28, $0xb8;
	[tilespmem:$0x8720] =	vst v63  }
0x269: {  	_ = 	snop  }
0x26a: {  	[tilespmem:s12], [sflag:$0x1] =	stream.indirect.gather [hbm4b:s8+s30], $0x20, s2, s30, $0xb8;
	[tilespmem:$0x8720] =	vst v63  }
0x26b: {  	_ = 	snop  }
0x26c: {  	[tilespmem:s14], [sflag:$0x1] =	stream.indirect.gather [hbm4b:s8+s28], $0x20, s13, s28, $0xb8;
	[tilespmem:$0x8720] =	vst v63  }
0x26d: {  	_ = 	snop  }
0x26e: {  	[tilespmem:s22], [sflag:$0x1] =	stream.indirect.gather [hbm4b:s8+s30], $0x20, s19, s30, $0xb8;
	[tilespmem:$0x8720] =	vst v63  }
0x26f: {  	_ = 	snop  }
0x270: {  	[tilespmem:s20], [sflag:$0x1] =	stream.indirect.gather [hbm4b:s8+s28], $0x20, s15, s28, $0xb8;
	[tilespmem:$0x8720] =	vst v63  }
0x271: {  	_ = 	snop  }
0x272: {  	[tilespmem:s10], [sflag:$0x1] =	stream.indirect.gather [hbm4b:s8+s30], $0x20, s9, s30, $0xb8;
	[tilespmem:$0x8720] =	vst v63  }
0x273: {  	_ =	swait.ge [sflag:s17], $0x1000  }
0x274: {  	[sflag:s17] =	ssyncset.done $0x0  }
0x275: {  	[sflag:s17] =	ssyncadd.s32 $0xFFFFF000  }
0x276: {  	_ =	swait.ge [sflag:s17], $0x900  }
0x277: {  	[sflag:s17] =	ssyncset.done $0x0  }
0x278: {  	[sflag:s17] =	ssyncadd.s32 $0xFFFFF700  }
0x279: {  	_ =	swait.ge [sflag:s17], $0x1000  }
0x27a: {  	[sflag:s17] =	ssyncset.done $0x0  }
0x27b: {  	[sflag:s17] =	ssyncadd.s32 $0xFFFFF000  }
0x27c: {  	_ =	swait.ge [sflag:s17], $0x900  }
0x27d: {  	[sflag:s17] =	ssyncset.done $0x0  }
0x27e: {  	[sflag:s17] =	ssyncadd.s32 $0xFFFFF700  }
0x27f: {  	_ =	swait.ge [sflag:s17], $0x1000  }
0x280: {  	[sflag:s17] =	ssyncset.done $0x0  }
0x281: {  	[sflag:s17] =	ssyncadd.s32 $0xFFFFF000  }
0x282: {  	_ =	swait.ge [sflag:s17], $0x900  }
0x283: {  	[sflag:s17] =	ssyncset.done $0x0  }
0x284: {  	[sflag:s17] =	ssyncadd.s32 $0xFFFFF700  }
0x285: {  	_ =	swait.ge [sflag:s17], $0x1000  }
0x286: {  	[sflag:s17] =	ssyncset.done $0x0  }
0x287: {  	[sflag:s17] =	ssyncadd.s32 $0xFFFFF000  }
0x288: {  	_ =	swait.ge [sflag:s17], $0x900  }
0x289: {  	[sflag:s17] =	ssyncset.done $0x0  }
.Ltmp12:
0x28a: {  	[sflag:s17] =	ssyncadd.s32 $0xFFFFF700;
	(pc) =	sbr.rel @p0 .LBB2_19-.Ltmp12, $4  }
0x28b: {  	[hbm4b:s11+s23] =	stream.strided.scatter [tilespmem:s29], [sflag:$0x2], $0x6400, s28, s23, $0x38;
	[tilespmem:$0x8720] =	vst v63  }
0x28c: {  	_ =	swait.ge [sflag:s26], $0x6400  }
0x28d: {  	[sflag:s26] =	ssyncset.done $0x0  }
0x28e: {  	s18 =	rddreg [dreg:$0x15];
	[sflag:s26] =	ssyncadd.s32 $0xFFFF9C00  }
0x28f: {  	s3 =	rddreg [dreg:$0x1]  }
0x290: {  	[tilespmem:s21], [sflag:$0x2] =	stream.linear.gather [hbm4b:s3+s21], $0x400, $0x38;
	[tilespmem:$0x8720] =	vst v63  }
0x291: {  	_ =	swait.ge [sflag:s26], $0x400  }
0x292: {  	[sflag:s26] =	ssyncset.done $0x0  }
0x293: {  	s3 =	rddreg [dreg:$0x6];
	[sflag:s26] =	ssyncadd.s32 $0xFFFFFC00  }
0x294: {  	[tilespmem:s29], [sflag:$0x1] =	stream.indirect.gather [hbm4b:s3+s28], $0x20, s21, s28, $0xb8;
	[tilespmem:$0x8720] =	vst v63  }
0x295: {  	_ = 	snop  }
0x296: {  	[tilespmem:s0], [sflag:$0x1] =	stream.indirect.gather [hbm4b:s3+s28], $0x20, s28, s28, $0xb8;
	[tilespmem:$0x8720] =	vst v63  }
0x297: {  	s11 =	simm.s32 $0x100;
	s16 =	simm.s32 $0x2720  }
0x298: {  	[tilespmem:s16], [sflag:$0x1] =	stream.indirect.gather [hbm4b:s3+s28], $0x20, s11, s28, $0xb8;
	[tilespmem:$0x8720] =	vst v63  }
0x299: {  	s24 =	simm.s32 $0x3720;
	s11 =	simm.s32 $0x180  }
0x29a: {  	[tilespmem:s24], [sflag:$0x1] =	stream.indirect.gather [hbm4b:s3+s28], $0x20, s11, s28, $0xb8;
	[tilespmem:$0x8720] =	vst v63  }
0x29b: {  	s31 =	simm.s32 $0x4720;
	s24 =	simm.s32 $0x200  }
0x29c: {  	[tilespmem:s31], [sflag:$0x1] =	stream.indirect.gather [hbm4b:s3+s28], $0x20, s24, s28, $0xb8;
	[tilespmem:$0x8720] =	vst v63  }
0x29d: {  	s11 =	simm.s32 $0x280;
	s24 =	simm.s32 $0x5720  }
0x29e: {  	[tilespmem:s24], [sflag:$0x1] =	stream.indirect.gather [hbm4b:s3+s28], $0x20, s11, s28, $0xb8;
	[tilespmem:$0x8720] =	vst v63  }
0x29f: {  	s11 =	simm.s32 $0x300;
	s24 =	simm.s32 $0x6720  }
0x2a0: {  	[tilespmem:s24], [sflag:$0x1] =	stream.indirect.gather [hbm4b:s3+s28], $0x20, s11, s28, $0xb8;
	[tilespmem:$0x8720] =	vst v63  }
0x2a1: {  	s16 =	simm.s32 $0x7720;
	s11 =	simm.s32 $0x380  }
0x2a2: {  	[tilespmem:s16], [sflag:$0x1] =	stream.indirect.gather [hbm4b:s3+s28], $0x20, s11, s28, $0xb8;
	[tilespmem:$0x8720] =	vst v63  }
0x2a3: {  	_ =	swait.ge [sflag:s17], $0x1000  }
0x2a4: {  	[sflag:s17] =	ssyncset.done $0x0  }
0x2a5: {  	[sflag:s17] =	ssyncadd.s32 $0xFFFFF000  }
0x2a6: {  	_ =	swait.ge [sflag:s17], $0x1000  }
0x2a7: {  	[sflag:s17] =	ssyncset.done $0x0  }
0x2a8: {  	[sflag:s17] =	ssyncadd.s32 $0xFFFFF000  }
0x2a9: {  	_ =	swait.ge [sflag:s17], $0x1000  }
0x2aa: {  	[sflag:s17] =	ssyncset.done $0x0  }
0x2ab: {  	[sflag:s17] =	ssyncadd.s32 $0xFFFFF000  }
0x2ac: {  	_ =	swait.ge [sflag:s17], $0x1000  }
0x2ad: {  	[sflag:s17] =	ssyncset.done $0x0  }
0x2ae: {  	[sflag:s17] =	ssyncadd.s32 $0xFFFFF000  }
0x2af: {  	_ =	swait.ge [sflag:s17], $0x1000  }
0x2b0: {  	[sflag:s17] =	ssyncset.done $0x0  }
0x2b1: {  	[sflag:s17] =	ssyncadd.s32 $0xFFFFF000  }
0x2b2: {  	_ =	swait.ge [sflag:s17], $0x1000  }
0x2b3: {  	[sflag:s17] =	ssyncset.done $0x0  }
0x2b4: {  	[sflag:s17] =	ssyncadd.s32 $0xFFFFF000  }
0x2b5: {  	_ =	swait.ge [sflag:s17], $0x1000  }
0x2b6: {  	[sflag:s17] =	ssyncset.done $0x0  }
0x2b7: {  	[sflag:s17] =	ssyncadd.s32 $0xFFFFF000  }
0x2b8: {  	_ =	swait.ge [sflag:s17], $0x1000  }
0x2b9: {  	[sflag:s17] =	ssyncset.done $0x0  }
0x2ba: {  	s21 =	simm.s32 $0x0;
	s16 =	rddreg [dreg:$0x9];
	[sflag:s17] =	ssyncadd.s32 $0xFFFFF000  }
0x2bb: {  	[hbm4b:s16+s21] =	stream.linear.scatter [tilespmem:s29], [sflag:$0x2], $0x8000, $0x38;
	[tilespmem:$0x8720] =	vst v63  }
0x2bc: {  	_ =	swait.ge [sflag:s26], $0x8000  }
0x2bd: {  	[sflag:s26] =	ssyncset.done $0x0  }
0x2be: {  	[sflag:s26] =	ssyncadd.s32 $0xFFFF8000  }
0x2bf: {  	s11 =	rddreg [dreg:$0x2]  }
0x2c0: {  	[tilespmem:s21], [sflag:$0x2] =	stream.linear.gather [hbm4b:s11+s21], $0x400, $0x38;
	[tilespmem:$0x8720] =	vst v63  }
0x2c1: {  	_ =	swait.ge [sflag:s26], $0x400  }
0x2c2: {  	[sflag:s26] =	ssyncset.done $0x0  }
0x2c3: {  	s3 =	rddreg [dreg:$0x7];
	[sflag:s26] =	ssyncadd.s32 $0xFFFFFC00  }
0x2c4: {  	[tilespmem:s29], [sflag:$0x1] =	stream.indirect.gather [hbm4b:s3+s28], $0x20, s21, s28, $0xb8;
	[tilespmem:$0x8720] =	vst v63  }
0x2c5: {  	_ = 	snop  }
0x2c6: {  	[tilespmem:s0], [sflag:$0x1] =	stream.indirect.gather [hbm4b:s3+s28], $0x20, s28, s28, $0xb8;
	[tilespmem:$0x8720] =	vst v63  }
0x2c7: {  	s16 =	simm.s32 $0x100;
	s11 =	simm.s32 $0x2720  }
0x2c8: {  	[tilespmem:s11], [sflag:$0x1] =	stream.indirect.gather [hbm4b:s3+s28], $0x20, s16, s28, $0xb8;
	[tilespmem:$0x8720] =	vst v63  }
0x2c9: {  	s11 =	simm.s32 $0x180;
	s16 =	simm.s32 $0x3720  }
0x2ca: {  	[tilespmem:s16], [sflag:$0x1] =	stream.indirect.gather [hbm4b:s3+s28], $0x20, s11, s28, $0xb8;
	[tilespmem:$0x8720] =	vst v63  }
0x2cb: {  	s16 =	simm.s32 $0x200  }
0x2cc: {  	[tilespmem:s31], [sflag:$0x1] =	stream.indirect.gather [hbm4b:s3+s28], $0x20, s16, s28, $0xb8;
	[tilespmem:$0x8720] =	vst v63  }
0x2cd: {  	s11 =	simm.s32 $0x280;
	s16 =	simm.s32 $0x5720  }
0x2ce: {  	[tilespmem:s16], [sflag:$0x1] =	stream.indirect.gather [hbm4b:s3+s28], $0x20, s11, s28, $0xb8;
	[tilespmem:$0x8720] =	vst v63  }
0x2cf: {  	s16 =	simm.s32 $0x300  }
0x2d0: {  	[tilespmem:s24], [sflag:$0x1] =	stream.indirect.gather [hbm4b:s3+s28], $0x20, s16, s28, $0xb8;
	[tilespmem:$0x8720] =	vst v63  }
0x2d1: {  	s16 =	simm.s32 $0x380;
	s24 =	simm.s32 $0x7720  }
0x2d2: {  	[tilespmem:s24], [sflag:$0x1] =	stream.indirect.gather [hbm4b:s3+s28], $0x20, s16, s28, $0xb8;
	[tilespmem:$0x8720] =	vst v63  }
0x2d3: {  	_ =	swait.ge [sflag:s17], $0x1000  }
0x2d4: {  	[sflag:s17] =	ssyncset.done $0x0  }
0x2d5: {  	[sflag:s17] =	ssyncadd.s32 $0xFFFFF000  }
0x2d6: {  	_ =	swait.ge [sflag:s17], $0x1000  }
0x2d7: {  	[sflag:s17] =	ssyncset.done $0x0  }
0x2d8: {  	[sflag:s17] =	ssyncadd.s32 $0xFFFFF000  }
0x2d9: {  	_ =	swait.ge [sflag:s17], $0x1000  }
0x2da: {  	[sflag:s17] =	ssyncset.done $0x0  }
0x2db: {  	[sflag:s17] =	ssyncadd.s32 $0xFFFFF000  }
0x2dc: {  	_ =	swait.ge [sflag:s17], $0x1000  }
0x2dd: {  	[sflag:s17] =	ssyncset.done $0x0  }
0x2de: {  	[sflag:s17] =	ssyncadd.s32 $0xFFFFF000  }
0x2df: {  	_ =	swait.ge [sflag:s17], $0x1000  }
0x2e0: {  	[sflag:s17] =	ssyncset.done $0x0  }
0x2e1: {  	[sflag:s17] =	ssyncadd.s32 $0xFFFFF000  }
0x2e2: {  	_ =	swait.ge [sflag:s17], $0x1000  }
0x2e3: {  	[sflag:s17] =	ssyncset.done $0x0  }
0x2e4: {  	[sflag:s17] =	ssyncadd.s32 $0xFFFFF000  }
0x2e5: {  	_ =	swait.ge [sflag:s17], $0x1000  }
0x2e6: {  	[sflag:s17] =	ssyncset.done $0x0  }
0x2e7: {  	[sflag:s17] =	ssyncadd.s32 $0xFFFFF000  }
0x2e8: {  	_ =	swait.ge [sflag:s17], $0x1000  }
0x2e9: {  	[sflag:s17] =	ssyncset.done $0x0  }
.Ltmp13:
0x2ea: {  	s24 =	rddreg [dreg:$0xa];
	[sflag:s17] =	ssyncadd.s32 $0xFFFFF000;
	(pc) =	sbr.rel .LBB2_19-.Ltmp13, $4  }
0x2eb: {  	[hbm4b:s24+s21] =	stream.linear.scatter [tilespmem:s29], [sflag:$0x2], $0x8000, $0x38;
	[tilespmem:$0x8720] =	vst v63  }
0x2ec: {  	_ =	swait.ge [sflag:s26], $0x8000  }
0x2ed: {  	[sflag:s26] =	ssyncset.done $0x0  }
0x2ee: {  	s31 =	simm.s32 $0x480;
	[sflag:s26] =	ssyncadd.s32 $0xFFFF8000  }
.LBB2_9:
.Ltmp14:
0x2ef: {  	(pc) =	sbr.rel .LBB2_12-.Ltmp14, $2  }
0x2f0: {  	_ =	sdelay $0x2  }
0x2f1: {  	s3 =	rddreg [dreg:$0x10]  }
.LBB2_5:
.Ltmp15:
0x2f2: {  	(pc) =	sbr.rel .LBB2_8-.Ltmp15, $2  }
0x2f3: {  	_ =	sdelay $0x2  }
0x2f4: {  	s18 =	simm.s32 $0xC80  }
.LBB2_14:
.Ltmp16:
0x2f5: {  	(pc) =	sbr.rel .LBB2_17-.Ltmp16, $2  }
0x2f6: {  	_ =	sdelay $0x2  }
0x2f7: {  	s16 =	simm.s32 $0xC80  }
.LBB2_20:
0x2f8: {  	_ =	sfence.sel $0x180000  }
0x2f9: {  	[bflag:$0x0] =	sbarrier.arrive $0xFFFF  }
0x2fa: {  	_ =	strace $0x9000004A  }
0x2fb: {  	s0 =	stileid.u32;
	[bflag:$0x2] =	sbarrier.arrive $0xFFFF  }
0x2fc: {  	p0 =	sne.s32 s0, $0x0;
	s0 =	rddreg [dreg:$0x4]  }
0x2fd: {  	s0 =	sadd.s32 @!p0 $0x100000, s0  }
0x2fe: {  	[sflag:s0] =	ssyncadd.tile.s32 @!p0 $0x1;
	_ =	shalt  }
.Lfunc_end2:
_tile_overlayer_lowered:
.L_overlay_start_2:
0x2ff: {  	(tag) =	ssettag $0x2  }
0x300: {  	s0 =	rddreg [dreg:$0x0];
	s2 =	stileid.u32  }
0x301: {  	s1 =	rddreg [dreg:$0x1];
	p0 =	sne.s32 s2, $0x0  }
0x302: {  	s3 =	rddreg [dreg:$0x2];
	[bflag:$0x3] =	sbarrier.arrive $0xFFFF;
	s2 =	simm.s32 @!p0 $0x1C02  }
0x303: {  	[timem:s3], [sflag:s2] =	dma.local @!p0 [hbm:s0], s1  }
0x304: {  	s0 =	simm.s32 @!p0 $0x2  }
0x305: {  	_ =	swait.ge @!p0 [sflag:s0], s1  }
0x306: {  	s1 =	ssub.s32 @!p0 $0x0, s1;
	[sflag:s0] =	ssyncset.done @!p0 $0x0  }
0x307: {  	[sflag:s0] =	ssyncadd.s32 @!p0 s1  }
0x308: {  	[bflag:$0x3] =	sbarrier.arrive $0xFFFF  }
0x309: {  	_ =	shalt  }

// kernel: kernel.9.cloned.1.call-start
scs
__scs_entry_jumppad:
0x0: {  	(pc) =	sbr.rel $0x88, $3  }
0x1: {  	(tag) =	ssettag $0x0;
	lr =	simm.s32 $0x1  }
0x2: {  	[smem:$0x3F75] =	sst lr;
	_ =	strace $0xD0000000  }
0x3: {  	_ = 	snop  }
0x4: {  	_ = 	snop  }
0x5: {  	_ = 	snop  }
0x6: {  	_ = 	snop  }
0x7: {  	_ = 	snop  }
__scs_overlays_trampoline_lowered:
0x8: {  	[smem:$0x3F84] =	sst s0  }
0x9: {  	[smem:$0x3F85] =	sst s1  }
0xa: {  	[smem:$0x3F86] =	sst s2  }
0xb: {  	[smem:$0x3F87] =	sst s3  }
0xc: {  	[smem:$0x3F88] =	sst s4  }
0xd: {  	[smem:$0x3F89] =	sst s5  }
0xe: {  	[smem:$0x3F8A] =	sst s6  }
0xf: {  	[smem:$0x3F8B] =	sst s7  }
0x10: {  	[smem:$0x3F8C] =	sst s8  }
0x11: {  	[smem:$0x3F8D] =	sst s9;
	s0 =	simm.s32 @!p0 $0x0  }
0x12: {  	s1 =	sld [smem:$0x3F73];
	s0 =	simm.s32 @p0 $0x1  }
0x13: {  	[smem:$0x3F8E] =	sst s0;
	s0 =	simm.s32 @!p1 $0x0  }
0x14: {  	s2 =	sld [smem:$0x3F72];
	s0 =	simm.s32 @p1 $0x1  }
0x15: {  	[smem:$0x3F8F] =	sst s0;
	s0 =	simm.s32 @!p2 $0x0  }
0x16: {  	s3 =	sld [smem:$0x3FDB];
	s0 =	simm.s32 @p2 $0x1  }
0x17: {  	s4 =	simm.s32 $0x1BF5;
	[smem:$0x3F91] =	sst s0  }
0x18: {  	s0 =	sld [smem:$0x3F74];
	_ =	swait.ge [sflag:s4], $0x0  }
0x19: {  	s7 =	sld [smem:$0x3F75]  }
0x1a: {  	s8 =	sadd.s32 $0xFFFFE003, lr  }
0x1b: {  	s9 =	sadd.s32 $0xFFFFFEF7, lr;
	s5 =	simm.s32 $0xFFFFFFFF;
	p2 =	slt.u32 s8, $0xFFFFF086  }
0x1c: {  	p1 =	slt.u32 s9, $0xF7A;
	s5 =	simm.s32 @!p2 $0x0  }
0x1d: {  	s5 =	simm.s32 @p1 $0x1;
	p0 =	seq.s32 s7, s2  }
0x1e: {  	s7 =	smul.u32 @!p0 $0xF7A, s2;
	p2 =	seq.s32 @!p0 s5, $0x0  }
0x1f: {  	s9 =	smul.u32 $0xF7A, s1;
	s8 =	simm.s32 @!p0 $0x1BF5;
	p2 =	por !p2, p0  }
0x20: {  	[sflag:s8] =	ssyncset.s32 @!p0 $0xFFFFF086;
	s6 =	sadd.s32 @!p0 s3, s7;
	s7 =	simm.s32 @!p0 $0x108  }
0x21: {  	s3 =	sadd.s32 s3, s9;
	s6 =	sadd.s32 @!p0 $0x88, s6;
	s7 =	simm.s32 @p2 $0x1082  }
0x22: {  	[simem:s7], [sflag:s8] =	dma.local @!p0 [hbm:s6], $0xF7A  }
0x23: {  	s9 =	sor.u32 $0xD0000000, s2;
	s6 =	simm.s32 $0x108;
	_ =	swait.ge @!p0 [sflag:s8], $0x0  }
0x24: {  	s3 =	sadd.s32 $0x88, s3;
	s6 =	simm.s32 @!p1 $0x1082;
	[sflag:s4] =	ssyncset.s32 $0xFFFFF086  }
0x25: {  	[simem:s6], [sflag:s4] =	dma.local [hbm:s3], $0xF7A  }
0x26: {  	[smem:$0x3F75] =	sst s1;
	(tag) =	ssettag s2;
	_ =	strace s9  }
0x27: {  	s1 =	sld [smem:$0x3F85]  }
0x28: {  	s2 =	sld [smem:$0x3F86]  }
0x29: {  	s4 =	sld [smem:$0x3F88]  }
0x2a: {  	p0 =	seq.s32 s5, $0x0;
	s5 =	sld [smem:$0x3F89]  }
0x2b: {  	s6 =	sld [smem:$0x3F8A]  }
0x2c: {  	s7 =	sld [smem:$0x3F8B]  }
0x2d: {  	s3 =	simm.s32 $0x108;
	s8 =	sld [smem:$0x3F8C]  }
0x2e: {  	s3 =	simm.s32 @!p0 $0x1082;
	s9 =	sld [smem:$0x3F8D]  }
0x2f: {  	lr =	sadd.s32 s0, s3;
	s0 =	sld [smem:$0x3F84]  }
0x30: {  	s3 =	sld [smem:$0x3F87]  }
0x31: {  	[smem:$0x3F90] =	sst s10  }
0x32: {  	s10 =	sld [smem:$0x3F8E];
	_ =	sdelay $0x3  }
0x33: {  	p0 =	seq.s32 s10, $0x1;
	s10 =	sld [smem:$0x3F90];
	_ =	sdelay $0x3  }
0x34: {  	[smem:$0x3F90] =	sst s10  }
0x35: {  	s10 =	sld [smem:$0x3F8F];
	_ =	sdelay $0x3  }
0x36: {  	p1 =	seq.s32 s10, $0x1;
	s10 =	sld [smem:$0x3F90];
	_ =	sdelay $0x3  }
0x37: {  	[smem:$0x3F90] =	sst s10  }
0x38: {  	s10 =	sld [smem:$0x3F91]  }
0x39: {  	_ = 	snop;
	(pc) =	sbr.ind lr, $3  }
0x3a: {  	_ = 	snop  }
0x3b: {  	_ = 	snop  }
0x3c: {  	p2 =	seq.s32 s10, $0x1;
	s10 =	sld [smem:$0x3F90]  }
0x3d: {  	_ =	shalt  }
0x3e: {  	_ =	shalt  }
0x3f: {  	_ =	shalt  }
0x40: {  	_ =	shalt  }
0x41: {  	_ =	shalt  }
0x42: {  	_ =	shalt  }
0x43: {  	_ =	shalt  }
0x44: {  	_ =	shalt  }
0x45: {  	_ =	shalt  }
0x46: {  	_ =	shalt  }
0x47: {  	_ =	shalt  }
0x48: {  	_ =	shalt  }
0x49: {  	_ =	shalt  }
0x4a: {  	_ =	shalt  }
0x4b: {  	_ =	shalt  }
0x4c: {  	_ =	shalt  }
0x4d: {  	_ =	shalt  }
0x4e: {  	_ =	shalt  }
0x4f: {  	_ =	shalt  }
0x50: {  	_ =	shalt  }
0x51: {  	_ =	shalt  }
0x52: {  	_ =	shalt  }
0x53: {  	_ =	shalt  }
0x54: {  	_ =	shalt  }
0x55: {  	_ =	shalt  }
0x56: {  	_ =	shalt  }
0x57: {  	_ =	shalt  }
0x58: {  	_ =	shalt  }
0x59: {  	_ =	shalt  }
0x5a: {  	_ =	shalt  }
0x5b: {  	_ =	shalt  }
0x5c: {  	_ =	shalt  }
0x5d: {  	_ =	shalt  }
0x5e: {  	_ =	shalt  }
0x5f: {  	_ =	shalt  }
0x60: {  	_ =	shalt  }
0x61: {  	_ =	shalt  }
0x62: {  	_ =	shalt  }
0x63: {  	_ =	shalt  }
0x64: {  	_ =	shalt  }
0x65: {  	_ =	shalt  }
0x66: {  	_ =	shalt  }
0x67: {  	_ =	shalt  }
0x68: {  	_ =	shalt  }
0x69: {  	_ =	shalt  }
0x6a: {  	_ =	shalt  }
0x6b: {  	_ =	shalt  }
0x6c: {  	_ =	shalt  }
0x6d: {  	_ =	shalt  }
0x6e: {  	_ =	shalt  }
0x6f: {  	_ =	shalt  }
0x70: {  	_ =	shalt  }
0x71: {  	_ =	shalt  }
0x72: {  	_ =	shalt  }
0x73: {  	_ =	shalt  }
0x74: {  	_ =	shalt  }
0x75: {  	_ =	shalt  }
0x76: {  	_ =	shalt  }
0x77: {  	_ =	shalt  }
0x78: {  	_ =	shalt  }
0x79: {  	_ =	shalt  }
0x7a: {  	_ =	shalt  }
0x7b: {  	_ =	shalt  }
0x7c: {  	_ =	shalt  }
0x7d: {  	_ =	shalt  }
0x7e: {  	_ =	shalt  }
0x7f: {  	_ =	shalt  }
0x80: {  	_ =	shalt  }
0x81: {  	_ =	shalt  }
0x82: {  	_ =	shalt  }
0x83: {  	_ =	shalt  }
0x84: {  	_ =	shalt  }
0x85: {  	_ =	shalt  }
0x86: {  	_ =	shalt  }
0x87: {  	_ =	shalt  }
.Lfunc_end0:
.L_simem_size_0:
called_computation.1_lowered:
.L_overlay_start_0:
0x88: {  	s2 =	sld [smem:$0x3FD9]  }
0x89: {  	s3 =	sld [smem:$0x3FFE];
	_ =	sdelay $0x1  }
0x8a: {  	s1 =	srdreg.scid  }
0x8b: {  	s0 =	sand.u32 $0x1, s1  }
0x8c: {  	s17 =	sshll.u32 s0, $0xA;
	s2 =	sadd.s32 s3, s2  }
0x8d: {  	s2 =	sadd.s32 s2, s17  }
0x8e: {  	[smem:$0x3F9C] =	sst s2  }
0x8f: {  	_ = 	snop  }
0x90: {  	s2 =	sld [smem:$0x3FC9];
	(tm) =	ssettm $0x1  }
0x91: {  	s18 =	sld [smem:$0x3FFB];
	_ =	sdelay $0x3  }
0x92: {  	_ =	strace s18  }
0x93: {  	s3 =	sld [smem:$0x3FFC];
	_ =	sdelay $0x3  }
0x94: {  	_ =	strace s3  }
0x95: {  	s3 =	sld [smem:$0x3FFD];
	_ =	sdelay $0x3  }
0x96: {  	_ =	strace s3  }
0x97: {  	_ =	strace $0x8FFFFFFF  }
0x98: {  	s19 =	sld [smem:$0x3FDB];
	_ =	sdelay $0x1  }
0x99: {  	s4 =	simm.s32 $_scs_section_size  }
0x9a: {  	s5 =	simm.s32 $_size__tile_overlayer_lowered;
	s6 =	simm.s32 $_tile_overlayer_lowered  }
0x9b: {  	s22 =	simm.s32 $0x1BFF;
	s21 =	sshll.u32 s6, $0x1;
	s3 =	sadd.s32 s4, s19  }
0x9c: {  	s7 =	simm.s32 $0x0;
	s20 =	sshll.u32 s5, $0x1;
	s5 =	sadd.s32 s21, s3  }
0x9d: {  	[timem:s7], [sflag:s22] =	dma.local [hbm:s5], s20  }
0x9e: {  	_ =	swait.ge [sflag:s22], s20  }
0x9f: {  	s4 =	ssub.s32 $0x0, s20;
	[sflag:s22] =	ssyncset.done $0x0  }
0xa0: {  	[sflag:s22] =	ssyncadd.s32 s4;
	_ =	sdelay $0x1  }
0xa1: {  	s23 =	simm.s32 $0x1B8B  }
0xa2: {  	_ =	swait.ge [sflag:s23], $0x1  }
0xa3: {  	[sflag:s23] =	ssyncset.done $0x0  }
0xa4: {  	s25 =	simm.s32 $0x1B8E;
	s24 =	sld [smem:$0x3FFE];
	[sflag:s23] =	ssyncadd.s32 $0xFFFFFFFF  }
0xa5: {  	s26 =	simm.s32 $execute0_lowered;
	[smem:$0x3FD2] =	sst s25  }
0xa6: {  	s5 =	sshll.u32 s26, $0x1;
	_ =	strace $0x80000046;
	[dreg:$0x1] =	wrdreg $0xFFFFFFFF  }
0xa7: {  	s28 =	simm.s32 $_size_execute0_lowered;
	s3 =	sadd.s32 s3, s5;
	[dreg:$0x0] =	wrdreg $0x0  }
0xa8: {  	s5 =	sshll.u32 s28, $0x1;
	[dreg:$0x2] =	wrdreg s3  }
0xa9: {  	[dreg:$0x3] =	wrdreg s5  }
0xaa: {  	[dreg:$0x4] =	wrdreg $0xC0  }
0xab: {  	_ =	task [dreg:s7], $0x5FFFF  }
0xac: {  	[dreg:$0x1] =	wrdreg $0xFFFFFFFF  }
0xad: {  	[dreg:$0x0] =	wrdreg $0x60  }
0xae: {  	[dreg:$0x2] =	wrdreg s24  }
0xaf: {  	[dreg:$0x3] =	wrdreg s2  }
0xb0: {  	[dreg:$0x4] =	wrdreg $0xA  }
0xb1: {  	_ =	task.clear_ibuf [dreg:s7], $0x5FFFF;
	_ =	strace $0x90000046  }
0xb2: {  	s29 =	simm.s32 $0xA;
	_ =	strace $0x80000048  }
0xb3: {  	_ =	swait.ge [sflag:s29], $0x1  }
0xb4: {  	[sflag:s29] =	ssyncadd.s32 $0xFFFFFFFF  }
0xb5: {  	_ =	strace $0x90000048  }
0xb6: {  	_ =	sfence  }
0xb7: {  	s30 =	sld [smem:$0x0];
	_ =	sdelay $0x2  }
0xb8: {  	s31 =	sshll.u32 s1, $0xD;
	s1 =	sshrl.u32 s1, $0x2  }
0xb9: {  	s3 =	sand.u32 $0x4000, s31;
	s1 =	sadd.s32 s1, s30  }
0xba: {  	s0 =	sor.u32 s3, s0;
	s1 =	sshll.u32 s1, $0x11  }
0xbb: {  	s0 =	sor.u32 s1, s0  }
0xbc: {  	s0 =	sadd.s32 $0x8F2B, s0  }
0xbd: {  	[sflag:s0] =	ssyncadd.remote.s32 $0x1  }
0xbe: {  	_ =	sfence.sel $0xFFFF  }
0xbf: {  	[dreg:$0x0] =	wrdreg $0xFFFFFFFF;
	(pc) =	sbr.abs _section_cstart, $3  }
0xc0: {  	[dreg:$0x1] =	wrdreg $0xFFFFFFFF  }
0xc1: {  	_ =	task.clear_ibuf [dreg:s7], $0x2FFFF;
	_ =	strace $0x9FFFFFFF  }
0xc2: {  	(tm) =	ssettm $0x7FFFFFFF  }
0xc3: {  	_ =	shalt  }
tec
execute0_lowered:
.L_overlay_start_1:
0x0: {  	(tag) =	ssettag $0x1  }
0x1: {  	s0 =	rddreg [dreg:$0x0];
	s28 =	simm.s32 $0x0;
	s9 =	stileid.u32  }
0x2: {  	s2 =	srdreg.scid;
	s17 =	simm.s32 $0x400;
	s18 =	simm.s32 $0x2  }
0x3: {  	s19 =	simm.s32 $0x80;
	s29 =	simm.s32 $0x590;
	s11 =	simm.s32 $0x6B20  }
0x4: {  	s31 =	simm.s32 $0x610;
	s12 =	simm.s32 $0x8B20;
	s14 =	simm.s32 $0x9D20  }
0x5: {  	s16 =	simm.s32 $0xBD20;
	s10 =	simm.s32 $0x10720;
	[smem:$0x7FF] =	sst s28  }
0x6: {  	s4 =	sadd.s32 $0xF4A600, s0;
	s1 =	smul.u32 $0xC8, s9;
	s5 =	sadd.s32 $0x8000, s0  }
0x7: {  	s3 =	smul.u32 $0x6400, s9;
	s2 =	sand.u32 $0x1, s2;
	s6 =	sadd.s32 $0x69C00, s0  }
0x8: {  	s22 =	sshll.u32 s9, $0x1;
	s9 =	simm.s32 $0x5920;
	_ =	strace $0x80000047  }
0x9: {  	[dreg:$0x4] =	wrdreg s6;
	s20 =	smul.u32 $0x3200, s2;
	s7 =	ssub.s32 $0x2, s2  }
0xa: {  	s8 =	smul.u32 $0x64, s2;
	s2 =	sor.u32 s2, s22;
	s22 =	simm.s32 $0x480  }
0xb: {  	s1 =	sadd.s32 s1, s0;
	s3 =	sadd.s32 s3, s0;
	s0 =	sadd.s32 $0x146200, s0  }
0xc: {  	s21 =	sshrl.u32 s7, $0x1;
	p0 =	sne.s32 s2, $0x0;
	s2 =	simm.s32 $0x658  }
0xd: {  	[dreg:$0x5] =	wrdreg s0;
	s3 =	sadd.s32 s20, s3;
	s0 =	ssub.s32 s7, s21  }
0xe: {  	s1 =	sadd.s32 s8, s1;
	s20 =	simm.s32 $0x720;
	s6 =	sadd.s32 $0x148200, s3  }
0xf: {  	s21 =	simm.s32 $0x48;
	s23 =	sadd.s32 $0x148208, s3;
	[dreg:$0x6] =	wrdreg s6  }
0x10: {  	s7 =	simm.s32 $0x6D8;
	s24 =	sadd.s32 $0x133600, s1;
	[dreg:$0x8] =	wrdreg s23  }
0x11: {  	s8 =	simm.s32 $0x1;
	s25 =	sadd.s32 $0x14820C, s3;
	[dreg:$0x3] =	wrdreg s24  }
0x12: {  	s13 =	sadd.s32 $0x12D200, s1;
	s0 =	smax.u32 s0, $0x1;
	[dreg:$0x9] =	wrdreg s25  }
0x13: {  	s26 =	sadd.s32 $0x13FE00, s1;
	s30 =	sadd.s32 $0x468200, s3;
	[dreg:$0xa] =	wrdreg s0  }
0x14: {  	s15 =	sadd.s32 $0x139A00, s1;
	s1 =	simm.s32 $0x2720;
	[dreg:$0xb] =	wrdreg s26  }
0x15: {  	s3 =	simm.s32 $0x0;
	[dreg:$0xc] =	wrdreg s30;
	s24 =	simm.s32 $0x4C8  }
0x16: {  	s6 =	simm.s32 $0x3920;
	s26 =	simm.s32 $0x548;
	[dreg:$0x7] =	wrdreg s13  }
.LBB2_1:
0x17: {  	[dreg:$0xd] =	wrdreg s3;
	s0 =	sadd.s32 $0x0, s13  }
0x18: {  	[tilespmem:s17], [sflag:$0x2] =	stream.linear.gather [hbm4b:s0+s28], $0x320, $0x38;
	[tilespmem:$0x16B20] =	vst v63  }
0x19: {  	_ =	swait.ge [sflag:s18], $0x320  }
0x1a: {  	[sflag:s18] =	ssyncset.done $0x0  }
0x1b: {  	[sflag:s18] =	ssyncadd.s32 $0xFFFFFCE0  }
0x1c: {  	[tilespmem:s20], [sflag:$0x1] =	stream.indirect.gather [hbm4b:s4+s19], $0x40, s17, s19, $0xb8;
	[tilespmem:$0x16B20] =	vst v63  }
0x1d: {  	_ = 	snop  }
0x1e: {  	[tilespmem:s1], [sflag:$0x1] =	stream.indirect.gather [hbm4b:s4+s21], $0x40, s22, s21, $0xb8;
	[tilespmem:$0x16B20] =	vst v63  }
0x1f: {  	_ = 	snop  }
0x20: {  	[tilespmem:s6], [sflag:$0x1] =	stream.indirect.gather [hbm4b:s4+s19], $0x40, s24, s19, $0xb8;
	[tilespmem:$0x16B20] =	vst v63  }
0x21: {  	_ = 	snop  }
0x22: {  	[tilespmem:s9], [sflag:$0x1] =	stream.indirect.gather [hbm4b:s4+s21], $0x40, s26, s21, $0xb8;
	[tilespmem:$0x16B20] =	vst v63  }
0x23: {  	_ = 	snop  }
0x24: {  	[tilespmem:s11], [sflag:$0x1] =	stream.indirect.gather [hbm4b:s4+s19], $0x40, s29, s19, $0xb8;
	[tilespmem:$0x16B20] =	vst v63  }
0x25: {  	_ = 	snop  }
0x26: {  	[tilespmem:s12], [sflag:$0x1] =	stream.indirect.gather [hbm4b:s4+s21], $0x40, s31, s21, $0xb8;
	[tilespmem:$0x16B20] =	vst v63  }
0x27: {  	_ = 	snop  }
0x28: {  	[tilespmem:s14], [sflag:$0x1] =	stream.indirect.gather [hbm4b:s4+s19], $0x40, s2, s19, $0xb8;
	[tilespmem:$0x16B20] =	vst v63  }
0x29: {  	_ = 	snop  }
0x2a: {  	[tilespmem:s16], [sflag:$0x1] =	stream.indirect.gather [hbm4b:s4+s21], $0x40, s7, s21, $0xb8;
	[tilespmem:$0x16B20] =	vst v63  }
0x2b: {  	_ =	swait.ge [sflag:s8], $0x2000  }
0x2c: {  	[sflag:s8] =	ssyncset.done $0x0  }
0x2d: {  	[sflag:s8] =	ssyncadd.s32 $0xFFFFE000  }
0x2e: {  	_ =	swait.ge [sflag:s8], $0x1200  }
0x2f: {  	[sflag:s8] =	ssyncset.done $0x0  }
0x30: {  	[sflag:s8] =	ssyncadd.s32 $0xFFFFEE00  }
0x31: {  	_ =	swait.ge [sflag:s8], $0x2000  }
0x32: {  	[sflag:s8] =	ssyncset.done $0x0  }
0x33: {  	[sflag:s8] =	ssyncadd.s32 $0xFFFFE000  }
0x34: {  	_ =	swait.ge [sflag:s8], $0x1200  }
0x35: {  	[sflag:s8] =	ssyncset.done $0x0  }
0x36: {  	[sflag:s8] =	ssyncadd.s32 $0xFFFFEE00  }
0x37: {  	_ =	swait.ge [sflag:s8], $0x2000  }
0x38: {  	[sflag:s8] =	ssyncset.done $0x0  }
0x39: {  	[sflag:s8] =	ssyncadd.s32 $0xFFFFE000  }
0x3a: {  	_ =	swait.ge [sflag:s8], $0x1200  }
0x3b: {  	[sflag:s8] =	ssyncset.done $0x0  }
0x3c: {  	[sflag:s8] =	ssyncadd.s32 $0xFFFFEE00  }
0x3d: {  	_ =	swait.ge [sflag:s8], $0x2000  }
0x3e: {  	[sflag:s8] =	ssyncset.done $0x0  }
0x3f: {  	s23 =	simm.s32 $0xBD20;
	s3 =	simm.s32 $0x3920;
	[sflag:s8] =	ssyncadd.s32 $0xFFFFE000  }
0x40: {  	s30 =	sadd.s32 $0xC80, s13;
	s0 =	simm.s32 $0x1900;
	_ =	swait.ge [sflag:s8], $0x1200  }
0x41: {  	s6 =	simm.s32 $0x2720;
	s9 =	simm.s32 $0x5920;
	[sflag:s8] =	ssyncset.done $0x0  }
0x42: {  	s12 =	simm.s32 $0x40;
	s25 =	rddreg [dreg:$0x6];
	[sflag:s8] =	ssyncadd.s32 $0xFFFFEE00  }
0x43: {  	[hbm4b:s25+s12] =	stream.strided.scatter [tilespmem:s20], [sflag:$0x2], $0xC800, s19, s12, $0x38;
	[tilespmem:$0x16B20] =	vst v63  }
0x44: {  	s11 =	simm.s32 $0x6B20;
	s14 =	simm.s32 $0x8B20;
	_ =	swait.ge [sflag:s18], $0xC800  }
0x45: {  	s16 =	simm.s32 $0x9D20;
	s28 =	sadd.s32 $0x64000, s25;
	[sflag:s18] =	ssyncset.done $0x0  }
.LBB2_2:
0x46: {  	s1 =	sadd.s32 s0, s13;
	s25 =	simm.s32 $0x0;
	[sflag:s18] =	ssyncadd.s32 $0xFFFF3800  }
0x47: {  	[tilespmem:s17], [sflag:$0x2] =	stream.linear.gather [hbm4b:s30+s25], $0x320, $0x38;
	[tilespmem:$0x16B20] =	vst v63  }
0x48: {  	p1 =	sne.s32 s0, $0x5780;
	s0 =	sadd.s32 $0xC80, s0;
	_ =	swait.ge [sflag:s18], $0x320  }
0x49: {  	s30 =	smov.u32 s1;
	[sflag:s18] =	ssyncset.done $0x0  }
0x4a: {  	[sflag:s18] =	ssyncadd.s32 $0xFFFFFCE0  }
0x4b: {  	[tilespmem:s20], [sflag:$0x1] =	stream.indirect.gather [hbm4b:s4+s19], $0x40, s17, s19, $0xb8;
	[tilespmem:$0x16B20] =	vst v63  }
0x4c: {  	_ = 	snop  }
0x4d: {  	[tilespmem:s6], [sflag:$0x1] =	stream.indirect.gather [hbm4b:s4+s21], $0x40, s22, s21, $0xb8;
	[tilespmem:$0x16B20] =	vst v63  }
0x4e: {  	_ = 	snop  }
0x4f: {  	[tilespmem:s3], [sflag:$0x1] =	stream.indirect.gather [hbm4b:s4+s19], $0x40, s24, s19, $0xb8;
	[tilespmem:$0x16B20] =	vst v63  }
0x50: {  	_ = 	snop  }
0x51: {  	[tilespmem:s9], [sflag:$0x1] =	stream.indirect.gather [hbm4b:s4+s21], $0x40, s26, s21, $0xb8;
	[tilespmem:$0x16B20] =	vst v63  }
0x52: {  	_ = 	snop  }
0x53: {  	[tilespmem:s11], [sflag:$0x1] =	stream.indirect.gather [hbm4b:s4+s19], $0x40, s29, s19, $0xb8;
	[tilespmem:$0x16B20] =	vst v63  }
0x54: {  	_ = 	snop  }
0x55: {  	[tilespmem:s14], [sflag:$0x1] =	stream.indirect.gather [hbm4b:s4+s21], $0x40, s31, s21, $0xb8;
	[tilespmem:$0x16B20] =	vst v63  }
0x56: {  	_ = 	snop  }
0x57: {  	[tilespmem:s16], [sflag:$0x1] =	stream.indirect.gather [hbm4b:s4+s19], $0x40, s2, s19, $0xb8;
	[tilespmem:$0x16B20] =	vst v63  }
0x58: {  	_ = 	snop  }
0x59: {  	[tilespmem:s23], [sflag:$0x1] =	stream.indirect.gather [hbm4b:s4+s21], $0x40, s7, s21, $0xb8;
	[tilespmem:$0x16B20] =	vst v63  }
0x5a: {  	_ =	swait.ge [sflag:s8], $0x2000  }
0x5b: {  	[sflag:s8] =	ssyncset.done $0x0  }
0x5c: {  	[sflag:s8] =	ssyncadd.s32 $0xFFFFE000  }
0x5d: {  	_ =	swait.ge [sflag:s8], $0x1200  }
0x5e: {  	[sflag:s8] =	ssyncset.done $0x0  }
0x5f: {  	[sflag:s8] =	ssyncadd.s32 $0xFFFFEE00  }
0x60: {  	_ =	swait.ge [sflag:s8], $0x2000  }
0x61: {  	[sflag:s8] =	ssyncset.done $0x0  }
0x62: {  	[sflag:s8] =	ssyncadd.s32 $0xFFFFE000  }
0x63: {  	_ =	swait.ge [sflag:s8], $0x1200  }
0x64: {  	[sflag:s8] =	ssyncset.done $0x0  }
0x65: {  	[sflag:s8] =	ssyncadd.s32 $0xFFFFEE00  }
0x66: {  	_ =	swait.ge [sflag:s8], $0x2000  }
0x67: {  	[sflag:s8] =	ssyncset.done $0x0  }
0x68: {  	[sflag:s8] =	ssyncadd.s32 $0xFFFFE000  }
0x69: {  	_ =	swait.ge [sflag:s8], $0x1200  }
0x6a: {  	[sflag:s8] =	ssyncset.done $0x0  }
0x6b: {  	[sflag:s8] =	ssyncadd.s32 $0xFFFFEE00  }
0x6c: {  	_ =	swait.ge [sflag:s8], $0x2000  }
0x6d: {  	[sflag:s8] =	ssyncset.done $0x0  }
0x6e: {  	[sflag:s8] =	ssyncadd.s32 $0xFFFFE000  }
0x6f: {  	_ =	swait.ge [sflag:s8], $0x1200  }
.Ltmp0:
0x70: {  	[sflag:s8] =	ssyncset.done $0x0;
	(pc) =	sbr.rel @p1 .LBB2_2-.Ltmp0, $4  }
0x71: {  	[sflag:s8] =	ssyncadd.s32 $0xFFFFEE00  }
0x72: {  	[hbm4b:s28+s12] =	stream.strided.scatter [tilespmem:s20], [sflag:$0x2], $0xC800, s19, s12, $0x38;
	[tilespmem:$0x16B20] =	vst v63  }
0x73: {  	_ =	swait.ge [sflag:s18], $0xC800  }
0x74: {  	s28 =	sadd.s32 $0x64000, s28;
	[sflag:s18] =	ssyncset.done $0x0  }
0x75: {  	[sflag:s18] =	ssyncadd.s32 $0xFFFF3800  }
0x76: {  	[tilespmem:s17], [sflag:$0x2] =	stream.linear.gather [hbm4b:s30+s25], $0x320, $0x38;
	[tilespmem:$0x16B20] =	vst v63  }
0x77: {  	_ =	swait.ge [sflag:s18], $0x320  }
0x78: {  	[sflag:s18] =	ssyncset.done $0x0  }
0x79: {  	[sflag:s18] =	ssyncadd.s32 $0xFFFFFCE0  }
0x7a: {  	[tilespmem:s20], [sflag:$0x1] =	stream.indirect.gather [hbm4b:s4+s19], $0x40, s17, s19, $0xb8;
	[tilespmem:$0x16B20] =	vst v63  }
0x7b: {  	_ = 	snop  }
0x7c: {  	[tilespmem:s6], [sflag:$0x1] =	stream.indirect.gather [hbm4b:s4+s21], $0x40, s22, s21, $0xb8;
	[tilespmem:$0x16B20] =	vst v63  }
0x7d: {  	_ = 	snop  }
0x7e: {  	[tilespmem:s3], [sflag:$0x1] =	stream.indirect.gather [hbm4b:s4+s19], $0x40, s24, s19, $0xb8;
	[tilespmem:$0x16B20] =	vst v63  }
0x7f: {  	_ = 	snop  }
0x80: {  	[tilespmem:s9], [sflag:$0x1] =	stream.indirect.gather [hbm4b:s4+s21], $0x40, s26, s21, $0xb8;
	[tilespmem:$0x16B20] =	vst v63  }
0x81: {  	_ = 	snop  }
0x82: {  	[tilespmem:s11], [sflag:$0x1] =	stream.indirect.gather [hbm4b:s4+s19], $0x40, s29, s19, $0xb8;
	[tilespmem:$0x16B20] =	vst v63  }
0x83: {  	_ = 	snop  }
0x84: {  	[tilespmem:s14], [sflag:$0x1] =	stream.indirect.gather [hbm4b:s4+s21], $0x40, s31, s21, $0xb8;
	[tilespmem:$0x16B20] =	vst v63  }
0x85: {  	_ = 	snop  }
0x86: {  	[tilespmem:s16], [sflag:$0x1] =	stream.indirect.gather [hbm4b:s4+s19], $0x40, s2, s19, $0xb8;
	[tilespmem:$0x16B20] =	vst v63  }
0x87: {  	_ = 	snop  }
0x88: {  	[tilespmem:s23], [sflag:$0x1] =	stream.indirect.gather [hbm4b:s4+s21], $0x40, s7, s21, $0xb8;
	[tilespmem:$0x16B20] =	vst v63  }
0x89: {  	_ =	swait.ge [sflag:s8], $0x2000  }
0x8a: {  	[sflag:s8] =	ssyncset.done $0x0  }
0x8b: {  	[sflag:s8] =	ssyncadd.s32 $0xFFFFE000  }
0x8c: {  	_ =	swait.ge [sflag:s8], $0x1200  }
0x8d: {  	[sflag:s8] =	ssyncset.done $0x0  }
0x8e: {  	[sflag:s8] =	ssyncadd.s32 $0xFFFFEE00  }
0x8f: {  	_ =	swait.ge [sflag:s8], $0x2000  }
0x90: {  	[sflag:s8] =	ssyncset.done $0x0  }
0x91: {  	[sflag:s8] =	ssyncadd.s32 $0xFFFFE000  }
0x92: {  	_ =	swait.ge [sflag:s8], $0x1200  }
0x93: {  	[sflag:s8] =	ssyncset.done $0x0  }
0x94: {  	[sflag:s8] =	ssyncadd.s32 $0xFFFFEE00  }
0x95: {  	_ =	swait.ge [sflag:s8], $0x2000  }
0x96: {  	[sflag:s8] =	ssyncset.done $0x0  }
0x97: {  	[sflag:s8] =	ssyncadd.s32 $0xFFFFE000  }
0x98: {  	_ =	swait.ge [sflag:s8], $0x1200  }
0x99: {  	[sflag:s8] =	ssyncset.done $0x0  }
0x9a: {  	[sflag:s8] =	ssyncadd.s32 $0xFFFFEE00  }
0x9b: {  	_ =	swait.ge [sflag:s8], $0x2000  }
0x9c: {  	[sflag:s8] =	ssyncset.done $0x0  }
0x9d: {  	[sflag:s8] =	ssyncadd.s32 $0xFFFFE000  }
0x9e: {  	_ =	swait.ge [sflag:s8], $0x1200  }
0x9f: {  	p2 =	por $0x1, $0x1;
	[sflag:s8] =	ssyncset.done $0x0  }
.Ltmp1:
0xa0: {  	p1 =	por $0x0, $0x0;
	[sflag:s8] =	ssyncadd.s32 $0xFFFFEE00;
	(pc) =	sbr.rel @!p2 .LBB2_8-.Ltmp1, $4  }
0xa1: {  	[hbm4b:s28+s12] =	stream.strided.scatter [tilespmem:s20], [sflag:$0x2], $0xC800, s19, s12, $0x38;
	[tilespmem:$0x16B20] =	vst v63  }
0xa2: {  	s0 =	simm.s32 $0x0;
	p3 =	por $0x0, $0x0;
	_ =	swait.ge [sflag:s18], $0xC800  }
0xa3: {  	s28 =	simm.s32 $0xC80;
	[sflag:s18] =	ssyncset.done $0x0;
	s30 =	rddreg [dreg:$0x8]  }
0xa4: {  	s12 =	simm.s32 $0x11720;
	s13 =	rddreg [dreg:$0x3];
	[sflag:s18] =	ssyncadd.s32 $0xFFFF3800  }
0xa5: {  	s0 =	sadd.s32 $0x0, s13  }
0xa6: {  	[tilespmem:s17], [sflag:$0x2] =	stream.linear.gather [hbm4b:s0+s25], $0x320, $0x38;
	[tilespmem:$0x16B20] =	vst v63  }
0xa7: {  	_ =	swait.ge [sflag:s18], $0x320  }
0xa8: {  	[sflag:s18] =	ssyncset.done $0x0  }
0xa9: {  	[sflag:s18] =	ssyncadd.s32 $0xFFFFFCE0  }
0xaa: {  	[tilespmem:s10], [sflag:$0x1] =	stream.indirect.gather [hbm4b:s5+s19], $0x20, s17, s19, $0xb8;
	[tilespmem:$0x16B20] =	vst v63  }
0xab: {  	_ = 	snop  }
0xac: {  	[tilespmem:s12], [sflag:$0x1] =	stream.indirect.gather [hbm4b:s5+s21], $0x20, s22, s21, $0xb8;
	[tilespmem:$0x16B20] =	vst v63  }
0xad: {  	s23 =	simm.s32 $0x12020  }
0xae: {  	[tilespmem:s23], [sflag:$0x1] =	stream.indirect.gather [hbm4b:s5+s19], $0x20, s24, s19, $0xb8;
	[tilespmem:$0x16B20] =	vst v63  }
0xaf: {  	s6 =	simm.s32 $0x13020  }
0xb0: {  	[tilespmem:s6], [sflag:$0x1] =	stream.indirect.gather [hbm4b:s5+s21], $0x20, s26, s21, $0xb8;
	[tilespmem:$0x16B20] =	vst v63  }
0xb1: {  	s3 =	simm.s32 $0x13920  }
0xb2: {  	[tilespmem:s3], [sflag:$0x1] =	stream.indirect.gather [hbm4b:s5+s19], $0x20, s29, s19, $0xb8;
	[tilespmem:$0x16B20] =	vst v63  }
0xb3: {  	s9 =	simm.s32 $0x14920  }
0xb4: {  	[tilespmem:s9], [sflag:$0x1] =	stream.indirect.gather [hbm4b:s5+s21], $0x20, s31, s21, $0xb8;
	[tilespmem:$0x16B20] =	vst v63  }
0xb5: {  	s11 =	simm.s32 $0x15220  }
0xb6: {  	[tilespmem:s11], [sflag:$0x1] =	stream.indirect.gather [hbm4b:s5+s19], $0x20, s2, s19, $0xb8;
	[tilespmem:$0x16B20] =	vst v63  }
0xb7: {  	s14 =	simm.s32 $0x16220  }
0xb8: {  	[tilespmem:s14], [sflag:$0x1] =	stream.indirect.gather [hbm4b:s5+s21], $0x20, s7, s21, $0xb8;
	[tilespmem:$0x16B20] =	vst v63  }
0xb9: {  	_ =	swait.ge [sflag:s8], $0x1000  }
0xba: {  	[sflag:s8] =	ssyncset.done $0x0  }
0xbb: {  	[sflag:s8] =	ssyncadd.s32 $0xFFFFF000  }
0xbc: {  	_ =	swait.ge [sflag:s8], $0x900  }
0xbd: {  	[sflag:s8] =	ssyncset.done $0x0  }
0xbe: {  	[sflag:s8] =	ssyncadd.s32 $0xFFFFF700  }
0xbf: {  	_ =	swait.ge [sflag:s8], $0x1000  }
0xc0: {  	[sflag:s8] =	ssyncset.done $0x0  }
0xc1: {  	[sflag:s8] =	ssyncadd.s32 $0xFFFFF000  }
0xc2: {  	_ =	swait.ge [sflag:s8], $0x900  }
0xc3: {  	[sflag:s8] =	ssyncset.done $0x0  }
0xc4: {  	[sflag:s8] =	ssyncadd.s32 $0xFFFFF700  }
0xc5: {  	_ =	swait.ge [sflag:s8], $0x1000  }
0xc6: {  	[sflag:s8] =	ssyncset.done $0x0  }
0xc7: {  	[sflag:s8] =	ssyncadd.s32 $0xFFFFF000  }
0xc8: {  	_ =	swait.ge [sflag:s8], $0x900  }
0xc9: {  	[sflag:s8] =	ssyncset.done $0x0  }
0xca: {  	[sflag:s8] =	ssyncadd.s32 $0xFFFFF700  }
0xcb: {  	_ =	swait.ge [sflag:s8], $0x1000  }
0xcc: {  	[sflag:s8] =	ssyncset.done $0x0  }
0xcd: {  	[sflag:s8] =	ssyncadd.s32 $0xFFFFF000  }
0xce: {  	p4 =	por $0x1, $0x1;
	_ =	swait.ge [sflag:s8], $0x900  }
.Ltmp2:
0xcf: {  	[sflag:s8] =	ssyncset.done $0x0;
	(pc) =	sbr.rel @!p4 .LBB2_5-.Ltmp2, $4  }
0xd0: {  	s16 =	simm.s32 $0x20;
	s1 =	rddreg [dreg:$0x8];
	[sflag:s8] =	ssyncadd.s32 $0xFFFFF700  }
0xd1: {  	[hbm4b:s1+s16] =	stream.strided.scatter [tilespmem:s10], [sflag:$0x2], $0x6400, s19, s16, $0x38;
	[tilespmem:$0x16B20] =	vst v63  }
0xd2: {  	p3 =	por $0x1, $0x1;
	_ =	swait.ge [sflag:s18], $0x6400  }
0xd3: {  	s0 =	simm.s32 $0x1900;
	s30 =	sadd.s32 $0x64000, s1;
	[sflag:s18] =	ssyncset.done $0x0  }
.LBB2_6:
0xd4: {  	s1 =	rddreg [dreg:$0x3]  }
0xd5: {  	[sflag:s18] =	ssyncadd.s32 $0xFFFF9C00;
	s13 =	sadd.s32 s28, s1  }
0xd6: {  	[tilespmem:s17], [sflag:$0x2] =	stream.linear.gather [hbm4b:s13+s25], $0x320, $0x38;
	[tilespmem:$0x16B20] =	vst v63  }
0xd7: {  	s13 =	rddreg [dreg:$0x3];
	_ =	swait.ge [sflag:s18], $0x320  }
0xd8: {  	[sflag:s18] =	ssyncset.done $0x0  }
0xd9: {  	[sflag:s18] =	ssyncadd.s32 $0xFFFFFCE0  }
0xda: {  	[tilespmem:s10], [sflag:$0x1] =	stream.indirect.gather [hbm4b:s5+s19], $0x20, s17, s19, $0xb8;
	[tilespmem:$0x16B20] =	vst v63  }
0xdb: {  	_ = 	snop  }
0xdc: {  	[tilespmem:s12], [sflag:$0x1] =	stream.indirect.gather [hbm4b:s5+s21], $0x20, s22, s21, $0xb8;
	[tilespmem:$0x16B20] =	vst v63  }
0xdd: {  	_ = 	snop  }
0xde: {  	[tilespmem:s23], [sflag:$0x1] =	stream.indirect.gather [hbm4b:s5+s19], $0x20, s24, s19, $0xb8;
	[tilespmem:$0x16B20] =	vst v63  }
0xdf: {  	_ = 	snop  }
0xe0: {  	[tilespmem:s6], [sflag:$0x1] =	stream.indirect.gather [hbm4b:s5+s21], $0x20, s26, s21, $0xb8;
	[tilespmem:$0x16B20] =	vst v63  }
0xe1: {  	_ = 	snop  }
0xe2: {  	[tilespmem:s3], [sflag:$0x1] =	stream.indirect.gather [hbm4b:s5+s19], $0x20, s29, s19, $0xb8;
	[tilespmem:$0x16B20] =	vst v63  }
0xe3: {  	_ = 	snop  }
0xe4: {  	[tilespmem:s9], [sflag:$0x1] =	stream.indirect.gather [hbm4b:s5+s21], $0x20, s31, s21, $0xb8;
	[tilespmem:$0x16B20] =	vst v63  }
0xe5: {  	_ = 	snop  }
0xe6: {  	[tilespmem:s11], [sflag:$0x1] =	stream.indirect.gather [hbm4b:s5+s19], $0x20, s2, s19, $0xb8;
	[tilespmem:$0x16B20] =	vst v63  }
0xe7: {  	_ = 	snop  }
0xe8: {  	[tilespmem:s14], [sflag:$0x1] =	stream.indirect.gather [hbm4b:s5+s21], $0x20, s7, s21, $0xb8;
	[tilespmem:$0x16B20] =	vst v63  }
0xe9: {  	_ =	swait.ge [sflag:s8], $0x1000  }
0xea: {  	[sflag:s8] =	ssyncset.done $0x0  }
0xeb: {  	[sflag:s8] =	ssyncadd.s32 $0xFFFFF000  }
0xec: {  	_ =	swait.ge [sflag:s8], $0x900  }
0xed: {  	[sflag:s8] =	ssyncset.done $0x0  }
0xee: {  	[sflag:s8] =	ssyncadd.s32 $0xFFFFF700  }
0xef: {  	_ =	swait.ge [sflag:s8], $0x1000  }
0xf0: {  	[sflag:s8] =	ssyncset.done $0x0  }
0xf1: {  	[sflag:s8] =	ssyncadd.s32 $0xFFFFF000  }
0xf2: {  	_ =	swait.ge [sflag:s8], $0x900  }
0xf3: {  	[sflag:s8] =	ssyncset.done $0x0  }
0xf4: {  	[sflag:s8] =	ssyncadd.s32 $0xFFFFF700  }
0xf5: {  	_ =	swait.ge [sflag:s8], $0x1000  }
0xf6: {  	[sflag:s8] =	ssyncset.done $0x0  }
0xf7: {  	[sflag:s8] =	ssyncadd.s32 $0xFFFFF000  }
0xf8: {  	_ =	swait.ge [sflag:s8], $0x900  }
0xf9: {  	[sflag:s8] =	ssyncset.done $0x0  }
0xfa: {  	[sflag:s8] =	ssyncadd.s32 $0xFFFFF700  }
0xfb: {  	_ =	swait.ge [sflag:s8], $0x1000  }
0xfc: {  	[sflag:s8] =	ssyncset.done $0x0  }
0xfd: {  	[sflag:s8] =	ssyncadd.s32 $0xFFFFF000  }
0xfe: {  	p4 =	sne.s32 s0, $0x5780;
	_ =	swait.ge [sflag:s8], $0x900  }
.Ltmp3:
0xff: {  	[sflag:s8] =	ssyncset.done $0x0;
	(pc) =	sbr.rel @p4 .LBB2_6-.Ltmp3, $4  }
0x100: {  	[sflag:s8] =	ssyncadd.s32 $0xFFFFF700  }
0x101: {  	[hbm4b:s30+s16] =	stream.strided.scatter [tilespmem:s10], [sflag:$0x2], $0x6400, s19, s16, $0x38;
	[tilespmem:$0x16B20] =	vst v63  }
0x102: {  	s28 =	smov.u32 s0;
	s1 =	sadd.s32 $0xC80, s0;
	_ =	swait.ge [sflag:s18], $0x6400  }
0x103: {  	s0 =	smov.u32 s1;
	s30 =	sadd.s32 $0x64000, s30;
	[sflag:s18] =	ssyncset.done $0x0  }
0x104: {  	s0 =	smov.u32 s28  }
.LBB2_8:
0x105: {  	s0 =	sadd.s32 s0, s13;
	[sflag:s18] =	ssyncadd.s32 @p3 $0xFFFF9C00  }
0x106: {  	[tilespmem:s17], [sflag:$0x2] =	stream.linear.gather [hbm4b:s0+s25], $0x320, $0x38;
	[tilespmem:$0x16B20] =	vst v63  }
0x107: {  	_ =	swait.ge [sflag:s18], $0x320  }
0x108: {  	[sflag:s18] =	ssyncset.done $0x0  }
0x109: {  	[sflag:s18] =	ssyncadd.s32 $0xFFFFFCE0  }
0x10a: {  	[tilespmem:s10], [sflag:$0x1] =	stream.indirect.gather [hbm4b:s5+s19], $0x20, s17, s19, $0xb8;
	[tilespmem:$0x16B20] =	vst v63  }
0x10b: {  	_ = 	snop  }
0x10c: {  	[tilespmem:s12], [sflag:$0x1] =	stream.indirect.gather [hbm4b:s5+s21], $0x20, s22, s21, $0xb8;
	[tilespmem:$0x16B20] =	vst v63  }
0x10d: {  	s0 =	simm.s32 $0x12020  }
0x10e: {  	[tilespmem:s0], [sflag:$0x1] =	stream.indirect.gather [hbm4b:s5+s19], $0x20, s24, s19, $0xb8;
	[tilespmem:$0x16B20] =	vst v63  }
0x10f: {  	s6 =	simm.s32 $0x13020  }
0x110: {  	[tilespmem:s6], [sflag:$0x1] =	stream.indirect.gather [hbm4b:s5+s21], $0x20, s26, s21, $0xb8;
	[tilespmem:$0x16B20] =	vst v63  }
0x111: {  	s3 =	simm.s32 $0x13920  }
0x112: {  	[tilespmem:s3], [sflag:$0x1] =	stream.indirect.gather [hbm4b:s5+s19], $0x20, s29, s19, $0xb8;
	[tilespmem:$0x16B20] =	vst v63  }
0x113: {  	s9 =	simm.s32 $0x14920  }
0x114: {  	[tilespmem:s9], [sflag:$0x1] =	stream.indirect.gather [hbm4b:s5+s21], $0x20, s31, s21, $0xb8;
	[tilespmem:$0x16B20] =	vst v63  }
0x115: {  	s11 =	simm.s32 $0x15220  }
0x116: {  	[tilespmem:s11], [sflag:$0x1] =	stream.indirect.gather [hbm4b:s5+s19], $0x20, s2, s19, $0xb8;
	[tilespmem:$0x16B20] =	vst v63  }
0x117: {  	s14 =	simm.s32 $0x16220  }
0x118: {  	[tilespmem:s14], [sflag:$0x1] =	stream.indirect.gather [hbm4b:s5+s21], $0x20, s7, s21, $0xb8;
	[tilespmem:$0x16B20] =	vst v63  }
0x119: {  	_ =	swait.ge [sflag:s8], $0x1000  }
0x11a: {  	[sflag:s8] =	ssyncset.done $0x0  }
0x11b: {  	[sflag:s8] =	ssyncadd.s32 $0xFFFFF000  }
0x11c: {  	_ =	swait.ge [sflag:s8], $0x900  }
0x11d: {  	[sflag:s8] =	ssyncset.done $0x0  }
0x11e: {  	[sflag:s8] =	ssyncadd.s32 $0xFFFFF700  }
0x11f: {  	_ =	swait.ge [sflag:s8], $0x1000  }
0x120: {  	[sflag:s8] =	ssyncset.done $0x0  }
0x121: {  	[sflag:s8] =	ssyncadd.s32 $0xFFFFF000  }
0x122: {  	_ =	swait.ge [sflag:s8], $0x900  }
0x123: {  	[sflag:s8] =	ssyncset.done $0x0  }
0x124: {  	[sflag:s8] =	ssyncadd.s32 $0xFFFFF700  }
0x125: {  	_ =	swait.ge [sflag:s8], $0x1000  }
0x126: {  	[sflag:s8] =	ssyncset.done $0x0  }
0x127: {  	[sflag:s8] =	ssyncadd.s32 $0xFFFFF000  }
0x128: {  	_ =	swait.ge [sflag:s8], $0x900  }
0x129: {  	[sflag:s8] =	ssyncset.done $0x0  }
0x12a: {  	[sflag:s8] =	ssyncadd.s32 $0xFFFFF700  }
0x12b: {  	_ =	swait.ge [sflag:s8], $0x1000  }
0x12c: {  	[sflag:s8] =	ssyncset.done $0x0  }
0x12d: {  	[sflag:s8] =	ssyncadd.s32 $0xFFFFF000  }
0x12e: {  	_ =	swait.ge [sflag:s8], $0x900  }
0x12f: {  	[sflag:s8] =	ssyncset.done $0x0  }
.Ltmp4:
0x130: {  	s1 =	simm.s32 $0x20;
	[sflag:s8] =	ssyncadd.s32 $0xFFFFF700;
	(pc) =	sbr.rel @!p2 .LBB2_9-.Ltmp4, $4  }
0x131: {  	[hbm4b:s30+s1] =	stream.strided.scatter [tilespmem:s10], [sflag:$0x2], $0x6400, s19, s1, $0x38;
	[tilespmem:$0x16B20] =	vst v63  }
0x132: {  	_ =	swait.ge [sflag:s18], $0x6400  }
0x133: {  	[sflag:s18] =	ssyncset.done $0x0;
	s13 =	rddreg [dreg:$0xb]  }
0x134: {  	s16 =	simm.s32 $0x20;
	[sflag:s18] =	ssyncadd.s32 $0xFFFF9C00;
	s1 =	sadd.s32 $0x0, s13  }
0x135: {  	s28 =	simm.s32 $0x0  }
0x136: {  	[tilespmem:s17], [sflag:$0x2] =	stream.linear.gather [hbm4b:s1+s28], $0x320, $0x38;
	[tilespmem:$0x16B20] =	vst v63  }
0x137: {  	_ =	swait.ge [sflag:s18], $0x320  }
0x138: {  	[sflag:s18] =	ssyncset.done $0x0  }
0x139: {  	[sflag:s18] =	ssyncadd.s32 $0xFFFFFCE0  }
0x13a: {  	[tilespmem:s10], [sflag:$0x1] =	stream.indirect.gather [hbm4b:s5+s19], $0x20, s17, s19, $0xb8;
	[tilespmem:$0x16B20] =	vst v63  }
0x13b: {  	_ = 	snop  }
0x13c: {  	[tilespmem:s12], [sflag:$0x1] =	stream.indirect.gather [hbm4b:s5+s21], $0x20, s22, s21, $0xb8;
	[tilespmem:$0x16B20] =	vst v63  }
0x13d: {  	_ = 	snop  }
0x13e: {  	[tilespmem:s0], [sflag:$0x1] =	stream.indirect.gather [hbm4b:s5+s19], $0x20, s24, s19, $0xb8;
	[tilespmem:$0x16B20] =	vst v63  }
0x13f: {  	_ = 	snop  }
0x140: {  	[tilespmem:s6], [sflag:$0x1] =	stream.indirect.gather [hbm4b:s5+s21], $0x20, s26, s21, $0xb8;
	[tilespmem:$0x16B20] =	vst v63  }
0x141: {  	_ = 	snop  }
0x142: {  	[tilespmem:s3], [sflag:$0x1] =	stream.indirect.gather [hbm4b:s5+s19], $0x20, s29, s19, $0xb8;
	[tilespmem:$0x16B20] =	vst v63  }
0x143: {  	_ = 	snop  }
0x144: {  	[tilespmem:s9], [sflag:$0x1] =	stream.indirect.gather [hbm4b:s5+s21], $0x20, s31, s21, $0xb8;
	[tilespmem:$0x16B20] =	vst v63  }
0x145: {  	_ = 	snop  }
0x146: {  	[tilespmem:s11], [sflag:$0x1] =	stream.indirect.gather [hbm4b:s5+s19], $0x20, s2, s19, $0xb8;
	[tilespmem:$0x16B20] =	vst v63  }
0x147: {  	_ = 	snop  }
0x148: {  	[tilespmem:s14], [sflag:$0x1] =	stream.indirect.gather [hbm4b:s5+s21], $0x20, s7, s21, $0xb8;
	[tilespmem:$0x16B20] =	vst v63  }
0x149: {  	_ =	swait.ge [sflag:s8], $0x1000  }
0x14a: {  	[sflag:s8] =	ssyncset.done $0x0  }
0x14b: {  	[sflag:s8] =	ssyncadd.s32 $0xFFFFF000  }
0x14c: {  	_ =	swait.ge [sflag:s8], $0x900  }
0x14d: {  	[sflag:s8] =	ssyncset.done $0x0  }
0x14e: {  	[sflag:s8] =	ssyncadd.s32 $0xFFFFF700  }
0x14f: {  	_ =	swait.ge [sflag:s8], $0x1000  }
0x150: {  	[sflag:s8] =	ssyncset.done $0x0  }
0x151: {  	[sflag:s8] =	ssyncadd.s32 $0xFFFFF000  }
0x152: {  	_ =	swait.ge [sflag:s8], $0x900  }
0x153: {  	[sflag:s8] =	ssyncset.done $0x0  }
0x154: {  	[sflag:s8] =	ssyncadd.s32 $0xFFFFF700  }
0x155: {  	_ =	swait.ge [sflag:s8], $0x1000  }
0x156: {  	[sflag:s8] =	ssyncset.done $0x0  }
0x157: {  	[sflag:s8] =	ssyncadd.s32 $0xFFFFF000  }
0x158: {  	_ =	swait.ge [sflag:s8], $0x900  }
0x159: {  	[sflag:s8] =	ssyncset.done $0x0  }
0x15a: {  	[sflag:s8] =	ssyncadd.s32 $0xFFFFF700  }
0x15b: {  	_ =	swait.ge [sflag:s8], $0x1000  }
0x15c: {  	s23 =	simm.s32 $0x12020;
	p2 =	por $0x1, $0x1;
	[sflag:s8] =	ssyncset.done $0x0  }
0x15d: {  	s30 =	simm.s32 $0x1900;
	p1 =	por $0x1, $0x1;
	[sflag:s8] =	ssyncadd.s32 $0xFFFFF000  }
0x15e: {  	s0 =	sadd.s32 $0xC80, s13;
	s6 =	simm.s32 $0x13020;
	_ =	swait.ge [sflag:s8], $0x900  }
.Ltmp5:
0x15f: {  	s3 =	simm.s32 $0x13920;
	[sflag:s8] =	ssyncset.done $0x0;
	(pc) =	sbr.rel @!p2 .LBB2_11-.Ltmp5, $4  }
0x160: {  	s9 =	simm.s32 $0x14920;
	s25 =	rddreg [dreg:$0x9];
	[sflag:s8] =	ssyncadd.s32 $0xFFFFF700  }
0x161: {  	[hbm4b:s25+s16] =	stream.strided.scatter [tilespmem:s10], [sflag:$0x2], $0x6400, s19, s16, $0x38;
	[tilespmem:$0x16B20] =	vst v63  }
0x162: {  	s11 =	simm.s32 $0x15220;
	s14 =	simm.s32 $0x16220;
	_ =	swait.ge [sflag:s18], $0x6400  }
0x163: {  	s16 =	simm.s32 $0x20;
	s25 =	sadd.s32 $0x64000, s25;
	[sflag:s18] =	ssyncset.done $0x0  }
.LBB2_12:
0x164: {  	s1 =	sadd.s32 s30, s13;
	[sflag:s18] =	ssyncadd.s32 $0xFFFF9C00  }
0x165: {  	[tilespmem:s17], [sflag:$0x2] =	stream.linear.gather [hbm4b:s0+s28], $0x320, $0x38;
	[tilespmem:$0x16B20] =	vst v63  }
0x166: {  	p2 =	sne.s32 s30, $0x5780;
	s30 =	sadd.s32 $0xC80, s30;
	_ =	swait.ge [sflag:s18], $0x320  }
0x167: {  	s0 =	smov.u32 s1;
	[sflag:s18] =	ssyncset.done $0x0  }
0x168: {  	[sflag:s18] =	ssyncadd.s32 $0xFFFFFCE0  }
0x169: {  	[tilespmem:s10], [sflag:$0x1] =	stream.indirect.gather [hbm4b:s5+s19], $0x20, s17, s19, $0xb8;
	[tilespmem:$0x16B20] =	vst v63  }
0x16a: {  	_ = 	snop  }
0x16b: {  	[tilespmem:s12], [sflag:$0x1] =	stream.indirect.gather [hbm4b:s5+s21], $0x20, s22, s21, $0xb8;
	[tilespmem:$0x16B20] =	vst v63  }
0x16c: {  	_ = 	snop  }
0x16d: {  	[tilespmem:s23], [sflag:$0x1] =	stream.indirect.gather [hbm4b:s5+s19], $0x20, s24, s19, $0xb8;
	[tilespmem:$0x16B20] =	vst v63  }
0x16e: {  	_ = 	snop  }
0x16f: {  	[tilespmem:s6], [sflag:$0x1] =	stream.indirect.gather [hbm4b:s5+s21], $0x20, s26, s21, $0xb8;
	[tilespmem:$0x16B20] =	vst v63  }
0x170: {  	_ = 	snop  }
0x171: {  	[tilespmem:s3], [sflag:$0x1] =	stream.indirect.gather [hbm4b:s5+s19], $0x20, s29, s19, $0xb8;
	[tilespmem:$0x16B20] =	vst v63  }
0x172: {  	_ = 	snop  }
0x173: {  	[tilespmem:s9], [sflag:$0x1] =	stream.indirect.gather [hbm4b:s5+s21], $0x20, s31, s21, $0xb8;
	[tilespmem:$0x16B20] =	vst v63  }
0x174: {  	_ = 	snop  }
0x175: {  	[tilespmem:s11], [sflag:$0x1] =	stream.indirect.gather [hbm4b:s5+s19], $0x20, s2, s19, $0xb8;
	[tilespmem:$0x16B20] =	vst v63  }
0x176: {  	_ = 	snop  }
0x177: {  	[tilespmem:s14], [sflag:$0x1] =	stream.indirect.gather [hbm4b:s5+s21], $0x20, s7, s21, $0xb8;
	[tilespmem:$0x16B20] =	vst v63  }
0x178: {  	_ =	swait.ge [sflag:s8], $0x1000  }
0x179: {  	[sflag:s8] =	ssyncset.done $0x0  }
0x17a: {  	[sflag:s8] =	ssyncadd.s32 $0xFFFFF000  }
0x17b: {  	_ =	swait.ge [sflag:s8], $0x900  }
0x17c: {  	[sflag:s8] =	ssyncset.done $0x0  }
0x17d: {  	[sflag:s8] =	ssyncadd.s32 $0xFFFFF700  }
0x17e: {  	_ =	swait.ge [sflag:s8], $0x1000  }
0x17f: {  	[sflag:s8] =	ssyncset.done $0x0  }
0x180: {  	[sflag:s8] =	ssyncadd.s32 $0xFFFFF000  }
0x181: {  	_ =	swait.ge [sflag:s8], $0x900  }
0x182: {  	[sflag:s8] =	ssyncset.done $0x0  }
0x183: {  	[sflag:s8] =	ssyncadd.s32 $0xFFFFF700  }
0x184: {  	_ =	swait.ge [sflag:s8], $0x1000  }
0x185: {  	[sflag:s8] =	ssyncset.done $0x0  }
0x186: {  	[sflag:s8] =	ssyncadd.s32 $0xFFFFF000  }
0x187: {  	_ =	swait.ge [sflag:s8], $0x900  }
0x188: {  	[sflag:s8] =	ssyncset.done $0x0  }
0x189: {  	[sflag:s8] =	ssyncadd.s32 $0xFFFFF700  }
0x18a: {  	_ =	swait.ge [sflag:s8], $0x1000  }
0x18b: {  	[sflag:s8] =	ssyncset.done $0x0  }
0x18c: {  	[sflag:s8] =	ssyncadd.s32 $0xFFFFF000  }
0x18d: {  	_ =	swait.ge [sflag:s8], $0x900  }
.Ltmp6:
0x18e: {  	[sflag:s8] =	ssyncset.done $0x0;
	(pc) =	sbr.rel @p2 .LBB2_12-.Ltmp6, $4  }
0x18f: {  	[sflag:s8] =	ssyncadd.s32 $0xFFFFF700  }
0x190: {  	[hbm4b:s25+s16] =	stream.strided.scatter [tilespmem:s10], [sflag:$0x2], $0x6400, s19, s16, $0x38;
	[tilespmem:$0x16B20] =	vst v63  }
0x191: {  	_ =	swait.ge [sflag:s18], $0x6400  }
0x192: {  	s25 =	sadd.s32 $0x64000, s25;
	[sflag:s18] =	ssyncset.done $0x0  }
0x193: {  	s14 =	simm.s32 $0x16220;
	s11 =	simm.s32 $0x15220  }
0x194: {  	s9 =	simm.s32 $0x14920;
	s3 =	simm.s32 $0x13920;
	s6 =	simm.s32 $0x13020  }
0x195: {  	s13 =	simm.s32 $0x12020;
	s1 =	smov.u32 s0;
	s16 =	simm.s32 $0x20  }
.LBB2_14:
0x196: {  	s0 =	simm.s32 $0x0;
	[sflag:s18] =	ssyncadd.s32 @p1 $0xFFFF9C00  }
0x197: {  	[tilespmem:s17], [sflag:$0x2] =	stream.linear.gather [hbm4b:s1+s0], $0x320, $0x38;
	[tilespmem:$0x16B20] =	vst v63  }
0x198: {  	_ =	swait.ge [sflag:s18], $0x320  }
0x199: {  	[sflag:s18] =	ssyncset.done $0x0  }
0x19a: {  	[sflag:s18] =	ssyncadd.s32 $0xFFFFFCE0  }
0x19b: {  	[tilespmem:s10], [sflag:$0x1] =	stream.indirect.gather [hbm4b:s5+s19], $0x20, s17, s19, $0xb8;
	[tilespmem:$0x16B20] =	vst v63  }
0x19c: {  	_ = 	snop  }
0x19d: {  	[tilespmem:s12], [sflag:$0x1] =	stream.indirect.gather [hbm4b:s5+s21], $0x20, s22, s21, $0xb8;
	[tilespmem:$0x16B20] =	vst v63  }
0x19e: {  	_ = 	snop  }
0x19f: {  	[tilespmem:s13], [sflag:$0x1] =	stream.indirect.gather [hbm4b:s5+s19], $0x20, s24, s19, $0xb8;
	[tilespmem:$0x16B20] =	vst v63  }
0x1a0: {  	_ = 	snop  }
0x1a1: {  	[tilespmem:s6], [sflag:$0x1] =	stream.indirect.gather [hbm4b:s5+s21], $0x20, s26, s21, $0xb8;
	[tilespmem:$0x16B20] =	vst v63  }
0x1a2: {  	_ = 	snop  }
0x1a3: {  	[tilespmem:s3], [sflag:$0x1] =	stream.indirect.gather [hbm4b:s5+s19], $0x20, s29, s19, $0xb8;
	[tilespmem:$0x16B20] =	vst v63  }
0x1a4: {  	_ = 	snop  }
0x1a5: {  	[tilespmem:s9], [sflag:$0x1] =	stream.indirect.gather [hbm4b:s5+s21], $0x20, s31, s21, $0xb8;
	[tilespmem:$0x16B20] =	vst v63  }
0x1a6: {  	_ = 	snop  }
0x1a7: {  	[tilespmem:s11], [sflag:$0x1] =	stream.indirect.gather [hbm4b:s5+s19], $0x20, s2, s19, $0xb8;
	[tilespmem:$0x16B20] =	vst v63  }
0x1a8: {  	_ = 	snop  }
0x1a9: {  	[tilespmem:s14], [sflag:$0x1] =	stream.indirect.gather [hbm4b:s5+s21], $0x20, s7, s21, $0xb8;
	[tilespmem:$0x16B20] =	vst v63  }
0x1aa: {  	_ =	swait.ge [sflag:s8], $0x1000  }
0x1ab: {  	[sflag:s8] =	ssyncset.done $0x0  }
0x1ac: {  	[sflag:s8] =	ssyncadd.s32 $0xFFFFF000  }
0x1ad: {  	_ =	swait.ge [sflag:s8], $0x900  }
0x1ae: {  	[sflag:s8] =	ssyncset.done $0x0  }
0x1af: {  	[sflag:s8] =	ssyncadd.s32 $0xFFFFF700  }
0x1b0: {  	_ =	swait.ge [sflag:s8], $0x1000  }
0x1b1: {  	[sflag:s8] =	ssyncset.done $0x0  }
0x1b2: {  	[sflag:s8] =	ssyncadd.s32 $0xFFFFF000  }
0x1b3: {  	_ =	swait.ge [sflag:s8], $0x900  }
0x1b4: {  	[sflag:s8] =	ssyncset.done $0x0  }
0x1b5: {  	[sflag:s8] =	ssyncadd.s32 $0xFFFFF700  }
0x1b6: {  	_ =	swait.ge [sflag:s8], $0x1000  }
0x1b7: {  	[sflag:s8] =	ssyncset.done $0x0  }
0x1b8: {  	[sflag:s8] =	ssyncadd.s32 $0xFFFFF000  }
0x1b9: {  	_ =	swait.ge [sflag:s8], $0x900  }
0x1ba: {  	[sflag:s8] =	ssyncset.done $0x0  }
0x1bb: {  	[sflag:s8] =	ssyncadd.s32 $0xFFFFF700  }
0x1bc: {  	_ =	swait.ge [sflag:s8], $0x1000  }
0x1bd: {  	p2 =	por $0x1, $0x1;
	[sflag:s8] =	ssyncset.done $0x0  }
0x1be: {  	p1 =	por $0x0, $0x0;
	s30 =	simm.s32 $0x0;
	[sflag:s8] =	ssyncadd.s32 $0xFFFFF000  }
0x1bf: {  	s1 =	simm.s32 $0x40;
	s12 =	simm.s32 $0x8B20;
	_ =	swait.ge [sflag:s8], $0x900  }
0x1c0: {  	s13 =	smov.u32 s15;
	s6 =	simm.s32 $0x3920;
	[sflag:s8] =	ssyncset.done $0x0  }
.Ltmp7:
0x1c1: {  	s9 =	simm.s32 $0x5920;
	[sflag:s8] =	ssyncadd.s32 $0xFFFFF700;
	(pc) =	sbr.rel @!p2 .LBB2_19-.Ltmp7, $4  }
0x1c2: {  	[hbm4b:s25+s16] =	stream.strided.scatter [tilespmem:s10], [sflag:$0x2], $0x6400, s19, s16, $0x38;
	[tilespmem:$0x16B20] =	vst v63  }
0x1c3: {  	s11 =	simm.s32 $0x6B20;
	s14 =	simm.s32 $0x9D20;
	_ =	swait.ge [sflag:s18], $0x6400  }
0x1c4: {  	s25 =	simm.s32 $0xC80;
	[sflag:s18] =	ssyncset.done $0x0;
	s28 =	rddreg [dreg:$0xc]  }
0x1c5: {  	s16 =	simm.s32 $0xBD20;
	s3 =	rddreg [dreg:$0xd];
	[sflag:s18] =	ssyncadd.s32 $0xFFFF9C00  }
0x1c6: {  	s0 =	sadd.s32 $0x0, s13  }
0x1c7: {  	[tilespmem:s17], [sflag:$0x2] =	stream.linear.gather [hbm4b:s0+s30], $0x320, $0x38;
	[tilespmem:$0x16B20] =	vst v63  }
0x1c8: {  	_ =	swait.ge [sflag:s18], $0x320  }
0x1c9: {  	[sflag:s18] =	ssyncset.done $0x0  }
0x1ca: {  	[sflag:s18] =	ssyncadd.s32 $0xFFFFFCE0  }
0x1cb: {  	[tilespmem:s20], [sflag:$0x1] =	stream.indirect.gather [hbm4b:s4+s19], $0x40, s17, s19, $0xb8;
	[tilespmem:$0x16B20] =	vst v63  }
0x1cc: {  	s6 =	simm.s32 $0x2720  }
0x1cd: {  	[tilespmem:s6], [sflag:$0x1] =	stream.indirect.gather [hbm4b:s4+s21], $0x40, s22, s21, $0xb8;
	[tilespmem:$0x16B20] =	vst v63  }
0x1ce: {  	s3 =	simm.s32 $0x3920  }
0x1cf: {  	[tilespmem:s3], [sflag:$0x1] =	stream.indirect.gather [hbm4b:s4+s19], $0x40, s24, s19, $0xb8;
	[tilespmem:$0x16B20] =	vst v63  }
0x1d0: {  	s9 =	simm.s32 $0x5920  }
0x1d1: {  	[tilespmem:s9], [sflag:$0x1] =	stream.indirect.gather [hbm4b:s4+s21], $0x40, s26, s21, $0xb8;
	[tilespmem:$0x16B20] =	vst v63  }
0x1d2: {  	s11 =	simm.s32 $0x6B20  }
0x1d3: {  	[tilespmem:s11], [sflag:$0x1] =	stream.indirect.gather [hbm4b:s4+s19], $0x40, s29, s19, $0xb8;
	[tilespmem:$0x16B20] =	vst v63  }
0x1d4: {  	s14 =	simm.s32 $0x8B20  }
0x1d5: {  	[tilespmem:s14], [sflag:$0x1] =	stream.indirect.gather [hbm4b:s4+s21], $0x40, s31, s21, $0xb8;
	[tilespmem:$0x16B20] =	vst v63  }
0x1d6: {  	s16 =	simm.s32 $0x9D20  }
0x1d7: {  	[tilespmem:s16], [sflag:$0x1] =	stream.indirect.gather [hbm4b:s4+s19], $0x40, s2, s19, $0xb8;
	[tilespmem:$0x16B20] =	vst v63  }
0x1d8: {  	s23 =	simm.s32 $0xBD20  }
0x1d9: {  	[tilespmem:s23], [sflag:$0x1] =	stream.indirect.gather [hbm4b:s4+s21], $0x40, s7, s21, $0xb8;
	[tilespmem:$0x16B20] =	vst v63  }
0x1da: {  	_ =	swait.ge [sflag:s8], $0x2000  }
0x1db: {  	[sflag:s8] =	ssyncset.done $0x0  }
0x1dc: {  	[sflag:s8] =	ssyncadd.s32 $0xFFFFE000  }
0x1dd: {  	_ =	swait.ge [sflag:s8], $0x1200  }
0x1de: {  	[sflag:s8] =	ssyncset.done $0x0  }
0x1df: {  	[sflag:s8] =	ssyncadd.s32 $0xFFFFEE00  }
0x1e0: {  	_ =	swait.ge [sflag:s8], $0x2000  }
0x1e1: {  	[sflag:s8] =	ssyncset.done $0x0  }
0x1e2: {  	[sflag:s8] =	ssyncadd.s32 $0xFFFFE000  }
0x1e3: {  	_ =	swait.ge [sflag:s8], $0x1200  }
0x1e4: {  	[sflag:s8] =	ssyncset.done $0x0  }
0x1e5: {  	[sflag:s8] =	ssyncadd.s32 $0xFFFFEE00  }
0x1e6: {  	_ =	swait.ge [sflag:s8], $0x2000  }
0x1e7: {  	[sflag:s8] =	ssyncset.done $0x0  }
0x1e8: {  	[sflag:s8] =	ssyncadd.s32 $0xFFFFE000  }
0x1e9: {  	_ =	swait.ge [sflag:s8], $0x1200  }
0x1ea: {  	[sflag:s8] =	ssyncset.done $0x0  }
0x1eb: {  	[sflag:s8] =	ssyncadd.s32 $0xFFFFEE00  }
0x1ec: {  	_ =	swait.ge [sflag:s8], $0x2000  }
0x1ed: {  	[sflag:s8] =	ssyncset.done $0x0  }
0x1ee: {  	[sflag:s8] =	ssyncadd.s32 $0xFFFFE000  }
0x1ef: {  	p2 =	por $0x1, $0x1;
	_ =	swait.ge [sflag:s8], $0x1200  }
.Ltmp8:
0x1f0: {  	[sflag:s8] =	ssyncset.done $0x0;
	(pc) =	sbr.rel @!p2 .LBB2_16-.Ltmp8, $4  }
0x1f1: {  	s12 =	simm.s32 $0x40;
	s0 =	rddreg [dreg:$0xc];
	[sflag:s8] =	ssyncadd.s32 $0xFFFFEE00  }
0x1f2: {  	[hbm4b:s0+s12] =	stream.strided.scatter [tilespmem:s20], [sflag:$0x2], $0xC800, s19, s12, $0x38;
	[tilespmem:$0x16B20] =	vst v63  }
0x1f3: {  	s1 =	simm.s32 $0x1900;
	_ =	swait.ge [sflag:s18], $0xC800  }
0x1f4: {  	p1 =	por $0x1, $0x1;
	s28 =	sadd.s32 $0x64000, s0;
	[sflag:s18] =	ssyncset.done $0x0  }
.LBB2_17:
0x1f5: {  	s13 =	sadd.s32 s25, s15  }
0x1f6: {  	[sflag:s18] =	ssyncadd.s32 $0xFFFF3800;
	s25 =	smov.u32 s1;
	s0 =	sadd.s32 $0xC80, s1  }
0x1f7: {  	[tilespmem:s17], [sflag:$0x2] =	stream.linear.gather [hbm4b:s13+s30], $0x320, $0x38;
	[tilespmem:$0x16B20] =	vst v63  }
0x1f8: {  	p2 =	sne.s32 s1, $0x5780;
	_ =	swait.ge [sflag:s18], $0x320  }
0x1f9: {  	[sflag:s18] =	ssyncset.done $0x0  }
0x1fa: {  	[sflag:s18] =	ssyncadd.s32 $0xFFFFFCE0  }
0x1fb: {  	[tilespmem:s20], [sflag:$0x1] =	stream.indirect.gather [hbm4b:s4+s19], $0x40, s17, s19, $0xb8;
	[tilespmem:$0x16B20] =	vst v63  }
0x1fc: {  	_ = 	snop  }
0x1fd: {  	[tilespmem:s6], [sflag:$0x1] =	stream.indirect.gather [hbm4b:s4+s21], $0x40, s22, s21, $0xb8;
	[tilespmem:$0x16B20] =	vst v63  }
0x1fe: {  	_ = 	snop  }
0x1ff: {  	[tilespmem:s3], [sflag:$0x1] =	stream.indirect.gather [hbm4b:s4+s19], $0x40, s24, s19, $0xb8;
	[tilespmem:$0x16B20] =	vst v63  }
0x200: {  	_ = 	snop  }
0x201: {  	[tilespmem:s9], [sflag:$0x1] =	stream.indirect.gather [hbm4b:s4+s21], $0x40, s26, s21, $0xb8;
	[tilespmem:$0x16B20] =	vst v63  }
0x202: {  	_ = 	snop  }
0x203: {  	[tilespmem:s11], [sflag:$0x1] =	stream.indirect.gather [hbm4b:s4+s19], $0x40, s29, s19, $0xb8;
	[tilespmem:$0x16B20] =	vst v63  }
0x204: {  	_ = 	snop  }
0x205: {  	[tilespmem:s14], [sflag:$0x1] =	stream.indirect.gather [hbm4b:s4+s21], $0x40, s31, s21, $0xb8;
	[tilespmem:$0x16B20] =	vst v63  }
0x206: {  	_ = 	snop  }
0x207: {  	[tilespmem:s16], [sflag:$0x1] =	stream.indirect.gather [hbm4b:s4+s19], $0x40, s2, s19, $0xb8;
	[tilespmem:$0x16B20] =	vst v63  }
0x208: {  	_ = 	snop  }
0x209: {  	[tilespmem:s23], [sflag:$0x1] =	stream.indirect.gather [hbm4b:s4+s21], $0x40, s7, s21, $0xb8;
	[tilespmem:$0x16B20] =	vst v63  }
0x20a: {  	_ =	swait.ge [sflag:s8], $0x2000  }
0x20b: {  	[sflag:s8] =	ssyncset.done $0x0  }
0x20c: {  	[sflag:s8] =	ssyncadd.s32 $0xFFFFE000  }
0x20d: {  	_ =	swait.ge [sflag:s8], $0x1200  }
0x20e: {  	[sflag:s8] =	ssyncset.done $0x0  }
0x20f: {  	[sflag:s8] =	ssyncadd.s32 $0xFFFFEE00  }
0x210: {  	_ =	swait.ge [sflag:s8], $0x2000  }
0x211: {  	[sflag:s8] =	ssyncset.done $0x0  }
0x212: {  	[sflag:s8] =	ssyncadd.s32 $0xFFFFE000  }
0x213: {  	_ =	swait.ge [sflag:s8], $0x1200  }
0x214: {  	[sflag:s8] =	ssyncset.done $0x0  }
0x215: {  	[sflag:s8] =	ssyncadd.s32 $0xFFFFEE00  }
0x216: {  	_ =	swait.ge [sflag:s8], $0x2000  }
0x217: {  	[sflag:s8] =	ssyncset.done $0x0  }
0x218: {  	[sflag:s8] =	ssyncadd.s32 $0xFFFFE000  }
0x219: {  	_ =	swait.ge [sflag:s8], $0x1200  }
0x21a: {  	[sflag:s8] =	ssyncset.done $0x0  }
0x21b: {  	[sflag:s8] =	ssyncadd.s32 $0xFFFFEE00  }
0x21c: {  	_ =	swait.ge [sflag:s8], $0x2000  }
0x21d: {  	[sflag:s8] =	ssyncset.done $0x0  }
0x21e: {  	[sflag:s8] =	ssyncadd.s32 $0xFFFFE000  }
0x21f: {  	_ =	swait.ge [sflag:s8], $0x1200  }
.Ltmp9:
0x220: {  	[sflag:s8] =	ssyncset.done $0x0;
	(pc) =	sbr.rel @p2 .LBB2_17-.Ltmp9, $4  }
0x221: {  	[sflag:s8] =	ssyncadd.s32 $0xFFFFEE00  }
0x222: {  	[hbm4b:s28+s12] =	stream.strided.scatter [tilespmem:s20], [sflag:$0x2], $0xC800, s19, s12, $0x38;
	[tilespmem:$0x16B20] =	vst v63  }
0x223: {  	_ =	swait.ge [sflag:s18], $0xC800  }
0x224: {  	s1 =	smov.u32 s0;
	s28 =	sadd.s32 $0x64000, s28;
	[sflag:s18] =	ssyncset.done $0x0  }
0x225: {  	s13 =	smov.u32 s15  }
0x226: {  	s0 =	smov.u32 s25;
	s6 =	simm.s32 $0x3920;
	s9 =	simm.s32 $0x5920  }
0x227: {  	s11 =	simm.s32 $0x6B20;
	s12 =	simm.s32 $0x8B20;
	s14 =	simm.s32 $0x9D20  }
0x228: {  	s16 =	simm.s32 $0xBD20;
	s1 =	simm.s32 $0x40;
	s3 =	rddreg [dreg:$0xd]  }
.LBB2_19:
0x229: {  	s0 =	sadd.s32 s0, s13;
	[sflag:s18] =	ssyncadd.s32 @p1 $0xFFFF3800  }
0x22a: {  	[tilespmem:s17], [sflag:$0x2] =	stream.linear.gather [hbm4b:s0+s30], $0x320, $0x38;
	[tilespmem:$0x16B20] =	vst v63  }
0x22b: {  	_ =	swait.ge [sflag:s18], $0x320  }
0x22c: {  	[sflag:s18] =	ssyncset.done $0x0  }
0x22d: {  	[sflag:s18] =	ssyncadd.s32 $0xFFFFFCE0  }
0x22e: {  	[tilespmem:s20], [sflag:$0x1] =	stream.indirect.gather [hbm4b:s4+s19], $0x40, s17, s19, $0xb8;
	[tilespmem:$0x16B20] =	vst v63  }
0x22f: {  	s25 =	simm.s32 $0x2720  }
0x230: {  	[tilespmem:s25], [sflag:$0x1] =	stream.indirect.gather [hbm4b:s4+s21], $0x40, s22, s21, $0xb8;
	[tilespmem:$0x16B20] =	vst v63  }
0x231: {  	_ = 	snop  }
0x232: {  	[tilespmem:s6], [sflag:$0x1] =	stream.indirect.gather [hbm4b:s4+s19], $0x40, s24, s19, $0xb8;
	[tilespmem:$0x16B20] =	vst v63  }
0x233: {  	_ = 	snop  }
0x234: {  	[tilespmem:s9], [sflag:$0x1] =	stream.indirect.gather [hbm4b:s4+s21], $0x40, s26, s21, $0xb8;
	[tilespmem:$0x16B20] =	vst v63  }
0x235: {  	_ = 	snop  }
0x236: {  	[tilespmem:s11], [sflag:$0x1] =	stream.indirect.gather [hbm4b:s4+s19], $0x40, s29, s19, $0xb8;
	[tilespmem:$0x16B20] =	vst v63  }
0x237: {  	_ = 	snop  }
0x238: {  	[tilespmem:s12], [sflag:$0x1] =	stream.indirect.gather [hbm4b:s4+s21], $0x40, s31, s21, $0xb8;
	[tilespmem:$0x16B20] =	vst v63  }
0x239: {  	_ = 	snop  }
0x23a: {  	[tilespmem:s14], [sflag:$0x1] =	stream.indirect.gather [hbm4b:s4+s19], $0x40, s2, s19, $0xb8;
	[tilespmem:$0x16B20] =	vst v63  }
0x23b: {  	_ = 	snop  }
0x23c: {  	[tilespmem:s16], [sflag:$0x1] =	stream.indirect.gather [hbm4b:s4+s21], $0x40, s7, s21, $0xb8;
	[tilespmem:$0x16B20] =	vst v63  }
0x23d: {  	_ =	swait.ge [sflag:s8], $0x2000  }
0x23e: {  	[sflag:s8] =	ssyncset.done $0x0  }
0x23f: {  	[sflag:s8] =	ssyncadd.s32 $0xFFFFE000  }
0x240: {  	_ =	swait.ge [sflag:s8], $0x1200  }
0x241: {  	[sflag:s8] =	ssyncset.done $0x0  }
0x242: {  	[sflag:s8] =	ssyncadd.s32 $0xFFFFEE00  }
0x243: {  	_ =	swait.ge [sflag:s8], $0x2000  }
0x244: {  	[sflag:s8] =	ssyncset.done $0x0  }
0x245: {  	[sflag:s8] =	ssyncadd.s32 $0xFFFFE000  }
0x246: {  	_ =	swait.ge [sflag:s8], $0x1200  }
0x247: {  	[sflag:s8] =	ssyncset.done $0x0  }
0x248: {  	[sflag:s8] =	ssyncadd.s32 $0xFFFFEE00  }
0x249: {  	_ =	swait.ge [sflag:s8], $0x2000  }
0x24a: {  	[sflag:s8] =	ssyncset.done $0x0  }
0x24b: {  	[sflag:s8] =	ssyncadd.s32 $0xFFFFE000  }
0x24c: {  	_ =	swait.ge [sflag:s8], $0x1200  }
0x24d: {  	[sflag:s8] =	ssyncset.done $0x0  }
0x24e: {  	[sflag:s8] =	ssyncadd.s32 $0xFFFFEE00  }
0x24f: {  	_ =	swait.ge [sflag:s8], $0x2000  }
0x250: {  	[sflag:s8] =	ssyncset.done $0x0  }
0x251: {  	[sflag:s8] =	ssyncadd.s32 $0xFFFFE000  }
0x252: {  	_ =	swait.ge [sflag:s8], $0x1200  }
0x253: {  	[sflag:s8] =	ssyncset.done $0x0  }
0x254: {  	[sflag:s8] =	ssyncadd.s32 $0xFFFFEE00  }
0x255: {  	[hbm4b:s28+s1] =	stream.strided.scatter [tilespmem:s20], [sflag:$0x2], $0xC800, s19, s1, $0x38;
	[tilespmem:$0x16B20] =	vst v63  }
0x256: {  	_ =	swait.ge [sflag:s18], $0xC800  }
0x257: {  	[sflag:s18] =	ssyncset.done $0x0  }
0x258: {  	[sflag:s18] =	ssyncadd.s32 $0xFFFF3800  }
0x259: {  	s25 =	simm.s32 @!p0 $0x0;
	s1 =	rddreg [dreg:$0x1]  }
0x25a: {  	[tilespmem:s25], [sflag:$0x2] =	stream.linear.gather @!p0 [hbm4b:s1+s25], $0x400, $0x38;
	[tilespmem:$0x16B20] =	vst v63  }
0x25b: {  	s1 =	simm.s32 @!p0 $0x2  }
0x25c: {  	_ =	swait.ge @!p0 [sflag:s1], $0x400  }
0x25d: {  	s13 =	simm.s32 @!p0 $0x80;
	[sflag:s1] =	ssyncset.done @!p0 $0x0  }
0x25e: {  	s23 =	simm.s32 @!p0 $0x720;
	s0 =	rddreg [dreg:$0x4];
	[sflag:s1] =	ssyncadd.s32 @!p0 $0xFFFFFC00  }
0x25f: {  	[tilespmem:s23], [sflag:$0x1] =	stream.indirect.gather @!p0 [hbm4b:s0+s13], $0x40, s25, s13, $0xb8;
	[tilespmem:$0x16B20] =	vst v63  }
0x260: {  	s28 =	simm.s32 @!p0 $0x2720  }
0x261: {  	[tilespmem:s28], [sflag:$0x1] =	stream.indirect.gather @!p0 [hbm4b:s0+s13], $0x40, s13, s13, $0xb8;
	[tilespmem:$0x16B20] =	vst v63  }
0x262: {  	s30 =	simm.s32 @!p0 $0x4720;
	s28 =	simm.s32 @!p0 $0x100  }
0x263: {  	[tilespmem:s30], [sflag:$0x1] =	stream.indirect.gather @!p0 [hbm4b:s0+s13], $0x40, s28, s13, $0xb8;
	[tilespmem:$0x16B20] =	vst v63  }
0x264: {  	s28 =	simm.s32 @!p0 $0x180;
	s30 =	simm.s32 @!p0 $0x6720  }
0x265: {  	[tilespmem:s30], [sflag:$0x1] =	stream.indirect.gather @!p0 [hbm4b:s0+s13], $0x40, s28, s13, $0xb8;
	[tilespmem:$0x16B20] =	vst v63  }
0x266: {  	s28 =	simm.s32 @!p0 $0x200;
	s30 =	simm.s32 @!p0 $0x8720  }
0x267: {  	[tilespmem:s30], [sflag:$0x1] =	stream.indirect.gather @!p0 [hbm4b:s0+s13], $0x40, s28, s13, $0xb8;
	[tilespmem:$0x16B20] =	vst v63  }
0x268: {  	s28 =	simm.s32 @!p0 $0x280;
	s30 =	simm.s32 @!p0 $0xA720  }
0x269: {  	[tilespmem:s30], [sflag:$0x1] =	stream.indirect.gather @!p0 [hbm4b:s0+s13], $0x40, s28, s13, $0xb8;
	[tilespmem:$0x16B20] =	vst v63  }
0x26a: {  	s28 =	simm.s32 @!p0 $0x300;
	s30 =	simm.s32 @!p0 $0xC720  }
0x26b: {  	[tilespmem:s30], [sflag:$0x1] =	stream.indirect.gather @!p0 [hbm4b:s0+s13], $0x40, s28, s13, $0xb8;
	[tilespmem:$0x16B20] =	vst v63  }
0x26c: {  	s28 =	simm.s32 @!p0 $0x380;
	s30 =	simm.s32 @!p0 $0xE720  }
0x26d: {  	[tilespmem:s30], [sflag:$0x1] =	stream.indirect.gather @!p0 [hbm4b:s0+s13], $0x40, s28, s13, $0xb8;
	[tilespmem:$0x16B20] =	vst v63  }
0x26e: {  	s13 =	simm.s32 @!p0 $0x1  }
0x26f: {  	_ =	swait.ge @!p0 [sflag:s13], $0x2000  }
0x270: {  	[sflag:s13] =	ssyncset.done @!p0 $0x0  }
0x271: {  	[sflag:s13] =	ssyncadd.s32 @!p0 $0xFFFFE000  }
0x272: {  	_ =	swait.ge @!p0 [sflag:s13], $0x2000  }
0x273: {  	[sflag:s13] =	ssyncset.done @!p0 $0x0  }
0x274: {  	[sflag:s13] =	ssyncadd.s32 @!p0 $0xFFFFE000  }
0x275: {  	_ =	swait.ge @!p0 [sflag:s13], $0x2000  }
0x276: {  	[sflag:s13] =	ssyncset.done @!p0 $0x0  }
0x277: {  	[sflag:s13] =	ssyncadd.s32 @!p0 $0xFFFFE000  }
0x278: {  	_ =	swait.ge @!p0 [sflag:s13], $0x2000  }
0x279: {  	[sflag:s13] =	ssyncset.done @!p0 $0x0  }
0x27a: {  	[sflag:s13] =	ssyncadd.s32 @!p0 $0xFFFFE000  }
0x27b: {  	_ =	swait.ge @!p0 [sflag:s13], $0x2000  }
0x27c: {  	[sflag:s13] =	ssyncset.done @!p0 $0x0  }
0x27d: {  	[sflag:s13] =	ssyncadd.s32 @!p0 $0xFFFFE000  }
0x27e: {  	_ =	swait.ge @!p0 [sflag:s13], $0x2000  }
0x27f: {  	[sflag:s13] =	ssyncset.done @!p0 $0x0  }
0x280: {  	[sflag:s13] =	ssyncadd.s32 @!p0 $0xFFFFE000  }
0x281: {  	_ =	swait.ge @!p0 [sflag:s13], $0x2000  }
0x282: {  	[sflag:s13] =	ssyncset.done @!p0 $0x0  }
0x283: {  	[sflag:s13] =	ssyncadd.s32 @!p0 $0xFFFFE000  }
0x284: {  	_ =	swait.ge @!p0 [sflag:s13], $0x2000  }
0x285: {  	[sflag:s13] =	ssyncset.done @!p0 $0x0  }
0x286: {  	s0 =	rddreg [dreg:$0x5];
	[sflag:s13] =	ssyncadd.s32 @!p0 $0xFFFFE000  }
0x287: {  	[hbm4b:s0+s25] =	stream.linear.scatter @!p0 [tilespmem:s23], [sflag:$0x2], $0x10000, $0x38;
	[tilespmem:$0x16B20] =	vst v63  }
0x288: {  	_ =	swait.ge @!p0 [sflag:s1], $0x10000  }
0x289: {  	s3 =	sadd.s32 $0x1, s3;
	s30 =	rddreg [dreg:$0xa]  }
0x28a: {  	p1 =	sne.s32 s3, s30  }
.Ltmp10:
0x28b: {  	_ = 	snop;
	(pc) =	sbr.rel @p1 .LBB2_1-.Ltmp10, $4  }
.Ltmp11:
0x28c: {  	_ = 	snop;
	(pc) =	sbr.rel @!p1 .LBB2_20-.Ltmp11, $4  }
0x28d: {  	_ = 	snop  }
0x28e: {  	s28 =	simm.s32 $0x0;
	[sflag:s1] =	ssyncset.done @!p0 $0x0  }
0x28f: {  	s13 =	rddreg [dreg:$0x7];
	[sflag:s1] =	ssyncadd.s32 @!p0 $0xFFFF0000;
	s1 =	simm.s32 $0x2720  }
0x290: {  	_ = 	snop  }
.LBB2_9:
.Ltmp12:
0x291: {  	(pc) =	sbr.rel .LBB2_14-.Ltmp12, $4  }
0x292: {  	_ = 	snop  }
0x293: {  	s14 =	simm.s32 $0x16220  }
0x294: {  	s11 =	simm.s32 $0x15220;
	s9 =	simm.s32 $0x14920;
	s3 =	simm.s32 $0x13920  }
0x295: {  	s6 =	simm.s32 $0x13020;
	s13 =	simm.s32 $0x12020;
	s25 =	rddreg [dreg:$0x9]  }
.LBB2_5:
.Ltmp13:
0x296: {  	(pc) =	sbr.rel .LBB2_8-.Ltmp13, $2  }
0x297: {  	_ =	sdelay $0x2  }
0x298: {  	s0 =	simm.s32 $0xC80  }
.LBB2_11:
.Ltmp14:
0x299: {  	(pc) =	sbr.rel .LBB2_14-.Ltmp14, $4  }
0x29a: {  	_ = 	snop  }
0x29b: {  	s14 =	simm.s32 $0x16220;
	s11 =	simm.s32 $0x15220  }
0x29c: {  	s9 =	simm.s32 $0x14920;
	s3 =	simm.s32 $0x13920;
	s6 =	simm.s32 $0x13020  }
0x29d: {  	s13 =	simm.s32 $0x12020;
	s1 =	smov.u32 s0;
	s16 =	simm.s32 $0x20  }
.LBB2_16:
.Ltmp15:
0x29e: {  	(pc) =	sbr.rel .LBB2_19-.Ltmp15, $4  }
0x29f: {  	_ = 	snop  }
0x2a0: {  	s0 =	simm.s32 $0xC80;
	s6 =	simm.s32 $0x3920;
	s9 =	simm.s32 $0x5920  }
0x2a1: {  	s11 =	simm.s32 $0x6B20;
	s12 =	simm.s32 $0x8B20;
	s14 =	simm.s32 $0x9D20  }
0x2a2: {  	s16 =	simm.s32 $0xBD20;
	s1 =	simm.s32 $0x40;
	s3 =	rddreg [dreg:$0xd]  }
.LBB2_20:
0x2a3: {  	_ =	sfence.sel $0x180000  }
0x2a4: {  	[bflag:$0x0] =	sbarrier.arrive $0xFFFF  }
0x2a5: {  	_ =	strace $0x90000047  }
0x2a6: {  	s0 =	stileid.u32;
	[bflag:$0x2] =	sbarrier.arrive $0xFFFF  }
0x2a7: {  	p0 =	sne.s32 s0, $0x0;
	s0 =	rddreg [dreg:$0x2]  }
0x2a8: {  	s0 =	sadd.s32 @!p0 $0x100000, s0  }
0x2a9: {  	[sflag:s0] =	ssyncadd.tile.s32 @!p0 $0x1;
	_ =	shalt  }
.Lfunc_end2:
_tile_overlayer_lowered:
.L_overlay_start_2:
0x2aa: {  	(tag) =	ssettag $0x2  }
0x2ab: {  	s0 =	rddreg [dreg:$0x0];
	s2 =	stileid.u32  }
0x2ac: {  	s1 =	rddreg [dreg:$0x1];
	p0 =	sne.s32 s2, $0x0  }
0x2ad: {  	s3 =	rddreg [dreg:$0x2];
	[bflag:$0x3] =	sbarrier.arrive $0xFFFF;
	s2 =	simm.s32 @!p0 $0x1C02  }
0x2ae: {  	[timem:s3], [sflag:s2] =	dma.local @!p0 [hbm:s0], s1  }
0x2af: {  	s0 =	simm.s32 @!p0 $0x2  }
0x2b0: {  	_ =	swait.ge @!p0 [sflag:s0], s1  }
0x2b1: {  	s1 =	ssub.s32 @!p0 $0x0, s1;
	[sflag:s0] =	ssyncset.done @!p0 $0x0  }
0x2b2: {  	[sflag:s0] =	ssyncadd.s32 @!p0 s1  }
0x2b3: {  	[bflag:$0x3] =	sbarrier.arrive $0xFFFF  }
0x2b4: {  	_ =	shalt  }

</sc_bundles>
